<compile_context>
chip_gen: v7x
topology: tpu7x:2x2x1
jax: 0.10.2.dev20260603
libtpu: 0.0.44.dev20260713+nightly
codegen_flags: <defaults>
</compile_context>

<pallas_src>
import functools

import jax
import jax.numpy as jnp
from jax import lax
from jax.experimental import pallas as pl
from jax.experimental.pallas import tpu as pltpu
from jax.experimental.pallas import tpu_sc as plsc

NSEL = 100
NBP = 17
B = 16
N = 8192
C = 2
NF = N * C
L = 16
NPAD = 112
GBUF = 128
KRES_PAD = 5760
POSE_D = 216
DEPTH = 8
KO_BOX, KO_BETA, KO_CAM, KO_KP = 0, 8, 24, 32


def _tc_thresh_body(logits_ref, prob_ref, t_ref):
    x = logits_ref[...]
    p = jax.nn.sigmoid(x)
    prob_ref[...] = p
    bits = lax.bitcast_convert_type(p, jnp.int32)

    def body(_, carry):
        lo, hi = carry
        mid = lax.shift_right_arithmetic(lo + hi, 1)
        cnt = jnp.sum((bits > mid).astype(jnp.int32), axis=1, keepdims=True)
        pred = cnt < NSEL
        return jnp.where(pred, lo, mid), jnp.where(pred, mid, hi)

    lo0 = jnp.full((B, 1), -1, jnp.int32)
    hi0 = jnp.full((B, 1), 0x3F800001, jnp.int32)
    _, hi = lax.fori_loop(0, 31, body, (lo0, hi0))
    t_ref[...] = jnp.broadcast_to(lax.bitcast_convert_type(hi, jnp.float32), (B, 128))


def _sc_body(probs_hbm, tval_hbm, ts_hbm, box3, kp3, pose2, beta3, cam3, kp3d2,
             score_o, label_o, boxf_o, kresf_o, posef_o, betaf_o, camf_o, kp3d_o,
             probs_v, t_v, ts_v, gt_val, gt_idx, eq_idx, ord_val, ord_idx,
             grow_v, kitchen, kp3d_rows, pose_rows, box_out_v,
             kres_v, betaf_v, camf_v, scores_v, labels_v, sem):
    cid = lax.axis_index("c")
    sid = lax.axis_index("s")
    b = sid

    @pl.when(cid == 0)
    def _work():
        iota = lax.iota(jnp.int32, L)
        pltpu.sync_copy(probs_hbm.at[b], probs_v)
        pltpu.sync_copy(tval_hbm, t_v.at[pl.ds(0, B)])
        pltpu.sync_copy(ts_hbm, ts_v.at[pl.ds(0, 2 * B)])

        bs = jnp.full((L,), b, jnp.int32)
        tb = plsc.load_gather(t_v, [bs])
        imgh = plsc.load_gather(ts_v, [2 * bs])
        imgw = plsc.load_gather(ts_v, [2 * bs + 1])

        zero_i = jnp.zeros((L,), jnp.int32)
        for k in range(GBUF // L):
            gt_val[pl.ds(k * L, L)] = jnp.full((L,), -1.0, jnp.float32)
            gt_idx[pl.ds(k * L, L)] = zero_i
            eq_idx[pl.ds(k * L, L)] = zero_i

        def scan_body(i, carry):
            ngt, neq = carry
            v = probs_v[pl.ds(i * L, L)]
            m_gt = v > tb
            m_eq = v == tb
            n_any = jnp.sum(jnp.where(m_gt | m_eq, 1, 0))

            def app(c):
                ngt, neq = c
                idxv = i * L + iota
                pre = plsc.cumsum(jnp.where(m_eq, 1, 0))
                m_aeq = m_eq & ((neq + pre) <= NSEL)
                plsc.store_compressed(gt_val.at[pl.ds(ngt, L)], v, mask=m_gt)
                plsc.store_compressed(gt_idx.at[pl.ds(ngt, L)], idxv, mask=m_gt)
                plsc.store_compressed(eq_idx.at[pl.ds(neq, L)], idxv, mask=m_aeq)
                return (ngt + jnp.sum(jnp.where(m_gt, 1, 0)),
                        neq + jnp.sum(jnp.where(m_aeq, 1, 0)))

            return lax.cond(n_any > 0, app, lambda c: c, (ngt, neq))

        ngt, neq = lax.fori_loop(0, NF // L, scan_body,
                                 (jnp.zeros((), jnp.int32), jnp.zeros((), jnp.int32)))

        for k in range(NPAD // L):
            pos = k * L + iota
            ep = jnp.maximum(pos - ngt, 0)
            ev = plsc.load_gather(eq_idx, [ep])
            ord_idx[pl.ds(k * L, L)] = jnp.where(pos >= ngt, ev, 0)
            ord_val[pl.ds(k * L, L)] = tb

        lane0 = iota == 0

        def rank_body(y, _):
            ys = jnp.full((L,), y, jnp.int32)
            yv = plsc.load_gather(gt_val, [ys])
            yi = plsc.load_gather(gt_idx, [ys])
            r = zero_i
            for k in range(GBUF // L):
                vk = gt_val[pl.ds(k * L, L)]
                ik = gt_idx[pl.ds(k * L, L)]
                beats = (vk > yv) | ((vk == yv) & (ik < yi))
                r = r + jnp.where(beats, 1, 0)
            rank = jnp.sum(r)
            rs = jnp.full((L,), rank, jnp.int32)
            plsc.store_scatter(ord_val, [rs], yv, mask=lane0)
            plsc.store_scatter(ord_idx, [rs], yi, mask=lane0)
            return 0

        lax.fori_loop(0, ngt, rank_body, 0)

        for k in range(GBUF // L):
            if k < NPAD // L:
                ov = ord_val[pl.ds(k * L, L)]
                oi = ord_idx[pl.ds(k * L, L)]
            else:
                ov = jnp.zeros((L,), jnp.float32)
                oi = zero_i
            scores_v[pl.ds(k * L, L)] = ov
            labels_v[pl.ds(k * L, L)] = lax.rem(oi, 2)
            grow_v[pl.ds(k * L, L)] = lax.div(oi, 2)

        def row_copies(y):
            r = grow_v[pl.ds(y, L)][0]
            rg = r + b * N
            return (
                pltpu.make_async_copy(box3.at[b, r], kitchen.at[y, pl.ds(KO_BOX, 4)], sem),
                pltpu.make_async_copy(beta3.at[b, r], kitchen.at[y, pl.ds(KO_BETA, 10)], sem),
                pltpu.make_async_copy(cam3.at[b, r], kitchen.at[y, pl.ds(KO_CAM, 3)], sem),
                pltpu.make_async_copy(kp3.at[b, r], kitchen.at[y, pl.ds(KO_KP, 51)], sem),
                pltpu.make_async_copy(kp3d2.at[rg], kp3d_rows.at[y], sem),
                pltpu.make_async_copy(pose2.at[rg], pose_rows.at[y], sem),
            )

        def dma_body(y, _):
            @pl.when(y < NSEL)
            def _issue():
                for cp in row_copies(y):
                    cp.start()

            @pl.when(y >= DEPTH)
            def _drain():
                for cp in row_copies(y - DEPTH):
                    cp.wait()

            return 0

        lax.fori_loop(0, NSEL + DEPTH, dma_body, 0)

        pltpu.sync_copy(scores_v, score_o.at[b])
        pltpu.sync_copy(labels_v, label_o.at[b])
        pltpu.sync_copy(pose_rows, posef_o.at[b])

        for k in range(4 * NPAD // L):
            q = k * L + iota
            s = lax.div(q, 4)
            comp = lax.rem(q, 4)
            c01 = lax.rem(comp, 2)
            cen = plsc.load_gather(kitchen, [s, KO_BOX + c01])
            whv = plsc.load_gather(kitchen, [s, KO_BOX + 2 + c01])
            sgn = jnp.where(comp < 2, -0.5, 0.5)
            scl = jnp.where(c01 == 0, imgw, imgh)
            box_out_v[pl.ds(k * L, L)] = (cen + sgn * whv) * scl
        pltpu.sync_copy(box_out_v, boxf_o.at[b])

        srcs = []
        scls = []
        one_f = jnp.ones((L,), jnp.float32)
        for j in range(4):
            p = j * L + iota
            r3 = lax.rem(p, 3)
            jj = lax.div(p, 3)
            src = jnp.where(r3 == 0, 2 * jj, jnp.where(r3 == 1, 2 * jj + 1, 34 + jj))
            srcs.append(KO_KP + jnp.where(p < 51, src, 0))
            scls.append(jnp.where(r3 == 0, imgw, jnp.where(r3 == 1, imgh, one_f)))
        mask3 = iota < 3
        mask10 = iota < 10
        beta_cols = KO_BETA + jnp.minimum(iota, 9)
        cam_cols = KO_CAM + jnp.minimum(iota, 2)

        def post_body(s, _):
            ss = jnp.full((L,), s, jnp.int32)
            base = s * 51
            for j in range(3):
                vals = plsc.load_gather(kitchen, [ss, srcs[j]])
                kres_v[pl.ds(base + j * L, L)] = vals * scls[j]
            vals = plsc.load_gather(kitchen, [ss, srcs[3]])
            plsc.store_compressed(kres_v.at[pl.ds(base + 3 * L, L)],
                                  vals * scls[3], mask=mask3)
            bv = plsc.load_gather(kitchen, [ss, beta_cols])
            plsc.store_compressed(betaf_v.at[pl.ds(s * 10, L)], bv, mask=mask10)
            cv = plsc.load_gather(kitchen, [ss, cam_cols])
            plsc.store_compressed(camf_v.at[pl.ds(s * 3, L)], cv, mask=mask3)
            return 0

        lax.fori_loop(0, NPAD, post_body, 0)
        pltpu.sync_copy(kres_v, kresf_o.at[b])
        pltpu.sync_copy(kp3d_rows, kp3d_o.at[b])
        pltpu.sync_copy(betaf_v, betaf_o.at[b])
        pltpu.sync_copy(camf_v, camf_o.at[b])


def kernel(pred_logits, pred_boxes, pred_keypoints, pred_smpl_pose, pred_smpl_beta, pred_smpl_cam, pred_smpl_kp3d, target_sizes):
    flat = pred_logits.reshape(B, NF)
    probs, tvals = pl.pallas_call(
        _tc_thresh_body,
        out_shape=[
            jax.ShapeDtypeStruct((B, NF), jnp.float32),
            jax.ShapeDtypeStruct((B, 128), jnp.float32),
        ],
    )(flat)
    tval = tvals[:, 0]
    ts = target_sizes.astype(jnp.float32).reshape(2 * B)

    mesh = plsc.VectorSubcoreMesh(core_axis_name="c", subcore_axis_name="s")
    out_type = (
        jax.ShapeDtypeStruct((B, 128), jnp.float32),
        jax.ShapeDtypeStruct((B, 128), jnp.int32),
        jax.ShapeDtypeStruct((B, 4 * NPAD), jnp.float32),
        jax.ShapeDtypeStruct((B, KRES_PAD), jnp.float32),
        jax.ShapeDtypeStruct((B, NPAD, POSE_D), jnp.float32),
        jax.ShapeDtypeStruct((B, 1152), jnp.float32),
        jax.ShapeDtypeStruct((B, 384), jnp.float32),
        jax.ShapeDtypeStruct((B, NPAD, 51), jnp.float32),
    )
    scratch_types = [
        pltpu.VMEM((NF,), jnp.float32),
        pltpu.VMEM((128,), jnp.float32),
        pltpu.VMEM((128,), jnp.float32),
        pltpu.VMEM((GBUF,), jnp.float32),
        pltpu.VMEM((GBUF,), jnp.int32),
        pltpu.VMEM((GBUF,), jnp.int32),
        pltpu.VMEM((GBUF,), jnp.float32),
        pltpu.VMEM((GBUF,), jnp.int32),
        pltpu.VMEM((GBUF,), jnp.int32),
        pltpu.VMEM((NPAD, 128), jnp.float32),
        pltpu.VMEM((NPAD, 51), jnp.float32),
        pltpu.VMEM((NPAD, POSE_D), jnp.float32),
        pltpu.VMEM((4 * NPAD,), jnp.float32),
        pltpu.VMEM((KRES_PAD,), jnp.float32),
        pltpu.VMEM((1152,), jnp.float32),
        pltpu.VMEM((384,), jnp.float32),
        pltpu.VMEM((128,), jnp.float32),
        pltpu.VMEM((128,), jnp.int32),
        pltpu.SemaphoreType.DMA,
    ]
    sc = functools.partial(
        pl.kernel, mesh=mesh, out_type=out_type, scratch_types=scratch_types,
        compiler_params=pltpu.CompilerParams(needs_layout_passes=False),
    )(_sc_body)
    score_p, label_p, boxf_p, kresf_p, posef_p, betaf_p, camf_p, kp3d_p = sc(
        probs, tval, ts, pred_boxes, pred_keypoints,
        pred_smpl_pose.reshape(B * N, POSE_D), pred_smpl_beta, pred_smpl_cam,
        pred_smpl_kp3d.reshape(B * N, 51),
    )

    scores = score_p[:, :NSEL]
    labels = label_p[:, :NSEL]
    boxes_out = boxf_p[:, :4 * NSEL].reshape(B, NSEL, 4)
    kres = kresf_p[:, :NPAD * 51].reshape(B, NPAD, 51)[:, :NSEL]
    smpl_pose = posef_p[:, :NSEL].reshape(B, NSEL, 24, 3, 3)
    smpl_beta = betaf_p[:, :NSEL * 10].reshape(B, NSEL, 10)
    smpl_cam = camf_p[:, :NSEL * 3].reshape(B, NSEL, 3)
    smpl_kp3d = kp3d_p[:, :NSEL].reshape(B, NSEL, NBP, 3)
    return (scores, labels, boxes_out, kres, smpl_pose, smpl_beta, smpl_cam, smpl_kp3d)

# --- scband reference (transcript-rebuilt; emitter-appended) ---
"""Pipeline reference for scband-post-process-64793876627935 (READ-ONLY COPY).

The authoritative reference and input builder live on the scoring server;
editing this copy changes nothing except your own understanding.
"""

import jax, jax.numpy as jnp
import numpy as np

NUM_SELECT = 100
NUM_BODY_POINTS = 17

def box_cxcywh_to_xyxy(x):
    xc, yc, w, h = x[..., 0], x[..., 1], x[..., 2], x[..., 3]
    return jnp.stack([xc - 0.5 * w, yc - 0.5 * h, xc + 0.5 * w, yc + 0.5 * h], axis=-1)

def setup_inputs(seed: int = 0):
    key = jax.random.key(seed)
    ks = jax.random.split(key, 8)
    B, N, C, J = 16, 8192, 2, 17
    return {
        "pred_logits": jax.random.normal(ks[0], (B, N, C), dtype=jnp.float32),
        "pred_boxes": jax.random.uniform(ks[1], (B, N, 4), dtype=jnp.float32),
        "pred_keypoints": jax.random.uniform(ks[2], (B, N, NUM_BODY_POINTS * 3), dtype=jnp.float32),
        "pred_smpl_pose": jax.random.normal(ks[3], (B, N, 24, 3, 3), dtype=jnp.float32),
        "pred_smpl_beta": jax.random.normal(ks[4], (B, N, 10), dtype=jnp.float32),
        "pred_smpl_cam": jax.random.normal(ks[5], (B, N, 3), dtype=jnp.float32),
        "pred_smpl_kp3d": jax.random.normal(ks[6], (B, N, J, 3), dtype=jnp.float32),
        "target_sizes": jax.random.randint(ks[7], (B, 2), 0, 1333),
    }

def reference(pred_logits, pred_boxes, pred_keypoints, pred_smpl_pose, pred_smpl_beta, pred_smpl_cam, pred_smpl_kp3d, target_sizes):
    B, N, C = pred_logits.shape
    prob = jax.nn.sigmoid(pred_logits)
    topk_values, topk_indexes = jax.lax.top_k(prob.reshape(B, -1), NUM_SELECT)
    scores = topk_values
    topk_boxes = topk_indexes // C
    labels = topk_indexes % C
    boxes = box_cxcywh_to_xyxy(pred_boxes)
    idx4 = jnp.broadcast_to(topk_boxes[:, :, None], (B, NUM_SELECT, 4))
    boxes_norm = jnp.take_along_axis(boxes, idx4, axis=1)
    ts = target_sizes.astype(boxes.dtype)
    img_h, img_w = ts[:, 0], ts[:, 1]
    scale_fct = jnp.stack([img_w, img_h, img_w, img_h], axis=1)
    boxes_out = boxes_norm * scale_fct[:, None, :]
    K3 = NUM_BODY_POINTS * 3
    idxk = jnp.broadcast_to(topk_boxes[:, :, None], (B, NUM_SELECT, K3))
    keypoints = jnp.take_along_axis(pred_keypoints, idxk, axis=1)
    Z = keypoints[:, :, :NUM_BODY_POINTS * 2]
    V = keypoints[:, :, NUM_BODY_POINTS * 2:]
    wh = jnp.tile(jnp.stack([img_w, img_h], axis=1), (1, NUM_BODY_POINTS))
    Z = Z * wh[:, None, :]
    kres = jnp.zeros_like(keypoints)
    kres = kres.at[..., 0::3].set(Z[..., 0::2])
    kres = kres.at[..., 1::3].set(Z[..., 1::2])
    kres = kres.at[..., 2::3].set(V)
    pose_flat = pred_smpl_pose.reshape(B, N, 24 * 9)
    idxp = jnp.broadcast_to(topk_boxes[:, :, None], (B, NUM_SELECT, 24 * 9))
    smpl_pose = jnp.take_along_axis(pose_flat, idxp, axis=1).reshape(B, NUM_SELECT, 24, 3, 3)
    idxb = jnp.broadcast_to(topk_boxes[:, :, None], (B, NUM_SELECT, 10))
    smpl_beta = jnp.take_along_axis(pred_smpl_beta, idxb, axis=1)
    idxc = jnp.broadcast_to(topk_boxes[:, :, None], (B, NUM_SELECT, 3))
    smpl_cam = jnp.take_along_axis(pred_smpl_cam, idxc, axis=1)
    J = pred_smpl_kp3d.shape[-2]
    kp3d_flat = pred_smpl_kp3d.reshape(B, N, J * 3)
    idxj = jnp.broadcast_to(topk_boxes[:, :, None], (B, NUM_SELECT, J * 3))
    smpl_kp3d = jnp.take_along_axis(kp3d_flat, idxj, axis=1).reshape(B, NUM_SELECT, J, 3)
    return (scores, labels, boxes_out, kres, smpl_pose, smpl_beta, smpl_cam, smpl_kp3d)

if __name__ == "__main__":
    import jax
    _d = setup_inputs()
    print(jax.jit(kernel)(*tuple(_d.values())))

</pallas_src>

<mosaic_0001>
#map = affine_map<(d0, d1) -> (0, 0)>
#map1 = affine_map<(d0, d1) -> (0)>
#map2 = affine_map<(d0, d1) -> (0, 0, 0)>
module attributes {stable_mosaic.version = 14 : i64} {
  func.func @_sc_body(%arg0: i32, %arg1: i32, %arg2: memref<16x16384xf32, #tpu.memory_space<hbm>>, %arg3: memref<16xf32, #tpu.memory_space<hbm>>, %arg4: memref<32xf32, #tpu.memory_space<hbm>>, %arg5: memref<16x8192x4xf32, #tpu.memory_space<hbm>>, %arg6: memref<16x8192x51xf32, #tpu.memory_space<hbm>>, %arg7: memref<131072x216xf32, #tpu.memory_space<hbm>>, %arg8: memref<16x8192x10xf32, #tpu.memory_space<hbm>>, %arg9: memref<16x8192x3xf32, #tpu.memory_space<hbm>>, %arg10: memref<131072x51xf32, #tpu.memory_space<hbm>>, %arg11: memref<16x128xf32, #tpu.memory_space<hbm>>, %arg12: memref<16x128xi32, #tpu.memory_space<hbm>>, %arg13: memref<16x448xf32, #tpu.memory_space<hbm>>, %arg14: memref<16x5760xf32, #tpu.memory_space<hbm>>, %arg15: memref<16x112x216xf32, #tpu.memory_space<hbm>>, %arg16: memref<16x1152xf32, #tpu.memory_space<hbm>>, %arg17: memref<16x384xf32, #tpu.memory_space<hbm>>, %arg18: memref<16x112x51xf32, #tpu.memory_space<hbm>>, %arg19: memref<16384xf32, #tpu.memory_space<vmem>>, %arg20: memref<128xf32, #tpu.memory_space<vmem>>, %arg21: memref<128xf32, #tpu.memory_space<vmem>>, %arg22: memref<128xf32, #tpu.memory_space<vmem>>, %arg23: memref<128xi32, #tpu.memory_space<vmem>>, %arg24: memref<128xi32, #tpu.memory_space<vmem>>, %arg25: memref<128xf32, #tpu.memory_space<vmem>>, %arg26: memref<128xi32, #tpu.memory_space<vmem>>, %arg27: memref<128xi32, #tpu.memory_space<vmem>>, %arg28: memref<112x128xf32, #tpu.memory_space<vmem>>, %arg29: memref<112x51xf32, #tpu.memory_space<vmem>>, %arg30: memref<112x216xf32, #tpu.memory_space<vmem>>, %arg31: memref<448xf32, #tpu.memory_space<vmem>>, %arg32: memref<5760xf32, #tpu.memory_space<vmem>>, %arg33: memref<1152xf32, #tpu.memory_space<vmem>>, %arg34: memref<384xf32, #tpu.memory_space<vmem>>, %arg35: memref<128xf32, #tpu.memory_space<vmem>>, %arg36: memref<128xi32, #tpu.memory_space<vmem>>, %arg37: memref<!tpu.dma_semaphore, #tpu.memory_space<semaphore_mem>>) attributes {dimension_semantics = [#tpu.dimension_semantics<core_parallel>, #tpu.dimension_semantics<subcore_parallel>], iteration_bounds = array<i64: 2, 16>, scalar_prefetch = 0 : i64, scratch_operands = 19 : i64, tpu.core_type = #tpu.core_type<sc_vector_subcore>, window_params = [{transform_indices = #map}, {transform_indices = #map1}, {transform_indices = #map1}, {transform_indices = #map2}, {transform_indices = #map2}, {transform_indices = #map}, {transform_indices = #map2}, {transform_indices = #map2}, {transform_indices = #map}, {transform_indices = #map}, {transform_indices = #map}, {transform_indices = #map}, {transform_indices = #map}, {transform_indices = #map2}, {transform_indices = #map}, {transform_indices = #map}, {transform_indices = #map2}]} {
    %eq3A = arith.constant 0 : i32
    %eq3A_0 = arith.cmpi eq, %arg0, %eq3A : i32
    %convert_element_type3A = arith.extui %eq3A_0 : i1 to i32
    %cond3A = arith.constant 0 : i32
    %cond3A_1 = arith.cmpi ne, %convert_element_type3A, %cond3A : i32
    scf.if %cond3A_1 {
      %iota3A = tpu.iota {dimensions = array<i32: 0>} : vector<16xi32>
      "tpu.region"() ({
        %run_scoped3A = tpu.sem_alloc : memref<!tpu.dma_semaphore, #tpu.memory_space<semaphore_mem>>
        %dma_start3A = arith.constant 0 : i32
        %dma_start3A_1593 = tpu.memref_slice %arg2[%arg1, %dma_start3A] : memref<16x16384xf32, #tpu.memory_space<hbm>> -> memref<1x16384xf32, #tpu.memory_space<hbm>>
        %dma_start3A_1594 = tpu.memref_squeeze %dma_start3A_1593 : memref<1x16384xf32, #tpu.memory_space<hbm>> -> memref<16384xf32, #tpu.memory_space<hbm>>
        %dma_start3A_1595 = arith.constant 0 : i32
        %dma_start3A_1596 = tpu.memref_slice %arg2[%arg1, %dma_start3A_1595] : memref<16x16384xf32, #tpu.memory_space<hbm>> -> memref<1x16384xf32, #tpu.memory_space<hbm>>
        %dma_start3A_1597 = tpu.memref_squeeze %dma_start3A_1596 : memref<1x16384xf32, #tpu.memory_space<hbm>> -> memref<16384xf32, #tpu.memory_space<hbm>>
        tpu.enqueue_dma source(%dma_start3A_1597 : memref<16384xf32, #tpu.memory_space<hbm>>) target(%arg19 : memref<16384xf32, #tpu.memory_space<vmem>>) target_semaphore(%run_scoped3A : memref<!tpu.dma_semaphore, #tpu.memory_space<semaphore_mem>>)
        %dma_wait3A = arith.constant 0 : i32
        %dma_wait3A_1598 = tpu.memref_slice %arg2[%arg1, %dma_wait3A] : memref<16x16384xf32, #tpu.memory_space<hbm>> -> memref<1x16384xf32, #tpu.memory_space<hbm>>
        %dma_wait3A_1599 = tpu.memref_squeeze %dma_wait3A_1598 : memref<1x16384xf32, #tpu.memory_space<hbm>> -> memref<16384xf32, #tpu.memory_space<hbm>>
        %dma_wait3A_1600 = arith.constant 0 : i32
        %dma_wait3A_1601 = tpu.memref_slice %arg2[%arg1, %dma_wait3A_1600] : memref<16x16384xf32, #tpu.memory_space<hbm>> -> memref<1x16384xf32, #tpu.memory_space<hbm>>
        %dma_wait3A_1602 = tpu.memref_squeeze %dma_wait3A_1601 : memref<1x16384xf32, #tpu.memory_space<hbm>> -> memref<16384xf32, #tpu.memory_space<hbm>>
        tpu.wait_dma2 semaphore(%run_scoped3A : memref<!tpu.dma_semaphore, #tpu.memory_space<semaphore_mem>>) src(%dma_wait3A_1602 : memref<16384xf32, #tpu.memory_space<hbm>>) dst(%arg19 : memref<16384xf32, #tpu.memory_space<vmem>>)
        tpu.yield
      }) : () -> ()
      "tpu.region"() ({
        %run_scoped3A = tpu.sem_alloc : memref<!tpu.dma_semaphore, #tpu.memory_space<semaphore_mem>>
        %dma_start3A = arith.constant 0 : i32
        %dma_start3A_1593 = tpu.memref_slice %arg20[%dma_start3A] : memref<128xf32, #tpu.memory_space<vmem>> -> memref<16xf32, #tpu.memory_space<vmem>>
        %dma_start3A_1594 = arith.constant 0 : i32
        %dma_start3A_1595 = tpu.memref_slice %arg20[%dma_start3A_1594] : memref<128xf32, #tpu.memory_space<vmem>> -> memref<16xf32, #tpu.memory_space<vmem>>
        tpu.enqueue_dma source(%arg3 : memref<16xf32, #tpu.memory_space<hbm>>) target(%dma_start3A_1595 : memref<16xf32, #tpu.memory_space<vmem>>) target_semaphore(%run_scoped3A : memref<!tpu.dma_semaphore, #tpu.memory_space<semaphore_mem>>)
        %dma_wait3A = arith.constant 0 : i32
        %dma_wait3A_1596 = tpu.memref_slice %arg20[%dma_wait3A] : memref<128xf32, #tpu.memory_space<vmem>> -> memref<16xf32, #tpu.memory_space<vmem>>
        %dma_wait3A_1597 = arith.constant 0 : i32
        %dma_wait3A_1598 = tpu.memref_slice %arg20[%dma_wait3A_1597] : memref<128xf32, #tpu.memory_space<vmem>> -> memref<16xf32, #tpu.memory_space<vmem>>
        tpu.wait_dma2 semaphore(%run_scoped3A : memref<!tpu.dma_semaphore, #tpu.memory_space<semaphore_mem>>) src(%arg3 : memref<16xf32, #tpu.memory_space<hbm>>) dst(%dma_wait3A_1598 : memref<16xf32, #tpu.memory_space<vmem>>)
        tpu.yield
      }) : () -> ()
      "tpu.region"() ({
        %run_scoped3A = tpu.sem_alloc : memref<!tpu.dma_semaphore, #tpu.memory_space<semaphore_mem>>
        %dma_start3A = arith.constant 0 : i32
        %dma_start3A_1593 = tpu.memref_slice %arg21[%dma_start3A] : memref<128xf32, #tpu.memory_space<vmem>> -> memref<32xf32, #tpu.memory_space<vmem>>
        %dma_start3A_1594 = arith.constant 0 : i32
        %dma_start3A_1595 = tpu.memref_slice %arg21[%dma_start3A_1594] : memref<128xf32, #tpu.memory_space<vmem>> -> memref<32xf32, #tpu.memory_space<vmem>>
        tpu.enqueue_dma source(%arg4 : memref<32xf32, #tpu.memory_space<hbm>>) target(%dma_start3A_1595 : memref<32xf32, #tpu.memory_space<vmem>>) target_semaphore(%run_scoped3A : memref<!tpu.dma_semaphore, #tpu.memory_space<semaphore_mem>>)
        %dma_wait3A = arith.constant 0 : i32
        %dma_wait3A_1596 = tpu.memref_slice %arg21[%dma_wait3A] : memref<128xf32, #tpu.memory_space<vmem>> -> memref<32xf32, #tpu.memory_space<vmem>>
        %dma_wait3A_1597 = arith.constant 0 : i32
        %dma_wait3A_1598 = tpu.memref_slice %arg21[%dma_wait3A_1597] : memref<128xf32, #tpu.memory_space<vmem>> -> memref<32xf32, #tpu.memory_space<vmem>>
        tpu.wait_dma2 semaphore(%run_scoped3A : memref<!tpu.dma_semaphore, #tpu.memory_space<semaphore_mem>>) src(%arg4 : memref<32xf32, #tpu.memory_space<hbm>>) dst(%dma_wait3A_1598 : memref<32xf32, #tpu.memory_space<vmem>>)
        tpu.yield
      }) : () -> ()
      %broadcast_in_dim3A = vector.broadcast %arg1 : i32 to vector<16xi32>
      %gather3A = tpu.vector_load_idx %arg20[%broadcast_in_dim3A] : memref<128xf32, #tpu.memory_space<vmem>>[vector<16xi32>], vector<16xf32>,
      %mul3A = arith.constant 2 : i32
      %mul3A_2 = vector.broadcast %mul3A : i32 to vector<16xi32>
      %mul3A_3 = arith.muli %mul3A_2, %broadcast_in_dim3A : vector<16xi32>
      %gather3A_4 = tpu.vector_load_idx %arg21[%mul3A_3] : memref<128xf32, #tpu.memory_space<vmem>>[vector<16xi32>], vector<16xf32>,
      %mul3A_5 = arith.constant 2 : i32
      %mul3A_6 = vector.broadcast %mul3A_5 : i32 to vector<16xi32>
      %mul3A_7 = arith.muli %mul3A_6, %broadcast_in_dim3A : vector<16xi32>
      %add3A = arith.constant 1 : i32
      %add3A_8 = vector.broadcast %add3A : i32 to vector<16xi32>
      %add3A_9 = arith.addi %mul3A_7, %add3A_8 : vector<16xi32>
      %gather3A_10 = tpu.vector_load_idx %arg21[%add3A_9] : memref<128xf32, #tpu.memory_space<vmem>>[vector<16xi32>], vector<16xf32>,
      %broadcast_in_dim3A_11 = arith.constant 0 : i32
      %broadcast_in_dim3A_12 = vector.broadcast %broadcast_in_dim3A_11 : i32 to vector<16xi32>
      %broadcast_in_dim3A_13 = arith.constant -1.000000e+00 : f32
      %broadcast_in_dim3A_14 = vector.broadcast %broadcast_in_dim3A_13 : f32 to vector<16xf32>
      %swap3A = arith.constant 0 : index
      %swap3A_15 = tpu.vector_load %arg22[%swap3A] {strides = array<i32>} : memref<128xf32, #tpu.memory_space<vmem>>, vector<16xf32>,
      tpu.vector_store %arg22[%swap3A], %broadcast_in_dim3A_14 {strides = array<i32>} : memref<128xf32, #tpu.memory_space<vmem>>, vector<16xf32>,
      %swap3A_16 = arith.constant 0 : index
      %swap3A_17 = tpu.vector_load %arg23[%swap3A_16] {strides = array<i32>} : memref<128xi32, #tpu.memory_space<vmem>>, vector<16xi32>,
      tpu.vector_store %arg23[%swap3A_16], %broadcast_in_dim3A_12 {strides = array<i32>} : memref<128xi32, #tpu.memory_space<vmem>>, vector<16xi32>,
      %swap3A_18 = arith.constant 0 : index
      %swap3A_19 = tpu.vector_load %arg24[%swap3A_18] {strides = array<i32>} : memref<128xi32, #tpu.memory_space<vmem>>, vector<16xi32>,
      tpu.vector_store %arg24[%swap3A_18], %broadcast_in_dim3A_12 {strides = array<i32>} : memref<128xi32, #tpu.memory_space<vmem>>, vector<16xi32>,
      %broadcast_in_dim3A_20 = arith.constant -1.000000e+00 : f32
      %broadcast_in_dim3A_21 = vector.broadcast %broadcast_in_dim3A_20 : f32 to vector<16xf32>
      %swap3A_22 = arith.constant 16 : index
      %swap3A_23 = tpu.vector_load %arg22[%swap3A_22] {strides = array<i32>} : memref<128xf32, #tpu.memory_space<vmem>>, vector<16xf32>,
      tpu.vector_store %arg22[%swap3A_22], %broadcast_in_dim3A_21 {strides = array<i32>} : memref<128xf32, #tpu.memory_space<vmem>>, vector<16xf32>,
      %swap3A_24 = arith.constant 16 : index
      %swap3A_25 = tpu.vector_load %arg23[%swap3A_24] {strides = array<i32>} : memref<128xi32, #tpu.memory_space<vmem>>, vector<16xi32>,
      tpu.vector_store %arg23[%swap3A_24], %broadcast_in_dim3A_12 {strides = array<i32>} : memref<128xi32, #tpu.memory_space<vmem>>, vector<16xi32>,
      %swap3A_26 = arith.constant 16 : index
      %swap3A_27 = tpu.vector_load %arg24[%swap3A_26] {strides = array<i32>} : memref<128xi32, #tpu.memory_space<vmem>>, vector<16xi32>,
      tpu.vector_store %arg24[%swap3A_26], %broadcast_in_dim3A_12 {strides = array<i32>} : memref<128xi32, #tpu.memory_space<vmem>>, vector<16xi32>,
      %broadcast_in_dim3A_28 = arith.constant -1.000000e+00 : f32
      %broadcast_in_dim3A_29 = vector.broadcast %broadcast_in_dim3A_28 : f32 to vector<16xf32>
      %swap3A_30 = arith.constant 32 : index
      %swap3A_31 = tpu.vector_load %arg22[%swap3A_30] {strides = array<i32>} : memref<128xf32, #tpu.memory_space<vmem>>, vector<16xf32>,
      tpu.vector_store %arg22[%swap3A_30], %broadcast_in_dim3A_29 {strides = array<i32>} : memref<128xf32, #tpu.memory_space<vmem>>, vector<16xf32>,
      %swap3A_32 = arith.constant 32 : index
      %swap3A_33 = tpu.vector_load %arg23[%swap3A_32] {strides = array<i32>} : memref<128xi32, #tpu.memory_space<vmem>>, vector<16xi32>,
      tpu.vector_store %arg23[%swap3A_32], %broadcast_in_dim3A_12 {strides = array<i32>} : memref<128xi32, #tpu.memory_space<vmem>>, vector<16xi32>,
      %swap3A_34 = arith.constant 32 : index
      %swap3A_35 = tpu.vector_load %arg24[%swap3A_34] {strides = array<i32>} : memref<128xi32, #tpu.memory_space<vmem>>, vector<16xi32>,
      tpu.vector_store %arg24[%swap3A_34], %broadcast_in_dim3A_12 {strides = array<i32>} : memref<128xi32, #tpu.memory_space<vmem>>, vector<16xi32>,
      %broadcast_in_dim3A_36 = arith.constant -1.000000e+00 : f32
      %broadcast_in_dim3A_37 = vector.broadcast %broadcast_in_dim3A_36 : f32 to vector<16xf32>
      %swap3A_38 = arith.constant 48 : index
      %swap3A_39 = tpu.vector_load %arg22[%swap3A_38] {strides = array<i32>} : memref<128xf32, #tpu.memory_space<vmem>>, vector<16xf32>,
      tpu.vector_store %arg22[%swap3A_38], %broadcast_in_dim3A_37 {strides = array<i32>} : memref<128xf32, #tpu.memory_space<vmem>>, vector<16xf32>,
      %swap3A_40 = arith.constant 48 : index
      %swap3A_41 = tpu.vector_load %arg23[%swap3A_40] {strides = array<i32>} : memref<128xi32, #tpu.memory_space<vmem>>, vector<16xi32>,
      tpu.vector_store %arg23[%swap3A_40], %broadcast_in_dim3A_12 {strides = array<i32>} : memref<128xi32, #tpu.memory_space<vmem>>, vector<16xi32>,
      %swap3A_42 = arith.constant 48 : index
      %swap3A_43 = tpu.vector_load %arg24[%swap3A_42] {strides = array<i32>} : memref<128xi32, #tpu.memory_space<vmem>>, vector<16xi32>,
      tpu.vector_store %arg24[%swap3A_42], %broadcast_in_dim3A_12 {strides = array<i32>} : memref<128xi32, #tpu.memory_space<vmem>>, vector<16xi32>,
      %broadcast_in_dim3A_44 = arith.constant -1.000000e+00 : f32
      %broadcast_in_dim3A_45 = vector.broadcast %broadcast_in_dim3A_44 : f32 to vector<16xf32>
      %swap3A_46 = arith.constant 64 : index
      %swap3A_47 = tpu.vector_load %arg22[%swap3A_46] {strides = array<i32>} : memref<128xf32, #tpu.memory_space<vmem>>, vector<16xf32>,
      tpu.vector_store %arg22[%swap3A_46], %broadcast_in_dim3A_45 {strides = array<i32>} : memref<128xf32, #tpu.memory_space<vmem>>, vector<16xf32>,
      %swap3A_48 = arith.constant 64 : index
      %swap3A_49 = tpu.vector_load %arg23[%swap3A_48] {strides = array<i32>} : memref<128xi32, #tpu.memory_space<vmem>>, vector<16xi32>,
      tpu.vector_store %arg23[%swap3A_48], %broadcast_in_dim3A_12 {strides = array<i32>} : memref<128xi32, #tpu.memory_space<vmem>>, vector<16xi32>,
      %swap3A_50 = arith.constant 64 : index
      %swap3A_51 = tpu.vector_load %arg24[%swap3A_50] {strides = array<i32>} : memref<128xi32, #tpu.memory_space<vmem>>, vector<16xi32>,
      tpu.vector_store %arg24[%swap3A_50], %broadcast_in_dim3A_12 {strides = array<i32>} : memref<128xi32, #tpu.memory_space<vmem>>, vector<16xi32>,
      %broadcast_in_dim3A_52 = arith.constant -1.000000e+00 : f32
      %broadcast_in_dim3A_53 = vector.broadcast %broadcast_in_dim3A_52 : f32 to vector<16xf32>
      %swap3A_54 = arith.constant 80 : index
      %swap3A_55 = tpu.vector_load %arg22[%swap3A_54] {strides = array<i32>} : memref<128xf32, #tpu.memory_space<vmem>>, vector<16xf32>,
      tpu.vector_store %arg22[%swap3A_54], %broadcast_in_dim3A_53 {strides = array<i32>} : memref<128xf32, #tpu.memory_space<vmem>>, vector<16xf32>,
      %swap3A_56 = arith.constant 80 : index
      %swap3A_57 = tpu.vector_load %arg23[%swap3A_56] {strides = array<i32>} : memref<128xi32, #tpu.memory_space<vmem>>, vector<16xi32>,
      tpu.vector_store %arg23[%swap3A_56], %broadcast_in_dim3A_12 {strides = array<i32>} : memref<128xi32, #tpu.memory_space<vmem>>, vector<16xi32>,
      %swap3A_58 = arith.constant 80 : index
      %swap3A_59 = tpu.vector_load %arg24[%swap3A_58] {strides = array<i32>} : memref<128xi32, #tpu.memory_space<vmem>>, vector<16xi32>,
      tpu.vector_store %arg24[%swap3A_58], %broadcast_in_dim3A_12 {strides = array<i32>} : memref<128xi32, #tpu.memory_space<vmem>>, vector<16xi32>,
      %broadcast_in_dim3A_60 = arith.constant -1.000000e+00 : f32
      %broadcast_in_dim3A_61 = vector.broadcast %broadcast_in_dim3A_60 : f32 to vector<16xf32>
      %swap3A_62 = arith.constant 96 : index
      %swap3A_63 = tpu.vector_load %arg22[%swap3A_62] {strides = array<i32>} : memref<128xf32, #tpu.memory_space<vmem>>, vector<16xf32>,
      tpu.vector_store %arg22[%swap3A_62], %broadcast_in_dim3A_61 {strides = array<i32>} : memref<128xf32, #tpu.memory_space<vmem>>, vector<16xf32>,
      %swap3A_64 = arith.constant 96 : index
      %swap3A_65 = tpu.vector_load %arg23[%swap3A_64] {strides = array<i32>} : memref<128xi32, #tpu.memory_space<vmem>>, vector<16xi32>,
      tpu.vector_store %arg23[%swap3A_64], %broadcast_in_dim3A_12 {strides = array<i32>} : memref<128xi32, #tpu.memory_space<vmem>>, vector<16xi32>,
      %swap3A_66 = arith.constant 96 : index
      %swap3A_67 = tpu.vector_load %arg24[%swap3A_66] {strides = array<i32>} : memref<128xi32, #tpu.memory_space<vmem>>, vector<16xi32>,
      tpu.vector_store %arg24[%swap3A_66], %broadcast_in_dim3A_12 {strides = array<i32>} : memref<128xi32, #tpu.memory_space<vmem>>, vector<16xi32>,
      %broadcast_in_dim3A_68 = arith.constant -1.000000e+00 : f32
      %broadcast_in_dim3A_69 = vector.broadcast %broadcast_in_dim3A_68 : f32 to vector<16xf32>
      %swap3A_70 = arith.constant 112 : index
      %swap3A_71 = tpu.vector_load %arg22[%swap3A_70] {strides = array<i32>} : memref<128xf32, #tpu.memory_space<vmem>>, vector<16xf32>,
      tpu.vector_store %arg22[%swap3A_70], %broadcast_in_dim3A_69 {strides = array<i32>} : memref<128xf32, #tpu.memory_space<vmem>>, vector<16xf32>,
      %swap3A_72 = arith.constant 112 : index
      %swap3A_73 = tpu.vector_load %arg23[%swap3A_72] {strides = array<i32>} : memref<128xi32, #tpu.memory_space<vmem>>, vector<16xi32>,
      tpu.vector_store %arg23[%swap3A_72], %broadcast_in_dim3A_12 {strides = array<i32>} : memref<128xi32, #tpu.memory_space<vmem>>, vector<16xi32>,
      %swap3A_74 = arith.constant 112 : index
      %swap3A_75 = tpu.vector_load %arg24[%swap3A_74] {strides = array<i32>} : memref<128xi32, #tpu.memory_space<vmem>>, vector<16xi32>,
      tpu.vector_store %arg24[%swap3A_74], %broadcast_in_dim3A_12 {strides = array<i32>} : memref<128xi32, #tpu.memory_space<vmem>>, vector<16xi32>,
      %scan3A = arith.constant 0 : i32
      %scan3A_76 = arith.constant 0 : i32
      %scan3A_77 = arith.constant 0 : i32
      %scan3A_78 = arith.constant 1024 : i32
      %scan3A_79 = arith.addi %scan3A_77, %scan3A_78 : i32
      %scan3A_80 = arith.constant 1 : i32
      %scan3A_81:2 = scf.for %scan3A_1593 = %scan3A_77 to %scan3A_79 step %scan3A_80 iter_args(%scan3A_1594 = %scan3A, %scan3A_1595 = %scan3A_76) -> (i32, i32)  : i32 {
        %mul3A_1596 = arith.constant 16 : i32
        %mul3A_1597 = arith.muli %scan3A_1593, %mul3A_1596 : i32
        %get3A_1598 = arith.index_cast %mul3A_1597 : i32 to index
        %get3A_1599 = tpu.vector_load %arg19[%get3A_1598] {strides = array<i32>} : memref<16384xf32, #tpu.memory_space<vmem>>, vector<16xf32>,
        %gt3A = arith.cmpf ogt, %get3A_1599, %gather3A : vector<16xf32>
        %eq3A_1600 = arith.cmpf oeq, %get3A_1599, %gather3A : vector<16xf32>
        %or3A = arith.ori %gt3A, %eq3A_1600 : vector<16xi1>
        %jit3A_1601 = arith.constant 1 : i32
        %jit3A_1602 = arith.constant 0 : i32
        %broadcast_in_dim3A_1603 = vector.broadcast %jit3A_1601 : i32 to vector<16xi32>
        %broadcast_in_dim3A_1604 = vector.broadcast %jit3A_1602 : i32 to vector<16xi32>
        %select_n3A_1605 = arith.select %or3A, %broadcast_in_dim3A_1603, %broadcast_in_dim3A_1604 : vector<16xi1>, vector<16xi32>
        %reduce_sum3A = arith.constant true
        %reduce_sum3A_1606 = vector.broadcast %reduce_sum3A : i1 to vector<16xi1>
        %reduce_sum3A_1607 = tpu.scan <sum>, %select_n3A_1605 masked %reduce_sum3A_1606 : vector<16xi32>, vector<16xi1> -> vector<16xi32>
        %reduce_sum3A_1608 = vector.extract %reduce_sum3A_1607[15] : i32 from vector<16xi32>
        %gt3A_1609 = arith.constant 0 : i32
        %gt3A_1610 = arith.cmpi sgt, %reduce_sum3A_1608, %gt3A_1609 : i32
        %convert_element_type3A_1611 = arith.extui %gt3A_1610 : i1 to i32
        %cond3A_1612 = arith.constant 0 : i32
        %cond3A_1613 = arith.cmpi ne, %convert_element_type3A_1611, %cond3A_1612 : i32
        %cond3A_1614:2 = scf.if %cond3A_1613 -> (i32, i32) {
          %mul3A_1615 = arith.constant 16 : i32
          %mul3A_1616 = arith.muli %scan3A_1593, %mul3A_1615 : i32
          %add3A_1617 = vector.broadcast %mul3A_1616 : i32 to vector<16xi32>
          %add3A_1618 = arith.addi %add3A_1617, %iota3A : vector<16xi32>
          %jit3A_1619 = arith.constant 1 : i32
          %jit3A_1620 = arith.constant 0 : i32
          %broadcast_in_dim3A_1621 = vector.broadcast %jit3A_1619 : i32 to vector<16xi32>
          %broadcast_in_dim3A_1622 = vector.broadcast %jit3A_1620 : i32 to vector<16xi32>
          %select_n3A_1623 = arith.select %eq3A_1600, %broadcast_in_dim3A_1621, %broadcast_in_dim3A_1622 : vector<16xi1>, vector<16xi32>
          %broadcast_in_dim3A_1624 = arith.constant true
          %broadcast_in_dim3A_1625 = vector.broadcast %broadcast_in_dim3A_1624 : i1 to vector<16xi1>
          %masked_cumsum3A = tpu.scan <sum>, %select_n3A_1623 masked %broadcast_in_dim3A_1625 : vector<16xi32>, vector<16xi1> -> vector<16xi32>
          %add3A_1626 = vector.broadcast %scan3A_1595 : i32 to vector<16xi32>
          %add3A_1627 = arith.addi %add3A_1626, %masked_cumsum3A : vector<16xi32>
          %le3A = arith.constant 100 : i32
          %le3A_1628 = vector.broadcast %le3A : i32 to vector<16xi32>
          %le3A_1629 = arith.cmpi sle, %add3A_1627, %le3A_1628 : vector<16xi32>
          %and3A = arith.andi %eq3A_1600, %le3A_1629 : vector<16xi1>
          %swap3A_1630 = arith.index_cast %scan3A_1594 : i32 to index
          %swap3A_1631 = tpu.vector_load %arg22[%swap3A_1630] masked %gt3A {strides = array<i32>} : memref<128xf32, #tpu.memory_space<vmem>>, vector<16xf32>, vector<16xi1>
          tpu.vector_store %arg22[%swap3A_1630], %get3A_1599 masked %gt3A {strides = array<i32>} : memref<128xf32, #tpu.memory_space<vmem>>, vector<16xf32>, vector<16xi1>
          %swap3A_1632 = arith.index_cast %scan3A_1594 : i32 to index
          %swap3A_1633 = tpu.vector_load %arg23[%swap3A_1632] masked %gt3A {strides = array<i32>} : memref<128xi32, #tpu.memory_space<vmem>>, vector<16xi32>, vector<16xi1>
          tpu.vector_store %arg23[%swap3A_1632], %add3A_1618 masked %gt3A {strides = array<i32>} : memref<128xi32, #tpu.memory_space<vmem>>, vector<16xi32>, vector<16xi1>
          %swap3A_1634 = arith.index_cast %scan3A_1595 : i32 to index
          %swap3A_1635 = tpu.vector_load %arg24[%swap3A_1634] masked %and3A {strides = array<i32>} : memref<128xi32, #tpu.memory_space<vmem>>, vector<16xi32>, vector<16xi1>
          tpu.vector_store %arg24[%swap3A_1634], %add3A_1618 masked %and3A {strides = array<i32>} : memref<128xi32, #tpu.memory_space<vmem>>, vector<16xi32>, vector<16xi1>
          %jit3A_1636 = arith.constant 1 : i32
          %jit3A_1637 = arith.constant 0 : i32
          %broadcast_in_dim3A_1638 = vector.broadcast %jit3A_1636 : i32 to vector<16xi32>
          %broadcast_in_dim3A_1639 = vector.broadcast %jit3A_1637 : i32 to vector<16xi32>
          %select_n3A_1640 = arith.select %gt3A, %broadcast_in_dim3A_1638, %broadcast_in_dim3A_1639 : vector<16xi1>, vector<16xi32>
          %reduce_sum3A_1641 = arith.constant true
          %reduce_sum3A_1642 = vector.broadcast %reduce_sum3A_1641 : i1 to vector<16xi1>
          %reduce_sum3A_1643 = tpu.scan <sum>, %select_n3A_1640 masked %reduce_sum3A_1642 : vector<16xi32>, vector<16xi1> -> vector<16xi32>
          %reduce_sum3A_1644 = vector.extract %reduce_sum3A_1643[15] : i32 from vector<16xi32>
          %add3A_1645 = arith.addi %scan3A_1594, %reduce_sum3A_1644 : i32
          %jit3A_1646 = arith.constant 1 : i32
          %jit3A_1647 = arith.constant 0 : i32
          %broadcast_in_dim3A_1648 = vector.broadcast %jit3A_1646 : i32 to vector<16xi32>
          %broadcast_in_dim3A_1649 = vector.broadcast %jit3A_1647 : i32 to vector<16xi32>
          %select_n3A_1650 = arith.select %and3A, %broadcast_in_dim3A_1648, %broadcast_in_dim3A_1649 : vector<16xi1>, vector<16xi32>
          %reduce_sum3A_1651 = arith.constant true
          %reduce_sum3A_1652 = vector.broadcast %reduce_sum3A_1651 : i1 to vector<16xi1>
          %reduce_sum3A_1653 = tpu.scan <sum>, %select_n3A_1650 masked %reduce_sum3A_1652 : vector<16xi32>, vector<16xi1> -> vector<16xi32>
          %reduce_sum3A_1654 = vector.extract %reduce_sum3A_1653[15] : i32 from vector<16xi32>
          %add3A_1655 = arith.addi %scan3A_1595, %reduce_sum3A_1654 : i32
          scf.yield %add3A_1645, %add3A_1655 : i32, i32
        } else {
          scf.yield %scan3A_1594, %scan3A_1595 : i32, i32
        }
        scf.yield %cond3A_1614#0, %cond3A_1614#1 : i32, i32
      }
      %scan3A_82 = arith.constant 1024 : i32
      %add3A_83 = arith.constant 0 : i32
      %add3A_84 = vector.broadcast %add3A_83 : i32 to vector<16xi32>
      %add3A_85 = arith.addi %add3A_84, %iota3A : vector<16xi32>
      %sub3A = vector.broadcast %scan3A_81#0 : i32 to vector<16xi32>
      %sub3A_86 = arith.subi %add3A_85, %sub3A : vector<16xi32>
      %max3A = arith.constant 0 : i32
      %max3A_87 = vector.broadcast %max3A : i32 to vector<16xi32>
      %max3A_88 = arith.maxsi %sub3A_86, %max3A_87 : vector<16xi32>
      %gather3A_89 = tpu.vector_load_idx %arg24[%max3A_88] : memref<128xi32, #tpu.memory_space<vmem>>[vector<16xi32>], vector<16xi32>,
      %ge3A = vector.broadcast %scan3A_81#0 : i32 to vector<16xi32>
      %ge3A_90 = arith.cmpi sge, %add3A_85, %ge3A : vector<16xi32>
      %jit3A = arith.constant 0 : i32
      %broadcast_in_dim3A_91 = vector.broadcast %jit3A : i32 to vector<16xi32>
      %select_n3A = arith.select %ge3A_90, %gather3A_89, %broadcast_in_dim3A_91 : vector<16xi1>, vector<16xi32>
      %swap3A_92 = arith.constant 0 : index
      %swap3A_93 = tpu.vector_load %arg26[%swap3A_92] {strides = array<i32>} : memref<128xi32, #tpu.memory_space<vmem>>, vector<16xi32>,
      tpu.vector_store %arg26[%swap3A_92], %select_n3A {strides = array<i32>} : memref<128xi32, #tpu.memory_space<vmem>>, vector<16xi32>,
      %swap3A_94 = arith.constant 0 : index
      %swap3A_95 = tpu.vector_load %arg25[%swap3A_94] {strides = array<i32>} : memref<128xf32, #tpu.memory_space<vmem>>, vector<16xf32>,
      tpu.vector_store %arg25[%swap3A_94], %gather3A {strides = array<i32>} : memref<128xf32, #tpu.memory_space<vmem>>, vector<16xf32>,
      %add3A_96 = arith.constant 16 : i32
      %add3A_97 = vector.broadcast %add3A_96 : i32 to vector<16xi32>
      %add3A_98 = arith.addi %add3A_97, %iota3A : vector<16xi32>
      %sub3A_99 = vector.broadcast %scan3A_81#0 : i32 to vector<16xi32>
      %sub3A_100 = arith.subi %add3A_98, %sub3A_99 : vector<16xi32>
      %max3A_101 = arith.constant 0 : i32
      %max3A_102 = vector.broadcast %max3A_101 : i32 to vector<16xi32>
      %max3A_103 = arith.maxsi %sub3A_100, %max3A_102 : vector<16xi32>
      %gather3A_104 = tpu.vector_load_idx %arg24[%max3A_103] : memref<128xi32, #tpu.memory_space<vmem>>[vector<16xi32>], vector<16xi32>,
      %ge3A_105 = vector.broadcast %scan3A_81#0 : i32 to vector<16xi32>
      %ge3A_106 = arith.cmpi sge, %add3A_98, %ge3A_105 : vector<16xi32>
      %jit3A_107 = arith.constant 0 : i32
      %broadcast_in_dim3A_108 = vector.broadcast %jit3A_107 : i32 to vector<16xi32>
      %select_n3A_109 = arith.select %ge3A_106, %gather3A_104, %broadcast_in_dim3A_108 : vector<16xi1>, vector<16xi32>
      %swap3A_110 = arith.constant 16 : index
      %swap3A_111 = tpu.vector_load %arg26[%swap3A_110] {strides = array<i32>} : memref<128xi32, #tpu.memory_space<vmem>>, vector<16xi32>,
      tpu.vector_store %arg26[%swap3A_110], %select_n3A_109 {strides = array<i32>} : memref<128xi32, #tpu.memory_space<vmem>>, vector<16xi32>,
      %swap3A_112 = arith.constant 16 : index
      %swap3A_113 = tpu.vector_load %arg25[%swap3A_112] {strides = array<i32>} : memref<128xf32, #tpu.memory_space<vmem>>, vector<16xf32>,
      tpu.vector_store %arg25[%swap3A_112], %gather3A {strides = array<i32>} : memref<128xf32, #tpu.memory_space<vmem>>, vector<16xf32>,
      %add3A_114 = arith.constant 32 : i32
      %add3A_115 = vector.broadcast %add3A_114 : i32 to vector<16xi32>
      %add3A_116 = arith.addi %add3A_115, %iota3A : vector<16xi32>
      %sub3A_117 = vector.broadcast %scan3A_81#0 : i32 to vector<16xi32>
      %sub3A_118 = arith.subi %add3A_116, %sub3A_117 : vector<16xi32>
      %max3A_119 = arith.constant 0 : i32
      %max3A_120 = vector.broadcast %max3A_119 : i32 to vector<16xi32>
      %max3A_121 = arith.maxsi %sub3A_118, %max3A_120 : vector<16xi32>
      %gather3A_122 = tpu.vector_load_idx %arg24[%max3A_121] : memref<128xi32, #tpu.memory_space<vmem>>[vector<16xi32>], vector<16xi32>,
      %ge3A_123 = vector.broadcast %scan3A_81#0 : i32 to vector<16xi32>
      %ge3A_124 = arith.cmpi sge, %add3A_116, %ge3A_123 : vector<16xi32>
      %jit3A_125 = arith.constant 0 : i32
      %broadcast_in_dim3A_126 = vector.broadcast %jit3A_125 : i32 to vector<16xi32>
      %select_n3A_127 = arith.select %ge3A_124, %gather3A_122, %broadcast_in_dim3A_126 : vector<16xi1>, vector<16xi32>
      %swap3A_128 = arith.constant 32 : index
      %swap3A_129 = tpu.vector_load %arg26[%swap3A_128] {strides = array<i32>} : memref<128xi32, #tpu.memory_space<vmem>>, vector<16xi32>,
      tpu.vector_store %arg26[%swap3A_128], %select_n3A_127 {strides = array<i32>} : memref<128xi32, #tpu.memory_space<vmem>>, vector<16xi32>,
      %swap3A_130 = arith.constant 32 : index
      %swap3A_131 = tpu.vector_load %arg25[%swap3A_130] {strides = array<i32>} : memref<128xf32, #tpu.memory_space<vmem>>, vector<16xf32>,
      tpu.vector_store %arg25[%swap3A_130], %gather3A {strides = array<i32>} : memref<128xf32, #tpu.memory_space<vmem>>, vector<16xf32>,
      %add3A_132 = arith.constant 48 : i32
      %add3A_133 = vector.broadcast %add3A_132 : i32 to vector<16xi32>
      %add3A_134 = arith.addi %add3A_133, %iota3A : vector<16xi32>
      %sub3A_135 = vector.broadcast %scan3A_81#0 : i32 to vector<16xi32>
      %sub3A_136 = arith.subi %add3A_134, %sub3A_135 : vector<16xi32>
      %max3A_137 = arith.constant 0 : i32
      %max3A_138 = vector.broadcast %max3A_137 : i32 to vector<16xi32>
      %max3A_139 = arith.maxsi %sub3A_136, %max3A_138 : vector<16xi32>
      %gather3A_140 = tpu.vector_load_idx %arg24[%max3A_139] : memref<128xi32, #tpu.memory_space<vmem>>[vector<16xi32>], vector<16xi32>,
      %ge3A_141 = vector.broadcast %scan3A_81#0 : i32 to vector<16xi32>
      %ge3A_142 = arith.cmpi sge, %add3A_134, %ge3A_141 : vector<16xi32>
      %jit3A_143 = arith.constant 0 : i32
      %broadcast_in_dim3A_144 = vector.broadcast %jit3A_143 : i32 to vector<16xi32>
      %select_n3A_145 = arith.select %ge3A_142, %gather3A_140, %broadcast_in_dim3A_144 : vector<16xi1>, vector<16xi32>
      %swap3A_146 = arith.constant 48 : index
      %swap3A_147 = tpu.vector_load %arg26[%swap3A_146] {strides = array<i32>} : memref<128xi32, #tpu.memory_space<vmem>>, vector<16xi32>,
      tpu.vector_store %arg26[%swap3A_146], %select_n3A_145 {strides = array<i32>} : memref<128xi32, #tpu.memory_space<vmem>>, vector<16xi32>,
      %swap3A_148 = arith.constant 48 : index
      %swap3A_149 = tpu.vector_load %arg25[%swap3A_148] {strides = array<i32>} : memref<128xf32, #tpu.memory_space<vmem>>, vector<16xf32>,
      tpu.vector_store %arg25[%swap3A_148], %gather3A {strides = array<i32>} : memref<128xf32, #tpu.memory_space<vmem>>, vector<16xf32>,
      %add3A_150 = arith.constant 64 : i32
      %add3A_151 = vector.broadcast %add3A_150 : i32 to vector<16xi32>
      %add3A_152 = arith.addi %add3A_151, %iota3A : vector<16xi32>
      %sub3A_153 = vector.broadcast %scan3A_81#0 : i32 to vector<16xi32>
      %sub3A_154 = arith.subi %add3A_152, %sub3A_153 : vector<16xi32>
      %max3A_155 = arith.constant 0 : i32
      %max3A_156 = vector.broadcast %max3A_155 : i32 to vector<16xi32>
      %max3A_157 = arith.maxsi %sub3A_154, %max3A_156 : vector<16xi32>
      %gather3A_158 = tpu.vector_load_idx %arg24[%max3A_157] : memref<128xi32, #tpu.memory_space<vmem>>[vector<16xi32>], vector<16xi32>,
      %ge3A_159 = vector.broadcast %scan3A_81#0 : i32 to vector<16xi32>
      %ge3A_160 = arith.cmpi sge, %add3A_152, %ge3A_159 : vector<16xi32>
      %jit3A_161 = arith.constant 0 : i32
      %broadcast_in_dim3A_162 = vector.broadcast %jit3A_161 : i32 to vector<16xi32>
      %select_n3A_163 = arith.select %ge3A_160, %gather3A_158, %broadcast_in_dim3A_162 : vector<16xi1>, vector<16xi32>
      %swap3A_164 = arith.constant 64 : index
      %swap3A_165 = tpu.vector_load %arg26[%swap3A_164] {strides = array<i32>} : memref<128xi32, #tpu.memory_space<vmem>>, vector<16xi32>,
      tpu.vector_store %arg26[%swap3A_164], %select_n3A_163 {strides = array<i32>} : memref<128xi32, #tpu.memory_space<vmem>>, vector<16xi32>,
      %swap3A_166 = arith.constant 64 : index
      %swap3A_167 = tpu.vector_load %arg25[%swap3A_166] {strides = array<i32>} : memref<128xf32, #tpu.memory_space<vmem>>, vector<16xf32>,
      tpu.vector_store %arg25[%swap3A_166], %gather3A {strides = array<i32>} : memref<128xf32, #tpu.memory_space<vmem>>, vector<16xf32>,
      %add3A_168 = arith.constant 80 : i32
      %add3A_169 = vector.broadcast %add3A_168 : i32 to vector<16xi32>
      %add3A_170 = arith.addi %add3A_169, %iota3A : vector<16xi32>
      %sub3A_171 = vector.broadcast %scan3A_81#0 : i32 to vector<16xi32>
      %sub3A_172 = arith.subi %add3A_170, %sub3A_171 : vector<16xi32>
      %max3A_173 = arith.constant 0 : i32
      %max3A_174 = vector.broadcast %max3A_173 : i32 to vector<16xi32>
      %max3A_175 = arith.maxsi %sub3A_172, %max3A_174 : vector<16xi32>
      %gather3A_176 = tpu.vector_load_idx %arg24[%max3A_175] : memref<128xi32, #tpu.memory_space<vmem>>[vector<16xi32>], vector<16xi32>,
      %ge3A_177 = vector.broadcast %scan3A_81#0 : i32 to vector<16xi32>
      %ge3A_178 = arith.cmpi sge, %add3A_170, %ge3A_177 : vector<16xi32>
      %jit3A_179 = arith.constant 0 : i32
      %broadcast_in_dim3A_180 = vector.broadcast %jit3A_179 : i32 to vector<16xi32>
      %select_n3A_181 = arith.select %ge3A_178, %gather3A_176, %broadcast_in_dim3A_180 : vector<16xi1>, vector<16xi32>
      %swap3A_182 = arith.constant 80 : index
      %swap3A_183 = tpu.vector_load %arg26[%swap3A_182] {strides = array<i32>} : memref<128xi32, #tpu.memory_space<vmem>>, vector<16xi32>,
      tpu.vector_store %arg26[%swap3A_182], %select_n3A_181 {strides = array<i32>} : memref<128xi32, #tpu.memory_space<vmem>>, vector<16xi32>,
      %swap3A_184 = arith.constant 80 : index
      %swap3A_185 = tpu.vector_load %arg25[%swap3A_184] {strides = array<i32>} : memref<128xf32, #tpu.memory_space<vmem>>, vector<16xf32>,
      tpu.vector_store %arg25[%swap3A_184], %gather3A {strides = array<i32>} : memref<128xf32, #tpu.memory_space<vmem>>, vector<16xf32>,
      %add3A_186 = arith.constant 96 : i32
      %add3A_187 = vector.broadcast %add3A_186 : i32 to vector<16xi32>
      %add3A_188 = arith.addi %add3A_187, %iota3A : vector<16xi32>
      %sub3A_189 = vector.broadcast %scan3A_81#0 : i32 to vector<16xi32>
      %sub3A_190 = arith.subi %add3A_188, %sub3A_189 : vector<16xi32>
      %max3A_191 = arith.constant 0 : i32
      %max3A_192 = vector.broadcast %max3A_191 : i32 to vector<16xi32>
      %max3A_193 = arith.maxsi %sub3A_190, %max3A_192 : vector<16xi32>
      %gather3A_194 = tpu.vector_load_idx %arg24[%max3A_193] : memref<128xi32, #tpu.memory_space<vmem>>[vector<16xi32>], vector<16xi32>,
      %ge3A_195 = vector.broadcast %scan3A_81#0 : i32 to vector<16xi32>
      %ge3A_196 = arith.cmpi sge, %add3A_188, %ge3A_195 : vector<16xi32>
      %jit3A_197 = arith.constant 0 : i32
      %broadcast_in_dim3A_198 = vector.broadcast %jit3A_197 : i32 to vector<16xi32>
      %select_n3A_199 = arith.select %ge3A_196, %gather3A_194, %broadcast_in_dim3A_198 : vector<16xi1>, vector<16xi32>
      %swap3A_200 = arith.constant 96 : index
      %swap3A_201 = tpu.vector_load %arg26[%swap3A_200] {strides = array<i32>} : memref<128xi32, #tpu.memory_space<vmem>>, vector<16xi32>,
      tpu.vector_store %arg26[%swap3A_200], %select_n3A_199 {strides = array<i32>} : memref<128xi32, #tpu.memory_space<vmem>>, vector<16xi32>,
      %swap3A_202 = arith.constant 96 : index
      %swap3A_203 = tpu.vector_load %arg25[%swap3A_202] {strides = array<i32>} : memref<128xf32, #tpu.memory_space<vmem>>, vector<16xf32>,
      tpu.vector_store %arg25[%swap3A_202], %gather3A {strides = array<i32>} : memref<128xf32, #tpu.memory_space<vmem>>, vector<16xf32>,
      %eq3A_204 = arith.constant 0 : i32
      %eq3A_205 = vector.broadcast %eq3A_204 : i32 to vector<16xi32>
      %eq3A_206 = arith.cmpi eq, %iota3A, %eq3A_205 : vector<16xi32>
      %while3A = arith.constant 0 : i32
      %while3A_207 = arith.constant 0 : i32
      %while3A_208 = arith.subi %scan3A_81#0, %while3A : i32
      %while3A_209 = arith.addi %while3A, %while3A_208 : i32
      %while3A_210 = arith.constant 1 : i32
      %while3A_211 = arith.divsi %while3A_208, %while3A_210 : i32
      %while3A_212 = arith.muli %while3A_211, %while3A_210 : i32
      %while3A_213 = arith.addi %while3A, %while3A_212 : i32
      %while3A_214 = arith.constant 1 : i32
      %while3A_215 = scf.for %while3A_1593 = %while3A to %while3A_213 step %while3A_214 iter_args(%while3A_1594 = %while3A_207) -> (i32)  : i32 {
        %broadcast_in_dim3A_1595 = vector.broadcast %while3A_1593 : i32 to vector<16xi32>
        %gather3A_1596 = tpu.vector_load_idx %arg22[%broadcast_in_dim3A_1595] : memref<128xf32, #tpu.memory_space<vmem>>[vector<16xi32>], vector<16xf32>,
        %gather3A_1597 = tpu.vector_load_idx %arg23[%broadcast_in_dim3A_1595] : memref<128xi32, #tpu.memory_space<vmem>>[vector<16xi32>], vector<16xi32>,
        %get3A_1598 = arith.constant 0 : index
        %get3A_1599 = tpu.vector_load %arg22[%get3A_1598] {strides = array<i32>} : memref<128xf32, #tpu.memory_space<vmem>>, vector<16xf32>,
        %get3A_1600 = arith.constant 0 : index
        %get3A_1601 = tpu.vector_load %arg23[%get3A_1600] {strides = array<i32>} : memref<128xi32, #tpu.memory_space<vmem>>, vector<16xi32>,
        %gt3A = arith.cmpf ogt, %get3A_1599, %gather3A_1596 : vector<16xf32>
        %eq3A_1602 = arith.cmpf oeq, %get3A_1599, %gather3A_1596 : vector<16xf32>
        %lt3A_1603 = arith.cmpi slt, %get3A_1601, %gather3A_1597 : vector<16xi32>
        %and3A = arith.andi %eq3A_1602, %lt3A_1603 : vector<16xi1>
        %or3A = arith.ori %gt3A, %and3A : vector<16xi1>
        %jit3A_1604 = arith.constant 1 : i32
        %jit3A_1605 = arith.constant 0 : i32
        %broadcast_in_dim3A_1606 = vector.broadcast %jit3A_1604 : i32 to vector<16xi32>
        %broadcast_in_dim3A_1607 = vector.broadcast %jit3A_1605 : i32 to vector<16xi32>
        %select_n3A_1608 = arith.select %or3A, %broadcast_in_dim3A_1606, %broadcast_in_dim3A_1607 : vector<16xi1>, vector<16xi32>
        %add3A_1609 = arith.addi %broadcast_in_dim3A_12, %select_n3A_1608 : vector<16xi32>
        %get3A_1610 = arith.constant 16 : index
        %get3A_1611 = tpu.vector_load %arg22[%get3A_1610] {strides = array<i32>} : memref<128xf32, #tpu.memory_space<vmem>>, vector<16xf32>,
        %get3A_1612 = arith.constant 16 : index
        %get3A_1613 = tpu.vector_load %arg23[%get3A_1612] {strides = array<i32>} : memref<128xi32, #tpu.memory_space<vmem>>, vector<16xi32>,
        %gt3A_1614 = arith.cmpf ogt, %get3A_1611, %gather3A_1596 : vector<16xf32>
        %eq3A_1615 = arith.cmpf oeq, %get3A_1611, %gather3A_1596 : vector<16xf32>
        %lt3A_1616 = arith.cmpi slt, %get3A_1613, %gather3A_1597 : vector<16xi32>
        %and3A_1617 = arith.andi %eq3A_1615, %lt3A_1616 : vector<16xi1>
        %or3A_1618 = arith.ori %gt3A_1614, %and3A_1617 : vector<16xi1>
        %jit3A_1619 = arith.constant 1 : i32
        %jit3A_1620 = arith.constant 0 : i32
        %broadcast_in_dim3A_1621 = vector.broadcast %jit3A_1619 : i32 to vector<16xi32>
        %broadcast_in_dim3A_1622 = vector.broadcast %jit3A_1620 : i32 to vector<16xi32>
        %select_n3A_1623 = arith.select %or3A_1618, %broadcast_in_dim3A_1621, %broadcast_in_dim3A_1622 : vector<16xi1>, vector<16xi32>
        %add3A_1624 = arith.addi %add3A_1609, %select_n3A_1623 : vector<16xi32>
        %get3A_1625 = arith.constant 32 : index
        %get3A_1626 = tpu.vector_load %arg22[%get3A_1625] {strides = array<i32>} : memref<128xf32, #tpu.memory_space<vmem>>, vector<16xf32>,
        %get3A_1627 = arith.constant 32 : index
        %get3A_1628 = tpu.vector_load %arg23[%get3A_1627] {strides = array<i32>} : memref<128xi32, #tpu.memory_space<vmem>>, vector<16xi32>,
        %gt3A_1629 = arith.cmpf ogt, %get3A_1626, %gather3A_1596 : vector<16xf32>
        %eq3A_1630 = arith.cmpf oeq, %get3A_1626, %gather3A_1596 : vector<16xf32>
        %lt3A_1631 = arith.cmpi slt, %get3A_1628, %gather3A_1597 : vector<16xi32>
        %and3A_1632 = arith.andi %eq3A_1630, %lt3A_1631 : vector<16xi1>
        %or3A_1633 = arith.ori %gt3A_1629, %and3A_1632 : vector<16xi1>
        %jit3A_1634 = arith.constant 1 : i32
        %jit3A_1635 = arith.constant 0 : i32
        %broadcast_in_dim3A_1636 = vector.broadcast %jit3A_1634 : i32 to vector<16xi32>
        %broadcast_in_dim3A_1637 = vector.broadcast %jit3A_1635 : i32 to vector<16xi32>
        %select_n3A_1638 = arith.select %or3A_1633, %broadcast_in_dim3A_1636, %broadcast_in_dim3A_1637 : vector<16xi1>, vector<16xi32>
        %add3A_1639 = arith.addi %add3A_1624, %select_n3A_1638 : vector<16xi32>
        %get3A_1640 = arith.constant 48 : index
        %get3A_1641 = tpu.vector_load %arg22[%get3A_1640] {strides = array<i32>} : memref<128xf32, #tpu.memory_space<vmem>>, vector<16xf32>,
        %get3A_1642 = arith.constant 48 : index
        %get3A_1643 = tpu.vector_load %arg23[%get3A_1642] {strides = array<i32>} : memref<128xi32, #tpu.memory_space<vmem>>, vector<16xi32>,
        %gt3A_1644 = arith.cmpf ogt, %get3A_1641, %gather3A_1596 : vector<16xf32>
        %eq3A_1645 = arith.cmpf oeq, %get3A_1641, %gather3A_1596 : vector<16xf32>
        %lt3A_1646 = arith.cmpi slt, %get3A_1643, %gather3A_1597 : vector<16xi32>
        %and3A_1647 = arith.andi %eq3A_1645, %lt3A_1646 : vector<16xi1>
        %or3A_1648 = arith.ori %gt3A_1644, %and3A_1647 : vector<16xi1>
        %jit3A_1649 = arith.constant 1 : i32
        %jit3A_1650 = arith.constant 0 : i32
        %broadcast_in_dim3A_1651 = vector.broadcast %jit3A_1649 : i32 to vector<16xi32>
        %broadcast_in_dim3A_1652 = vector.broadcast %jit3A_1650 : i32 to vector<16xi32>
        %select_n3A_1653 = arith.select %or3A_1648, %broadcast_in_dim3A_1651, %broadcast_in_dim3A_1652 : vector<16xi1>, vector<16xi32>
        %add3A_1654 = arith.addi %add3A_1639, %select_n3A_1653 : vector<16xi32>
        %get3A_1655 = arith.constant 64 : index
        %get3A_1656 = tpu.vector_load %arg22[%get3A_1655] {strides = array<i32>} : memref<128xf32, #tpu.memory_space<vmem>>, vector<16xf32>,
        %get3A_1657 = arith.constant 64 : index
        %get3A_1658 = tpu.vector_load %arg23[%get3A_1657] {strides = array<i32>} : memref<128xi32, #tpu.memory_space<vmem>>, vector<16xi32>,
        %gt3A_1659 = arith.cmpf ogt, %get3A_1656, %gather3A_1596 : vector<16xf32>
        %eq3A_1660 = arith.cmpf oeq, %get3A_1656, %gather3A_1596 : vector<16xf32>
        %lt3A_1661 = arith.cmpi slt, %get3A_1658, %gather3A_1597 : vector<16xi32>
        %and3A_1662 = arith.andi %eq3A_1660, %lt3A_1661 : vector<16xi1>
        %or3A_1663 = arith.ori %gt3A_1659, %and3A_1662 : vector<16xi1>
        %jit3A_1664 = arith.constant 1 : i32
        %jit3A_1665 = arith.constant 0 : i32
        %broadcast_in_dim3A_1666 = vector.broadcast %jit3A_1664 : i32 to vector<16xi32>
        %broadcast_in_dim3A_1667 = vector.broadcast %jit3A_1665 : i32 to vector<16xi32>
        %select_n3A_1668 = arith.select %or3A_1663, %broadcast_in_dim3A_1666, %broadcast_in_dim3A_1667 : vector<16xi1>, vector<16xi32>
        %add3A_1669 = arith.addi %add3A_1654, %select_n3A_1668 : vector<16xi32>
        %get3A_1670 = arith.constant 80 : index
        %get3A_1671 = tpu.vector_load %arg22[%get3A_1670] {strides = array<i32>} : memref<128xf32, #tpu.memory_space<vmem>>, vector<16xf32>,
        %get3A_1672 = arith.constant 80 : index
        %get3A_1673 = tpu.vector_load %arg23[%get3A_1672] {strides = array<i32>} : memref<128xi32, #tpu.memory_space<vmem>>, vector<16xi32>,
        %gt3A_1674 = arith.cmpf ogt, %get3A_1671, %gather3A_1596 : vector<16xf32>
        %eq3A_1675 = arith.cmpf oeq, %get3A_1671, %gather3A_1596 : vector<16xf32>
        %lt3A_1676 = arith.cmpi slt, %get3A_1673, %gather3A_1597 : vector<16xi32>
        %and3A_1677 = arith.andi %eq3A_1675, %lt3A_1676 : vector<16xi1>
        %or3A_1678 = arith.ori %gt3A_1674, %and3A_1677 : vector<16xi1>
        %jit3A_1679 = arith.constant 1 : i32
        %jit3A_1680 = arith.constant 0 : i32
        %broadcast_in_dim3A_1681 = vector.broadcast %jit3A_1679 : i32 to vector<16xi32>
        %broadcast_in_dim3A_1682 = vector.broadcast %jit3A_1680 : i32 to vector<16xi32>
        %select_n3A_1683 = arith.select %or3A_1678, %broadcast_in_dim3A_1681, %broadcast_in_dim3A_1682 : vector<16xi1>, vector<16xi32>
        %add3A_1684 = arith.addi %add3A_1669, %select_n3A_1683 : vector<16xi32>
        %get3A_1685 = arith.constant 96 : index
        %get3A_1686 = tpu.vector_load %arg22[%get3A_1685] {strides = array<i32>} : memref<128xf32, #tpu.memory_space<vmem>>, vector<16xf32>,
        %get3A_1687 = arith.constant 96 : index
        %get3A_1688 = tpu.vector_load %arg23[%get3A_1687] {strides = array<i32>} : memref<128xi32, #tpu.memory_space<vmem>>, vector<16xi32>,
        %gt3A_1689 = arith.cmpf ogt, %get3A_1686, %gather3A_1596 : vector<16xf32>
        %eq3A_1690 = arith.cmpf oeq, %get3A_1686, %gather3A_1596 : vector<16xf32>
        %lt3A_1691 = arith.cmpi slt, %get3A_1688, %gather3A_1597 : vector<16xi32>
        %and3A_1692 = arith.andi %eq3A_1690, %lt3A_1691 : vector<16xi1>
        %or3A_1693 = arith.ori %gt3A_1689, %and3A_1692 : vector<16xi1>
        %jit3A_1694 = arith.constant 1 : i32
        %jit3A_1695 = arith.constant 0 : i32
        %broadcast_in_dim3A_1696 = vector.broadcast %jit3A_1694 : i32 to vector<16xi32>
        %broadcast_in_dim3A_1697 = vector.broadcast %jit3A_1695 : i32 to vector<16xi32>
        %select_n3A_1698 = arith.select %or3A_1693, %broadcast_in_dim3A_1696, %broadcast_in_dim3A_1697 : vector<16xi1>, vector<16xi32>
        %add3A_1699 = arith.addi %add3A_1684, %select_n3A_1698 : vector<16xi32>
        %get3A_1700 = arith.constant 112 : index
        %get3A_1701 = tpu.vector_load %arg22[%get3A_1700] {strides = array<i32>} : memref<128xf32, #tpu.memory_space<vmem>>, vector<16xf32>,
        %get3A_1702 = arith.constant 112 : index
        %get3A_1703 = tpu.vector_load %arg23[%get3A_1702] {strides = array<i32>} : memref<128xi32, #tpu.memory_space<vmem>>, vector<16xi32>,
        %gt3A_1704 = arith.cmpf ogt, %get3A_1701, %gather3A_1596 : vector<16xf32>
        %eq3A_1705 = arith.cmpf oeq, %get3A_1701, %gather3A_1596 : vector<16xf32>
        %lt3A_1706 = arith.cmpi slt, %get3A_1703, %gather3A_1597 : vector<16xi32>
        %and3A_1707 = arith.andi %eq3A_1705, %lt3A_1706 : vector<16xi1>
        %or3A_1708 = arith.ori %gt3A_1704, %and3A_1707 : vector<16xi1>
        %jit3A_1709 = arith.constant 1 : i32
        %jit3A_1710 = arith.constant 0 : i32
        %broadcast_in_dim3A_1711 = vector.broadcast %jit3A_1709 : i32 to vector<16xi32>
        %broadcast_in_dim3A_1712 = vector.broadcast %jit3A_1710 : i32 to vector<16xi32>
        %select_n3A_1713 = arith.select %or3A_1708, %broadcast_in_dim3A_1711, %broadcast_in_dim3A_1712 : vector<16xi1>, vector<16xi32>
        %add3A_1714 = arith.addi %add3A_1699, %select_n3A_1713 : vector<16xi32>
        %reduce_sum3A = arith.constant true
        %reduce_sum3A_1715 = vector.broadcast %reduce_sum3A : i1 to vector<16xi1>
        %reduce_sum3A_1716 = tpu.scan <sum>, %add3A_1714 masked %reduce_sum3A_1715 : vector<16xi32>, vector<16xi1> -> vector<16xi32>
        %reduce_sum3A_1717 = vector.extract %reduce_sum3A_1716[15] : i32 from vector<16xi32>
        %broadcast_in_dim3A_1718 = vector.broadcast %reduce_sum3A_1717 : i32 to vector<16xi32>
        tpu.vector_store_idx %arg25[%broadcast_in_dim3A_1718], %gather3A_1596 masked %eq3A_206 : memref<128xf32, #tpu.memory_space<vmem>>[vector<16xi32>], vector<16xf32>, vector<16xi1>
        tpu.vector_store_idx %arg26[%broadcast_in_dim3A_1718], %gather3A_1597 masked %eq3A_206 : memref<128xi32, #tpu.memory_space<vmem>>[vector<16xi32>], vector<16xi32>, vector<16xi1>
        %while3A_1719 = arith.constant 0 : i32
        scf.yield %while3A_1719 : i32
      }
      %while3A_216 = arith.constant 1 : i32
      %while3A_217 = scf.for %while3A_1593 = %while3A_213 to %while3A_209 step %while3A_216 iter_args(%while3A_1594 = %while3A_215) -> (i32)  : i32 {
        %broadcast_in_dim3A_1595 = vector.broadcast %while3A_1593 : i32 to vector<16xi32>
        %gather3A_1596 = tpu.vector_load_idx %arg22[%broadcast_in_dim3A_1595] : memref<128xf32, #tpu.memory_space<vmem>>[vector<16xi32>], vector<16xf32>,
        %gather3A_1597 = tpu.vector_load_idx %arg23[%broadcast_in_dim3A_1595] : memref<128xi32, #tpu.memory_space<vmem>>[vector<16xi32>], vector<16xi32>,
        %get3A_1598 = arith.constant 0 : index
        %get3A_1599 = tpu.vector_load %arg22[%get3A_1598] {strides = array<i32>} : memref<128xf32, #tpu.memory_space<vmem>>, vector<16xf32>,
        %get3A_1600 = arith.constant 0 : index
        %get3A_1601 = tpu.vector_load %arg23[%get3A_1600] {strides = array<i32>} : memref<128xi32, #tpu.memory_space<vmem>>, vector<16xi32>,
        %gt3A = arith.cmpf ogt, %get3A_1599, %gather3A_1596 : vector<16xf32>
        %eq3A_1602 = arith.cmpf oeq, %get3A_1599, %gather3A_1596 : vector<16xf32>
        %lt3A_1603 = arith.cmpi slt, %get3A_1601, %gather3A_1597 : vector<16xi32>
        %and3A = arith.andi %eq3A_1602, %lt3A_1603 : vector<16xi1>
        %or3A = arith.ori %gt3A, %and3A : vector<16xi1>
        %jit3A_1604 = arith.constant 1 : i32
        %jit3A_1605 = arith.constant 0 : i32
        %broadcast_in_dim3A_1606 = vector.broadcast %jit3A_1604 : i32 to vector<16xi32>
        %broadcast_in_dim3A_1607 = vector.broadcast %jit3A_1605 : i32 to vector<16xi32>
        %select_n3A_1608 = arith.select %or3A, %broadcast_in_dim3A_1606, %broadcast_in_dim3A_1607 : vector<16xi1>, vector<16xi32>
        %add3A_1609 = arith.addi %broadcast_in_dim3A_12, %select_n3A_1608 : vector<16xi32>
        %get3A_1610 = arith.constant 16 : index
        %get3A_1611 = tpu.vector_load %arg22[%get3A_1610] {strides = array<i32>} : memref<128xf32, #tpu.memory_space<vmem>>, vector<16xf32>,
        %get3A_1612 = arith.constant 16 : index
        %get3A_1613 = tpu.vector_load %arg23[%get3A_1612] {strides = array<i32>} : memref<128xi32, #tpu.memory_space<vmem>>, vector<16xi32>,
        %gt3A_1614 = arith.cmpf ogt, %get3A_1611, %gather3A_1596 : vector<16xf32>
        %eq3A_1615 = arith.cmpf oeq, %get3A_1611, %gather3A_1596 : vector<16xf32>
        %lt3A_1616 = arith.cmpi slt, %get3A_1613, %gather3A_1597 : vector<16xi32>
        %and3A_1617 = arith.andi %eq3A_1615, %lt3A_1616 : vector<16xi1>
        %or3A_1618 = arith.ori %gt3A_1614, %and3A_1617 : vector<16xi1>
        %jit3A_1619 = arith.constant 1 : i32
        %jit3A_1620 = arith.constant 0 : i32
        %broadcast_in_dim3A_1621 = vector.broadcast %jit3A_1619 : i32 to vector<16xi32>
        %broadcast_in_dim3A_1622 = vector.broadcast %jit3A_1620 : i32 to vector<16xi32>
        %select_n3A_1623 = arith.select %or3A_1618, %broadcast_in_dim3A_1621, %broadcast_in_dim3A_1622 : vector<16xi1>, vector<16xi32>
        %add3A_1624 = arith.addi %add3A_1609, %select_n3A_1623 : vector<16xi32>
        %get3A_1625 = arith.constant 32 : index
        %get3A_1626 = tpu.vector_load %arg22[%get3A_1625] {strides = array<i32>} : memref<128xf32, #tpu.memory_space<vmem>>, vector<16xf32>,
        %get3A_1627 = arith.constant 32 : index
        %get3A_1628 = tpu.vector_load %arg23[%get3A_1627] {strides = array<i32>} : memref<128xi32, #tpu.memory_space<vmem>>, vector<16xi32>,
        %gt3A_1629 = arith.cmpf ogt, %get3A_1626, %gather3A_1596 : vector<16xf32>
        %eq3A_1630 = arith.cmpf oeq, %get3A_1626, %gather3A_1596 : vector<16xf32>
        %lt3A_1631 = arith.cmpi slt, %get3A_1628, %gather3A_1597 : vector<16xi32>
        %and3A_1632 = arith.andi %eq3A_1630, %lt3A_1631 : vector<16xi1>
        %or3A_1633 = arith.ori %gt3A_1629, %and3A_1632 : vector<16xi1>
        %jit3A_1634 = arith.constant 1 : i32
        %jit3A_1635 = arith.constant 0 : i32
        %broadcast_in_dim3A_1636 = vector.broadcast %jit3A_1634 : i32 to vector<16xi32>
        %broadcast_in_dim3A_1637 = vector.broadcast %jit3A_1635 : i32 to vector<16xi32>
        %select_n3A_1638 = arith.select %or3A_1633, %broadcast_in_dim3A_1636, %broadcast_in_dim3A_1637 : vector<16xi1>, vector<16xi32>
        %add3A_1639 = arith.addi %add3A_1624, %select_n3A_1638 : vector<16xi32>
        %get3A_1640 = arith.constant 48 : index
        %get3A_1641 = tpu.vector_load %arg22[%get3A_1640] {strides = array<i32>} : memref<128xf32, #tpu.memory_space<vmem>>, vector<16xf32>,
        %get3A_1642 = arith.constant 48 : index
        %get3A_1643 = tpu.vector_load %arg23[%get3A_1642] {strides = array<i32>} : memref<128xi32, #tpu.memory_space<vmem>>, vector<16xi32>,
        %gt3A_1644 = arith.cmpf ogt, %get3A_1641, %gather3A_1596 : vector<16xf32>
        %eq3A_1645 = arith.cmpf oeq, %get3A_1641, %gather3A_1596 : vector<16xf32>
        %lt3A_1646 = arith.cmpi slt, %get3A_1643, %gather3A_1597 : vector<16xi32>
        %and3A_1647 = arith.andi %eq3A_1645, %lt3A_1646 : vector<16xi1>
        %or3A_1648 = arith.ori %gt3A_1644, %and3A_1647 : vector<16xi1>
        %jit3A_1649 = arith.constant 1 : i32
        %jit3A_1650 = arith.constant 0 : i32
        %broadcast_in_dim3A_1651 = vector.broadcast %jit3A_1649 : i32 to vector<16xi32>
        %broadcast_in_dim3A_1652 = vector.broadcast %jit3A_1650 : i32 to vector<16xi32>
        %select_n3A_1653 = arith.select %or3A_1648, %broadcast_in_dim3A_1651, %broadcast_in_dim3A_1652 : vector<16xi1>, vector<16xi32>
        %add3A_1654 = arith.addi %add3A_1639, %select_n3A_1653 : vector<16xi32>
        %get3A_1655 = arith.constant 64 : index
        %get3A_1656 = tpu.vector_load %arg22[%get3A_1655] {strides = array<i32>} : memref<128xf32, #tpu.memory_space<vmem>>, vector<16xf32>,
        %get3A_1657 = arith.constant 64 : index
        %get3A_1658 = tpu.vector_load %arg23[%get3A_1657] {strides = array<i32>} : memref<128xi32, #tpu.memory_space<vmem>>, vector<16xi32>,
        %gt3A_1659 = arith.cmpf ogt, %get3A_1656, %gather3A_1596 : vector<16xf32>
        %eq3A_1660 = arith.cmpf oeq, %get3A_1656, %gather3A_1596 : vector<16xf32>
        %lt3A_1661 = arith.cmpi slt, %get3A_1658, %gather3A_1597 : vector<16xi32>
        %and3A_1662 = arith.andi %eq3A_1660, %lt3A_1661 : vector<16xi1>
        %or3A_1663 = arith.ori %gt3A_1659, %and3A_1662 : vector<16xi1>
        %jit3A_1664 = arith.constant 1 : i32
        %jit3A_1665 = arith.constant 0 : i32
        %broadcast_in_dim3A_1666 = vector.broadcast %jit3A_1664 : i32 to vector<16xi32>
        %broadcast_in_dim3A_1667 = vector.broadcast %jit3A_1665 : i32 to vector<16xi32>
        %select_n3A_1668 = arith.select %or3A_1663, %broadcast_in_dim3A_1666, %broadcast_in_dim3A_1667 : vector<16xi1>, vector<16xi32>
        %add3A_1669 = arith.addi %add3A_1654, %select_n3A_1668 : vector<16xi32>
        %get3A_1670 = arith.constant 80 : index
        %get3A_1671 = tpu.vector_load %arg22[%get3A_1670] {strides = array<i32>} : memref<128xf32, #tpu.memory_space<vmem>>, vector<16xf32>,
        %get3A_1672 = arith.constant 80 : index
        %get3A_1673 = tpu.vector_load %arg23[%get3A_1672] {strides = array<i32>} : memref<128xi32, #tpu.memory_space<vmem>>, vector<16xi32>,
        %gt3A_1674 = arith.cmpf ogt, %get3A_1671, %gather3A_1596 : vector<16xf32>
        %eq3A_1675 = arith.cmpf oeq, %get3A_1671, %gather3A_1596 : vector<16xf32>
        %lt3A_1676 = arith.cmpi slt, %get3A_1673, %gather3A_1597 : vector<16xi32>
        %and3A_1677 = arith.andi %eq3A_1675, %lt3A_1676 : vector<16xi1>
        %or3A_1678 = arith.ori %gt3A_1674, %and3A_1677 : vector<16xi1>
        %jit3A_1679 = arith.constant 1 : i32
        %jit3A_1680 = arith.constant 0 : i32
        %broadcast_in_dim3A_1681 = vector.broadcast %jit3A_1679 : i32 to vector<16xi32>
        %broadcast_in_dim3A_1682 = vector.broadcast %jit3A_1680 : i32 to vector<16xi32>
        %select_n3A_1683 = arith.select %or3A_1678, %broadcast_in_dim3A_1681, %broadcast_in_dim3A_1682 : vector<16xi1>, vector<16xi32>
        %add3A_1684 = arith.addi %add3A_1669, %select_n3A_1683 : vector<16xi32>
        %get3A_1685 = arith.constant 96 : index
        %get3A_1686 = tpu.vector_load %arg22[%get3A_1685] {strides = array<i32>} : memref<128xf32, #tpu.memory_space<vmem>>, vector<16xf32>,
        %get3A_1687 = arith.constant 96 : index
        %get3A_1688 = tpu.vector_load %arg23[%get3A_1687] {strides = array<i32>} : memref<128xi32, #tpu.memory_space<vmem>>, vector<16xi32>,
        %gt3A_1689 = arith.cmpf ogt, %get3A_1686, %gather3A_1596 : vector<16xf32>
        %eq3A_1690 = arith.cmpf oeq, %get3A_1686, %gather3A_1596 : vector<16xf32>
        %lt3A_1691 = arith.cmpi slt, %get3A_1688, %gather3A_1597 : vector<16xi32>
        %and3A_1692 = arith.andi %eq3A_1690, %lt3A_1691 : vector<16xi1>
        %or3A_1693 = arith.ori %gt3A_1689, %and3A_1692 : vector<16xi1>
        %jit3A_1694 = arith.constant 1 : i32
        %jit3A_1695 = arith.constant 0 : i32
        %broadcast_in_dim3A_1696 = vector.broadcast %jit3A_1694 : i32 to vector<16xi32>
        %broadcast_in_dim3A_1697 = vector.broadcast %jit3A_1695 : i32 to vector<16xi32>
        %select_n3A_1698 = arith.select %or3A_1693, %broadcast_in_dim3A_1696, %broadcast_in_dim3A_1697 : vector<16xi1>, vector<16xi32>
        %add3A_1699 = arith.addi %add3A_1684, %select_n3A_1698 : vector<16xi32>
        %get3A_1700 = arith.constant 112 : index
        %get3A_1701 = tpu.vector_load %arg22[%get3A_1700] {strides = array<i32>} : memref<128xf32, #tpu.memory_space<vmem>>, vector<16xf32>,
        %get3A_1702 = arith.constant 112 : index
        %get3A_1703 = tpu.vector_load %arg23[%get3A_1702] {strides = array<i32>} : memref<128xi32, #tpu.memory_space<vmem>>, vector<16xi32>,
        %gt3A_1704 = arith.cmpf ogt, %get3A_1701, %gather3A_1596 : vector<16xf32>
        %eq3A_1705 = arith.cmpf oeq, %get3A_1701, %gather3A_1596 : vector<16xf32>
        %lt3A_1706 = arith.cmpi slt, %get3A_1703, %gather3A_1597 : vector<16xi32>
        %and3A_1707 = arith.andi %eq3A_1705, %lt3A_1706 : vector<16xi1>
        %or3A_1708 = arith.ori %gt3A_1704, %and3A_1707 : vector<16xi1>
        %jit3A_1709 = arith.constant 1 : i32
        %jit3A_1710 = arith.constant 0 : i32
        %broadcast_in_dim3A_1711 = vector.broadcast %jit3A_1709 : i32 to vector<16xi32>
        %broadcast_in_dim3A_1712 = vector.broadcast %jit3A_1710 : i32 to vector<16xi32>
        %select_n3A_1713 = arith.select %or3A_1708, %broadcast_in_dim3A_1711, %broadcast_in_dim3A_1712 : vector<16xi1>, vector<16xi32>
        %add3A_1714 = arith.addi %add3A_1699, %select_n3A_1713 : vector<16xi32>
        %reduce_sum3A = arith.constant true
        %reduce_sum3A_1715 = vector.broadcast %reduce_sum3A : i1 to vector<16xi1>
        %reduce_sum3A_1716 = tpu.scan <sum>, %add3A_1714 masked %reduce_sum3A_1715 : vector<16xi32>, vector<16xi1> -> vector<16xi32>
        %reduce_sum3A_1717 = vector.extract %reduce_sum3A_1716[15] : i32 from vector<16xi32>
        %broadcast_in_dim3A_1718 = vector.broadcast %reduce_sum3A_1717 : i32 to vector<16xi32>
        tpu.vector_store_idx %arg25[%broadcast_in_dim3A_1718], %gather3A_1596 masked %eq3A_206 : memref<128xf32, #tpu.memory_space<vmem>>[vector<16xi32>], vector<16xf32>, vector<16xi1>
        tpu.vector_store_idx %arg26[%broadcast_in_dim3A_1718], %gather3A_1597 masked %eq3A_206 : memref<128xi32, #tpu.memory_space<vmem>>[vector<16xi32>], vector<16xi32>, vector<16xi1>
        %while3A_1719 = arith.constant 0 : i32
        scf.yield %while3A_1719 : i32
      }
      %get3A = arith.constant 0 : index
      %get3A_218 = tpu.vector_load %arg25[%get3A] {strides = array<i32>} : memref<128xf32, #tpu.memory_space<vmem>>, vector<16xf32>,
      %get3A_219 = arith.constant 0 : index
      %get3A_220 = tpu.vector_load %arg26[%get3A_219] {strides = array<i32>} : memref<128xi32, #tpu.memory_space<vmem>>, vector<16xi32>,
      %swap3A_221 = arith.constant 0 : index
      %swap3A_222 = tpu.vector_load %arg35[%swap3A_221] {strides = array<i32>} : memref<128xf32, #tpu.memory_space<vmem>>, vector<16xf32>,
      tpu.vector_store %arg35[%swap3A_221], %get3A_218 {strides = array<i32>} : memref<128xf32, #tpu.memory_space<vmem>>, vector<16xf32>,
      %rem3A = arith.constant 2 : i32
      %rem3A_223 = vector.broadcast %rem3A : i32 to vector<16xi32>
      %rem3A_224 = arith.remsi %get3A_220, %rem3A_223 : vector<16xi32>
      %swap3A_225 = arith.constant 0 : index
      %swap3A_226 = tpu.vector_load %arg36[%swap3A_225] {strides = array<i32>} : memref<128xi32, #tpu.memory_space<vmem>>, vector<16xi32>,
      tpu.vector_store %arg36[%swap3A_225], %rem3A_224 {strides = array<i32>} : memref<128xi32, #tpu.memory_space<vmem>>, vector<16xi32>,
      %div3A = arith.constant 2 : i32
      %div3A_227 = vector.broadcast %div3A : i32 to vector<16xi32>
      %div3A_228 = arith.divsi %get3A_220, %div3A_227 : vector<16xi32>
      %swap3A_229 = arith.constant 0 : index
      %swap3A_230 = tpu.vector_load %arg27[%swap3A_229] {strides = array<i32>} : memref<128xi32, #tpu.memory_space<vmem>>, vector<16xi32>,
      tpu.vector_store %arg27[%swap3A_229], %div3A_228 {strides = array<i32>} : memref<128xi32, #tpu.memory_space<vmem>>, vector<16xi32>,
      %get3A_231 = arith.constant 16 : index
      %get3A_232 = tpu.vector_load %arg25[%get3A_231] {strides = array<i32>} : memref<128xf32, #tpu.memory_space<vmem>>, vector<16xf32>,
      %get3A_233 = arith.constant 16 : index
      %get3A_234 = tpu.vector_load %arg26[%get3A_233] {strides = array<i32>} : memref<128xi32, #tpu.memory_space<vmem>>, vector<16xi32>,
      %swap3A_235 = arith.constant 16 : index
      %swap3A_236 = tpu.vector_load %arg35[%swap3A_235] {strides = array<i32>} : memref<128xf32, #tpu.memory_space<vmem>>, vector<16xf32>,
      tpu.vector_store %arg35[%swap3A_235], %get3A_232 {strides = array<i32>} : memref<128xf32, #tpu.memory_space<vmem>>, vector<16xf32>,
      %rem3A_237 = arith.constant 2 : i32
      %rem3A_238 = vector.broadcast %rem3A_237 : i32 to vector<16xi32>
      %rem3A_239 = arith.remsi %get3A_234, %rem3A_238 : vector<16xi32>
      %swap3A_240 = arith.constant 16 : index
      %swap3A_241 = tpu.vector_load %arg36[%swap3A_240] {strides = array<i32>} : memref<128xi32, #tpu.memory_space<vmem>>, vector<16xi32>,
      tpu.vector_store %arg36[%swap3A_240], %rem3A_239 {strides = array<i32>} : memref<128xi32, #tpu.memory_space<vmem>>, vector<16xi32>,
      %div3A_242 = arith.constant 2 : i32
      %div3A_243 = vector.broadcast %div3A_242 : i32 to vector<16xi32>
      %div3A_244 = arith.divsi %get3A_234, %div3A_243 : vector<16xi32>
      %swap3A_245 = arith.constant 16 : index
      %swap3A_246 = tpu.vector_load %arg27[%swap3A_245] {strides = array<i32>} : memref<128xi32, #tpu.memory_space<vmem>>, vector<16xi32>,
      tpu.vector_store %arg27[%swap3A_245], %div3A_244 {strides = array<i32>} : memref<128xi32, #tpu.memory_space<vmem>>, vector<16xi32>,
      %get3A_247 = arith.constant 32 : index
      %get3A_248 = tpu.vector_load %arg25[%get3A_247] {strides = array<i32>} : memref<128xf32, #tpu.memory_space<vmem>>, vector<16xf32>,
      %get3A_249 = arith.constant 32 : index
      %get3A_250 = tpu.vector_load %arg26[%get3A_249] {strides = array<i32>} : memref<128xi32, #tpu.memory_space<vmem>>, vector<16xi32>,
      %swap3A_251 = arith.constant 32 : index
      %swap3A_252 = tpu.vector_load %arg35[%swap3A_251] {strides = array<i32>} : memref<128xf32, #tpu.memory_space<vmem>>, vector<16xf32>,
      tpu.vector_store %arg35[%swap3A_251], %get3A_248 {strides = array<i32>} : memref<128xf32, #tpu.memory_space<vmem>>, vector<16xf32>,
      %rem3A_253 = arith.constant 2 : i32
      %rem3A_254 = vector.broadcast %rem3A_253 : i32 to vector<16xi32>
      %rem3A_255 = arith.remsi %get3A_250, %rem3A_254 : vector<16xi32>
      %swap3A_256 = arith.constant 32 : index
      %swap3A_257 = tpu.vector_load %arg36[%swap3A_256] {strides = array<i32>} : memref<128xi32, #tpu.memory_space<vmem>>, vector<16xi32>,
      tpu.vector_store %arg36[%swap3A_256], %rem3A_255 {strides = array<i32>} : memref<128xi32, #tpu.memory_space<vmem>>, vector<16xi32>,
      %div3A_258 = arith.constant 2 : i32
      %div3A_259 = vector.broadcast %div3A_258 : i32 to vector<16xi32>
      %div3A_260 = arith.divsi %get3A_250, %div3A_259 : vector<16xi32>
      %swap3A_261 = arith.constant 32 : index
      %swap3A_262 = tpu.vector_load %arg27[%swap3A_261] {strides = array<i32>} : memref<128xi32, #tpu.memory_space<vmem>>, vector<16xi32>,
      tpu.vector_store %arg27[%swap3A_261], %div3A_260 {strides = array<i32>} : memref<128xi32, #tpu.memory_space<vmem>>, vector<16xi32>,
      %get3A_263 = arith.constant 48 : index
      %get3A_264 = tpu.vector_load %arg25[%get3A_263] {strides = array<i32>} : memref<128xf32, #tpu.memory_space<vmem>>, vector<16xf32>,
      %get3A_265 = arith.constant 48 : index
      %get3A_266 = tpu.vector_load %arg26[%get3A_265] {strides = array<i32>} : memref<128xi32, #tpu.memory_space<vmem>>, vector<16xi32>,
      %swap3A_267 = arith.constant 48 : index
      %swap3A_268 = tpu.vector_load %arg35[%swap3A_267] {strides = array<i32>} : memref<128xf32, #tpu.memory_space<vmem>>, vector<16xf32>,
      tpu.vector_store %arg35[%swap3A_267], %get3A_264 {strides = array<i32>} : memref<128xf32, #tpu.memory_space<vmem>>, vector<16xf32>,
      %rem3A_269 = arith.constant 2 : i32
      %rem3A_270 = vector.broadcast %rem3A_269 : i32 to vector<16xi32>
      %rem3A_271 = arith.remsi %get3A_266, %rem3A_270 : vector<16xi32>
      %swap3A_272 = arith.constant 48 : index
      %swap3A_273 = tpu.vector_load %arg36[%swap3A_272] {strides = array<i32>} : memref<128xi32, #tpu.memory_space<vmem>>, vector<16xi32>,
      tpu.vector_store %arg36[%swap3A_272], %rem3A_271 {strides = array<i32>} : memref<128xi32, #tpu.memory_space<vmem>>, vector<16xi32>,
      %div3A_274 = arith.constant 2 : i32
      %div3A_275 = vector.broadcast %div3A_274 : i32 to vector<16xi32>
      %div3A_276 = arith.divsi %get3A_266, %div3A_275 : vector<16xi32>
      %swap3A_277 = arith.constant 48 : index
      %swap3A_278 = tpu.vector_load %arg27[%swap3A_277] {strides = array<i32>} : memref<128xi32, #tpu.memory_space<vmem>>, vector<16xi32>,
      tpu.vector_store %arg27[%swap3A_277], %div3A_276 {strides = array<i32>} : memref<128xi32, #tpu.memory_space<vmem>>, vector<16xi32>,
      %get3A_279 = arith.constant 64 : index
      %get3A_280 = tpu.vector_load %arg25[%get3A_279] {strides = array<i32>} : memref<128xf32, #tpu.memory_space<vmem>>, vector<16xf32>,
      %get3A_281 = arith.constant 64 : index
      %get3A_282 = tpu.vector_load %arg26[%get3A_281] {strides = array<i32>} : memref<128xi32, #tpu.memory_space<vmem>>, vector<16xi32>,
      %swap3A_283 = arith.constant 64 : index
      %swap3A_284 = tpu.vector_load %arg35[%swap3A_283] {strides = array<i32>} : memref<128xf32, #tpu.memory_space<vmem>>, vector<16xf32>,
      tpu.vector_store %arg35[%swap3A_283], %get3A_280 {strides = array<i32>} : memref<128xf32, #tpu.memory_space<vmem>>, vector<16xf32>,
      %rem3A_285 = arith.constant 2 : i32
      %rem3A_286 = vector.broadcast %rem3A_285 : i32 to vector<16xi32>
      %rem3A_287 = arith.remsi %get3A_282, %rem3A_286 : vector<16xi32>
      %swap3A_288 = arith.constant 64 : index
      %swap3A_289 = tpu.vector_load %arg36[%swap3A_288] {strides = array<i32>} : memref<128xi32, #tpu.memory_space<vmem>>, vector<16xi32>,
      tpu.vector_store %arg36[%swap3A_288], %rem3A_287 {strides = array<i32>} : memref<128xi32, #tpu.memory_space<vmem>>, vector<16xi32>,
      %div3A_290 = arith.constant 2 : i32
      %div3A_291 = vector.broadcast %div3A_290 : i32 to vector<16xi32>
      %div3A_292 = arith.divsi %get3A_282, %div3A_291 : vector<16xi32>
      %swap3A_293 = arith.constant 64 : index
      %swap3A_294 = tpu.vector_load %arg27[%swap3A_293] {strides = array<i32>} : memref<128xi32, #tpu.memory_space<vmem>>, vector<16xi32>,
      tpu.vector_store %arg27[%swap3A_293], %div3A_292 {strides = array<i32>} : memref<128xi32, #tpu.memory_space<vmem>>, vector<16xi32>,
      %get3A_295 = arith.constant 80 : index
      %get3A_296 = tpu.vector_load %arg25[%get3A_295] {strides = array<i32>} : memref<128xf32, #tpu.memory_space<vmem>>, vector<16xf32>,
      %get3A_297 = arith.constant 80 : index
      %get3A_298 = tpu.vector_load %arg26[%get3A_297] {strides = array<i32>} : memref<128xi32, #tpu.memory_space<vmem>>, vector<16xi32>,
      %swap3A_299 = arith.constant 80 : index
      %swap3A_300 = tpu.vector_load %arg35[%swap3A_299] {strides = array<i32>} : memref<128xf32, #tpu.memory_space<vmem>>, vector<16xf32>,
      tpu.vector_store %arg35[%swap3A_299], %get3A_296 {strides = array<i32>} : memref<128xf32, #tpu.memory_space<vmem>>, vector<16xf32>,
      %rem3A_301 = arith.constant 2 : i32
      %rem3A_302 = vector.broadcast %rem3A_301 : i32 to vector<16xi32>
      %rem3A_303 = arith.remsi %get3A_298, %rem3A_302 : vector<16xi32>
      %swap3A_304 = arith.constant 80 : index
      %swap3A_305 = tpu.vector_load %arg36[%swap3A_304] {strides = array<i32>} : memref<128xi32, #tpu.memory_space<vmem>>, vector<16xi32>,
      tpu.vector_store %arg36[%swap3A_304], %rem3A_303 {strides = array<i32>} : memref<128xi32, #tpu.memory_space<vmem>>, vector<16xi32>,
      %div3A_306 = arith.constant 2 : i32
      %div3A_307 = vector.broadcast %div3A_306 : i32 to vector<16xi32>
      %div3A_308 = arith.divsi %get3A_298, %div3A_307 : vector<16xi32>
      %swap3A_309 = arith.constant 80 : index
      %swap3A_310 = tpu.vector_load %arg27[%swap3A_309] {strides = array<i32>} : memref<128xi32, #tpu.memory_space<vmem>>, vector<16xi32>,
      tpu.vector_store %arg27[%swap3A_309], %div3A_308 {strides = array<i32>} : memref<128xi32, #tpu.memory_space<vmem>>, vector<16xi32>,
      %get3A_311 = arith.constant 96 : index
      %get3A_312 = tpu.vector_load %arg25[%get3A_311] {strides = array<i32>} : memref<128xf32, #tpu.memory_space<vmem>>, vector<16xf32>,
      %get3A_313 = arith.constant 96 : index
      %get3A_314 = tpu.vector_load %arg26[%get3A_313] {strides = array<i32>} : memref<128xi32, #tpu.memory_space<vmem>>, vector<16xi32>,
      %swap3A_315 = arith.constant 96 : index
      %swap3A_316 = tpu.vector_load %arg35[%swap3A_315] {strides = array<i32>} : memref<128xf32, #tpu.memory_space<vmem>>, vector<16xf32>,
      tpu.vector_store %arg35[%swap3A_315], %get3A_312 {strides = array<i32>} : memref<128xf32, #tpu.memory_space<vmem>>, vector<16xf32>,
      %rem3A_317 = arith.constant 2 : i32
      %rem3A_318 = vector.broadcast %rem3A_317 : i32 to vector<16xi32>
      %rem3A_319 = arith.remsi %get3A_314, %rem3A_318 : vector<16xi32>
      %swap3A_320 = arith.constant 96 : index
      %swap3A_321 = tpu.vector_load %arg36[%swap3A_320] {strides = array<i32>} : memref<128xi32, #tpu.memory_space<vmem>>, vector<16xi32>,
      tpu.vector_store %arg36[%swap3A_320], %rem3A_319 {strides = array<i32>} : memref<128xi32, #tpu.memory_space<vmem>>, vector<16xi32>,
      %div3A_322 = arith.constant 2 : i32
      %div3A_323 = vector.broadcast %div3A_322 : i32 to vector<16xi32>
      %div3A_324 = arith.divsi %get3A_314, %div3A_323 : vector<16xi32>
      %swap3A_325 = arith.constant 96 : index
      %swap3A_326 = tpu.vector_load %arg27[%swap3A_325] {strides = array<i32>} : memref<128xi32, #tpu.memory_space<vmem>>, vector<16xi32>,
      tpu.vector_store %arg27[%swap3A_325], %div3A_324 {strides = array<i32>} : memref<128xi32, #tpu.memory_space<vmem>>, vector<16xi32>,
      %broadcast_in_dim3A_327 = arith.constant 0.000000e+00 : f32
      %broadcast_in_dim3A_328 = vector.broadcast %broadcast_in_dim3A_327 : f32 to vector<16xf32>
      %swap3A_329 = arith.constant 112 : index
      %swap3A_330 = tpu.vector_load %arg35[%swap3A_329] {strides = array<i32>} : memref<128xf32, #tpu.memory_space<vmem>>, vector<16xf32>,
      tpu.vector_store %arg35[%swap3A_329], %broadcast_in_dim3A_328 {strides = array<i32>} : memref<128xf32, #tpu.memory_space<vmem>>, vector<16xf32>,
      %rem3A_331 = arith.constant 2 : i32
      %rem3A_332 = vector.broadcast %rem3A_331 : i32 to vector<16xi32>
      %rem3A_333 = arith.remsi %broadcast_in_dim3A_12, %rem3A_332 : vector<16xi32>
      %swap3A_334 = arith.constant 112 : index
      %swap3A_335 = tpu.vector_load %arg36[%swap3A_334] {strides = array<i32>} : memref<128xi32, #tpu.memory_space<vmem>>, vector<16xi32>,
      tpu.vector_store %arg36[%swap3A_334], %rem3A_333 {strides = array<i32>} : memref<128xi32, #tpu.memory_space<vmem>>, vector<16xi32>,
      %div3A_336 = arith.constant 2 : i32
      %div3A_337 = vector.broadcast %div3A_336 : i32 to vector<16xi32>
      %div3A_338 = arith.divsi %broadcast_in_dim3A_12, %div3A_337 : vector<16xi32>
      %swap3A_339 = arith.constant 112 : index
      %swap3A_340 = tpu.vector_load %arg27[%swap3A_339] {strides = array<i32>} : memref<128xi32, #tpu.memory_space<vmem>>, vector<16xi32>,
      tpu.vector_store %arg27[%swap3A_339], %div3A_338 {strides = array<i32>} : memref<128xi32, #tpu.memory_space<vmem>>, vector<16xi32>,
      %scan3A_341 = arith.constant 0 : i32
      %scan3A_342 = arith.constant 0 : i32
      %scan3A_343 = arith.constant 108 : i32
      %scan3A_344 = arith.addi %scan3A_342, %scan3A_343 : i32
      %scan3A_345 = arith.constant 1 : i32
      %scan3A_346 = scf.for %scan3A_1593 = %scan3A_342 to %scan3A_344 step %scan3A_345 iter_args(%scan3A_1594 = %scan3A_341) -> (i32)  : i32 {
        %lt3A_1595 = arith.constant 100 : i32
        %lt3A_1596 = arith.cmpi slt, %scan3A_1593, %lt3A_1595 : i32
        %convert_element_type3A_1597 = arith.extui %lt3A_1596 : i1 to i32
        %cond3A_1598 = arith.constant 0 : i32
        %cond3A_1599 = arith.cmpi ne, %convert_element_type3A_1597, %cond3A_1598 : i32
        scf.if %cond3A_1599 {
          %get3A_1606 = arith.index_cast %scan3A_1593 : i32 to index
          %get3A_1607 = tpu.vector_load %arg27[%get3A_1606] {strides = array<i32>} : memref<128xi32, #tpu.memory_space<vmem>>, vector<16xi32>,
          %slice3A = vector.extract_strided_slice %get3A_1607 {offsets = [0], sizes = [1], strides = [1]} : vector<16xi32> to vector<1xi32>
          %squeeze3A = vector.extract %slice3A[0] : i32 from vector<1xi32>
          %mul3A_1608 = arith.constant 8192 : i32
          %mul3A_1609 = arith.muli %arg1, %mul3A_1608 : i32
          %add3A_1610 = arith.addi %squeeze3A, %mul3A_1609 : i32
          %dma_start3A = arith.constant 0 : i32
          %dma_start3A_1611 = tpu.memref_slice %arg28[%scan3A_1593, %dma_start3A] : memref<112x128xf32, #tpu.memory_space<vmem>> -> memref<1x4xf32, #tpu.memory_space<vmem>>
          %dma_start3A_1612 = tpu.memref_squeeze %dma_start3A_1611 : memref<1x4xf32, #tpu.memory_space<vmem>> -> memref<4xf32, #tpu.memory_space<vmem>>
          %dma_start3A_1613 = arith.constant 0 : i32
          %dma_start3A_1614 = tpu.memref_slice %arg5[%arg1, %squeeze3A, %dma_start3A_1613] : memref<16x8192x4xf32, #tpu.memory_space<hbm>> -> memref<1x1x4xf32, #tpu.memory_space<hbm>>
          %dma_start3A_1615 = tpu.memref_squeeze %dma_start3A_1614 : memref<1x1x4xf32, #tpu.memory_space<hbm>> -> memref<4xf32, #tpu.memory_space<hbm>>
          %dma_start3A_1616 = arith.constant 0 : i32
          %dma_start3A_1617 = tpu.memref_slice %arg28[%scan3A_1593, %dma_start3A_1616] : memref<112x128xf32, #tpu.memory_space<vmem>> -> memref<1x4xf32, #tpu.memory_space<vmem>>
          %dma_start3A_1618 = tpu.memref_squeeze %dma_start3A_1617 : memref<1x4xf32, #tpu.memory_space<vmem>> -> memref<4xf32, #tpu.memory_space<vmem>>
          %dma_start3A_1619 = arith.constant 0 : i32
          %dma_start3A_1620 = tpu.memref_slice %arg5[%arg1, %squeeze3A, %dma_start3A_1619] : memref<16x8192x4xf32, #tpu.memory_space<hbm>> -> memref<1x1x4xf32, #tpu.memory_space<hbm>>
          %dma_start3A_1621 = tpu.memref_squeeze %dma_start3A_1620 : memref<1x1x4xf32, #tpu.memory_space<hbm>> -> memref<4xf32, #tpu.memory_space<hbm>>
          tpu.enqueue_dma source(%dma_start3A_1621 : memref<4xf32, #tpu.memory_space<hbm>>) target(%dma_start3A_1618 : memref<4xf32, #tpu.memory_space<vmem>>) target_semaphore(%arg37 : memref<!tpu.dma_semaphore, #tpu.memory_space<semaphore_mem>>)
          %dma_start3A_1622 = arith.constant 8 : i32
          %dma_start3A_1623 = tpu.memref_slice %arg28[%scan3A_1593, %dma_start3A_1622] : memref<112x128xf32, #tpu.memory_space<vmem>> -> memref<1x10xf32, #tpu.memory_space<vmem>>
          %dma_start3A_1624 = tpu.memref_squeeze %dma_start3A_1623 : memref<1x10xf32, #tpu.memory_space<vmem>> -> memref<10xf32, #tpu.memory_space<vmem>>
          %dma_start3A_1625 = arith.constant 0 : i32
          %dma_start3A_1626 = tpu.memref_slice %arg8[%arg1, %squeeze3A, %dma_start3A_1625] : memref<16x8192x10xf32, #tpu.memory_space<hbm>> -> memref<1x1x10xf32, #tpu.memory_space<hbm>>
          %dma_start3A_1627 = tpu.memref_squeeze %dma_start3A_1626 : memref<1x1x10xf32, #tpu.memory_space<hbm>> -> memref<10xf32, #tpu.memory_space<hbm>>
          %dma_start3A_1628 = arith.constant 8 : i32
          %dma_start3A_1629 = tpu.memref_slice %arg28[%scan3A_1593, %dma_start3A_1628] : memref<112x128xf32, #tpu.memory_space<vmem>> -> memref<1x10xf32, #tpu.memory_space<vmem>>
          %dma_start3A_1630 = tpu.memref_squeeze %dma_start3A_1629 : memref<1x10xf32, #tpu.memory_space<vmem>> -> memref<10xf32, #tpu.memory_space<vmem>>
          %dma_start3A_1631 = arith.constant 0 : i32
          %dma_start3A_1632 = tpu.memref_slice %arg8[%arg1, %squeeze3A, %dma_start3A_1631] : memref<16x8192x10xf32, #tpu.memory_space<hbm>> -> memref<1x1x10xf32, #tpu.memory_space<hbm>>
          %dma_start3A_1633 = tpu.memref_squeeze %dma_start3A_1632 : memref<1x1x10xf32, #tpu.memory_space<hbm>> -> memref<10xf32, #tpu.memory_space<hbm>>
          tpu.enqueue_dma source(%dma_start3A_1633 : memref<10xf32, #tpu.memory_space<hbm>>) target(%dma_start3A_1630 : memref<10xf32, #tpu.memory_space<vmem>>) target_semaphore(%arg37 : memref<!tpu.dma_semaphore, #tpu.memory_space<semaphore_mem>>)
          %dma_start3A_1634 = arith.constant 24 : i32
          %dma_start3A_1635 = tpu.memref_slice %arg28[%scan3A_1593, %dma_start3A_1634] : memref<112x128xf32, #tpu.memory_space<vmem>> -> memref<1x3xf32, #tpu.memory_space<vmem>>
          %dma_start3A_1636 = tpu.memref_squeeze %dma_start3A_1635 : memref<1x3xf32, #tpu.memory_space<vmem>> -> memref<3xf32, #tpu.memory_space<vmem>>
          %dma_start3A_1637 = arith.constant 0 : i32
          %dma_start3A_1638 = tpu.memref_slice %arg9[%arg1, %squeeze3A, %dma_start3A_1637] : memref<16x8192x3xf32, #tpu.memory_space<hbm>> -> memref<1x1x3xf32, #tpu.memory_space<hbm>>
          %dma_start3A_1639 = tpu.memref_squeeze %dma_start3A_1638 : memref<1x1x3xf32, #tpu.memory_space<hbm>> -> memref<3xf32, #tpu.memory_space<hbm>>
          %dma_start3A_1640 = arith.constant 24 : i32
          %dma_start3A_1641 = tpu.memref_slice %arg28[%scan3A_1593, %dma_start3A_1640] : memref<112x128xf32, #tpu.memory_space<vmem>> -> memref<1x3xf32, #tpu.memory_space<vmem>>
          %dma_start3A_1642 = tpu.memref_squeeze %dma_start3A_1641 : memref<1x3xf32, #tpu.memory_space<vmem>> -> memref<3xf32, #tpu.memory_space<vmem>>
          %dma_start3A_1643 = arith.constant 0 : i32
          %dma_start3A_1644 = tpu.memref_slice %arg9[%arg1, %squeeze3A, %dma_start3A_1643] : memref<16x8192x3xf32, #tpu.memory_space<hbm>> -> memref<1x1x3xf32, #tpu.memory_space<hbm>>
          %dma_start3A_1645 = tpu.memref_squeeze %dma_start3A_1644 : memref<1x1x3xf32, #tpu.memory_space<hbm>> -> memref<3xf32, #tpu.memory_space<hbm>>
          tpu.enqueue_dma source(%dma_start3A_1645 : memref<3xf32, #tpu.memory_space<hbm>>) target(%dma_start3A_1642 : memref<3xf32, #tpu.memory_space<vmem>>) target_semaphore(%arg37 : memref<!tpu.dma_semaphore, #tpu.memory_space<semaphore_mem>>)
          %dma_start3A_1646 = arith.constant 32 : i32
          %dma_start3A_1647 = tpu.memref_slice %arg28[%scan3A_1593, %dma_start3A_1646] : memref<112x128xf32, #tpu.memory_space<vmem>> -> memref<1x51xf32, #tpu.memory_space<vmem>>
          %dma_start3A_1648 = tpu.memref_squeeze %dma_start3A_1647 : memref<1x51xf32, #tpu.memory_space<vmem>> -> memref<51xf32, #tpu.memory_space<vmem>>
          %dma_start3A_1649 = arith.constant 0 : i32
          %dma_start3A_1650 = tpu.memref_slice %arg6[%arg1, %squeeze3A, %dma_start3A_1649] : memref<16x8192x51xf32, #tpu.memory_space<hbm>> -> memref<1x1x51xf32, #tpu.memory_space<hbm>>
          %dma_start3A_1651 = tpu.memref_squeeze %dma_start3A_1650 : memref<1x1x51xf32, #tpu.memory_space<hbm>> -> memref<51xf32, #tpu.memory_space<hbm>>
          %dma_start3A_1652 = arith.constant 32 : i32
          %dma_start3A_1653 = tpu.memref_slice %arg28[%scan3A_1593, %dma_start3A_1652] : memref<112x128xf32, #tpu.memory_space<vmem>> -> memref<1x51xf32, #tpu.memory_space<vmem>>
          %dma_start3A_1654 = tpu.memref_squeeze %dma_start3A_1653 : memref<1x51xf32, #tpu.memory_space<vmem>> -> memref<51xf32, #tpu.memory_space<vmem>>
          %dma_start3A_1655 = arith.constant 0 : i32
          %dma_start3A_1656 = tpu.memref_slice %arg6[%arg1, %squeeze3A, %dma_start3A_1655] : memref<16x8192x51xf32, #tpu.memory_space<hbm>> -> memref<1x1x51xf32, #tpu.memory_space<hbm>>
          %dma_start3A_1657 = tpu.memref_squeeze %dma_start3A_1656 : memref<1x1x51xf32, #tpu.memory_space<hbm>> -> memref<51xf32, #tpu.memory_space<hbm>>
          tpu.enqueue_dma source(%dma_start3A_1657 : memref<51xf32, #tpu.memory_space<hbm>>) target(%dma_start3A_1654 : memref<51xf32, #tpu.memory_space<vmem>>) target_semaphore(%arg37 : memref<!tpu.dma_semaphore, #tpu.memory_space<semaphore_mem>>)
          %dma_start3A_1658 = arith.constant 0 : i32
          %dma_start3A_1659 = tpu.memref_slice %arg29[%scan3A_1593, %dma_start3A_1658] : memref<112x51xf32, #tpu.memory_space<vmem>> -> memref<1x51xf32, #tpu.memory_space<vmem>>
          %dma_start3A_1660 = tpu.memref_squeeze %dma_start3A_1659 : memref<1x51xf32, #tpu.memory_space<vmem>> -> memref<51xf32, #tpu.memory_space<vmem>>
          %dma_start3A_1661 = arith.constant 0 : i32
          %dma_start3A_1662 = tpu.memref_slice %arg10[%add3A_1610, %dma_start3A_1661] : memref<131072x51xf32, #tpu.memory_space<hbm>> -> memref<1x51xf32, #tpu.memory_space<hbm>>
          %dma_start3A_1663 = tpu.memref_squeeze %dma_start3A_1662 : memref<1x51xf32, #tpu.memory_space<hbm>> -> memref<51xf32, #tpu.memory_space<hbm>>
          %dma_start3A_1664 = arith.constant 0 : i32
          %dma_start3A_1665 = tpu.memref_slice %arg29[%scan3A_1593, %dma_start3A_1664] : memref<112x51xf32, #tpu.memory_space<vmem>> -> memref<1x51xf32, #tpu.memory_space<vmem>>
          %dma_start3A_1666 = tpu.memref_squeeze %dma_start3A_1665 : memref<1x51xf32, #tpu.memory_space<vmem>> -> memref<51xf32, #tpu.memory_space<vmem>>
          %dma_start3A_1667 = arith.constant 0 : i32
          %dma_start3A_1668 = tpu.memref_slice %arg10[%add3A_1610, %dma_start3A_1667] : memref<131072x51xf32, #tpu.memory_space<hbm>> -> memref<1x51xf32, #tpu.memory_space<hbm>>
          %dma_start3A_1669 = tpu.memref_squeeze %dma_start3A_1668 : memref<1x51xf32, #tpu.memory_space<hbm>> -> memref<51xf32, #tpu.memory_space<hbm>>
          tpu.enqueue_dma source(%dma_start3A_1669 : memref<51xf32, #tpu.memory_space<hbm>>) target(%dma_start3A_1666 : memref<51xf32, #tpu.memory_space<vmem>>) target_semaphore(%arg37 : memref<!tpu.dma_semaphore, #tpu.memory_space<semaphore_mem>>)
          %dma_start3A_1670 = arith.constant 0 : i32
          %dma_start3A_1671 = tpu.memref_slice %arg30[%scan3A_1593, %dma_start3A_1670] : memref<112x216xf32, #tpu.memory_space<vmem>> -> memref<1x216xf32, #tpu.memory_space<vmem>>
          %dma_start3A_1672 = tpu.memref_squeeze %dma_start3A_1671 : memref<1x216xf32, #tpu.memory_space<vmem>> -> memref<216xf32, #tpu.memory_space<vmem>>
          %dma_start3A_1673 = arith.constant 0 : i32
          %dma_start3A_1674 = tpu.memref_slice %arg7[%add3A_1610, %dma_start3A_1673] : memref<131072x216xf32, #tpu.memory_space<hbm>> -> memref<1x216xf32, #tpu.memory_space<hbm>>
          %dma_start3A_1675 = tpu.memref_squeeze %dma_start3A_1674 : memref<1x216xf32, #tpu.memory_space<hbm>> -> memref<216xf32, #tpu.memory_space<hbm>>
          %dma_start3A_1676 = arith.constant 0 : i32
          %dma_start3A_1677 = tpu.memref_slice %arg30[%scan3A_1593, %dma_start3A_1676] : memref<112x216xf32, #tpu.memory_space<vmem>> -> memref<1x216xf32, #tpu.memory_space<vmem>>
          %dma_start3A_1678 = tpu.memref_squeeze %dma_start3A_1677 : memref<1x216xf32, #tpu.memory_space<vmem>> -> memref<216xf32, #tpu.memory_space<vmem>>
          %dma_start3A_1679 = arith.constant 0 : i32
          %dma_start3A_1680 = tpu.memref_slice %arg7[%add3A_1610, %dma_start3A_1679] : memref<131072x216xf32, #tpu.memory_space<hbm>> -> memref<1x216xf32, #tpu.memory_space<hbm>>
          %dma_start3A_1681 = tpu.memref_squeeze %dma_start3A_1680 : memref<1x216xf32, #tpu.memory_space<hbm>> -> memref<216xf32, #tpu.memory_space<hbm>>
          tpu.enqueue_dma source(%dma_start3A_1681 : memref<216xf32, #tpu.memory_space<hbm>>) target(%dma_start3A_1678 : memref<216xf32, #tpu.memory_space<vmem>>) target_semaphore(%arg37 : memref<!tpu.dma_semaphore, #tpu.memory_space<semaphore_mem>>)
        } else {
        }
        %ge3A_1600 = arith.constant 8 : i32
        %ge3A_1601 = arith.cmpi sge, %scan3A_1593, %ge3A_1600 : i32
        %convert_element_type3A_1602 = arith.extui %ge3A_1601 : i1 to i32
        %cond3A_1603 = arith.constant 0 : i32
        %cond3A_1604 = arith.cmpi ne, %convert_element_type3A_1602, %cond3A_1603 : i32
        scf.if %cond3A_1604 {
          %sub3A_1606 = arith.constant 8 : i32
          %sub3A_1607 = arith.subi %scan3A_1593, %sub3A_1606 : i32
          %get3A_1608 = arith.index_cast %sub3A_1607 : i32 to index
          %get3A_1609 = tpu.vector_load %arg27[%get3A_1608] {strides = array<i32>} : memref<128xi32, #tpu.memory_space<vmem>>, vector<16xi32>,
          %slice3A = vector.extract_strided_slice %get3A_1609 {offsets = [0], sizes = [1], strides = [1]} : vector<16xi32> to vector<1xi32>
          %squeeze3A = vector.extract %slice3A[0] : i32 from vector<1xi32>
          %mul3A_1610 = arith.constant 8192 : i32
          %mul3A_1611 = arith.muli %arg1, %mul3A_1610 : i32
          %add3A_1612 = arith.addi %squeeze3A, %mul3A_1611 : i32
          %dma_wait3A = arith.constant 0 : i32
          %dma_wait3A_1613 = tpu.memref_slice %arg28[%sub3A_1607, %dma_wait3A] : memref<112x128xf32, #tpu.memory_space<vmem>> -> memref<1x4xf32, #tpu.memory_space<vmem>>
          %dma_wait3A_1614 = tpu.memref_squeeze %dma_wait3A_1613 : memref<1x4xf32, #tpu.memory_space<vmem>> -> memref<4xf32, #tpu.memory_space<vmem>>
          %dma_wait3A_1615 = arith.constant 0 : i32
          %dma_wait3A_1616 = tpu.memref_slice %arg5[%arg1, %squeeze3A, %dma_wait3A_1615] : memref<16x8192x4xf32, #tpu.memory_space<hbm>> -> memref<1x1x4xf32, #tpu.memory_space<hbm>>
          %dma_wait3A_1617 = tpu.memref_squeeze %dma_wait3A_1616 : memref<1x1x4xf32, #tpu.memory_space<hbm>> -> memref<4xf32, #tpu.memory_space<hbm>>
          %dma_wait3A_1618 = arith.constant 0 : i32
          %dma_wait3A_1619 = tpu.memref_slice %arg28[%sub3A_1607, %dma_wait3A_1618] : memref<112x128xf32, #tpu.memory_space<vmem>> -> memref<1x4xf32, #tpu.memory_space<vmem>>
          %dma_wait3A_1620 = tpu.memref_squeeze %dma_wait3A_1619 : memref<1x4xf32, #tpu.memory_space<vmem>> -> memref<4xf32, #tpu.memory_space<vmem>>
          %dma_wait3A_1621 = arith.constant 0 : i32
          %dma_wait3A_1622 = tpu.memref_slice %arg5[%arg1, %squeeze3A, %dma_wait3A_1621] : memref<16x8192x4xf32, #tpu.memory_space<hbm>> -> memref<1x1x4xf32, #tpu.memory_space<hbm>>
          %dma_wait3A_1623 = tpu.memref_squeeze %dma_wait3A_1622 : memref<1x1x4xf32, #tpu.memory_space<hbm>> -> memref<4xf32, #tpu.memory_space<hbm>>
          tpu.wait_dma2 semaphore(%arg37 : memref<!tpu.dma_semaphore, #tpu.memory_space<semaphore_mem>>) src(%dma_wait3A_1623 : memref<4xf32, #tpu.memory_space<hbm>>) dst(%dma_wait3A_1620 : memref<4xf32, #tpu.memory_space<vmem>>)
          %dma_wait3A_1624 = arith.constant 8 : i32
          %dma_wait3A_1625 = tpu.memref_slice %arg28[%sub3A_1607, %dma_wait3A_1624] : memref<112x128xf32, #tpu.memory_space<vmem>> -> memref<1x10xf32, #tpu.memory_space<vmem>>
          %dma_wait3A_1626 = tpu.memref_squeeze %dma_wait3A_1625 : memref<1x10xf32, #tpu.memory_space<vmem>> -> memref<10xf32, #tpu.memory_space<vmem>>
          %dma_wait3A_1627 = arith.constant 0 : i32
          %dma_wait3A_1628 = tpu.memref_slice %arg8[%arg1, %squeeze3A, %dma_wait3A_1627] : memref<16x8192x10xf32, #tpu.memory_space<hbm>> -> memref<1x1x10xf32, #tpu.memory_space<hbm>>
          %dma_wait3A_1629 = tpu.memref_squeeze %dma_wait3A_1628 : memref<1x1x10xf32, #tpu.memory_space<hbm>> -> memref<10xf32, #tpu.memory_space<hbm>>
          %dma_wait3A_1630 = arith.constant 8 : i32
          %dma_wait3A_1631 = tpu.memref_slice %arg28[%sub3A_1607, %dma_wait3A_1630] : memref<112x128xf32, #tpu.memory_space<vmem>> -> memref<1x10xf32, #tpu.memory_space<vmem>>
          %dma_wait3A_1632 = tpu.memref_squeeze %dma_wait3A_1631 : memref<1x10xf32, #tpu.memory_space<vmem>> -> memref<10xf32, #tpu.memory_space<vmem>>
          %dma_wait3A_1633 = arith.constant 0 : i32
          %dma_wait3A_1634 = tpu.memref_slice %arg8[%arg1, %squeeze3A, %dma_wait3A_1633] : memref<16x8192x10xf32, #tpu.memory_space<hbm>> -> memref<1x1x10xf32, #tpu.memory_space<hbm>>
          %dma_wait3A_1635 = tpu.memref_squeeze %dma_wait3A_1634 : memref<1x1x10xf32, #tpu.memory_space<hbm>> -> memref<10xf32, #tpu.memory_space<hbm>>
          tpu.wait_dma2 semaphore(%arg37 : memref<!tpu.dma_semaphore, #tpu.memory_space<semaphore_mem>>) src(%dma_wait3A_1635 : memref<10xf32, #tpu.memory_space<hbm>>) dst(%dma_wait3A_1632 : memref<10xf32, #tpu.memory_space<vmem>>)
          %dma_wait3A_1636 = arith.constant 24 : i32
          %dma_wait3A_1637 = tpu.memref_slice %arg28[%sub3A_1607, %dma_wait3A_1636] : memref<112x128xf32, #tpu.memory_space<vmem>> -> memref<1x3xf32, #tpu.memory_space<vmem>>
          %dma_wait3A_1638 = tpu.memref_squeeze %dma_wait3A_1637 : memref<1x3xf32, #tpu.memory_space<vmem>> -> memref<3xf32, #tpu.memory_space<vmem>>
          %dma_wait3A_1639 = arith.constant 0 : i32
          %dma_wait3A_1640 = tpu.memref_slice %arg9[%arg1, %squeeze3A, %dma_wait3A_1639] : memref<16x8192x3xf32, #tpu.memory_space<hbm>> -> memref<1x1x3xf32, #tpu.memory_space<hbm>>
          %dma_wait3A_1641 = tpu.memref_squeeze %dma_wait3A_1640 : memref<1x1x3xf32, #tpu.memory_space<hbm>> -> memref<3xf32, #tpu.memory_space<hbm>>
          %dma_wait3A_1642 = arith.constant 24 : i32
          %dma_wait3A_1643 = tpu.memref_slice %arg28[%sub3A_1607, %dma_wait3A_1642] : memref<112x128xf32, #tpu.memory_space<vmem>> -> memref<1x3xf32, #tpu.memory_space<vmem>>
          %dma_wait3A_1644 = tpu.memref_squeeze %dma_wait3A_1643 : memref<1x3xf32, #tpu.memory_space<vmem>> -> memref<3xf32, #tpu.memory_space<vmem>>
          %dma_wait3A_1645 = arith.constant 0 : i32
          %dma_wait3A_1646 = tpu.memref_slice %arg9[%arg1, %squeeze3A, %dma_wait3A_1645] : memref<16x8192x3xf32, #tpu.memory_space<hbm>> -> memref<1x1x3xf32, #tpu.memory_space<hbm>>
          %dma_wait3A_1647 = tpu.memref_squeeze %dma_wait3A_1646 : memref<1x1x3xf32, #tpu.memory_space<hbm>> -> memref<3xf32, #tpu.memory_space<hbm>>
          tpu.wait_dma2 semaphore(%arg37 : memref<!tpu.dma_semaphore, #tpu.memory_space<semaphore_mem>>) src(%dma_wait3A_1647 : memref<3xf32, #tpu.memory_space<hbm>>) dst(%dma_wait3A_1644 : memref<3xf32, #tpu.memory_space<vmem>>)
          %dma_wait3A_1648 = arith.constant 32 : i32
          %dma_wait3A_1649 = tpu.memref_slice %arg28[%sub3A_1607, %dma_wait3A_1648] : memref<112x128xf32, #tpu.memory_space<vmem>> -> memref<1x51xf32, #tpu.memory_space<vmem>>
          %dma_wait3A_1650 = tpu.memref_squeeze %dma_wait3A_1649 : memref<1x51xf32, #tpu.memory_space<vmem>> -> memref<51xf32, #tpu.memory_space<vmem>>
          %dma_wait3A_1651 = arith.constant 0 : i32
          %dma_wait3A_1652 = tpu.memref_slice %arg6[%arg1, %squeeze3A, %dma_wait3A_1651] : memref<16x8192x51xf32, #tpu.memory_space<hbm>> -> memref<1x1x51xf32, #tpu.memory_space<hbm>>
          %dma_wait3A_1653 = tpu.memref_squeeze %dma_wait3A_1652 : memref<1x1x51xf32, #tpu.memory_space<hbm>> -> memref<51xf32, #tpu.memory_space<hbm>>
          %dma_wait3A_1654 = arith.constant 32 : i32
          %dma_wait3A_1655 = tpu.memref_slice %arg28[%sub3A_1607, %dma_wait3A_1654] : memref<112x128xf32, #tpu.memory_space<vmem>> -> memref<1x51xf32, #tpu.memory_space<vmem>>
          %dma_wait3A_1656 = tpu.memref_squeeze %dma_wait3A_1655 : memref<1x51xf32, #tpu.memory_space<vmem>> -> memref<51xf32, #tpu.memory_space<vmem>>
          %dma_wait3A_1657 = arith.constant 0 : i32
          %dma_wait3A_1658 = tpu.memref_slice %arg6[%arg1, %squeeze3A, %dma_wait3A_1657] : memref<16x8192x51xf32, #tpu.memory_space<hbm>> -> memref<1x1x51xf32, #tpu.memory_space<hbm>>
          %dma_wait3A_1659 = tpu.memref_squeeze %dma_wait3A_1658 : memref<1x1x51xf32, #tpu.memory_space<hbm>> -> memref<51xf32, #tpu.memory_space<hbm>>
          tpu.wait_dma2 semaphore(%arg37 : memref<!tpu.dma_semaphore, #tpu.memory_space<semaphore_mem>>) src(%dma_wait3A_1659 : memref<51xf32, #tpu.memory_space<hbm>>) dst(%dma_wait3A_1656 : memref<51xf32, #tpu.memory_space<vmem>>)
          %dma_wait3A_1660 = arith.constant 0 : i32
          %dma_wait3A_1661 = tpu.memref_slice %arg29[%sub3A_1607, %dma_wait3A_1660] : memref<112x51xf32, #tpu.memory_space<vmem>> -> memref<1x51xf32, #tpu.memory_space<vmem>>
          %dma_wait3A_1662 = tpu.memref_squeeze %dma_wait3A_1661 : memref<1x51xf32, #tpu.memory_space<vmem>> -> memref<51xf32, #tpu.memory_space<vmem>>
          %dma_wait3A_1663 = arith.constant 0 : i32
          %dma_wait3A_1664 = tpu.memref_slice %arg10[%add3A_1612, %dma_wait3A_1663] : memref<131072x51xf32, #tpu.memory_space<hbm>> -> memref<1x51xf32, #tpu.memory_space<hbm>>
          %dma_wait3A_1665 = tpu.memref_squeeze %dma_wait3A_1664 : memref<1x51xf32, #tpu.memory_space<hbm>> -> memref<51xf32, #tpu.memory_space<hbm>>
          %dma_wait3A_1666 = arith.constant 0 : i32
          %dma_wait3A_1667 = tpu.memref_slice %arg29[%sub3A_1607, %dma_wait3A_1666] : memref<112x51xf32, #tpu.memory_space<vmem>> -> memref<1x51xf32, #tpu.memory_space<vmem>>
          %dma_wait3A_1668 = tpu.memref_squeeze %dma_wait3A_1667 : memref<1x51xf32, #tpu.memory_space<vmem>> -> memref<51xf32, #tpu.memory_space<vmem>>
          %dma_wait3A_1669 = arith.constant 0 : i32
          %dma_wait3A_1670 = tpu.memref_slice %arg10[%add3A_1612, %dma_wait3A_1669] : memref<131072x51xf32, #tpu.memory_space<hbm>> -> memref<1x51xf32, #tpu.memory_space<hbm>>
          %dma_wait3A_1671 = tpu.memref_squeeze %dma_wait3A_1670 : memref<1x51xf32, #tpu.memory_space<hbm>> -> memref<51xf32, #tpu.memory_space<hbm>>
          tpu.wait_dma2 semaphore(%arg37 : memref<!tpu.dma_semaphore, #tpu.memory_space<semaphore_mem>>) src(%dma_wait3A_1671 : memref<51xf32, #tpu.memory_space<hbm>>) dst(%dma_wait3A_1668 : memref<51xf32, #tpu.memory_space<vmem>>)
          %dma_wait3A_1672 = arith.constant 0 : i32
          %dma_wait3A_1673 = tpu.memref_slice %arg30[%sub3A_1607, %dma_wait3A_1672] : memref<112x216xf32, #tpu.memory_space<vmem>> -> memref<1x216xf32, #tpu.memory_space<vmem>>
          %dma_wait3A_1674 = tpu.memref_squeeze %dma_wait3A_1673 : memref<1x216xf32, #tpu.memory_space<vmem>> -> memref<216xf32, #tpu.memory_space<vmem>>
          %dma_wait3A_1675 = arith.constant 0 : i32
          %dma_wait3A_1676 = tpu.memref_slice %arg7[%add3A_1612, %dma_wait3A_1675] : memref<131072x216xf32, #tpu.memory_space<hbm>> -> memref<1x216xf32, #tpu.memory_space<hbm>>
          %dma_wait3A_1677 = tpu.memref_squeeze %dma_wait3A_1676 : memref<1x216xf32, #tpu.memory_space<hbm>> -> memref<216xf32, #tpu.memory_space<hbm>>
          %dma_wait3A_1678 = arith.constant 0 : i32
          %dma_wait3A_1679 = tpu.memref_slice %arg30[%sub3A_1607, %dma_wait3A_1678] : memref<112x216xf32, #tpu.memory_space<vmem>> -> memref<1x216xf32, #tpu.memory_space<vmem>>
          %dma_wait3A_1680 = tpu.memref_squeeze %dma_wait3A_1679 : memref<1x216xf32, #tpu.memory_space<vmem>> -> memref<216xf32, #tpu.memory_space<vmem>>
          %dma_wait3A_1681 = arith.constant 0 : i32
          %dma_wait3A_1682 = tpu.memref_slice %arg7[%add3A_1612, %dma_wait3A_1681] : memref<131072x216xf32, #tpu.memory_space<hbm>> -> memref<1x216xf32, #tpu.memory_space<hbm>>
          %dma_wait3A_1683 = tpu.memref_squeeze %dma_wait3A_1682 : memref<1x216xf32, #tpu.memory_space<hbm>> -> memref<216xf32, #tpu.memory_space<hbm>>
          tpu.wait_dma2 semaphore(%arg37 : memref<!tpu.dma_semaphore, #tpu.memory_space<semaphore_mem>>) src(%dma_wait3A_1683 : memref<216xf32, #tpu.memory_space<hbm>>) dst(%dma_wait3A_1680 : memref<216xf32, #tpu.memory_space<vmem>>)
        } else {
        }
        %scan3A_1605 = arith.constant 0 : i32
        scf.yield %scan3A_1605 : i32
      }
      %scan3A_347 = arith.constant 108 : i32
      "tpu.region"() ({
        %run_scoped3A = tpu.sem_alloc : memref<!tpu.dma_semaphore, #tpu.memory_space<semaphore_mem>>
        %dma_start3A = arith.constant 0 : i32
        %dma_start3A_1593 = tpu.memref_slice %arg11[%arg1, %dma_start3A] : memref<16x128xf32, #tpu.memory_space<hbm>> -> memref<1x128xf32, #tpu.memory_space<hbm>>
        %dma_start3A_1594 = tpu.memref_squeeze %dma_start3A_1593 : memref<1x128xf32, #tpu.memory_space<hbm>> -> memref<128xf32, #tpu.memory_space<hbm>>
        %dma_start3A_1595 = arith.constant 0 : i32
        %dma_start3A_1596 = tpu.memref_slice %arg11[%arg1, %dma_start3A_1595] : memref<16x128xf32, #tpu.memory_space<hbm>> -> memref<1x128xf32, #tpu.memory_space<hbm>>
        %dma_start3A_1597 = tpu.memref_squeeze %dma_start3A_1596 : memref<1x128xf32, #tpu.memory_space<hbm>> -> memref<128xf32, #tpu.memory_space<hbm>>
        tpu.enqueue_dma source(%arg35 : memref<128xf32, #tpu.memory_space<vmem>>) target(%dma_start3A_1597 : memref<128xf32, #tpu.memory_space<hbm>>) target_semaphore(%run_scoped3A : memref<!tpu.dma_semaphore, #tpu.memory_space<semaphore_mem>>)
        %dma_wait3A = arith.constant 0 : i32
        %dma_wait3A_1598 = tpu.memref_slice %arg11[%arg1, %dma_wait3A] : memref<16x128xf32, #tpu.memory_space<hbm>> -> memref<1x128xf32, #tpu.memory_space<hbm>>
        %dma_wait3A_1599 = tpu.memref_squeeze %dma_wait3A_1598 : memref<1x128xf32, #tpu.memory_space<hbm>> -> memref<128xf32, #tpu.memory_space<hbm>>
        %dma_wait3A_1600 = arith.constant 0 : i32
        %dma_wait3A_1601 = tpu.memref_slice %arg11[%arg1, %dma_wait3A_1600] : memref<16x128xf32, #tpu.memory_space<hbm>> -> memref<1x128xf32, #tpu.memory_space<hbm>>
        %dma_wait3A_1602 = tpu.memref_squeeze %dma_wait3A_1601 : memref<1x128xf32, #tpu.memory_space<hbm>> -> memref<128xf32, #tpu.memory_space<hbm>>
        tpu.wait_dma2 semaphore(%run_scoped3A : memref<!tpu.dma_semaphore, #tpu.memory_space<semaphore_mem>>) src(%arg35 : memref<128xf32, #tpu.memory_space<vmem>>) dst(%dma_wait3A_1602 : memref<128xf32, #tpu.memory_space<hbm>>)
        tpu.yield
      }) : () -> ()
      "tpu.region"() ({
        %run_scoped3A = tpu.sem_alloc : memref<!tpu.dma_semaphore, #tpu.memory_space<semaphore_mem>>
        %dma_start3A = arith.constant 0 : i32
        %dma_start3A_1593 = tpu.memref_slice %arg12[%arg1, %dma_start3A] : memref<16x128xi32, #tpu.memory_space<hbm>> -> memref<1x128xi32, #tpu.memory_space<hbm>>
        %dma_start3A_1594 = tpu.memref_squeeze %dma_start3A_1593 : memref<1x128xi32, #tpu.memory_space<hbm>> -> memref<128xi32, #tpu.memory_space<hbm>>
        %dma_start3A_1595 = arith.constant 0 : i32
        %dma_start3A_1596 = tpu.memref_slice %arg12[%arg1, %dma_start3A_1595] : memref<16x128xi32, #tpu.memory_space<hbm>> -> memref<1x128xi32, #tpu.memory_space<hbm>>
        %dma_start3A_1597 = tpu.memref_squeeze %dma_start3A_1596 : memref<1x128xi32, #tpu.memory_space<hbm>> -> memref<128xi32, #tpu.memory_space<hbm>>
        tpu.enqueue_dma source(%arg36 : memref<128xi32, #tpu.memory_space<vmem>>) target(%dma_start3A_1597 : memref<128xi32, #tpu.memory_space<hbm>>) target_semaphore(%run_scoped3A : memref<!tpu.dma_semaphore, #tpu.memory_space<semaphore_mem>>)
        %dma_wait3A = arith.constant 0 : i32
        %dma_wait3A_1598 = tpu.memref_slice %arg12[%arg1, %dma_wait3A] : memref<16x128xi32, #tpu.memory_space<hbm>> -> memref<1x128xi32, #tpu.memory_space<hbm>>
        %dma_wait3A_1599 = tpu.memref_squeeze %dma_wait3A_1598 : memref<1x128xi32, #tpu.memory_space<hbm>> -> memref<128xi32, #tpu.memory_space<hbm>>
        %dma_wait3A_1600 = arith.constant 0 : i32
        %dma_wait3A_1601 = tpu.memref_slice %arg12[%arg1, %dma_wait3A_1600] : memref<16x128xi32, #tpu.memory_space<hbm>> -> memref<1x128xi32, #tpu.memory_space<hbm>>
        %dma_wait3A_1602 = tpu.memref_squeeze %dma_wait3A_1601 : memref<1x128xi32, #tpu.memory_space<hbm>> -> memref<128xi32, #tpu.memory_space<hbm>>
        tpu.wait_dma2 semaphore(%run_scoped3A : memref<!tpu.dma_semaphore, #tpu.memory_space<semaphore_mem>>) src(%arg36 : memref<128xi32, #tpu.memory_space<vmem>>) dst(%dma_wait3A_1602 : memref<128xi32, #tpu.memory_space<hbm>>)
        tpu.yield
      }) : () -> ()
      "tpu.region"() ({
        %run_scoped3A = tpu.sem_alloc : memref<!tpu.dma_semaphore, #tpu.memory_space<semaphore_mem>>
        %dma_start3A = arith.constant 0 : i32
        %dma_start3A_1593 = arith.constant 0 : i32
        %dma_start3A_1594 = tpu.memref_slice %arg15[%arg1, %dma_start3A, %dma_start3A_1593] : memref<16x112x216xf32, #tpu.memory_space<hbm>> -> memref<1x112x216xf32, #tpu.memory_space<hbm>>
        %dma_start3A_1595 = tpu.memref_squeeze %dma_start3A_1594 : memref<1x112x216xf32, #tpu.memory_space<hbm>> -> memref<112x216xf32, #tpu.memory_space<hbm>>
        %dma_start3A_1596 = arith.constant 0 : i32
        %dma_start3A_1597 = arith.constant 0 : i32
        %dma_start3A_1598 = tpu.memref_slice %arg15[%arg1, %dma_start3A_1596, %dma_start3A_1597] : memref<16x112x216xf32, #tpu.memory_space<hbm>> -> memref<1x112x216xf32, #tpu.memory_space<hbm>>
        %dma_start3A_1599 = tpu.memref_squeeze %dma_start3A_1598 : memref<1x112x216xf32, #tpu.memory_space<hbm>> -> memref<112x216xf32, #tpu.memory_space<hbm>>
        tpu.enqueue_dma source(%arg30 : memref<112x216xf32, #tpu.memory_space<vmem>>) target(%dma_start3A_1599 : memref<112x216xf32, #tpu.memory_space<hbm>>) target_semaphore(%run_scoped3A : memref<!tpu.dma_semaphore, #tpu.memory_space<semaphore_mem>>)
        %dma_wait3A = arith.constant 0 : i32
        %dma_wait3A_1600 = arith.constant 0 : i32
        %dma_wait3A_1601 = tpu.memref_slice %arg15[%arg1, %dma_wait3A, %dma_wait3A_1600] : memref<16x112x216xf32, #tpu.memory_space<hbm>> -> memref<1x112x216xf32, #tpu.memory_space<hbm>>
        %dma_wait3A_1602 = tpu.memref_squeeze %dma_wait3A_1601 : memref<1x112x216xf32, #tpu.memory_space<hbm>> -> memref<112x216xf32, #tpu.memory_space<hbm>>
        %dma_wait3A_1603 = arith.constant 0 : i32
        %dma_wait3A_1604 = arith.constant 0 : i32
        %dma_wait3A_1605 = tpu.memref_slice %arg15[%arg1, %dma_wait3A_1603, %dma_wait3A_1604] : memref<16x112x216xf32, #tpu.memory_space<hbm>> -> memref<1x112x216xf32, #tpu.memory_space<hbm>>
        %dma_wait3A_1606 = tpu.memref_squeeze %dma_wait3A_1605 : memref<1x112x216xf32, #tpu.memory_space<hbm>> -> memref<112x216xf32, #tpu.memory_space<hbm>>
        tpu.wait_dma2 semaphore(%run_scoped3A : memref<!tpu.dma_semaphore, #tpu.memory_space<semaphore_mem>>) src(%arg30 : memref<112x216xf32, #tpu.memory_space<vmem>>) dst(%dma_wait3A_1606 : memref<112x216xf32, #tpu.memory_space<hbm>>)
        tpu.yield
      }) : () -> ()
      %add3A_348 = arith.constant 0 : i32
      %add3A_349 = vector.broadcast %add3A_348 : i32 to vector<16xi32>
      %add3A_350 = arith.addi %add3A_349, %iota3A : vector<16xi32>
      %div3A_351 = arith.constant 4 : i32
      %div3A_352 = vector.broadcast %div3A_351 : i32 to vector<16xi32>
      %div3A_353 = arith.divsi %add3A_350, %div3A_352 : vector<16xi32>
      %rem3A_354 = arith.constant 4 : i32
      %rem3A_355 = vector.broadcast %rem3A_354 : i32 to vector<16xi32>
      %rem3A_356 = arith.remsi %add3A_350, %rem3A_355 : vector<16xi32>
      %rem3A_357 = arith.constant 2 : i32
      %rem3A_358 = vector.broadcast %rem3A_357 : i32 to vector<16xi32>
      %rem3A_359 = arith.remsi %rem3A_356, %rem3A_358 : vector<16xi32>
      %add3A_360 = arith.constant 0 : i32
      %add3A_361 = vector.broadcast %add3A_360 : i32 to vector<16xi32>
      %add3A_362 = arith.addi %add3A_361, %rem3A_359 : vector<16xi32>
      %gather3A_363 = tpu.vector_load_idx %arg28[%div3A_353, %add3A_362] : memref<112x128xf32, #tpu.memory_space<vmem>>[vector<16xi32>, vector<16xi32>], vector<16xf32>,
      %add3A_364 = arith.constant 2 : i32
      %add3A_365 = vector.broadcast %add3A_364 : i32 to vector<16xi32>
      %add3A_366 = arith.addi %add3A_365, %rem3A_359 : vector<16xi32>
      %gather3A_367 = tpu.vector_load_idx %arg28[%div3A_353, %add3A_366] : memref<112x128xf32, #tpu.memory_space<vmem>>[vector<16xi32>, vector<16xi32>], vector<16xf32>,
      %lt3A = arith.constant 2 : i32
      %lt3A_368 = vector.broadcast %lt3A : i32 to vector<16xi32>
      %lt3A_369 = arith.cmpi slt, %rem3A_356, %lt3A_368 : vector<16xi32>
      %jit3A_370 = arith.constant -5.000000e-01 : f32
      %jit3A_371 = arith.constant 5.000000e-01 : f32
      %broadcast_in_dim3A_372 = vector.broadcast %jit3A_370 : f32 to vector<16xf32>
      %broadcast_in_dim3A_373 = vector.broadcast %jit3A_371 : f32 to vector<16xf32>
      %select_n3A_374 = arith.select %lt3A_369, %broadcast_in_dim3A_372, %broadcast_in_dim3A_373 : vector<16xi1>, vector<16xf32>
      %eq3A_375 = arith.constant 0 : i32
      %eq3A_376 = vector.broadcast %eq3A_375 : i32 to vector<16xi32>
      %eq3A_377 = arith.cmpi eq, %rem3A_359, %eq3A_376 : vector<16xi32>
      %select_n3A_378 = arith.select %eq3A_377, %gather3A_10, %gather3A_4 : vector<16xi1>, vector<16xf32>
      %mul3A_379 = arith.mulf %select_n3A_374, %gather3A_367 : vector<16xf32>
      %add3A_380 = arith.addf %gather3A_363, %mul3A_379 : vector<16xf32>
      %mul3A_381 = arith.mulf %add3A_380, %select_n3A_378 : vector<16xf32>
      %swap3A_382 = arith.constant 0 : index
      %swap3A_383 = tpu.vector_load %arg31[%swap3A_382] {strides = array<i32>} : memref<448xf32, #tpu.memory_space<vmem>>, vector<16xf32>,
      tpu.vector_store %arg31[%swap3A_382], %mul3A_381 {strides = array<i32>} : memref<448xf32, #tpu.memory_space<vmem>>, vector<16xf32>,
      %add3A_384 = arith.constant 16 : i32
      %add3A_385 = vector.broadcast %add3A_384 : i32 to vector<16xi32>
      %add3A_386 = arith.addi %add3A_385, %iota3A : vector<16xi32>
      %div3A_387 = arith.constant 4 : i32
      %div3A_388 = vector.broadcast %div3A_387 : i32 to vector<16xi32>
      %div3A_389 = arith.divsi %add3A_386, %div3A_388 : vector<16xi32>
      %rem3A_390 = arith.constant 4 : i32
      %rem3A_391 = vector.broadcast %rem3A_390 : i32 to vector<16xi32>
      %rem3A_392 = arith.remsi %add3A_386, %rem3A_391 : vector<16xi32>
      %rem3A_393 = arith.constant 2 : i32
      %rem3A_394 = vector.broadcast %rem3A_393 : i32 to vector<16xi32>
      %rem3A_395 = arith.remsi %rem3A_392, %rem3A_394 : vector<16xi32>
      %add3A_396 = arith.constant 0 : i32
      %add3A_397 = vector.broadcast %add3A_396 : i32 to vector<16xi32>
      %add3A_398 = arith.addi %add3A_397, %rem3A_395 : vector<16xi32>
      %gather3A_399 = tpu.vector_load_idx %arg28[%div3A_389, %add3A_398] : memref<112x128xf32, #tpu.memory_space<vmem>>[vector<16xi32>, vector<16xi32>], vector<16xf32>,
      %add3A_400 = arith.constant 2 : i32
      %add3A_401 = vector.broadcast %add3A_400 : i32 to vector<16xi32>
      %add3A_402 = arith.addi %add3A_401, %rem3A_395 : vector<16xi32>
      %gather3A_403 = tpu.vector_load_idx %arg28[%div3A_389, %add3A_402] : memref<112x128xf32, #tpu.memory_space<vmem>>[vector<16xi32>, vector<16xi32>], vector<16xf32>,
      %lt3A_404 = arith.constant 2 : i32
      %lt3A_405 = vector.broadcast %lt3A_404 : i32 to vector<16xi32>
      %lt3A_406 = arith.cmpi slt, %rem3A_392, %lt3A_405 : vector<16xi32>
      %jit3A_407 = arith.constant -5.000000e-01 : f32
      %jit3A_408 = arith.constant 5.000000e-01 : f32
      %broadcast_in_dim3A_409 = vector.broadcast %jit3A_407 : f32 to vector<16xf32>
      %broadcast_in_dim3A_410 = vector.broadcast %jit3A_408 : f32 to vector<16xf32>
      %select_n3A_411 = arith.select %lt3A_406, %broadcast_in_dim3A_409, %broadcast_in_dim3A_410 : vector<16xi1>, vector<16xf32>
      %eq3A_412 = arith.constant 0 : i32
      %eq3A_413 = vector.broadcast %eq3A_412 : i32 to vector<16xi32>
      %eq3A_414 = arith.cmpi eq, %rem3A_395, %eq3A_413 : vector<16xi32>
      %select_n3A_415 = arith.select %eq3A_414, %gather3A_10, %gather3A_4 : vector<16xi1>, vector<16xf32>
      %mul3A_416 = arith.mulf %select_n3A_411, %gather3A_403 : vector<16xf32>
      %add3A_417 = arith.addf %gather3A_399, %mul3A_416 : vector<16xf32>
      %mul3A_418 = arith.mulf %add3A_417, %select_n3A_415 : vector<16xf32>
      %swap3A_419 = arith.constant 16 : index
      %swap3A_420 = tpu.vector_load %arg31[%swap3A_419] {strides = array<i32>} : memref<448xf32, #tpu.memory_space<vmem>>, vector<16xf32>,
      tpu.vector_store %arg31[%swap3A_419], %mul3A_418 {strides = array<i32>} : memref<448xf32, #tpu.memory_space<vmem>>, vector<16xf32>,
      %add3A_421 = arith.constant 32 : i32
      %add3A_422 = vector.broadcast %add3A_421 : i32 to vector<16xi32>
      %add3A_423 = arith.addi %add3A_422, %iota3A : vector<16xi32>
      %div3A_424 = arith.constant 4 : i32
      %div3A_425 = vector.broadcast %div3A_424 : i32 to vector<16xi32>
      %div3A_426 = arith.divsi %add3A_423, %div3A_425 : vector<16xi32>
      %rem3A_427 = arith.constant 4 : i32
      %rem3A_428 = vector.broadcast %rem3A_427 : i32 to vector<16xi32>
      %rem3A_429 = arith.remsi %add3A_423, %rem3A_428 : vector<16xi32>
      %rem3A_430 = arith.constant 2 : i32
      %rem3A_431 = vector.broadcast %rem3A_430 : i32 to vector<16xi32>
      %rem3A_432 = arith.remsi %rem3A_429, %rem3A_431 : vector<16xi32>
      %add3A_433 = arith.constant 0 : i32
      %add3A_434 = vector.broadcast %add3A_433 : i32 to vector<16xi32>
      %add3A_435 = arith.addi %add3A_434, %rem3A_432 : vector<16xi32>
      %gather3A_436 = tpu.vector_load_idx %arg28[%div3A_426, %add3A_435] : memref<112x128xf32, #tpu.memory_space<vmem>>[vector<16xi32>, vector<16xi32>], vector<16xf32>,
      %add3A_437 = arith.constant 2 : i32
      %add3A_438 = vector.broadcast %add3A_437 : i32 to vector<16xi32>
      %add3A_439 = arith.addi %add3A_438, %rem3A_432 : vector<16xi32>
      %gather3A_440 = tpu.vector_load_idx %arg28[%div3A_426, %add3A_439] : memref<112x128xf32, #tpu.memory_space<vmem>>[vector<16xi32>, vector<16xi32>], vector<16xf32>,
      %lt3A_441 = arith.constant 2 : i32
      %lt3A_442 = vector.broadcast %lt3A_441 : i32 to vector<16xi32>
      %lt3A_443 = arith.cmpi slt, %rem3A_429, %lt3A_442 : vector<16xi32>
      %jit3A_444 = arith.constant -5.000000e-01 : f32
      %jit3A_445 = arith.constant 5.000000e-01 : f32
      %broadcast_in_dim3A_446 = vector.broadcast %jit3A_444 : f32 to vector<16xf32>
      %broadcast_in_dim3A_447 = vector.broadcast %jit3A_445 : f32 to vector<16xf32>
      %select_n3A_448 = arith.select %lt3A_443, %broadcast_in_dim3A_446, %broadcast_in_dim3A_447 : vector<16xi1>, vector<16xf32>
      %eq3A_449 = arith.constant 0 : i32
      %eq3A_450 = vector.broadcast %eq3A_449 : i32 to vector<16xi32>
      %eq3A_451 = arith.cmpi eq, %rem3A_432, %eq3A_450 : vector<16xi32>
      %select_n3A_452 = arith.select %eq3A_451, %gather3A_10, %gather3A_4 : vector<16xi1>, vector<16xf32>
      %mul3A_453 = arith.mulf %select_n3A_448, %gather3A_440 : vector<16xf32>
      %add3A_454 = arith.addf %gather3A_436, %mul3A_453 : vector<16xf32>
      %mul3A_455 = arith.mulf %add3A_454, %select_n3A_452 : vector<16xf32>
      %swap3A_456 = arith.constant 32 : index
      %swap3A_457 = tpu.vector_load %arg31[%swap3A_456] {strides = array<i32>} : memref<448xf32, #tpu.memory_space<vmem>>, vector<16xf32>,
      tpu.vector_store %arg31[%swap3A_456], %mul3A_455 {strides = array<i32>} : memref<448xf32, #tpu.memory_space<vmem>>, vector<16xf32>,
      %add3A_458 = arith.constant 48 : i32
      %add3A_459 = vector.broadcast %add3A_458 : i32 to vector<16xi32>
      %add3A_460 = arith.addi %add3A_459, %iota3A : vector<16xi32>
      %div3A_461 = arith.constant 4 : i32
      %div3A_462 = vector.broadcast %div3A_461 : i32 to vector<16xi32>
      %div3A_463 = arith.divsi %add3A_460, %div3A_462 : vector<16xi32>
      %rem3A_464 = arith.constant 4 : i32
      %rem3A_465 = vector.broadcast %rem3A_464 : i32 to vector<16xi32>
      %rem3A_466 = arith.remsi %add3A_460, %rem3A_465 : vector<16xi32>
      %rem3A_467 = arith.constant 2 : i32
      %rem3A_468 = vector.broadcast %rem3A_467 : i32 to vector<16xi32>
      %rem3A_469 = arith.remsi %rem3A_466, %rem3A_468 : vector<16xi32>
      %add3A_470 = arith.constant 0 : i32
      %add3A_471 = vector.broadcast %add3A_470 : i32 to vector<16xi32>
      %add3A_472 = arith.addi %add3A_471, %rem3A_469 : vector<16xi32>
      %gather3A_473 = tpu.vector_load_idx %arg28[%div3A_463, %add3A_472] : memref<112x128xf32, #tpu.memory_space<vmem>>[vector<16xi32>, vector<16xi32>], vector<16xf32>,
      %add3A_474 = arith.constant 2 : i32
      %add3A_475 = vector.broadcast %add3A_474 : i32 to vector<16xi32>
      %add3A_476 = arith.addi %add3A_475, %rem3A_469 : vector<16xi32>
      %gather3A_477 = tpu.vector_load_idx %arg28[%div3A_463, %add3A_476] : memref<112x128xf32, #tpu.memory_space<vmem>>[vector<16xi32>, vector<16xi32>], vector<16xf32>,
      %lt3A_478 = arith.constant 2 : i32
      %lt3A_479 = vector.broadcast %lt3A_478 : i32 to vector<16xi32>
      %lt3A_480 = arith.cmpi slt, %rem3A_466, %lt3A_479 : vector<16xi32>
      %jit3A_481 = arith.constant -5.000000e-01 : f32
      %jit3A_482 = arith.constant 5.000000e-01 : f32
      %broadcast_in_dim3A_483 = vector.broadcast %jit3A_481 : f32 to vector<16xf32>
      %broadcast_in_dim3A_484 = vector.broadcast %jit3A_482 : f32 to vector<16xf32>
      %select_n3A_485 = arith.select %lt3A_480, %broadcast_in_dim3A_483, %broadcast_in_dim3A_484 : vector<16xi1>, vector<16xf32>
      %eq3A_486 = arith.constant 0 : i32
      %eq3A_487 = vector.broadcast %eq3A_486 : i32 to vector<16xi32>
      %eq3A_488 = arith.cmpi eq, %rem3A_469, %eq3A_487 : vector<16xi32>
      %select_n3A_489 = arith.select %eq3A_488, %gather3A_10, %gather3A_4 : vector<16xi1>, vector<16xf32>
      %mul3A_490 = arith.mulf %select_n3A_485, %gather3A_477 : vector<16xf32>
      %add3A_491 = arith.addf %gather3A_473, %mul3A_490 : vector<16xf32>
      %mul3A_492 = arith.mulf %add3A_491, %select_n3A_489 : vector<16xf32>
      %swap3A_493 = arith.constant 48 : index
      %swap3A_494 = tpu.vector_load %arg31[%swap3A_493] {strides = array<i32>} : memref<448xf32, #tpu.memory_space<vmem>>, vector<16xf32>,
      tpu.vector_store %arg31[%swap3A_493], %mul3A_492 {strides = array<i32>} : memref<448xf32, #tpu.memory_space<vmem>>, vector<16xf32>,
      %add3A_495 = arith.constant 64 : i32
      %add3A_496 = vector.broadcast %add3A_495 : i32 to vector<16xi32>
      %add3A_497 = arith.addi %add3A_496, %iota3A : vector<16xi32>
      %div3A_498 = arith.constant 4 : i32
      %div3A_499 = vector.broadcast %div3A_498 : i32 to vector<16xi32>
      %div3A_500 = arith.divsi %add3A_497, %div3A_499 : vector<16xi32>
      %rem3A_501 = arith.constant 4 : i32
      %rem3A_502 = vector.broadcast %rem3A_501 : i32 to vector<16xi32>
      %rem3A_503 = arith.remsi %add3A_497, %rem3A_502 : vector<16xi32>
      %rem3A_504 = arith.constant 2 : i32
      %rem3A_505 = vector.broadcast %rem3A_504 : i32 to vector<16xi32>
      %rem3A_506 = arith.remsi %rem3A_503, %rem3A_505 : vector<16xi32>
      %add3A_507 = arith.constant 0 : i32
      %add3A_508 = vector.broadcast %add3A_507 : i32 to vector<16xi32>
      %add3A_509 = arith.addi %add3A_508, %rem3A_506 : vector<16xi32>
      %gather3A_510 = tpu.vector_load_idx %arg28[%div3A_500, %add3A_509] : memref<112x128xf32, #tpu.memory_space<vmem>>[vector<16xi32>, vector<16xi32>], vector<16xf32>,
      %add3A_511 = arith.constant 2 : i32
      %add3A_512 = vector.broadcast %add3A_511 : i32 to vector<16xi32>
      %add3A_513 = arith.addi %add3A_512, %rem3A_506 : vector<16xi32>
      %gather3A_514 = tpu.vector_load_idx %arg28[%div3A_500, %add3A_513] : memref<112x128xf32, #tpu.memory_space<vmem>>[vector<16xi32>, vector<16xi32>], vector<16xf32>,
      %lt3A_515 = arith.constant 2 : i32
      %lt3A_516 = vector.broadcast %lt3A_515 : i32 to vector<16xi32>
      %lt3A_517 = arith.cmpi slt, %rem3A_503, %lt3A_516 : vector<16xi32>
      %jit3A_518 = arith.constant -5.000000e-01 : f32
      %jit3A_519 = arith.constant 5.000000e-01 : f32
      %broadcast_in_dim3A_520 = vector.broadcast %jit3A_518 : f32 to vector<16xf32>
      %broadcast_in_dim3A_521 = vector.broadcast %jit3A_519 : f32 to vector<16xf32>
      %select_n3A_522 = arith.select %lt3A_517, %broadcast_in_dim3A_520, %broadcast_in_dim3A_521 : vector<16xi1>, vector<16xf32>
      %eq3A_523 = arith.constant 0 : i32
      %eq3A_524 = vector.broadcast %eq3A_523 : i32 to vector<16xi32>
      %eq3A_525 = arith.cmpi eq, %rem3A_506, %eq3A_524 : vector<16xi32>
      %select_n3A_526 = arith.select %eq3A_525, %gather3A_10, %gather3A_4 : vector<16xi1>, vector<16xf32>
      %mul3A_527 = arith.mulf %select_n3A_522, %gather3A_514 : vector<16xf32>
      %add3A_528 = arith.addf %gather3A_510, %mul3A_527 : vector<16xf32>
      %mul3A_529 = arith.mulf %add3A_528, %select_n3A_526 : vector<16xf32>
      %swap3A_530 = arith.constant 64 : index
      %swap3A_531 = tpu.vector_load %arg31[%swap3A_530] {strides = array<i32>} : memref<448xf32, #tpu.memory_space<vmem>>, vector<16xf32>,
      tpu.vector_store %arg31[%swap3A_530], %mul3A_529 {strides = array<i32>} : memref<448xf32, #tpu.memory_space<vmem>>, vector<16xf32>,
      %add3A_532 = arith.constant 80 : i32
      %add3A_533 = vector.broadcast %add3A_532 : i32 to vector<16xi32>
      %add3A_534 = arith.addi %add3A_533, %iota3A : vector<16xi32>
      %div3A_535 = arith.constant 4 : i32
      %div3A_536 = vector.broadcast %div3A_535 : i32 to vector<16xi32>
      %div3A_537 = arith.divsi %add3A_534, %div3A_536 : vector<16xi32>
      %rem3A_538 = arith.constant 4 : i32
      %rem3A_539 = vector.broadcast %rem3A_538 : i32 to vector<16xi32>
      %rem3A_540 = arith.remsi %add3A_534, %rem3A_539 : vector<16xi32>
      %rem3A_541 = arith.constant 2 : i32
      %rem3A_542 = vector.broadcast %rem3A_541 : i32 to vector<16xi32>
      %rem3A_543 = arith.remsi %rem3A_540, %rem3A_542 : vector<16xi32>
      %add3A_544 = arith.constant 0 : i32
      %add3A_545 = vector.broadcast %add3A_544 : i32 to vector<16xi32>
      %add3A_546 = arith.addi %add3A_545, %rem3A_543 : vector<16xi32>
      %gather3A_547 = tpu.vector_load_idx %arg28[%div3A_537, %add3A_546] : memref<112x128xf32, #tpu.memory_space<vmem>>[vector<16xi32>, vector<16xi32>], vector<16xf32>,
      %add3A_548 = arith.constant 2 : i32
      %add3A_549 = vector.broadcast %add3A_548 : i32 to vector<16xi32>
      %add3A_550 = arith.addi %add3A_549, %rem3A_543 : vector<16xi32>
      %gather3A_551 = tpu.vector_load_idx %arg28[%div3A_537, %add3A_550] : memref<112x128xf32, #tpu.memory_space<vmem>>[vector<16xi32>, vector<16xi32>], vector<16xf32>,
      %lt3A_552 = arith.constant 2 : i32
      %lt3A_553 = vector.broadcast %lt3A_552 : i32 to vector<16xi32>
      %lt3A_554 = arith.cmpi slt, %rem3A_540, %lt3A_553 : vector<16xi32>
      %jit3A_555 = arith.constant -5.000000e-01 : f32
      %jit3A_556 = arith.constant 5.000000e-01 : f32
      %broadcast_in_dim3A_557 = vector.broadcast %jit3A_555 : f32 to vector<16xf32>
      %broadcast_in_dim3A_558 = vector.broadcast %jit3A_556 : f32 to vector<16xf32>
      %select_n3A_559 = arith.select %lt3A_554, %broadcast_in_dim3A_557, %broadcast_in_dim3A_558 : vector<16xi1>, vector<16xf32>
      %eq3A_560 = arith.constant 0 : i32
      %eq3A_561 = vector.broadcast %eq3A_560 : i32 to vector<16xi32>
      %eq3A_562 = arith.cmpi eq, %rem3A_543, %eq3A_561 : vector<16xi32>
      %select_n3A_563 = arith.select %eq3A_562, %gather3A_10, %gather3A_4 : vector<16xi1>, vector<16xf32>
      %mul3A_564 = arith.mulf %select_n3A_559, %gather3A_551 : vector<16xf32>
      %add3A_565 = arith.addf %gather3A_547, %mul3A_564 : vector<16xf32>
      %mul3A_566 = arith.mulf %add3A_565, %select_n3A_563 : vector<16xf32>
      %swap3A_567 = arith.constant 80 : index
      %swap3A_568 = tpu.vector_load %arg31[%swap3A_567] {strides = array<i32>} : memref<448xf32, #tpu.memory_space<vmem>>, vector<16xf32>,
      tpu.vector_store %arg31[%swap3A_567], %mul3A_566 {strides = array<i32>} : memref<448xf32, #tpu.memory_space<vmem>>, vector<16xf32>,
      %add3A_569 = arith.constant 96 : i32
      %add3A_570 = vector.broadcast %add3A_569 : i32 to vector<16xi32>
      %add3A_571 = arith.addi %add3A_570, %iota3A : vector<16xi32>
      %div3A_572 = arith.constant 4 : i32
      %div3A_573 = vector.broadcast %div3A_572 : i32 to vector<16xi32>
      %div3A_574 = arith.divsi %add3A_571, %div3A_573 : vector<16xi32>
      %rem3A_575 = arith.constant 4 : i32
      %rem3A_576 = vector.broadcast %rem3A_575 : i32 to vector<16xi32>
      %rem3A_577 = arith.remsi %add3A_571, %rem3A_576 : vector<16xi32>
      %rem3A_578 = arith.constant 2 : i32
      %rem3A_579 = vector.broadcast %rem3A_578 : i32 to vector<16xi32>
      %rem3A_580 = arith.remsi %rem3A_577, %rem3A_579 : vector<16xi32>
      %add3A_581 = arith.constant 0 : i32
      %add3A_582 = vector.broadcast %add3A_581 : i32 to vector<16xi32>
      %add3A_583 = arith.addi %add3A_582, %rem3A_580 : vector<16xi32>
      %gather3A_584 = tpu.vector_load_idx %arg28[%div3A_574, %add3A_583] : memref<112x128xf32, #tpu.memory_space<vmem>>[vector<16xi32>, vector<16xi32>], vector<16xf32>,
      %add3A_585 = arith.constant 2 : i32
      %add3A_586 = vector.broadcast %add3A_585 : i32 to vector<16xi32>
      %add3A_587 = arith.addi %add3A_586, %rem3A_580 : vector<16xi32>
      %gather3A_588 = tpu.vector_load_idx %arg28[%div3A_574, %add3A_587] : memref<112x128xf32, #tpu.memory_space<vmem>>[vector<16xi32>, vector<16xi32>], vector<16xf32>,
      %lt3A_589 = arith.constant 2 : i32
      %lt3A_590 = vector.broadcast %lt3A_589 : i32 to vector<16xi32>
      %lt3A_591 = arith.cmpi slt, %rem3A_577, %lt3A_590 : vector<16xi32>
      %jit3A_592 = arith.constant -5.000000e-01 : f32
      %jit3A_593 = arith.constant 5.000000e-01 : f32
      %broadcast_in_dim3A_594 = vector.broadcast %jit3A_592 : f32 to vector<16xf32>
      %broadcast_in_dim3A_595 = vector.broadcast %jit3A_593 : f32 to vector<16xf32>
      %select_n3A_596 = arith.select %lt3A_591, %broadcast_in_dim3A_594, %broadcast_in_dim3A_595 : vector<16xi1>, vector<16xf32>
      %eq3A_597 = arith.constant 0 : i32
      %eq3A_598 = vector.broadcast %eq3A_597 : i32 to vector<16xi32>
      %eq3A_599 = arith.cmpi eq, %rem3A_580, %eq3A_598 : vector<16xi32>
      %select_n3A_600 = arith.select %eq3A_599, %gather3A_10, %gather3A_4 : vector<16xi1>, vector<16xf32>
      %mul3A_601 = arith.mulf %select_n3A_596, %gather3A_588 : vector<16xf32>
      %add3A_602 = arith.addf %gather3A_584, %mul3A_601 : vector<16xf32>
      %mul3A_603 = arith.mulf %add3A_602, %select_n3A_600 : vector<16xf32>
      %swap3A_604 = arith.constant 96 : index
      %swap3A_605 = tpu.vector_load %arg31[%swap3A_604] {strides = array<i32>} : memref<448xf32, #tpu.memory_space<vmem>>, vector<16xf32>,
      tpu.vector_store %arg31[%swap3A_604], %mul3A_603 {strides = array<i32>} : memref<448xf32, #tpu.memory_space<vmem>>, vector<16xf32>,
      %add3A_606 = arith.constant 112 : i32
      %add3A_607 = vector.broadcast %add3A_606 : i32 to vector<16xi32>
      %add3A_608 = arith.addi %add3A_607, %iota3A : vector<16xi32>
      %div3A_609 = arith.constant 4 : i32
      %div3A_610 = vector.broadcast %div3A_609 : i32 to vector<16xi32>
      %div3A_611 = arith.divsi %add3A_608, %div3A_610 : vector<16xi32>
      %rem3A_612 = arith.constant 4 : i32
      %rem3A_613 = vector.broadcast %rem3A_612 : i32 to vector<16xi32>
      %rem3A_614 = arith.remsi %add3A_608, %rem3A_613 : vector<16xi32>
      %rem3A_615 = arith.constant 2 : i32
      %rem3A_616 = vector.broadcast %rem3A_615 : i32 to vector<16xi32>
      %rem3A_617 = arith.remsi %rem3A_614, %rem3A_616 : vector<16xi32>
      %add3A_618 = arith.constant 0 : i32
      %add3A_619 = vector.broadcast %add3A_618 : i32 to vector<16xi32>
      %add3A_620 = arith.addi %add3A_619, %rem3A_617 : vector<16xi32>
      %gather3A_621 = tpu.vector_load_idx %arg28[%div3A_611, %add3A_620] : memref<112x128xf32, #tpu.memory_space<vmem>>[vector<16xi32>, vector<16xi32>], vector<16xf32>,
      %add3A_622 = arith.constant 2 : i32
      %add3A_623 = vector.broadcast %add3A_622 : i32 to vector<16xi32>
      %add3A_624 = arith.addi %add3A_623, %rem3A_617 : vector<16xi32>
      %gather3A_625 = tpu.vector_load_idx %arg28[%div3A_611, %add3A_624] : memref<112x128xf32, #tpu.memory_space<vmem>>[vector<16xi32>, vector<16xi32>], vector<16xf32>,
      %lt3A_626 = arith.constant 2 : i32
      %lt3A_627 = vector.broadcast %lt3A_626 : i32 to vector<16xi32>
      %lt3A_628 = arith.cmpi slt, %rem3A_614, %lt3A_627 : vector<16xi32>
      %jit3A_629 = arith.constant -5.000000e-01 : f32
      %jit3A_630 = arith.constant 5.000000e-01 : f32
      %broadcast_in_dim3A_631 = vector.broadcast %jit3A_629 : f32 to vector<16xf32>
      %broadcast_in_dim3A_632 = vector.broadcast %jit3A_630 : f32 to vector<16xf32>
      %select_n3A_633 = arith.select %lt3A_628, %broadcast_in_dim3A_631, %broadcast_in_dim3A_632 : vector<16xi1>, vector<16xf32>
      %eq3A_634 = arith.constant 0 : i32
      %eq3A_635 = vector.broadcast %eq3A_634 : i32 to vector<16xi32>
      %eq3A_636 = arith.cmpi eq, %rem3A_617, %eq3A_635 : vector<16xi32>
      %select_n3A_637 = arith.select %eq3A_636, %gather3A_10, %gather3A_4 : vector<16xi1>, vector<16xf32>
      %mul3A_638 = arith.mulf %select_n3A_633, %gather3A_625 : vector<16xf32>
      %add3A_639 = arith.addf %gather3A_621, %mul3A_638 : vector<16xf32>
      %mul3A_640 = arith.mulf %add3A_639, %select_n3A_637 : vector<16xf32>
      %swap3A_641 = arith.constant 112 : index
      %swap3A_642 = tpu.vector_load %arg31[%swap3A_641] {strides = array<i32>} : memref<448xf32, #tpu.memory_space<vmem>>, vector<16xf32>,
      tpu.vector_store %arg31[%swap3A_641], %mul3A_640 {strides = array<i32>} : memref<448xf32, #tpu.memory_space<vmem>>, vector<16xf32>,
      %add3A_643 = arith.constant 128 : i32
      %add3A_644 = vector.broadcast %add3A_643 : i32 to vector<16xi32>
      %add3A_645 = arith.addi %add3A_644, %iota3A : vector<16xi32>
      %div3A_646 = arith.constant 4 : i32
      %div3A_647 = vector.broadcast %div3A_646 : i32 to vector<16xi32>
      %div3A_648 = arith.divsi %add3A_645, %div3A_647 : vector<16xi32>
      %rem3A_649 = arith.constant 4 : i32
      %rem3A_650 = vector.broadcast %rem3A_649 : i32 to vector<16xi32>
      %rem3A_651 = arith.remsi %add3A_645, %rem3A_650 : vector<16xi32>
      %rem3A_652 = arith.constant 2 : i32
      %rem3A_653 = vector.broadcast %rem3A_652 : i32 to vector<16xi32>
      %rem3A_654 = arith.remsi %rem3A_651, %rem3A_653 : vector<16xi32>
      %add3A_655 = arith.constant 0 : i32
      %add3A_656 = vector.broadcast %add3A_655 : i32 to vector<16xi32>
      %add3A_657 = arith.addi %add3A_656, %rem3A_654 : vector<16xi32>
      %gather3A_658 = tpu.vector_load_idx %arg28[%div3A_648, %add3A_657] : memref<112x128xf32, #tpu.memory_space<vmem>>[vector<16xi32>, vector<16xi32>], vector<16xf32>,
      %add3A_659 = arith.constant 2 : i32
      %add3A_660 = vector.broadcast %add3A_659 : i32 to vector<16xi32>
      %add3A_661 = arith.addi %add3A_660, %rem3A_654 : vector<16xi32>
      %gather3A_662 = tpu.vector_load_idx %arg28[%div3A_648, %add3A_661] : memref<112x128xf32, #tpu.memory_space<vmem>>[vector<16xi32>, vector<16xi32>], vector<16xf32>,
      %lt3A_663 = arith.constant 2 : i32
      %lt3A_664 = vector.broadcast %lt3A_663 : i32 to vector<16xi32>
      %lt3A_665 = arith.cmpi slt, %rem3A_651, %lt3A_664 : vector<16xi32>
      %jit3A_666 = arith.constant -5.000000e-01 : f32
      %jit3A_667 = arith.constant 5.000000e-01 : f32
      %broadcast_in_dim3A_668 = vector.broadcast %jit3A_666 : f32 to vector<16xf32>
      %broadcast_in_dim3A_669 = vector.broadcast %jit3A_667 : f32 to vector<16xf32>
      %select_n3A_670 = arith.select %lt3A_665, %broadcast_in_dim3A_668, %broadcast_in_dim3A_669 : vector<16xi1>, vector<16xf32>
      %eq3A_671 = arith.constant 0 : i32
      %eq3A_672 = vector.broadcast %eq3A_671 : i32 to vector<16xi32>
      %eq3A_673 = arith.cmpi eq, %rem3A_654, %eq3A_672 : vector<16xi32>
      %select_n3A_674 = arith.select %eq3A_673, %gather3A_10, %gather3A_4 : vector<16xi1>, vector<16xf32>
      %mul3A_675 = arith.mulf %select_n3A_670, %gather3A_662 : vector<16xf32>
      %add3A_676 = arith.addf %gather3A_658, %mul3A_675 : vector<16xf32>
      %mul3A_677 = arith.mulf %add3A_676, %select_n3A_674 : vector<16xf32>
      %swap3A_678 = arith.constant 128 : index
      %swap3A_679 = tpu.vector_load %arg31[%swap3A_678] {strides = array<i32>} : memref<448xf32, #tpu.memory_space<vmem>>, vector<16xf32>,
      tpu.vector_store %arg31[%swap3A_678], %mul3A_677 {strides = array<i32>} : memref<448xf32, #tpu.memory_space<vmem>>, vector<16xf32>,
      %add3A_680 = arith.constant 144 : i32
      %add3A_681 = vector.broadcast %add3A_680 : i32 to vector<16xi32>
      %add3A_682 = arith.addi %add3A_681, %iota3A : vector<16xi32>
      %div3A_683 = arith.constant 4 : i32
      %div3A_684 = vector.broadcast %div3A_683 : i32 to vector<16xi32>
      %div3A_685 = arith.divsi %add3A_682, %div3A_684 : vector<16xi32>
      %rem3A_686 = arith.constant 4 : i32
      %rem3A_687 = vector.broadcast %rem3A_686 : i32 to vector<16xi32>
      %rem3A_688 = arith.remsi %add3A_682, %rem3A_687 : vector<16xi32>
      %rem3A_689 = arith.constant 2 : i32
      %rem3A_690 = vector.broadcast %rem3A_689 : i32 to vector<16xi32>
      %rem3A_691 = arith.remsi %rem3A_688, %rem3A_690 : vector<16xi32>
      %add3A_692 = arith.constant 0 : i32
      %add3A_693 = vector.broadcast %add3A_692 : i32 to vector<16xi32>
      %add3A_694 = arith.addi %add3A_693, %rem3A_691 : vector<16xi32>
      %gather3A_695 = tpu.vector_load_idx %arg28[%div3A_685, %add3A_694] : memref<112x128xf32, #tpu.memory_space<vmem>>[vector<16xi32>, vector<16xi32>], vector<16xf32>,
      %add3A_696 = arith.constant 2 : i32
      %add3A_697 = vector.broadcast %add3A_696 : i32 to vector<16xi32>
      %add3A_698 = arith.addi %add3A_697, %rem3A_691 : vector<16xi32>
      %gather3A_699 = tpu.vector_load_idx %arg28[%div3A_685, %add3A_698] : memref<112x128xf32, #tpu.memory_space<vmem>>[vector<16xi32>, vector<16xi32>], vector<16xf32>,
      %lt3A_700 = arith.constant 2 : i32
      %lt3A_701 = vector.broadcast %lt3A_700 : i32 to vector<16xi32>
      %lt3A_702 = arith.cmpi slt, %rem3A_688, %lt3A_701 : vector<16xi32>
      %jit3A_703 = arith.constant -5.000000e-01 : f32
      %jit3A_704 = arith.constant 5.000000e-01 : f32
      %broadcast_in_dim3A_705 = vector.broadcast %jit3A_703 : f32 to vector<16xf32>
      %broadcast_in_dim3A_706 = vector.broadcast %jit3A_704 : f32 to vector<16xf32>
      %select_n3A_707 = arith.select %lt3A_702, %broadcast_in_dim3A_705, %broadcast_in_dim3A_706 : vector<16xi1>, vector<16xf32>
      %eq3A_708 = arith.constant 0 : i32
      %eq3A_709 = vector.broadcast %eq3A_708 : i32 to vector<16xi32>
      %eq3A_710 = arith.cmpi eq, %rem3A_691, %eq3A_709 : vector<16xi32>
      %select_n3A_711 = arith.select %eq3A_710, %gather3A_10, %gather3A_4 : vector<16xi1>, vector<16xf32>
      %mul3A_712 = arith.mulf %select_n3A_707, %gather3A_699 : vector<16xf32>
      %add3A_713 = arith.addf %gather3A_695, %mul3A_712 : vector<16xf32>
      %mul3A_714 = arith.mulf %add3A_713, %select_n3A_711 : vector<16xf32>
      %swap3A_715 = arith.constant 144 : index
      %swap3A_716 = tpu.vector_load %arg31[%swap3A_715] {strides = array<i32>} : memref<448xf32, #tpu.memory_space<vmem>>, vector<16xf32>,
      tpu.vector_store %arg31[%swap3A_715], %mul3A_714 {strides = array<i32>} : memref<448xf32, #tpu.memory_space<vmem>>, vector<16xf32>,
      %add3A_717 = arith.constant 160 : i32
      %add3A_718 = vector.broadcast %add3A_717 : i32 to vector<16xi32>
      %add3A_719 = arith.addi %add3A_718, %iota3A : vector<16xi32>
      %div3A_720 = arith.constant 4 : i32
      %div3A_721 = vector.broadcast %div3A_720 : i32 to vector<16xi32>
      %div3A_722 = arith.divsi %add3A_719, %div3A_721 : vector<16xi32>
      %rem3A_723 = arith.constant 4 : i32
      %rem3A_724 = vector.broadcast %rem3A_723 : i32 to vector<16xi32>
      %rem3A_725 = arith.remsi %add3A_719, %rem3A_724 : vector<16xi32>
      %rem3A_726 = arith.constant 2 : i32
      %rem3A_727 = vector.broadcast %rem3A_726 : i32 to vector<16xi32>
      %rem3A_728 = arith.remsi %rem3A_725, %rem3A_727 : vector<16xi32>
      %add3A_729 = arith.constant 0 : i32
      %add3A_730 = vector.broadcast %add3A_729 : i32 to vector<16xi32>
      %add3A_731 = arith.addi %add3A_730, %rem3A_728 : vector<16xi32>
      %gather3A_732 = tpu.vector_load_idx %arg28[%div3A_722, %add3A_731] : memref<112x128xf32, #tpu.memory_space<vmem>>[vector<16xi32>, vector<16xi32>], vector<16xf32>,
      %add3A_733 = arith.constant 2 : i32
      %add3A_734 = vector.broadcast %add3A_733 : i32 to vector<16xi32>
      %add3A_735 = arith.addi %add3A_734, %rem3A_728 : vector<16xi32>
      %gather3A_736 = tpu.vector_load_idx %arg28[%div3A_722, %add3A_735] : memref<112x128xf32, #tpu.memory_space<vmem>>[vector<16xi32>, vector<16xi32>], vector<16xf32>,
      %lt3A_737 = arith.constant 2 : i32
      %lt3A_738 = vector.broadcast %lt3A_737 : i32 to vector<16xi32>
      %lt3A_739 = arith.cmpi slt, %rem3A_725, %lt3A_738 : vector<16xi32>
      %jit3A_740 = arith.constant -5.000000e-01 : f32
      %jit3A_741 = arith.constant 5.000000e-01 : f32
      %broadcast_in_dim3A_742 = vector.broadcast %jit3A_740 : f32 to vector<16xf32>
      %broadcast_in_dim3A_743 = vector.broadcast %jit3A_741 : f32 to vector<16xf32>
      %select_n3A_744 = arith.select %lt3A_739, %broadcast_in_dim3A_742, %broadcast_in_dim3A_743 : vector<16xi1>, vector<16xf32>
      %eq3A_745 = arith.constant 0 : i32
      %eq3A_746 = vector.broadcast %eq3A_745 : i32 to vector<16xi32>
      %eq3A_747 = arith.cmpi eq, %rem3A_728, %eq3A_746 : vector<16xi32>
      %select_n3A_748 = arith.select %eq3A_747, %gather3A_10, %gather3A_4 : vector<16xi1>, vector<16xf32>
      %mul3A_749 = arith.mulf %select_n3A_744, %gather3A_736 : vector<16xf32>
      %add3A_750 = arith.addf %gather3A_732, %mul3A_749 : vector<16xf32>
      %mul3A_751 = arith.mulf %add3A_750, %select_n3A_748 : vector<16xf32>
      %swap3A_752 = arith.constant 160 : index
      %swap3A_753 = tpu.vector_load %arg31[%swap3A_752] {strides = array<i32>} : memref<448xf32, #tpu.memory_space<vmem>>, vector<16xf32>,
      tpu.vector_store %arg31[%swap3A_752], %mul3A_751 {strides = array<i32>} : memref<448xf32, #tpu.memory_space<vmem>>, vector<16xf32>,
      %add3A_754 = arith.constant 176 : i32
      %add3A_755 = vector.broadcast %add3A_754 : i32 to vector<16xi32>
      %add3A_756 = arith.addi %add3A_755, %iota3A : vector<16xi32>
      %div3A_757 = arith.constant 4 : i32
      %div3A_758 = vector.broadcast %div3A_757 : i32 to vector<16xi32>
      %div3A_759 = arith.divsi %add3A_756, %div3A_758 : vector<16xi32>
      %rem3A_760 = arith.constant 4 : i32
      %rem3A_761 = vector.broadcast %rem3A_760 : i32 to vector<16xi32>
      %rem3A_762 = arith.remsi %add3A_756, %rem3A_761 : vector<16xi32>
      %rem3A_763 = arith.constant 2 : i32
      %rem3A_764 = vector.broadcast %rem3A_763 : i32 to vector<16xi32>
      %rem3A_765 = arith.remsi %rem3A_762, %rem3A_764 : vector<16xi32>
      %add3A_766 = arith.constant 0 : i32
      %add3A_767 = vector.broadcast %add3A_766 : i32 to vector<16xi32>
      %add3A_768 = arith.addi %add3A_767, %rem3A_765 : vector<16xi32>
      %gather3A_769 = tpu.vector_load_idx %arg28[%div3A_759, %add3A_768] : memref<112x128xf32, #tpu.memory_space<vmem>>[vector<16xi32>, vector<16xi32>], vector<16xf32>,
      %add3A_770 = arith.constant 2 : i32
      %add3A_771 = vector.broadcast %add3A_770 : i32 to vector<16xi32>
      %add3A_772 = arith.addi %add3A_771, %rem3A_765 : vector<16xi32>
      %gather3A_773 = tpu.vector_load_idx %arg28[%div3A_759, %add3A_772] : memref<112x128xf32, #tpu.memory_space<vmem>>[vector<16xi32>, vector<16xi32>], vector<16xf32>,
      %lt3A_774 = arith.constant 2 : i32
      %lt3A_775 = vector.broadcast %lt3A_774 : i32 to vector<16xi32>
      %lt3A_776 = arith.cmpi slt, %rem3A_762, %lt3A_775 : vector<16xi32>
      %jit3A_777 = arith.constant -5.000000e-01 : f32
      %jit3A_778 = arith.constant 5.000000e-01 : f32
      %broadcast_in_dim3A_779 = vector.broadcast %jit3A_777 : f32 to vector<16xf32>
      %broadcast_in_dim3A_780 = vector.broadcast %jit3A_778 : f32 to vector<16xf32>
      %select_n3A_781 = arith.select %lt3A_776, %broadcast_in_dim3A_779, %broadcast_in_dim3A_780 : vector<16xi1>, vector<16xf32>
      %eq3A_782 = arith.constant 0 : i32
      %eq3A_783 = vector.broadcast %eq3A_782 : i32 to vector<16xi32>
      %eq3A_784 = arith.cmpi eq, %rem3A_765, %eq3A_783 : vector<16xi32>
      %select_n3A_785 = arith.select %eq3A_784, %gather3A_10, %gather3A_4 : vector<16xi1>, vector<16xf32>
      %mul3A_786 = arith.mulf %select_n3A_781, %gather3A_773 : vector<16xf32>
      %add3A_787 = arith.addf %gather3A_769, %mul3A_786 : vector<16xf32>
      %mul3A_788 = arith.mulf %add3A_787, %select_n3A_785 : vector<16xf32>
      %swap3A_789 = arith.constant 176 : index
      %swap3A_790 = tpu.vector_load %arg31[%swap3A_789] {strides = array<i32>} : memref<448xf32, #tpu.memory_space<vmem>>, vector<16xf32>,
      tpu.vector_store %arg31[%swap3A_789], %mul3A_788 {strides = array<i32>} : memref<448xf32, #tpu.memory_space<vmem>>, vector<16xf32>,
      %add3A_791 = arith.constant 192 : i32
      %add3A_792 = vector.broadcast %add3A_791 : i32 to vector<16xi32>
      %add3A_793 = arith.addi %add3A_792, %iota3A : vector<16xi32>
      %div3A_794 = arith.constant 4 : i32
      %div3A_795 = vector.broadcast %div3A_794 : i32 to vector<16xi32>
      %div3A_796 = arith.divsi %add3A_793, %div3A_795 : vector<16xi32>
      %rem3A_797 = arith.constant 4 : i32
      %rem3A_798 = vector.broadcast %rem3A_797 : i32 to vector<16xi32>
      %rem3A_799 = arith.remsi %add3A_793, %rem3A_798 : vector<16xi32>
      %rem3A_800 = arith.constant 2 : i32
      %rem3A_801 = vector.broadcast %rem3A_800 : i32 to vector<16xi32>
      %rem3A_802 = arith.remsi %rem3A_799, %rem3A_801 : vector<16xi32>
      %add3A_803 = arith.constant 0 : i32
      %add3A_804 = vector.broadcast %add3A_803 : i32 to vector<16xi32>
      %add3A_805 = arith.addi %add3A_804, %rem3A_802 : vector<16xi32>
      %gather3A_806 = tpu.vector_load_idx %arg28[%div3A_796, %add3A_805] : memref<112x128xf32, #tpu.memory_space<vmem>>[vector<16xi32>, vector<16xi32>], vector<16xf32>,
      %add3A_807 = arith.constant 2 : i32
      %add3A_808 = vector.broadcast %add3A_807 : i32 to vector<16xi32>
      %add3A_809 = arith.addi %add3A_808, %rem3A_802 : vector<16xi32>
      %gather3A_810 = tpu.vector_load_idx %arg28[%div3A_796, %add3A_809] : memref<112x128xf32, #tpu.memory_space<vmem>>[vector<16xi32>, vector<16xi32>], vector<16xf32>,
      %lt3A_811 = arith.constant 2 : i32
      %lt3A_812 = vector.broadcast %lt3A_811 : i32 to vector<16xi32>
      %lt3A_813 = arith.cmpi slt, %rem3A_799, %lt3A_812 : vector<16xi32>
      %jit3A_814 = arith.constant -5.000000e-01 : f32
      %jit3A_815 = arith.constant 5.000000e-01 : f32
      %broadcast_in_dim3A_816 = vector.broadcast %jit3A_814 : f32 to vector<16xf32>
      %broadcast_in_dim3A_817 = vector.broadcast %jit3A_815 : f32 to vector<16xf32>
      %select_n3A_818 = arith.select %lt3A_813, %broadcast_in_dim3A_816, %broadcast_in_dim3A_817 : vector<16xi1>, vector<16xf32>
      %eq3A_819 = arith.constant 0 : i32
      %eq3A_820 = vector.broadcast %eq3A_819 : i32 to vector<16xi32>
      %eq3A_821 = arith.cmpi eq, %rem3A_802, %eq3A_820 : vector<16xi32>
      %select_n3A_822 = arith.select %eq3A_821, %gather3A_10, %gather3A_4 : vector<16xi1>, vector<16xf32>
      %mul3A_823 = arith.mulf %select_n3A_818, %gather3A_810 : vector<16xf32>
      %add3A_824 = arith.addf %gather3A_806, %mul3A_823 : vector<16xf32>
      %mul3A_825 = arith.mulf %add3A_824, %select_n3A_822 : vector<16xf32>
      %swap3A_826 = arith.constant 192 : index
      %swap3A_827 = tpu.vector_load %arg31[%swap3A_826] {strides = array<i32>} : memref<448xf32, #tpu.memory_space<vmem>>, vector<16xf32>,
      tpu.vector_store %arg31[%swap3A_826], %mul3A_825 {strides = array<i32>} : memref<448xf32, #tpu.memory_space<vmem>>, vector<16xf32>,
      %add3A_828 = arith.constant 208 : i32
      %add3A_829 = vector.broadcast %add3A_828 : i32 to vector<16xi32>
      %add3A_830 = arith.addi %add3A_829, %iota3A : vector<16xi32>
      %div3A_831 = arith.constant 4 : i32
      %div3A_832 = vector.broadcast %div3A_831 : i32 to vector<16xi32>
      %div3A_833 = arith.divsi %add3A_830, %div3A_832 : vector<16xi32>
      %rem3A_834 = arith.constant 4 : i32
      %rem3A_835 = vector.broadcast %rem3A_834 : i32 to vector<16xi32>
      %rem3A_836 = arith.remsi %add3A_830, %rem3A_835 : vector<16xi32>
      %rem3A_837 = arith.constant 2 : i32
      %rem3A_838 = vector.broadcast %rem3A_837 : i32 to vector<16xi32>
      %rem3A_839 = arith.remsi %rem3A_836, %rem3A_838 : vector<16xi32>
      %add3A_840 = arith.constant 0 : i32
      %add3A_841 = vector.broadcast %add3A_840 : i32 to vector<16xi32>
      %add3A_842 = arith.addi %add3A_841, %rem3A_839 : vector<16xi32>
      %gather3A_843 = tpu.vector_load_idx %arg28[%div3A_833, %add3A_842] : memref<112x128xf32, #tpu.memory_space<vmem>>[vector<16xi32>, vector<16xi32>], vector<16xf32>,
      %add3A_844 = arith.constant 2 : i32
      %add3A_845 = vector.broadcast %add3A_844 : i32 to vector<16xi32>
      %add3A_846 = arith.addi %add3A_845, %rem3A_839 : vector<16xi32>
      %gather3A_847 = tpu.vector_load_idx %arg28[%div3A_833, %add3A_846] : memref<112x128xf32, #tpu.memory_space<vmem>>[vector<16xi32>, vector<16xi32>], vector<16xf32>,
      %lt3A_848 = arith.constant 2 : i32
      %lt3A_849 = vector.broadcast %lt3A_848 : i32 to vector<16xi32>
      %lt3A_850 = arith.cmpi slt, %rem3A_836, %lt3A_849 : vector<16xi32>
      %jit3A_851 = arith.constant -5.000000e-01 : f32
      %jit3A_852 = arith.constant 5.000000e-01 : f32
      %broadcast_in_dim3A_853 = vector.broadcast %jit3A_851 : f32 to vector<16xf32>
      %broadcast_in_dim3A_854 = vector.broadcast %jit3A_852 : f32 to vector<16xf32>
      %select_n3A_855 = arith.select %lt3A_850, %broadcast_in_dim3A_853, %broadcast_in_dim3A_854 : vector<16xi1>, vector<16xf32>
      %eq3A_856 = arith.constant 0 : i32
      %eq3A_857 = vector.broadcast %eq3A_856 : i32 to vector<16xi32>
      %eq3A_858 = arith.cmpi eq, %rem3A_839, %eq3A_857 : vector<16xi32>
      %select_n3A_859 = arith.select %eq3A_858, %gather3A_10, %gather3A_4 : vector<16xi1>, vector<16xf32>
      %mul3A_860 = arith.mulf %select_n3A_855, %gather3A_847 : vector<16xf32>
      %add3A_861 = arith.addf %gather3A_843, %mul3A_860 : vector<16xf32>
      %mul3A_862 = arith.mulf %add3A_861, %select_n3A_859 : vector<16xf32>
      %swap3A_863 = arith.constant 208 : index
      %swap3A_864 = tpu.vector_load %arg31[%swap3A_863] {strides = array<i32>} : memref<448xf32, #tpu.memory_space<vmem>>, vector<16xf32>,
      tpu.vector_store %arg31[%swap3A_863], %mul3A_862 {strides = array<i32>} : memref<448xf32, #tpu.memory_space<vmem>>, vector<16xf32>,
      %add3A_865 = arith.constant 224 : i32
      %add3A_866 = vector.broadcast %add3A_865 : i32 to vector<16xi32>
      %add3A_867 = arith.addi %add3A_866, %iota3A : vector<16xi32>
      %div3A_868 = arith.constant 4 : i32
      %div3A_869 = vector.broadcast %div3A_868 : i32 to vector<16xi32>
      %div3A_870 = arith.divsi %add3A_867, %div3A_869 : vector<16xi32>
      %rem3A_871 = arith.constant 4 : i32
      %rem3A_872 = vector.broadcast %rem3A_871 : i32 to vector<16xi32>
      %rem3A_873 = arith.remsi %add3A_867, %rem3A_872 : vector<16xi32>
      %rem3A_874 = arith.constant 2 : i32
      %rem3A_875 = vector.broadcast %rem3A_874 : i32 to vector<16xi32>
      %rem3A_876 = arith.remsi %rem3A_873, %rem3A_875 : vector<16xi32>
      %add3A_877 = arith.constant 0 : i32
      %add3A_878 = vector.broadcast %add3A_877 : i32 to vector<16xi32>
      %add3A_879 = arith.addi %add3A_878, %rem3A_876 : vector<16xi32>
      %gather3A_880 = tpu.vector_load_idx %arg28[%div3A_870, %add3A_879] : memref<112x128xf32, #tpu.memory_space<vmem>>[vector<16xi32>, vector<16xi32>], vector<16xf32>,
      %add3A_881 = arith.constant 2 : i32
      %add3A_882 = vector.broadcast %add3A_881 : i32 to vector<16xi32>
      %add3A_883 = arith.addi %add3A_882, %rem3A_876 : vector<16xi32>
      %gather3A_884 = tpu.vector_load_idx %arg28[%div3A_870, %add3A_883] : memref<112x128xf32, #tpu.memory_space<vmem>>[vector<16xi32>, vector<16xi32>], vector<16xf32>,
      %lt3A_885 = arith.constant 2 : i32
      %lt3A_886 = vector.broadcast %lt3A_885 : i32 to vector<16xi32>
      %lt3A_887 = arith.cmpi slt, %rem3A_873, %lt3A_886 : vector<16xi32>
      %jit3A_888 = arith.constant -5.000000e-01 : f32
      %jit3A_889 = arith.constant 5.000000e-01 : f32
      %broadcast_in_dim3A_890 = vector.broadcast %jit3A_888 : f32 to vector<16xf32>
      %broadcast_in_dim3A_891 = vector.broadcast %jit3A_889 : f32 to vector<16xf32>
      %select_n3A_892 = arith.select %lt3A_887, %broadcast_in_dim3A_890, %broadcast_in_dim3A_891 : vector<16xi1>, vector<16xf32>
      %eq3A_893 = arith.constant 0 : i32
      %eq3A_894 = vector.broadcast %eq3A_893 : i32 to vector<16xi32>
      %eq3A_895 = arith.cmpi eq, %rem3A_876, %eq3A_894 : vector<16xi32>
      %select_n3A_896 = arith.select %eq3A_895, %gather3A_10, %gather3A_4 : vector<16xi1>, vector<16xf32>
      %mul3A_897 = arith.mulf %select_n3A_892, %gather3A_884 : vector<16xf32>
      %add3A_898 = arith.addf %gather3A_880, %mul3A_897 : vector<16xf32>
      %mul3A_899 = arith.mulf %add3A_898, %select_n3A_896 : vector<16xf32>
      %swap3A_900 = arith.constant 224 : index
      %swap3A_901 = tpu.vector_load %arg31[%swap3A_900] {strides = array<i32>} : memref<448xf32, #tpu.memory_space<vmem>>, vector<16xf32>,
      tpu.vector_store %arg31[%swap3A_900], %mul3A_899 {strides = array<i32>} : memref<448xf32, #tpu.memory_space<vmem>>, vector<16xf32>,
      %add3A_902 = arith.constant 240 : i32
      %add3A_903 = vector.broadcast %add3A_902 : i32 to vector<16xi32>
      %add3A_904 = arith.addi %add3A_903, %iota3A : vector<16xi32>
      %div3A_905 = arith.constant 4 : i32
      %div3A_906 = vector.broadcast %div3A_905 : i32 to vector<16xi32>
      %div3A_907 = arith.divsi %add3A_904, %div3A_906 : vector<16xi32>
      %rem3A_908 = arith.constant 4 : i32
      %rem3A_909 = vector.broadcast %rem3A_908 : i32 to vector<16xi32>
      %rem3A_910 = arith.remsi %add3A_904, %rem3A_909 : vector<16xi32>
      %rem3A_911 = arith.constant 2 : i32
      %rem3A_912 = vector.broadcast %rem3A_911 : i32 to vector<16xi32>
      %rem3A_913 = arith.remsi %rem3A_910, %rem3A_912 : vector<16xi32>
      %add3A_914 = arith.constant 0 : i32
      %add3A_915 = vector.broadcast %add3A_914 : i32 to vector<16xi32>
      %add3A_916 = arith.addi %add3A_915, %rem3A_913 : vector<16xi32>
      %gather3A_917 = tpu.vector_load_idx %arg28[%div3A_907, %add3A_916] : memref<112x128xf32, #tpu.memory_space<vmem>>[vector<16xi32>, vector<16xi32>], vector<16xf32>,
      %add3A_918 = arith.constant 2 : i32
      %add3A_919 = vector.broadcast %add3A_918 : i32 to vector<16xi32>
      %add3A_920 = arith.addi %add3A_919, %rem3A_913 : vector<16xi32>
      %gather3A_921 = tpu.vector_load_idx %arg28[%div3A_907, %add3A_920] : memref<112x128xf32, #tpu.memory_space<vmem>>[vector<16xi32>, vector<16xi32>], vector<16xf32>,
      %lt3A_922 = arith.constant 2 : i32
      %lt3A_923 = vector.broadcast %lt3A_922 : i32 to vector<16xi32>
      %lt3A_924 = arith.cmpi slt, %rem3A_910, %lt3A_923 : vector<16xi32>
      %jit3A_925 = arith.constant -5.000000e-01 : f32
      %jit3A_926 = arith.constant 5.000000e-01 : f32
      %broadcast_in_dim3A_927 = vector.broadcast %jit3A_925 : f32 to vector<16xf32>
      %broadcast_in_dim3A_928 = vector.broadcast %jit3A_926 : f32 to vector<16xf32>
      %select_n3A_929 = arith.select %lt3A_924, %broadcast_in_dim3A_927, %broadcast_in_dim3A_928 : vector<16xi1>, vector<16xf32>
      %eq3A_930 = arith.constant 0 : i32
      %eq3A_931 = vector.broadcast %eq3A_930 : i32 to vector<16xi32>
      %eq3A_932 = arith.cmpi eq, %rem3A_913, %eq3A_931 : vector<16xi32>
      %select_n3A_933 = arith.select %eq3A_932, %gather3A_10, %gather3A_4 : vector<16xi1>, vector<16xf32>
      %mul3A_934 = arith.mulf %select_n3A_929, %gather3A_921 : vector<16xf32>
      %add3A_935 = arith.addf %gather3A_917, %mul3A_934 : vector<16xf32>
      %mul3A_936 = arith.mulf %add3A_935, %select_n3A_933 : vector<16xf32>
      %swap3A_937 = arith.constant 240 : index
      %swap3A_938 = tpu.vector_load %arg31[%swap3A_937] {strides = array<i32>} : memref<448xf32, #tpu.memory_space<vmem>>, vector<16xf32>,
      tpu.vector_store %arg31[%swap3A_937], %mul3A_936 {strides = array<i32>} : memref<448xf32, #tpu.memory_space<vmem>>, vector<16xf32>,
      %add3A_939 = arith.constant 256 : i32
      %add3A_940 = vector.broadcast %add3A_939 : i32 to vector<16xi32>
      %add3A_941 = arith.addi %add3A_940, %iota3A : vector<16xi32>
      %div3A_942 = arith.constant 4 : i32
      %div3A_943 = vector.broadcast %div3A_942 : i32 to vector<16xi32>
      %div3A_944 = arith.divsi %add3A_941, %div3A_943 : vector<16xi32>
      %rem3A_945 = arith.constant 4 : i32
      %rem3A_946 = vector.broadcast %rem3A_945 : i32 to vector<16xi32>
      %rem3A_947 = arith.remsi %add3A_941, %rem3A_946 : vector<16xi32>
      %rem3A_948 = arith.constant 2 : i32
      %rem3A_949 = vector.broadcast %rem3A_948 : i32 to vector<16xi32>
      %rem3A_950 = arith.remsi %rem3A_947, %rem3A_949 : vector<16xi32>
      %add3A_951 = arith.constant 0 : i32
      %add3A_952 = vector.broadcast %add3A_951 : i32 to vector<16xi32>
      %add3A_953 = arith.addi %add3A_952, %rem3A_950 : vector<16xi32>
      %gather3A_954 = tpu.vector_load_idx %arg28[%div3A_944, %add3A_953] : memref<112x128xf32, #tpu.memory_space<vmem>>[vector<16xi32>, vector<16xi32>], vector<16xf32>,
      %add3A_955 = arith.constant 2 : i32
      %add3A_956 = vector.broadcast %add3A_955 : i32 to vector<16xi32>
      %add3A_957 = arith.addi %add3A_956, %rem3A_950 : vector<16xi32>
      %gather3A_958 = tpu.vector_load_idx %arg28[%div3A_944, %add3A_957] : memref<112x128xf32, #tpu.memory_space<vmem>>[vector<16xi32>, vector<16xi32>], vector<16xf32>,
      %lt3A_959 = arith.constant 2 : i32
      %lt3A_960 = vector.broadcast %lt3A_959 : i32 to vector<16xi32>
      %lt3A_961 = arith.cmpi slt, %rem3A_947, %lt3A_960 : vector<16xi32>
      %jit3A_962 = arith.constant -5.000000e-01 : f32
      %jit3A_963 = arith.constant 5.000000e-01 : f32
      %broadcast_in_dim3A_964 = vector.broadcast %jit3A_962 : f32 to vector<16xf32>
      %broadcast_in_dim3A_965 = vector.broadcast %jit3A_963 : f32 to vector<16xf32>
      %select_n3A_966 = arith.select %lt3A_961, %broadcast_in_dim3A_964, %broadcast_in_dim3A_965 : vector<16xi1>, vector<16xf32>
      %eq3A_967 = arith.constant 0 : i32
      %eq3A_968 = vector.broadcast %eq3A_967 : i32 to vector<16xi32>
      %eq3A_969 = arith.cmpi eq, %rem3A_950, %eq3A_968 : vector<16xi32>
      %select_n3A_970 = arith.select %eq3A_969, %gather3A_10, %gather3A_4 : vector<16xi1>, vector<16xf32>
      %mul3A_971 = arith.mulf %select_n3A_966, %gather3A_958 : vector<16xf32>
      %add3A_972 = arith.addf %gather3A_954, %mul3A_971 : vector<16xf32>
      %mul3A_973 = arith.mulf %add3A_972, %select_n3A_970 : vector<16xf32>
      %swap3A_974 = arith.constant 256 : index
      %swap3A_975 = tpu.vector_load %arg31[%swap3A_974] {strides = array<i32>} : memref<448xf32, #tpu.memory_space<vmem>>, vector<16xf32>,
      tpu.vector_store %arg31[%swap3A_974], %mul3A_973 {strides = array<i32>} : memref<448xf32, #tpu.memory_space<vmem>>, vector<16xf32>,
      %add3A_976 = arith.constant 272 : i32
      %add3A_977 = vector.broadcast %add3A_976 : i32 to vector<16xi32>
      %add3A_978 = arith.addi %add3A_977, %iota3A : vector<16xi32>
      %div3A_979 = arith.constant 4 : i32
      %div3A_980 = vector.broadcast %div3A_979 : i32 to vector<16xi32>
      %div3A_981 = arith.divsi %add3A_978, %div3A_980 : vector<16xi32>
      %rem3A_982 = arith.constant 4 : i32
      %rem3A_983 = vector.broadcast %rem3A_982 : i32 to vector<16xi32>
      %rem3A_984 = arith.remsi %add3A_978, %rem3A_983 : vector<16xi32>
      %rem3A_985 = arith.constant 2 : i32
      %rem3A_986 = vector.broadcast %rem3A_985 : i32 to vector<16xi32>
      %rem3A_987 = arith.remsi %rem3A_984, %rem3A_986 : vector<16xi32>
      %add3A_988 = arith.constant 0 : i32
      %add3A_989 = vector.broadcast %add3A_988 : i32 to vector<16xi32>
      %add3A_990 = arith.addi %add3A_989, %rem3A_987 : vector<16xi32>
      %gather3A_991 = tpu.vector_load_idx %arg28[%div3A_981, %add3A_990] : memref<112x128xf32, #tpu.memory_space<vmem>>[vector<16xi32>, vector<16xi32>], vector<16xf32>,
      %add3A_992 = arith.constant 2 : i32
      %add3A_993 = vector.broadcast %add3A_992 : i32 to vector<16xi32>
      %add3A_994 = arith.addi %add3A_993, %rem3A_987 : vector<16xi32>
      %gather3A_995 = tpu.vector_load_idx %arg28[%div3A_981, %add3A_994] : memref<112x128xf32, #tpu.memory_space<vmem>>[vector<16xi32>, vector<16xi32>], vector<16xf32>,
      %lt3A_996 = arith.constant 2 : i32
      %lt3A_997 = vector.broadcast %lt3A_996 : i32 to vector<16xi32>
      %lt3A_998 = arith.cmpi slt, %rem3A_984, %lt3A_997 : vector<16xi32>
      %jit3A_999 = arith.constant -5.000000e-01 : f32
      %jit3A_1000 = arith.constant 5.000000e-01 : f32
      %broadcast_in_dim3A_1001 = vector.broadcast %jit3A_999 : f32 to vector<16xf32>
      %broadcast_in_dim3A_1002 = vector.broadcast %jit3A_1000 : f32 to vector<16xf32>
      %select_n3A_1003 = arith.select %lt3A_998, %broadcast_in_dim3A_1001, %broadcast_in_dim3A_1002 : vector<16xi1>, vector<16xf32>
      %eq3A_1004 = arith.constant 0 : i32
      %eq3A_1005 = vector.broadcast %eq3A_1004 : i32 to vector<16xi32>
      %eq3A_1006 = arith.cmpi eq, %rem3A_987, %eq3A_1005 : vector<16xi32>
      %select_n3A_1007 = arith.select %eq3A_1006, %gather3A_10, %gather3A_4 : vector<16xi1>, vector<16xf32>
      %mul3A_1008 = arith.mulf %select_n3A_1003, %gather3A_995 : vector<16xf32>
      %add3A_1009 = arith.addf %gather3A_991, %mul3A_1008 : vector<16xf32>
      %mul3A_1010 = arith.mulf %add3A_1009, %select_n3A_1007 : vector<16xf32>
      %swap3A_1011 = arith.constant 272 : index
      %swap3A_1012 = tpu.vector_load %arg31[%swap3A_1011] {strides = array<i32>} : memref<448xf32, #tpu.memory_space<vmem>>, vector<16xf32>,
      tpu.vector_store %arg31[%swap3A_1011], %mul3A_1010 {strides = array<i32>} : memref<448xf32, #tpu.memory_space<vmem>>, vector<16xf32>,
      %add3A_1013 = arith.constant 288 : i32
      %add3A_1014 = vector.broadcast %add3A_1013 : i32 to vector<16xi32>
      %add3A_1015 = arith.addi %add3A_1014, %iota3A : vector<16xi32>
      %div3A_1016 = arith.constant 4 : i32
      %div3A_1017 = vector.broadcast %div3A_1016 : i32 to vector<16xi32>
      %div3A_1018 = arith.divsi %add3A_1015, %div3A_1017 : vector<16xi32>
      %rem3A_1019 = arith.constant 4 : i32
      %rem3A_1020 = vector.broadcast %rem3A_1019 : i32 to vector<16xi32>
      %rem3A_1021 = arith.remsi %add3A_1015, %rem3A_1020 : vector<16xi32>
      %rem3A_1022 = arith.constant 2 : i32
      %rem3A_1023 = vector.broadcast %rem3A_1022 : i32 to vector<16xi32>
      %rem3A_1024 = arith.remsi %rem3A_1021, %rem3A_1023 : vector<16xi32>
      %add3A_1025 = arith.constant 0 : i32
      %add3A_1026 = vector.broadcast %add3A_1025 : i32 to vector<16xi32>
      %add3A_1027 = arith.addi %add3A_1026, %rem3A_1024 : vector<16xi32>
      %gather3A_1028 = tpu.vector_load_idx %arg28[%div3A_1018, %add3A_1027] : memref<112x128xf32, #tpu.memory_space<vmem>>[vector<16xi32>, vector<16xi32>], vector<16xf32>,
      %add3A_1029 = arith.constant 2 : i32
      %add3A_1030 = vector.broadcast %add3A_1029 : i32 to vector<16xi32>
      %add3A_1031 = arith.addi %add3A_1030, %rem3A_1024 : vector<16xi32>
      %gather3A_1032 = tpu.vector_load_idx %arg28[%div3A_1018, %add3A_1031] : memref<112x128xf32, #tpu.memory_space<vmem>>[vector<16xi32>, vector<16xi32>], vector<16xf32>,
      %lt3A_1033 = arith.constant 2 : i32
      %lt3A_1034 = vector.broadcast %lt3A_1033 : i32 to vector<16xi32>
      %lt3A_1035 = arith.cmpi slt, %rem3A_1021, %lt3A_1034 : vector<16xi32>
      %jit3A_1036 = arith.constant -5.000000e-01 : f32
      %jit3A_1037 = arith.constant 5.000000e-01 : f32
      %broadcast_in_dim3A_1038 = vector.broadcast %jit3A_1036 : f32 to vector<16xf32>
      %broadcast_in_dim3A_1039 = vector.broadcast %jit3A_1037 : f32 to vector<16xf32>
      %select_n3A_1040 = arith.select %lt3A_1035, %broadcast_in_dim3A_1038, %broadcast_in_dim3A_1039 : vector<16xi1>, vector<16xf32>
      %eq3A_1041 = arith.constant 0 : i32
      %eq3A_1042 = vector.broadcast %eq3A_1041 : i32 to vector<16xi32>
      %eq3A_1043 = arith.cmpi eq, %rem3A_1024, %eq3A_1042 : vector<16xi32>
      %select_n3A_1044 = arith.select %eq3A_1043, %gather3A_10, %gather3A_4 : vector<16xi1>, vector<16xf32>
      %mul3A_1045 = arith.mulf %select_n3A_1040, %gather3A_1032 : vector<16xf32>
      %add3A_1046 = arith.addf %gather3A_1028, %mul3A_1045 : vector<16xf32>
      %mul3A_1047 = arith.mulf %add3A_1046, %select_n3A_1044 : vector<16xf32>
      %swap3A_1048 = arith.constant 288 : index
      %swap3A_1049 = tpu.vector_load %arg31[%swap3A_1048] {strides = array<i32>} : memref<448xf32, #tpu.memory_space<vmem>>, vector<16xf32>,
      tpu.vector_store %arg31[%swap3A_1048], %mul3A_1047 {strides = array<i32>} : memref<448xf32, #tpu.memory_space<vmem>>, vector<16xf32>,
      %add3A_1050 = arith.constant 304 : i32
      %add3A_1051 = vector.broadcast %add3A_1050 : i32 to vector<16xi32>
      %add3A_1052 = arith.addi %add3A_1051, %iota3A : vector<16xi32>
      %div3A_1053 = arith.constant 4 : i32
      %div3A_1054 = vector.broadcast %div3A_1053 : i32 to vector<16xi32>
      %div3A_1055 = arith.divsi %add3A_1052, %div3A_1054 : vector<16xi32>
      %rem3A_1056 = arith.constant 4 : i32
      %rem3A_1057 = vector.broadcast %rem3A_1056 : i32 to vector<16xi32>
      %rem3A_1058 = arith.remsi %add3A_1052, %rem3A_1057 : vector<16xi32>
      %rem3A_1059 = arith.constant 2 : i32
      %rem3A_1060 = vector.broadcast %rem3A_1059 : i32 to vector<16xi32>
      %rem3A_1061 = arith.remsi %rem3A_1058, %rem3A_1060 : vector<16xi32>
      %add3A_1062 = arith.constant 0 : i32
      %add3A_1063 = vector.broadcast %add3A_1062 : i32 to vector<16xi32>
      %add3A_1064 = arith.addi %add3A_1063, %rem3A_1061 : vector<16xi32>
      %gather3A_1065 = tpu.vector_load_idx %arg28[%div3A_1055, %add3A_1064] : memref<112x128xf32, #tpu.memory_space<vmem>>[vector<16xi32>, vector<16xi32>], vector<16xf32>,
      %add3A_1066 = arith.constant 2 : i32
      %add3A_1067 = vector.broadcast %add3A_1066 : i32 to vector<16xi32>
      %add3A_1068 = arith.addi %add3A_1067, %rem3A_1061 : vector<16xi32>
      %gather3A_1069 = tpu.vector_load_idx %arg28[%div3A_1055, %add3A_1068] : memref<112x128xf32, #tpu.memory_space<vmem>>[vector<16xi32>, vector<16xi32>], vector<16xf32>,
      %lt3A_1070 = arith.constant 2 : i32
      %lt3A_1071 = vector.broadcast %lt3A_1070 : i32 to vector<16xi32>
      %lt3A_1072 = arith.cmpi slt, %rem3A_1058, %lt3A_1071 : vector<16xi32>
      %jit3A_1073 = arith.constant -5.000000e-01 : f32
      %jit3A_1074 = arith.constant 5.000000e-01 : f32
      %broadcast_in_dim3A_1075 = vector.broadcast %jit3A_1073 : f32 to vector<16xf32>
      %broadcast_in_dim3A_1076 = vector.broadcast %jit3A_1074 : f32 to vector<16xf32>
      %select_n3A_1077 = arith.select %lt3A_1072, %broadcast_in_dim3A_1075, %broadcast_in_dim3A_1076 : vector<16xi1>, vector<16xf32>
      %eq3A_1078 = arith.constant 0 : i32
      %eq3A_1079 = vector.broadcast %eq3A_1078 : i32 to vector<16xi32>
      %eq3A_1080 = arith.cmpi eq, %rem3A_1061, %eq3A_1079 : vector<16xi32>
      %select_n3A_1081 = arith.select %eq3A_1080, %gather3A_10, %gather3A_4 : vector<16xi1>, vector<16xf32>
      %mul3A_1082 = arith.mulf %select_n3A_1077, %gather3A_1069 : vector<16xf32>
      %add3A_1083 = arith.addf %gather3A_1065, %mul3A_1082 : vector<16xf32>
      %mul3A_1084 = arith.mulf %add3A_1083, %select_n3A_1081 : vector<16xf32>
      %swap3A_1085 = arith.constant 304 : index
      %swap3A_1086 = tpu.vector_load %arg31[%swap3A_1085] {strides = array<i32>} : memref<448xf32, #tpu.memory_space<vmem>>, vector<16xf32>,
      tpu.vector_store %arg31[%swap3A_1085], %mul3A_1084 {strides = array<i32>} : memref<448xf32, #tpu.memory_space<vmem>>, vector<16xf32>,
      %add3A_1087 = arith.constant 320 : i32
      %add3A_1088 = vector.broadcast %add3A_1087 : i32 to vector<16xi32>
      %add3A_1089 = arith.addi %add3A_1088, %iota3A : vector<16xi32>
      %div3A_1090 = arith.constant 4 : i32
      %div3A_1091 = vector.broadcast %div3A_1090 : i32 to vector<16xi32>
      %div3A_1092 = arith.divsi %add3A_1089, %div3A_1091 : vector<16xi32>
      %rem3A_1093 = arith.constant 4 : i32
      %rem3A_1094 = vector.broadcast %rem3A_1093 : i32 to vector<16xi32>
      %rem3A_1095 = arith.remsi %add3A_1089, %rem3A_1094 : vector<16xi32>
      %rem3A_1096 = arith.constant 2 : i32
      %rem3A_1097 = vector.broadcast %rem3A_1096 : i32 to vector<16xi32>
      %rem3A_1098 = arith.remsi %rem3A_1095, %rem3A_1097 : vector<16xi32>
      %add3A_1099 = arith.constant 0 : i32
      %add3A_1100 = vector.broadcast %add3A_1099 : i32 to vector<16xi32>
      %add3A_1101 = arith.addi %add3A_1100, %rem3A_1098 : vector<16xi32>
      %gather3A_1102 = tpu.vector_load_idx %arg28[%div3A_1092, %add3A_1101] : memref<112x128xf32, #tpu.memory_space<vmem>>[vector<16xi32>, vector<16xi32>], vector<16xf32>,
      %add3A_1103 = arith.constant 2 : i32
      %add3A_1104 = vector.broadcast %add3A_1103 : i32 to vector<16xi32>
      %add3A_1105 = arith.addi %add3A_1104, %rem3A_1098 : vector<16xi32>
      %gather3A_1106 = tpu.vector_load_idx %arg28[%div3A_1092, %add3A_1105] : memref<112x128xf32, #tpu.memory_space<vmem>>[vector<16xi32>, vector<16xi32>], vector<16xf32>,
      %lt3A_1107 = arith.constant 2 : i32
      %lt3A_1108 = vector.broadcast %lt3A_1107 : i32 to vector<16xi32>
      %lt3A_1109 = arith.cmpi slt, %rem3A_1095, %lt3A_1108 : vector<16xi32>
      %jit3A_1110 = arith.constant -5.000000e-01 : f32
      %jit3A_1111 = arith.constant 5.000000e-01 : f32
      %broadcast_in_dim3A_1112 = vector.broadcast %jit3A_1110 : f32 to vector<16xf32>
      %broadcast_in_dim3A_1113 = vector.broadcast %jit3A_1111 : f32 to vector<16xf32>
      %select_n3A_1114 = arith.select %lt3A_1109, %broadcast_in_dim3A_1112, %broadcast_in_dim3A_1113 : vector<16xi1>, vector<16xf32>
      %eq3A_1115 = arith.constant 0 : i32
      %eq3A_1116 = vector.broadcast %eq3A_1115 : i32 to vector<16xi32>
      %eq3A_1117 = arith.cmpi eq, %rem3A_1098, %eq3A_1116 : vector<16xi32>
      %select_n3A_1118 = arith.select %eq3A_1117, %gather3A_10, %gather3A_4 : vector<16xi1>, vector<16xf32>
      %mul3A_1119 = arith.mulf %select_n3A_1114, %gather3A_1106 : vector<16xf32>
      %add3A_1120 = arith.addf %gather3A_1102, %mul3A_1119 : vector<16xf32>
      %mul3A_1121 = arith.mulf %add3A_1120, %select_n3A_1118 : vector<16xf32>
      %swap3A_1122 = arith.constant 320 : index
      %swap3A_1123 = tpu.vector_load %arg31[%swap3A_1122] {strides = array<i32>} : memref<448xf32, #tpu.memory_space<vmem>>, vector<16xf32>,
      tpu.vector_store %arg31[%swap3A_1122], %mul3A_1121 {strides = array<i32>} : memref<448xf32, #tpu.memory_space<vmem>>, vector<16xf32>,
      %add3A_1124 = arith.constant 336 : i32
      %add3A_1125 = vector.broadcast %add3A_1124 : i32 to vector<16xi32>
      %add3A_1126 = arith.addi %add3A_1125, %iota3A : vector<16xi32>
      %div3A_1127 = arith.constant 4 : i32
      %div3A_1128 = vector.broadcast %div3A_1127 : i32 to vector<16xi32>
      %div3A_1129 = arith.divsi %add3A_1126, %div3A_1128 : vector<16xi32>
      %rem3A_1130 = arith.constant 4 : i32
      %rem3A_1131 = vector.broadcast %rem3A_1130 : i32 to vector<16xi32>
      %rem3A_1132 = arith.remsi %add3A_1126, %rem3A_1131 : vector<16xi32>
      %rem3A_1133 = arith.constant 2 : i32
      %rem3A_1134 = vector.broadcast %rem3A_1133 : i32 to vector<16xi32>
      %rem3A_1135 = arith.remsi %rem3A_1132, %rem3A_1134 : vector<16xi32>
      %add3A_1136 = arith.constant 0 : i32
      %add3A_1137 = vector.broadcast %add3A_1136 : i32 to vector<16xi32>
      %add3A_1138 = arith.addi %add3A_1137, %rem3A_1135 : vector<16xi32>
      %gather3A_1139 = tpu.vector_load_idx %arg28[%div3A_1129, %add3A_1138] : memref<112x128xf32, #tpu.memory_space<vmem>>[vector<16xi32>, vector<16xi32>], vector<16xf32>,
      %add3A_1140 = arith.constant 2 : i32
      %add3A_1141 = vector.broadcast %add3A_1140 : i32 to vector<16xi32>
      %add3A_1142 = arith.addi %add3A_1141, %rem3A_1135 : vector<16xi32>
      %gather3A_1143 = tpu.vector_load_idx %arg28[%div3A_1129, %add3A_1142] : memref<112x128xf32, #tpu.memory_space<vmem>>[vector<16xi32>, vector<16xi32>], vector<16xf32>,
      %lt3A_1144 = arith.constant 2 : i32
      %lt3A_1145 = vector.broadcast %lt3A_1144 : i32 to vector<16xi32>
      %lt3A_1146 = arith.cmpi slt, %rem3A_1132, %lt3A_1145 : vector<16xi32>
      %jit3A_1147 = arith.constant -5.000000e-01 : f32
      %jit3A_1148 = arith.constant 5.000000e-01 : f32
      %broadcast_in_dim3A_1149 = vector.broadcast %jit3A_1147 : f32 to vector<16xf32>
      %broadcast_in_dim3A_1150 = vector.broadcast %jit3A_1148 : f32 to vector<16xf32>
      %select_n3A_1151 = arith.select %lt3A_1146, %broadcast_in_dim3A_1149, %broadcast_in_dim3A_1150 : vector<16xi1>, vector<16xf32>
      %eq3A_1152 = arith.constant 0 : i32
      %eq3A_1153 = vector.broadcast %eq3A_1152 : i32 to vector<16xi32>
      %eq3A_1154 = arith.cmpi eq, %rem3A_1135, %eq3A_1153 : vector<16xi32>
      %select_n3A_1155 = arith.select %eq3A_1154, %gather3A_10, %gather3A_4 : vector<16xi1>, vector<16xf32>
      %mul3A_1156 = arith.mulf %select_n3A_1151, %gather3A_1143 : vector<16xf32>
      %add3A_1157 = arith.addf %gather3A_1139, %mul3A_1156 : vector<16xf32>
      %mul3A_1158 = arith.mulf %add3A_1157, %select_n3A_1155 : vector<16xf32>
      %swap3A_1159 = arith.constant 336 : index
      %swap3A_1160 = tpu.vector_load %arg31[%swap3A_1159] {strides = array<i32>} : memref<448xf32, #tpu.memory_space<vmem>>, vector<16xf32>,
      tpu.vector_store %arg31[%swap3A_1159], %mul3A_1158 {strides = array<i32>} : memref<448xf32, #tpu.memory_space<vmem>>, vector<16xf32>,
      %add3A_1161 = arith.constant 352 : i32
      %add3A_1162 = vector.broadcast %add3A_1161 : i32 to vector<16xi32>
      %add3A_1163 = arith.addi %add3A_1162, %iota3A : vector<16xi32>
      %div3A_1164 = arith.constant 4 : i32
      %div3A_1165 = vector.broadcast %div3A_1164 : i32 to vector<16xi32>
      %div3A_1166 = arith.divsi %add3A_1163, %div3A_1165 : vector<16xi32>
      %rem3A_1167 = arith.constant 4 : i32
      %rem3A_1168 = vector.broadcast %rem3A_1167 : i32 to vector<16xi32>
      %rem3A_1169 = arith.remsi %add3A_1163, %rem3A_1168 : vector<16xi32>
      %rem3A_1170 = arith.constant 2 : i32
      %rem3A_1171 = vector.broadcast %rem3A_1170 : i32 to vector<16xi32>
      %rem3A_1172 = arith.remsi %rem3A_1169, %rem3A_1171 : vector<16xi32>
      %add3A_1173 = arith.constant 0 : i32
      %add3A_1174 = vector.broadcast %add3A_1173 : i32 to vector<16xi32>
      %add3A_1175 = arith.addi %add3A_1174, %rem3A_1172 : vector<16xi32>
      %gather3A_1176 = tpu.vector_load_idx %arg28[%div3A_1166, %add3A_1175] : memref<112x128xf32, #tpu.memory_space<vmem>>[vector<16xi32>, vector<16xi32>], vector<16xf32>,
      %add3A_1177 = arith.constant 2 : i32
      %add3A_1178 = vector.broadcast %add3A_1177 : i32 to vector<16xi32>
      %add3A_1179 = arith.addi %add3A_1178, %rem3A_1172 : vector<16xi32>
      %gather3A_1180 = tpu.vector_load_idx %arg28[%div3A_1166, %add3A_1179] : memref<112x128xf32, #tpu.memory_space<vmem>>[vector<16xi32>, vector<16xi32>], vector<16xf32>,
      %lt3A_1181 = arith.constant 2 : i32
      %lt3A_1182 = vector.broadcast %lt3A_1181 : i32 to vector<16xi32>
      %lt3A_1183 = arith.cmpi slt, %rem3A_1169, %lt3A_1182 : vector<16xi32>
      %jit3A_1184 = arith.constant -5.000000e-01 : f32
      %jit3A_1185 = arith.constant 5.000000e-01 : f32
      %broadcast_in_dim3A_1186 = vector.broadcast %jit3A_1184 : f32 to vector<16xf32>
      %broadcast_in_dim3A_1187 = vector.broadcast %jit3A_1185 : f32 to vector<16xf32>
      %select_n3A_1188 = arith.select %lt3A_1183, %broadcast_in_dim3A_1186, %broadcast_in_dim3A_1187 : vector<16xi1>, vector<16xf32>
      %eq3A_1189 = arith.constant 0 : i32
      %eq3A_1190 = vector.broadcast %eq3A_1189 : i32 to vector<16xi32>
      %eq3A_1191 = arith.cmpi eq, %rem3A_1172, %eq3A_1190 : vector<16xi32>
      %select_n3A_1192 = arith.select %eq3A_1191, %gather3A_10, %gather3A_4 : vector<16xi1>, vector<16xf32>
      %mul3A_1193 = arith.mulf %select_n3A_1188, %gather3A_1180 : vector<16xf32>
      %add3A_1194 = arith.addf %gather3A_1176, %mul3A_1193 : vector<16xf32>
      %mul3A_1195 = arith.mulf %add3A_1194, %select_n3A_1192 : vector<16xf32>
      %swap3A_1196 = arith.constant 352 : index
      %swap3A_1197 = tpu.vector_load %arg31[%swap3A_1196] {strides = array<i32>} : memref<448xf32, #tpu.memory_space<vmem>>, vector<16xf32>,
      tpu.vector_store %arg31[%swap3A_1196], %mul3A_1195 {strides = array<i32>} : memref<448xf32, #tpu.memory_space<vmem>>, vector<16xf32>,
      %add3A_1198 = arith.constant 368 : i32
      %add3A_1199 = vector.broadcast %add3A_1198 : i32 to vector<16xi32>
      %add3A_1200 = arith.addi %add3A_1199, %iota3A : vector<16xi32>
      %div3A_1201 = arith.constant 4 : i32
      %div3A_1202 = vector.broadcast %div3A_1201 : i32 to vector<16xi32>
      %div3A_1203 = arith.divsi %add3A_1200, %div3A_1202 : vector<16xi32>
      %rem3A_1204 = arith.constant 4 : i32
      %rem3A_1205 = vector.broadcast %rem3A_1204 : i32 to vector<16xi32>
      %rem3A_1206 = arith.remsi %add3A_1200, %rem3A_1205 : vector<16xi32>
      %rem3A_1207 = arith.constant 2 : i32
      %rem3A_1208 = vector.broadcast %rem3A_1207 : i32 to vector<16xi32>
      %rem3A_1209 = arith.remsi %rem3A_1206, %rem3A_1208 : vector<16xi32>
      %add3A_1210 = arith.constant 0 : i32
      %add3A_1211 = vector.broadcast %add3A_1210 : i32 to vector<16xi32>
      %add3A_1212 = arith.addi %add3A_1211, %rem3A_1209 : vector<16xi32>
      %gather3A_1213 = tpu.vector_load_idx %arg28[%div3A_1203, %add3A_1212] : memref<112x128xf32, #tpu.memory_space<vmem>>[vector<16xi32>, vector<16xi32>], vector<16xf32>,
      %add3A_1214 = arith.constant 2 : i32
      %add3A_1215 = vector.broadcast %add3A_1214 : i32 to vector<16xi32>
      %add3A_1216 = arith.addi %add3A_1215, %rem3A_1209 : vector<16xi32>
      %gather3A_1217 = tpu.vector_load_idx %arg28[%div3A_1203, %add3A_1216] : memref<112x128xf32, #tpu.memory_space<vmem>>[vector<16xi32>, vector<16xi32>], vector<16xf32>,
      %lt3A_1218 = arith.constant 2 : i32
      %lt3A_1219 = vector.broadcast %lt3A_1218 : i32 to vector<16xi32>
      %lt3A_1220 = arith.cmpi slt, %rem3A_1206, %lt3A_1219 : vector<16xi32>
      %jit3A_1221 = arith.constant -5.000000e-01 : f32
      %jit3A_1222 = arith.constant 5.000000e-01 : f32
      %broadcast_in_dim3A_1223 = vector.broadcast %jit3A_1221 : f32 to vector<16xf32>
      %broadcast_in_dim3A_1224 = vector.broadcast %jit3A_1222 : f32 to vector<16xf32>
      %select_n3A_1225 = arith.select %lt3A_1220, %broadcast_in_dim3A_1223, %broadcast_in_dim3A_1224 : vector<16xi1>, vector<16xf32>
      %eq3A_1226 = arith.constant 0 : i32
      %eq3A_1227 = vector.broadcast %eq3A_1226 : i32 to vector<16xi32>
      %eq3A_1228 = arith.cmpi eq, %rem3A_1209, %eq3A_1227 : vector<16xi32>
      %select_n3A_1229 = arith.select %eq3A_1228, %gather3A_10, %gather3A_4 : vector<16xi1>, vector<16xf32>
      %mul3A_1230 = arith.mulf %select_n3A_1225, %gather3A_1217 : vector<16xf32>
      %add3A_1231 = arith.addf %gather3A_1213, %mul3A_1230 : vector<16xf32>
      %mul3A_1232 = arith.mulf %add3A_1231, %select_n3A_1229 : vector<16xf32>
      %swap3A_1233 = arith.constant 368 : index
      %swap3A_1234 = tpu.vector_load %arg31[%swap3A_1233] {strides = array<i32>} : memref<448xf32, #tpu.memory_space<vmem>>, vector<16xf32>,
      tpu.vector_store %arg31[%swap3A_1233], %mul3A_1232 {strides = array<i32>} : memref<448xf32, #tpu.memory_space<vmem>>, vector<16xf32>,
      %add3A_1235 = arith.constant 384 : i32
      %add3A_1236 = vector.broadcast %add3A_1235 : i32 to vector<16xi32>
      %add3A_1237 = arith.addi %add3A_1236, %iota3A : vector<16xi32>
      %div3A_1238 = arith.constant 4 : i32
      %div3A_1239 = vector.broadcast %div3A_1238 : i32 to vector<16xi32>
      %div3A_1240 = arith.divsi %add3A_1237, %div3A_1239 : vector<16xi32>
      %rem3A_1241 = arith.constant 4 : i32
      %rem3A_1242 = vector.broadcast %rem3A_1241 : i32 to vector<16xi32>
      %rem3A_1243 = arith.remsi %add3A_1237, %rem3A_1242 : vector<16xi32>
      %rem3A_1244 = arith.constant 2 : i32
      %rem3A_1245 = vector.broadcast %rem3A_1244 : i32 to vector<16xi32>
      %rem3A_1246 = arith.remsi %rem3A_1243, %rem3A_1245 : vector<16xi32>
      %add3A_1247 = arith.constant 0 : i32
      %add3A_1248 = vector.broadcast %add3A_1247 : i32 to vector<16xi32>
      %add3A_1249 = arith.addi %add3A_1248, %rem3A_1246 : vector<16xi32>
      %gather3A_1250 = tpu.vector_load_idx %arg28[%div3A_1240, %add3A_1249] : memref<112x128xf32, #tpu.memory_space<vmem>>[vector<16xi32>, vector<16xi32>], vector<16xf32>,
      %add3A_1251 = arith.constant 2 : i32
      %add3A_1252 = vector.broadcast %add3A_1251 : i32 to vector<16xi32>
      %add3A_1253 = arith.addi %add3A_1252, %rem3A_1246 : vector<16xi32>
      %gather3A_1254 = tpu.vector_load_idx %arg28[%div3A_1240, %add3A_1253] : memref<112x128xf32, #tpu.memory_space<vmem>>[vector<16xi32>, vector<16xi32>], vector<16xf32>,
      %lt3A_1255 = arith.constant 2 : i32
      %lt3A_1256 = vector.broadcast %lt3A_1255 : i32 to vector<16xi32>
      %lt3A_1257 = arith.cmpi slt, %rem3A_1243, %lt3A_1256 : vector<16xi32>
      %jit3A_1258 = arith.constant -5.000000e-01 : f32
      %jit3A_1259 = arith.constant 5.000000e-01 : f32
      %broadcast_in_dim3A_1260 = vector.broadcast %jit3A_1258 : f32 to vector<16xf32>
      %broadcast_in_dim3A_1261 = vector.broadcast %jit3A_1259 : f32 to vector<16xf32>
      %select_n3A_1262 = arith.select %lt3A_1257, %broadcast_in_dim3A_1260, %broadcast_in_dim3A_1261 : vector<16xi1>, vector<16xf32>
      %eq3A_1263 = arith.constant 0 : i32
      %eq3A_1264 = vector.broadcast %eq3A_1263 : i32 to vector<16xi32>
      %eq3A_1265 = arith.cmpi eq, %rem3A_1246, %eq3A_1264 : vector<16xi32>
      %select_n3A_1266 = arith.select %eq3A_1265, %gather3A_10, %gather3A_4 : vector<16xi1>, vector<16xf32>
      %mul3A_1267 = arith.mulf %select_n3A_1262, %gather3A_1254 : vector<16xf32>
      %add3A_1268 = arith.addf %gather3A_1250, %mul3A_1267 : vector<16xf32>
      %mul3A_1269 = arith.mulf %add3A_1268, %select_n3A_1266 : vector<16xf32>
      %swap3A_1270 = arith.constant 384 : index
      %swap3A_1271 = tpu.vector_load %arg31[%swap3A_1270] {strides = array<i32>} : memref<448xf32, #tpu.memory_space<vmem>>, vector<16xf32>,
      tpu.vector_store %arg31[%swap3A_1270], %mul3A_1269 {strides = array<i32>} : memref<448xf32, #tpu.memory_space<vmem>>, vector<16xf32>,
      %add3A_1272 = arith.constant 400 : i32
      %add3A_1273 = vector.broadcast %add3A_1272 : i32 to vector<16xi32>
      %add3A_1274 = arith.addi %add3A_1273, %iota3A : vector<16xi32>
      %div3A_1275 = arith.constant 4 : i32
      %div3A_1276 = vector.broadcast %div3A_1275 : i32 to vector<16xi32>
      %div3A_1277 = arith.divsi %add3A_1274, %div3A_1276 : vector<16xi32>
      %rem3A_1278 = arith.constant 4 : i32
      %rem3A_1279 = vector.broadcast %rem3A_1278 : i32 to vector<16xi32>
      %rem3A_1280 = arith.remsi %add3A_1274, %rem3A_1279 : vector<16xi32>
      %rem3A_1281 = arith.constant 2 : i32
      %rem3A_1282 = vector.broadcast %rem3A_1281 : i32 to vector<16xi32>
      %rem3A_1283 = arith.remsi %rem3A_1280, %rem3A_1282 : vector<16xi32>
      %add3A_1284 = arith.constant 0 : i32
      %add3A_1285 = vector.broadcast %add3A_1284 : i32 to vector<16xi32>
      %add3A_1286 = arith.addi %add3A_1285, %rem3A_1283 : vector<16xi32>
      %gather3A_1287 = tpu.vector_load_idx %arg28[%div3A_1277, %add3A_1286] : memref<112x128xf32, #tpu.memory_space<vmem>>[vector<16xi32>, vector<16xi32>], vector<16xf32>,
      %add3A_1288 = arith.constant 2 : i32
      %add3A_1289 = vector.broadcast %add3A_1288 : i32 to vector<16xi32>
      %add3A_1290 = arith.addi %add3A_1289, %rem3A_1283 : vector<16xi32>
      %gather3A_1291 = tpu.vector_load_idx %arg28[%div3A_1277, %add3A_1290] : memref<112x128xf32, #tpu.memory_space<vmem>>[vector<16xi32>, vector<16xi32>], vector<16xf32>,
      %lt3A_1292 = arith.constant 2 : i32
      %lt3A_1293 = vector.broadcast %lt3A_1292 : i32 to vector<16xi32>
      %lt3A_1294 = arith.cmpi slt, %rem3A_1280, %lt3A_1293 : vector<16xi32>
      %jit3A_1295 = arith.constant -5.000000e-01 : f32
      %jit3A_1296 = arith.constant 5.000000e-01 : f32
      %broadcast_in_dim3A_1297 = vector.broadcast %jit3A_1295 : f32 to vector<16xf32>
      %broadcast_in_dim3A_1298 = vector.broadcast %jit3A_1296 : f32 to vector<16xf32>
      %select_n3A_1299 = arith.select %lt3A_1294, %broadcast_in_dim3A_1297, %broadcast_in_dim3A_1298 : vector<16xi1>, vector<16xf32>
      %eq3A_1300 = arith.constant 0 : i32
      %eq3A_1301 = vector.broadcast %eq3A_1300 : i32 to vector<16xi32>
      %eq3A_1302 = arith.cmpi eq, %rem3A_1283, %eq3A_1301 : vector<16xi32>
      %select_n3A_1303 = arith.select %eq3A_1302, %gather3A_10, %gather3A_4 : vector<16xi1>, vector<16xf32>
      %mul3A_1304 = arith.mulf %select_n3A_1299, %gather3A_1291 : vector<16xf32>
      %add3A_1305 = arith.addf %gather3A_1287, %mul3A_1304 : vector<16xf32>
      %mul3A_1306 = arith.mulf %add3A_1305, %select_n3A_1303 : vector<16xf32>
      %swap3A_1307 = arith.constant 400 : index
      %swap3A_1308 = tpu.vector_load %arg31[%swap3A_1307] {strides = array<i32>} : memref<448xf32, #tpu.memory_space<vmem>>, vector<16xf32>,
      tpu.vector_store %arg31[%swap3A_1307], %mul3A_1306 {strides = array<i32>} : memref<448xf32, #tpu.memory_space<vmem>>, vector<16xf32>,
      %add3A_1309 = arith.constant 416 : i32
      %add3A_1310 = vector.broadcast %add3A_1309 : i32 to vector<16xi32>
      %add3A_1311 = arith.addi %add3A_1310, %iota3A : vector<16xi32>
      %div3A_1312 = arith.constant 4 : i32
      %div3A_1313 = vector.broadcast %div3A_1312 : i32 to vector<16xi32>
      %div3A_1314 = arith.divsi %add3A_1311, %div3A_1313 : vector<16xi32>
      %rem3A_1315 = arith.constant 4 : i32
      %rem3A_1316 = vector.broadcast %rem3A_1315 : i32 to vector<16xi32>
      %rem3A_1317 = arith.remsi %add3A_1311, %rem3A_1316 : vector<16xi32>
      %rem3A_1318 = arith.constant 2 : i32
      %rem3A_1319 = vector.broadcast %rem3A_1318 : i32 to vector<16xi32>
      %rem3A_1320 = arith.remsi %rem3A_1317, %rem3A_1319 : vector<16xi32>
      %add3A_1321 = arith.constant 0 : i32
      %add3A_1322 = vector.broadcast %add3A_1321 : i32 to vector<16xi32>
      %add3A_1323 = arith.addi %add3A_1322, %rem3A_1320 : vector<16xi32>
      %gather3A_1324 = tpu.vector_load_idx %arg28[%div3A_1314, %add3A_1323] : memref<112x128xf32, #tpu.memory_space<vmem>>[vector<16xi32>, vector<16xi32>], vector<16xf32>,
      %add3A_1325 = arith.constant 2 : i32
      %add3A_1326 = vector.broadcast %add3A_1325 : i32 to vector<16xi32>
      %add3A_1327 = arith.addi %add3A_1326, %rem3A_1320 : vector<16xi32>
      %gather3A_1328 = tpu.vector_load_idx %arg28[%div3A_1314, %add3A_1327] : memref<112x128xf32, #tpu.memory_space<vmem>>[vector<16xi32>, vector<16xi32>], vector<16xf32>,
      %lt3A_1329 = arith.constant 2 : i32
      %lt3A_1330 = vector.broadcast %lt3A_1329 : i32 to vector<16xi32>
      %lt3A_1331 = arith.cmpi slt, %rem3A_1317, %lt3A_1330 : vector<16xi32>
      %jit3A_1332 = arith.constant -5.000000e-01 : f32
      %jit3A_1333 = arith.constant 5.000000e-01 : f32
      %broadcast_in_dim3A_1334 = vector.broadcast %jit3A_1332 : f32 to vector<16xf32>
      %broadcast_in_dim3A_1335 = vector.broadcast %jit3A_1333 : f32 to vector<16xf32>
      %select_n3A_1336 = arith.select %lt3A_1331, %broadcast_in_dim3A_1334, %broadcast_in_dim3A_1335 : vector<16xi1>, vector<16xf32>
      %eq3A_1337 = arith.constant 0 : i32
      %eq3A_1338 = vector.broadcast %eq3A_1337 : i32 to vector<16xi32>
      %eq3A_1339 = arith.cmpi eq, %rem3A_1320, %eq3A_1338 : vector<16xi32>
      %select_n3A_1340 = arith.select %eq3A_1339, %gather3A_10, %gather3A_4 : vector<16xi1>, vector<16xf32>
      %mul3A_1341 = arith.mulf %select_n3A_1336, %gather3A_1328 : vector<16xf32>
      %add3A_1342 = arith.addf %gather3A_1324, %mul3A_1341 : vector<16xf32>
      %mul3A_1343 = arith.mulf %add3A_1342, %select_n3A_1340 : vector<16xf32>
      %swap3A_1344 = arith.constant 416 : index
      %swap3A_1345 = tpu.vector_load %arg31[%swap3A_1344] {strides = array<i32>} : memref<448xf32, #tpu.memory_space<vmem>>, vector<16xf32>,
      tpu.vector_store %arg31[%swap3A_1344], %mul3A_1343 {strides = array<i32>} : memref<448xf32, #tpu.memory_space<vmem>>, vector<16xf32>,
      %add3A_1346 = arith.constant 432 : i32
      %add3A_1347 = vector.broadcast %add3A_1346 : i32 to vector<16xi32>
      %add3A_1348 = arith.addi %add3A_1347, %iota3A : vector<16xi32>
      %div3A_1349 = arith.constant 4 : i32
      %div3A_1350 = vector.broadcast %div3A_1349 : i32 to vector<16xi32>
      %div3A_1351 = arith.divsi %add3A_1348, %div3A_1350 : vector<16xi32>
      %rem3A_1352 = arith.constant 4 : i32
      %rem3A_1353 = vector.broadcast %rem3A_1352 : i32 to vector<16xi32>
      %rem3A_1354 = arith.remsi %add3A_1348, %rem3A_1353 : vector<16xi32>
      %rem3A_1355 = arith.constant 2 : i32
      %rem3A_1356 = vector.broadcast %rem3A_1355 : i32 to vector<16xi32>
      %rem3A_1357 = arith.remsi %rem3A_1354, %rem3A_1356 : vector<16xi32>
      %add3A_1358 = arith.constant 0 : i32
      %add3A_1359 = vector.broadcast %add3A_1358 : i32 to vector<16xi32>
      %add3A_1360 = arith.addi %add3A_1359, %rem3A_1357 : vector<16xi32>
      %gather3A_1361 = tpu.vector_load_idx %arg28[%div3A_1351, %add3A_1360] : memref<112x128xf32, #tpu.memory_space<vmem>>[vector<16xi32>, vector<16xi32>], vector<16xf32>,
      %add3A_1362 = arith.constant 2 : i32
      %add3A_1363 = vector.broadcast %add3A_1362 : i32 to vector<16xi32>
      %add3A_1364 = arith.addi %add3A_1363, %rem3A_1357 : vector<16xi32>
      %gather3A_1365 = tpu.vector_load_idx %arg28[%div3A_1351, %add3A_1364] : memref<112x128xf32, #tpu.memory_space<vmem>>[vector<16xi32>, vector<16xi32>], vector<16xf32>,
      %lt3A_1366 = arith.constant 2 : i32
      %lt3A_1367 = vector.broadcast %lt3A_1366 : i32 to vector<16xi32>
      %lt3A_1368 = arith.cmpi slt, %rem3A_1354, %lt3A_1367 : vector<16xi32>
      %jit3A_1369 = arith.constant -5.000000e-01 : f32
      %jit3A_1370 = arith.constant 5.000000e-01 : f32
      %broadcast_in_dim3A_1371 = vector.broadcast %jit3A_1369 : f32 to vector<16xf32>
      %broadcast_in_dim3A_1372 = vector.broadcast %jit3A_1370 : f32 to vector<16xf32>
      %select_n3A_1373 = arith.select %lt3A_1368, %broadcast_in_dim3A_1371, %broadcast_in_dim3A_1372 : vector<16xi1>, vector<16xf32>
      %eq3A_1374 = arith.constant 0 : i32
      %eq3A_1375 = vector.broadcast %eq3A_1374 : i32 to vector<16xi32>
      %eq3A_1376 = arith.cmpi eq, %rem3A_1357, %eq3A_1375 : vector<16xi32>
      %select_n3A_1377 = arith.select %eq3A_1376, %gather3A_10, %gather3A_4 : vector<16xi1>, vector<16xf32>
      %mul3A_1378 = arith.mulf %select_n3A_1373, %gather3A_1365 : vector<16xf32>
      %add3A_1379 = arith.addf %gather3A_1361, %mul3A_1378 : vector<16xf32>
      %mul3A_1380 = arith.mulf %add3A_1379, %select_n3A_1377 : vector<16xf32>
      %swap3A_1381 = arith.constant 432 : index
      %swap3A_1382 = tpu.vector_load %arg31[%swap3A_1381] {strides = array<i32>} : memref<448xf32, #tpu.memory_space<vmem>>, vector<16xf32>,
      tpu.vector_store %arg31[%swap3A_1381], %mul3A_1380 {strides = array<i32>} : memref<448xf32, #tpu.memory_space<vmem>>, vector<16xf32>,
      "tpu.region"() ({
        %run_scoped3A = tpu.sem_alloc : memref<!tpu.dma_semaphore, #tpu.memory_space<semaphore_mem>>
        %dma_start3A = arith.constant 0 : i32
        %dma_start3A_1593 = tpu.memref_slice %arg13[%arg1, %dma_start3A] : memref<16x448xf32, #tpu.memory_space<hbm>> -> memref<1x448xf32, #tpu.memory_space<hbm>>
        %dma_start3A_1594 = tpu.memref_squeeze %dma_start3A_1593 : memref<1x448xf32, #tpu.memory_space<hbm>> -> memref<448xf32, #tpu.memory_space<hbm>>
        %dma_start3A_1595 = arith.constant 0 : i32
        %dma_start3A_1596 = tpu.memref_slice %arg13[%arg1, %dma_start3A_1595] : memref<16x448xf32, #tpu.memory_space<hbm>> -> memref<1x448xf32, #tpu.memory_space<hbm>>
        %dma_start3A_1597 = tpu.memref_squeeze %dma_start3A_1596 : memref<1x448xf32, #tpu.memory_space<hbm>> -> memref<448xf32, #tpu.memory_space<hbm>>
        tpu.enqueue_dma source(%arg31 : memref<448xf32, #tpu.memory_space<vmem>>) target(%dma_start3A_1597 : memref<448xf32, #tpu.memory_space<hbm>>) target_semaphore(%run_scoped3A : memref<!tpu.dma_semaphore, #tpu.memory_space<semaphore_mem>>)
        %dma_wait3A = arith.constant 0 : i32
        %dma_wait3A_1598 = tpu.memref_slice %arg13[%arg1, %dma_wait3A] : memref<16x448xf32, #tpu.memory_space<hbm>> -> memref<1x448xf32, #tpu.memory_space<hbm>>
        %dma_wait3A_1599 = tpu.memref_squeeze %dma_wait3A_1598 : memref<1x448xf32, #tpu.memory_space<hbm>> -> memref<448xf32, #tpu.memory_space<hbm>>
        %dma_wait3A_1600 = arith.constant 0 : i32
        %dma_wait3A_1601 = tpu.memref_slice %arg13[%arg1, %dma_wait3A_1600] : memref<16x448xf32, #tpu.memory_space<hbm>> -> memref<1x448xf32, #tpu.memory_space<hbm>>
        %dma_wait3A_1602 = tpu.memref_squeeze %dma_wait3A_1601 : memref<1x448xf32, #tpu.memory_space<hbm>> -> memref<448xf32, #tpu.memory_space<hbm>>
        tpu.wait_dma2 semaphore(%run_scoped3A : memref<!tpu.dma_semaphore, #tpu.memory_space<semaphore_mem>>) src(%arg31 : memref<448xf32, #tpu.memory_space<vmem>>) dst(%dma_wait3A_1602 : memref<448xf32, #tpu.memory_space<hbm>>)
        tpu.yield
      }) : () -> ()
      %broadcast_in_dim3A_1383 = arith.constant 1.000000e+00 : f32
      %broadcast_in_dim3A_1384 = vector.broadcast %broadcast_in_dim3A_1383 : f32 to vector<16xf32>
      %add3A_1385 = arith.constant 0 : i32
      %add3A_1386 = vector.broadcast %add3A_1385 : i32 to vector<16xi32>
      %add3A_1387 = arith.addi %add3A_1386, %iota3A : vector<16xi32>
      %rem3A_1388 = arith.constant 3 : i32
      %rem3A_1389 = vector.broadcast %rem3A_1388 : i32 to vector<16xi32>
      %rem3A_1390 = arith.remsi %add3A_1387, %rem3A_1389 : vector<16xi32>
      %div3A_1391 = arith.constant 3 : i32
      %div3A_1392 = vector.broadcast %div3A_1391 : i32 to vector<16xi32>
      %div3A_1393 = arith.divsi %add3A_1387, %div3A_1392 : vector<16xi32>
      %eq3A_1394 = arith.constant 0 : i32
      %eq3A_1395 = vector.broadcast %eq3A_1394 : i32 to vector<16xi32>
      %eq3A_1396 = arith.cmpi eq, %rem3A_1390, %eq3A_1395 : vector<16xi32>
      %mul3A_1397 = arith.constant 2 : i32
      %mul3A_1398 = vector.broadcast %mul3A_1397 : i32 to vector<16xi32>
      %mul3A_1399 = arith.muli %mul3A_1398, %div3A_1393 : vector<16xi32>
      %eq3A_1400 = arith.constant 1 : i32
      %eq3A_1401 = vector.broadcast %eq3A_1400 : i32 to vector<16xi32>
      %eq3A_1402 = arith.cmpi eq, %rem3A_1390, %eq3A_1401 : vector<16xi32>
      %mul3A_1403 = arith.constant 2 : i32
      %mul3A_1404 = vector.broadcast %mul3A_1403 : i32 to vector<16xi32>
      %mul3A_1405 = arith.muli %mul3A_1404, %div3A_1393 : vector<16xi32>
      %add3A_1406 = arith.constant 1 : i32
      %add3A_1407 = vector.broadcast %add3A_1406 : i32 to vector<16xi32>
      %add3A_1408 = arith.addi %mul3A_1405, %add3A_1407 : vector<16xi32>
      %add3A_1409 = arith.constant 34 : i32
      %add3A_1410 = vector.broadcast %add3A_1409 : i32 to vector<16xi32>
      %add3A_1411 = arith.addi %add3A_1410, %div3A_1393 : vector<16xi32>
      %select_n3A_1412 = arith.select %eq3A_1402, %add3A_1408, %add3A_1411 : vector<16xi1>, vector<16xi32>
      %select_n3A_1413 = arith.select %eq3A_1396, %mul3A_1399, %select_n3A_1412 : vector<16xi1>, vector<16xi32>
      %lt3A_1414 = arith.constant 51 : i32
      %lt3A_1415 = vector.broadcast %lt3A_1414 : i32 to vector<16xi32>
      %lt3A_1416 = arith.cmpi slt, %add3A_1387, %lt3A_1415 : vector<16xi32>
      %jit3A_1417 = arith.constant 0 : i32
      %broadcast_in_dim3A_1418 = vector.broadcast %jit3A_1417 : i32 to vector<16xi32>
      %select_n3A_1419 = arith.select %lt3A_1416, %select_n3A_1413, %broadcast_in_dim3A_1418 : vector<16xi1>, vector<16xi32>
      %add3A_1420 = arith.constant 32 : i32
      %add3A_1421 = vector.broadcast %add3A_1420 : i32 to vector<16xi32>
      %add3A_1422 = arith.addi %add3A_1421, %select_n3A_1419 : vector<16xi32>
      %eq3A_1423 = arith.constant 0 : i32
      %eq3A_1424 = vector.broadcast %eq3A_1423 : i32 to vector<16xi32>
      %eq3A_1425 = arith.cmpi eq, %rem3A_1390, %eq3A_1424 : vector<16xi32>
      %eq3A_1426 = arith.constant 1 : i32
      %eq3A_1427 = vector.broadcast %eq3A_1426 : i32 to vector<16xi32>
      %eq3A_1428 = arith.cmpi eq, %rem3A_1390, %eq3A_1427 : vector<16xi32>
      %select_n3A_1429 = arith.select %eq3A_1428, %gather3A_4, %broadcast_in_dim3A_1384 : vector<16xi1>, vector<16xf32>
      %select_n3A_1430 = arith.select %eq3A_1425, %gather3A_10, %select_n3A_1429 : vector<16xi1>, vector<16xf32>
      %add3A_1431 = arith.constant 16 : i32
      %add3A_1432 = vector.broadcast %add3A_1431 : i32 to vector<16xi32>
      %add3A_1433 = arith.addi %add3A_1432, %iota3A : vector<16xi32>
      %rem3A_1434 = arith.constant 3 : i32
      %rem3A_1435 = vector.broadcast %rem3A_1434 : i32 to vector<16xi32>
      %rem3A_1436 = arith.remsi %add3A_1433, %rem3A_1435 : vector<16xi32>
      %div3A_1437 = arith.constant 3 : i32
      %div3A_1438 = vector.broadcast %div3A_1437 : i32 to vector<16xi32>
      %div3A_1439 = arith.divsi %add3A_1433, %div3A_1438 : vector<16xi32>
      %eq3A_1440 = arith.constant 0 : i32
      %eq3A_1441 = vector.broadcast %eq3A_1440 : i32 to vector<16xi32>
      %eq3A_1442 = arith.cmpi eq, %rem3A_1436, %eq3A_1441 : vector<16xi32>
      %mul3A_1443 = arith.constant 2 : i32
      %mul3A_1444 = vector.broadcast %mul3A_1443 : i32 to vector<16xi32>
      %mul3A_1445 = arith.muli %mul3A_1444, %div3A_1439 : vector<16xi32>
      %eq3A_1446 = arith.constant 1 : i32
      %eq3A_1447 = vector.broadcast %eq3A_1446 : i32 to vector<16xi32>
      %eq3A_1448 = arith.cmpi eq, %rem3A_1436, %eq3A_1447 : vector<16xi32>
      %mul3A_1449 = arith.constant 2 : i32
      %mul3A_1450 = vector.broadcast %mul3A_1449 : i32 to vector<16xi32>
      %mul3A_1451 = arith.muli %mul3A_1450, %div3A_1439 : vector<16xi32>
      %add3A_1452 = arith.constant 1 : i32
      %add3A_1453 = vector.broadcast %add3A_1452 : i32 to vector<16xi32>
      %add3A_1454 = arith.addi %mul3A_1451, %add3A_1453 : vector<16xi32>
      %add3A_1455 = arith.constant 34 : i32
      %add3A_1456 = vector.broadcast %add3A_1455 : i32 to vector<16xi32>
      %add3A_1457 = arith.addi %add3A_1456, %div3A_1439 : vector<16xi32>
      %select_n3A_1458 = arith.select %eq3A_1448, %add3A_1454, %add3A_1457 : vector<16xi1>, vector<16xi32>
      %select_n3A_1459 = arith.select %eq3A_1442, %mul3A_1445, %select_n3A_1458 : vector<16xi1>, vector<16xi32>
      %lt3A_1460 = arith.constant 51 : i32
      %lt3A_1461 = vector.broadcast %lt3A_1460 : i32 to vector<16xi32>
      %lt3A_1462 = arith.cmpi slt, %add3A_1433, %lt3A_1461 : vector<16xi32>
      %jit3A_1463 = arith.constant 0 : i32
      %broadcast_in_dim3A_1464 = vector.broadcast %jit3A_1463 : i32 to vector<16xi32>
      %select_n3A_1465 = arith.select %lt3A_1462, %select_n3A_1459, %broadcast_in_dim3A_1464 : vector<16xi1>, vector<16xi32>
      %add3A_1466 = arith.constant 32 : i32
      %add3A_1467 = vector.broadcast %add3A_1466 : i32 to vector<16xi32>
      %add3A_1468 = arith.addi %add3A_1467, %select_n3A_1465 : vector<16xi32>
      %eq3A_1469 = arith.constant 0 : i32
      %eq3A_1470 = vector.broadcast %eq3A_1469 : i32 to vector<16xi32>
      %eq3A_1471 = arith.cmpi eq, %rem3A_1436, %eq3A_1470 : vector<16xi32>
      %eq3A_1472 = arith.constant 1 : i32
      %eq3A_1473 = vector.broadcast %eq3A_1472 : i32 to vector<16xi32>
      %eq3A_1474 = arith.cmpi eq, %rem3A_1436, %eq3A_1473 : vector<16xi32>
      %select_n3A_1475 = arith.select %eq3A_1474, %gather3A_4, %broadcast_in_dim3A_1384 : vector<16xi1>, vector<16xf32>
      %select_n3A_1476 = arith.select %eq3A_1471, %gather3A_10, %select_n3A_1475 : vector<16xi1>, vector<16xf32>
      %add3A_1477 = arith.constant 32 : i32
      %add3A_1478 = vector.broadcast %add3A_1477 : i32 to vector<16xi32>
      %add3A_1479 = arith.addi %add3A_1478, %iota3A : vector<16xi32>
      %rem3A_1480 = arith.constant 3 : i32
      %rem3A_1481 = vector.broadcast %rem3A_1480 : i32 to vector<16xi32>
      %rem3A_1482 = arith.remsi %add3A_1479, %rem3A_1481 : vector<16xi32>
      %div3A_1483 = arith.constant 3 : i32
      %div3A_1484 = vector.broadcast %div3A_1483 : i32 to vector<16xi32>
      %div3A_1485 = arith.divsi %add3A_1479, %div3A_1484 : vector<16xi32>
      %eq3A_1486 = arith.constant 0 : i32
      %eq3A_1487 = vector.broadcast %eq3A_1486 : i32 to vector<16xi32>
      %eq3A_1488 = arith.cmpi eq, %rem3A_1482, %eq3A_1487 : vector<16xi32>
      %mul3A_1489 = arith.constant 2 : i32
      %mul3A_1490 = vector.broadcast %mul3A_1489 : i32 to vector<16xi32>
      %mul3A_1491 = arith.muli %mul3A_1490, %div3A_1485 : vector<16xi32>
      %eq3A_1492 = arith.constant 1 : i32
      %eq3A_1493 = vector.broadcast %eq3A_1492 : i32 to vector<16xi32>
      %eq3A_1494 = arith.cmpi eq, %rem3A_1482, %eq3A_1493 : vector<16xi32>
      %mul3A_1495 = arith.constant 2 : i32
      %mul3A_1496 = vector.broadcast %mul3A_1495 : i32 to vector<16xi32>
      %mul3A_1497 = arith.muli %mul3A_1496, %div3A_1485 : vector<16xi32>
      %add3A_1498 = arith.constant 1 : i32
      %add3A_1499 = vector.broadcast %add3A_1498 : i32 to vector<16xi32>
      %add3A_1500 = arith.addi %mul3A_1497, %add3A_1499 : vector<16xi32>
      %add3A_1501 = arith.constant 34 : i32
      %add3A_1502 = vector.broadcast %add3A_1501 : i32 to vector<16xi32>
      %add3A_1503 = arith.addi %add3A_1502, %div3A_1485 : vector<16xi32>
      %select_n3A_1504 = arith.select %eq3A_1494, %add3A_1500, %add3A_1503 : vector<16xi1>, vector<16xi32>
      %select_n3A_1505 = arith.select %eq3A_1488, %mul3A_1491, %select_n3A_1504 : vector<16xi1>, vector<16xi32>
      %lt3A_1506 = arith.constant 51 : i32
      %lt3A_1507 = vector.broadcast %lt3A_1506 : i32 to vector<16xi32>
      %lt3A_1508 = arith.cmpi slt, %add3A_1479, %lt3A_1507 : vector<16xi32>
      %jit3A_1509 = arith.constant 0 : i32
      %broadcast_in_dim3A_1510 = vector.broadcast %jit3A_1509 : i32 to vector<16xi32>
      %select_n3A_1511 = arith.select %lt3A_1508, %select_n3A_1505, %broadcast_in_dim3A_1510 : vector<16xi1>, vector<16xi32>
      %add3A_1512 = arith.constant 32 : i32
      %add3A_1513 = vector.broadcast %add3A_1512 : i32 to vector<16xi32>
      %add3A_1514 = arith.addi %add3A_1513, %select_n3A_1511 : vector<16xi32>
      %eq3A_1515 = arith.constant 0 : i32
      %eq3A_1516 = vector.broadcast %eq3A_1515 : i32 to vector<16xi32>
      %eq3A_1517 = arith.cmpi eq, %rem3A_1482, %eq3A_1516 : vector<16xi32>
      %eq3A_1518 = arith.constant 1 : i32
      %eq3A_1519 = vector.broadcast %eq3A_1518 : i32 to vector<16xi32>
      %eq3A_1520 = arith.cmpi eq, %rem3A_1482, %eq3A_1519 : vector<16xi32>
      %select_n3A_1521 = arith.select %eq3A_1520, %gather3A_4, %broadcast_in_dim3A_1384 : vector<16xi1>, vector<16xf32>
      %select_n3A_1522 = arith.select %eq3A_1517, %gather3A_10, %select_n3A_1521 : vector<16xi1>, vector<16xf32>
      %add3A_1523 = arith.constant 48 : i32
      %add3A_1524 = vector.broadcast %add3A_1523 : i32 to vector<16xi32>
      %add3A_1525 = arith.addi %add3A_1524, %iota3A : vector<16xi32>
      %rem3A_1526 = arith.constant 3 : i32
      %rem3A_1527 = vector.broadcast %rem3A_1526 : i32 to vector<16xi32>
      %rem3A_1528 = arith.remsi %add3A_1525, %rem3A_1527 : vector<16xi32>
      %div3A_1529 = arith.constant 3 : i32
      %div3A_1530 = vector.broadcast %div3A_1529 : i32 to vector<16xi32>
      %div3A_1531 = arith.divsi %add3A_1525, %div3A_1530 : vector<16xi32>
      %eq3A_1532 = arith.constant 0 : i32
      %eq3A_1533 = vector.broadcast %eq3A_1532 : i32 to vector<16xi32>
      %eq3A_1534 = arith.cmpi eq, %rem3A_1528, %eq3A_1533 : vector<16xi32>
      %mul3A_1535 = arith.constant 2 : i32
      %mul3A_1536 = vector.broadcast %mul3A_1535 : i32 to vector<16xi32>
      %mul3A_1537 = arith.muli %mul3A_1536, %div3A_1531 : vector<16xi32>
      %eq3A_1538 = arith.constant 1 : i32
      %eq3A_1539 = vector.broadcast %eq3A_1538 : i32 to vector<16xi32>
      %eq3A_1540 = arith.cmpi eq, %rem3A_1528, %eq3A_1539 : vector<16xi32>
      %mul3A_1541 = arith.constant 2 : i32
      %mul3A_1542 = vector.broadcast %mul3A_1541 : i32 to vector<16xi32>
      %mul3A_1543 = arith.muli %mul3A_1542, %div3A_1531 : vector<16xi32>
      %add3A_1544 = arith.constant 1 : i32
      %add3A_1545 = vector.broadcast %add3A_1544 : i32 to vector<16xi32>
      %add3A_1546 = arith.addi %mul3A_1543, %add3A_1545 : vector<16xi32>
      %add3A_1547 = arith.constant 34 : i32
      %add3A_1548 = vector.broadcast %add3A_1547 : i32 to vector<16xi32>
      %add3A_1549 = arith.addi %add3A_1548, %div3A_1531 : vector<16xi32>
      %select_n3A_1550 = arith.select %eq3A_1540, %add3A_1546, %add3A_1549 : vector<16xi1>, vector<16xi32>
      %select_n3A_1551 = arith.select %eq3A_1534, %mul3A_1537, %select_n3A_1550 : vector<16xi1>, vector<16xi32>
      %lt3A_1552 = arith.constant 51 : i32
      %lt3A_1553 = vector.broadcast %lt3A_1552 : i32 to vector<16xi32>
      %lt3A_1554 = arith.cmpi slt, %add3A_1525, %lt3A_1553 : vector<16xi32>
      %jit3A_1555 = arith.constant 0 : i32
      %broadcast_in_dim3A_1556 = vector.broadcast %jit3A_1555 : i32 to vector<16xi32>
      %select_n3A_1557 = arith.select %lt3A_1554, %select_n3A_1551, %broadcast_in_dim3A_1556 : vector<16xi1>, vector<16xi32>
      %add3A_1558 = arith.constant 32 : i32
      %add3A_1559 = vector.broadcast %add3A_1558 : i32 to vector<16xi32>
      %add3A_1560 = arith.addi %add3A_1559, %select_n3A_1557 : vector<16xi32>
      %eq3A_1561 = arith.constant 0 : i32
      %eq3A_1562 = vector.broadcast %eq3A_1561 : i32 to vector<16xi32>
      %eq3A_1563 = arith.cmpi eq, %rem3A_1528, %eq3A_1562 : vector<16xi32>
      %eq3A_1564 = arith.constant 1 : i32
      %eq3A_1565 = vector.broadcast %eq3A_1564 : i32 to vector<16xi32>
      %eq3A_1566 = arith.cmpi eq, %rem3A_1528, %eq3A_1565 : vector<16xi32>
      %select_n3A_1567 = arith.select %eq3A_1566, %gather3A_4, %broadcast_in_dim3A_1384 : vector<16xi1>, vector<16xf32>
      %select_n3A_1568 = arith.select %eq3A_1563, %gather3A_10, %select_n3A_1567 : vector<16xi1>, vector<16xf32>
      %lt3A_1569 = arith.constant 3 : i32
      %lt3A_1570 = vector.broadcast %lt3A_1569 : i32 to vector<16xi32>
      %lt3A_1571 = arith.cmpi slt, %iota3A, %lt3A_1570 : vector<16xi32>
      %lt3A_1572 = arith.constant 10 : i32
      %lt3A_1573 = vector.broadcast %lt3A_1572 : i32 to vector<16xi32>
      %lt3A_1574 = arith.cmpi slt, %iota3A, %lt3A_1573 : vector<16xi32>
      %min3A = arith.constant 9 : i32
      %min3A_1575 = vector.broadcast %min3A : i32 to vector<16xi32>
      %min3A_1576 = arith.minsi %iota3A, %min3A_1575 : vector<16xi32>
      %add3A_1577 = arith.constant 8 : i32
      %add3A_1578 = vector.broadcast %add3A_1577 : i32 to vector<16xi32>
      %add3A_1579 = arith.addi %add3A_1578, %min3A_1576 : vector<16xi32>
      %min3A_1580 = arith.constant 2 : i32
      %min3A_1581 = vector.broadcast %min3A_1580 : i32 to vector<16xi32>
      %min3A_1582 = arith.minsi %iota3A, %min3A_1581 : vector<16xi32>
      %add3A_1583 = arith.constant 24 : i32
      %add3A_1584 = vector.broadcast %add3A_1583 : i32 to vector<16xi32>
      %add3A_1585 = arith.addi %add3A_1584, %min3A_1582 : vector<16xi32>
      %scan3A_1586 = arith.constant 0 : i32
      %scan3A_1587 = arith.constant 0 : i32
      %scan3A_1588 = arith.constant 112 : i32
      %scan3A_1589 = arith.addi %scan3A_1587, %scan3A_1588 : i32
      %scan3A_1590 = arith.constant 1 : i32
      %scan3A_1591 = scf.for %scan3A_1593 = %scan3A_1587 to %scan3A_1589 step %scan3A_1590 iter_args(%scan3A_1594 = %scan3A_1586) -> (i32)  : i32 {
        %broadcast_in_dim3A_1595 = vector.broadcast %scan3A_1593 : i32 to vector<16xi32>
        %mul3A_1596 = arith.constant 51 : i32
        %mul3A_1597 = arith.muli %scan3A_1593, %mul3A_1596 : i32
        %gather3A_1598 = tpu.vector_load_idx %arg28[%broadcast_in_dim3A_1595, %add3A_1422] : memref<112x128xf32, #tpu.memory_space<vmem>>[vector<16xi32>, vector<16xi32>], vector<16xf32>,
        %mul3A_1599 = arith.mulf %gather3A_1598, %select_n3A_1430 : vector<16xf32>
        %add3A_1600 = arith.constant 0 : i32
        %add3A_1601 = arith.addi %mul3A_1597, %add3A_1600 : i32
        %swap3A_1602 = arith.index_cast %add3A_1601 : i32 to index
        %swap3A_1603 = tpu.vector_load %arg32[%swap3A_1602] {strides = array<i32>} : memref<5760xf32, #tpu.memory_space<vmem>>, vector<16xf32>,
        tpu.vector_store %arg32[%swap3A_1602], %mul3A_1599 {strides = array<i32>} : memref<5760xf32, #tpu.memory_space<vmem>>, vector<16xf32>,
        %gather3A_1604 = tpu.vector_load_idx %arg28[%broadcast_in_dim3A_1595, %add3A_1468] : memref<112x128xf32, #tpu.memory_space<vmem>>[vector<16xi32>, vector<16xi32>], vector<16xf32>,
        %mul3A_1605 = arith.mulf %gather3A_1604, %select_n3A_1476 : vector<16xf32>
        %add3A_1606 = arith.constant 16 : i32
        %add3A_1607 = arith.addi %mul3A_1597, %add3A_1606 : i32
        %swap3A_1608 = arith.index_cast %add3A_1607 : i32 to index
        %swap3A_1609 = tpu.vector_load %arg32[%swap3A_1608] {strides = array<i32>} : memref<5760xf32, #tpu.memory_space<vmem>>, vector<16xf32>,
        tpu.vector_store %arg32[%swap3A_1608], %mul3A_1605 {strides = array<i32>} : memref<5760xf32, #tpu.memory_space<vmem>>, vector<16xf32>,
        %gather3A_1610 = tpu.vector_load_idx %arg28[%broadcast_in_dim3A_1595, %add3A_1514] : memref<112x128xf32, #tpu.memory_space<vmem>>[vector<16xi32>, vector<16xi32>], vector<16xf32>,
        %mul3A_1611 = arith.mulf %gather3A_1610, %select_n3A_1522 : vector<16xf32>
        %add3A_1612 = arith.constant 32 : i32
        %add3A_1613 = arith.addi %mul3A_1597, %add3A_1612 : i32
        %swap3A_1614 = arith.index_cast %add3A_1613 : i32 to index
        %swap3A_1615 = tpu.vector_load %arg32[%swap3A_1614] {strides = array<i32>} : memref<5760xf32, #tpu.memory_space<vmem>>, vector<16xf32>,
        tpu.vector_store %arg32[%swap3A_1614], %mul3A_1611 {strides = array<i32>} : memref<5760xf32, #tpu.memory_space<vmem>>, vector<16xf32>,
        %gather3A_1616 = tpu.vector_load_idx %arg28[%broadcast_in_dim3A_1595, %add3A_1560] : memref<112x128xf32, #tpu.memory_space<vmem>>[vector<16xi32>, vector<16xi32>], vector<16xf32>,
        %add3A_1617 = arith.constant 48 : i32
        %add3A_1618 = arith.addi %mul3A_1597, %add3A_1617 : i32
        %mul3A_1619 = arith.mulf %gather3A_1616, %select_n3A_1568 : vector<16xf32>
        %swap3A_1620 = arith.index_cast %add3A_1618 : i32 to index
        %swap3A_1621 = tpu.vector_load %arg32[%swap3A_1620] masked %lt3A_1571 {strides = array<i32>} : memref<5760xf32, #tpu.memory_space<vmem>>, vector<16xf32>, vector<16xi1>
        tpu.vector_store %arg32[%swap3A_1620], %mul3A_1619 masked %lt3A_1571 {strides = array<i32>} : memref<5760xf32, #tpu.memory_space<vmem>>, vector<16xf32>, vector<16xi1>
        %gather3A_1622 = tpu.vector_load_idx %arg28[%broadcast_in_dim3A_1595, %add3A_1579] : memref<112x128xf32, #tpu.memory_space<vmem>>[vector<16xi32>, vector<16xi32>], vector<16xf32>,
        %mul3A_1623 = arith.constant 10 : i32
        %mul3A_1624 = arith.muli %scan3A_1593, %mul3A_1623 : i32
        %swap3A_1625 = arith.index_cast %mul3A_1624 : i32 to index
        %swap3A_1626 = tpu.vector_load %arg33[%swap3A_1625] masked %lt3A_1574 {strides = array<i32>} : memref<1152xf32, #tpu.memory_space<vmem>>, vector<16xf32>, vector<16xi1>
        tpu.vector_store %arg33[%swap3A_1625], %gather3A_1622 masked %lt3A_1574 {strides = array<i32>} : memref<1152xf32, #tpu.memory_space<vmem>>, vector<16xf32>, vector<16xi1>
        %gather3A_1627 = tpu.vector_load_idx %arg28[%broadcast_in_dim3A_1595, %add3A_1585] : memref<112x128xf32, #tpu.memory_space<vmem>>[vector<16xi32>, vector<16xi32>], vector<16xf32>,
        %mul3A_1628 = arith.constant 3 : i32
        %mul3A_1629 = arith.muli %scan3A_1593, %mul3A_1628 : i32
        %swap3A_1630 = arith.index_cast %mul3A_1629 : i32 to index
        %swap3A_1631 = tpu.vector_load %arg34[%swap3A_1630] masked %lt3A_1571 {strides = array<i32>} : memref<384xf32, #tpu.memory_space<vmem>>, vector<16xf32>, vector<16xi1>
        tpu.vector_store %arg34[%swap3A_1630], %gather3A_1627 masked %lt3A_1571 {strides = array<i32>} : memref<384xf32, #tpu.memory_space<vmem>>, vector<16xf32>, vector<16xi1>
        %scan3A_1632 = arith.constant 0 : i32
        scf.yield %scan3A_1632 : i32
      }
      %scan3A_1592 = arith.constant 112 : i32
      "tpu.region"() ({
        %run_scoped3A = tpu.sem_alloc : memref<!tpu.dma_semaphore, #tpu.memory_space<semaphore_mem>>
        %dma_start3A = arith.constant 0 : i32
        %dma_start3A_1593 = tpu.memref_slice %arg14[%arg1, %dma_start3A] : memref<16x5760xf32, #tpu.memory_space<hbm>> -> memref<1x5760xf32, #tpu.memory_space<hbm>>
        %dma_start3A_1594 = tpu.memref_squeeze %dma_start3A_1593 : memref<1x5760xf32, #tpu.memory_space<hbm>> -> memref<5760xf32, #tpu.memory_space<hbm>>
        %dma_start3A_1595 = arith.constant 0 : i32
        %dma_start3A_1596 = tpu.memref_slice %arg14[%arg1, %dma_start3A_1595] : memref<16x5760xf32, #tpu.memory_space<hbm>> -> memref<1x5760xf32, #tpu.memory_space<hbm>>
        %dma_start3A_1597 = tpu.memref_squeeze %dma_start3A_1596 : memref<1x5760xf32, #tpu.memory_space<hbm>> -> memref<5760xf32, #tpu.memory_space<hbm>>
        tpu.enqueue_dma source(%arg32 : memref<5760xf32, #tpu.memory_space<vmem>>) target(%dma_start3A_1597 : memref<5760xf32, #tpu.memory_space<hbm>>) target_semaphore(%run_scoped3A : memref<!tpu.dma_semaphore, #tpu.memory_space<semaphore_mem>>)
        %dma_wait3A = arith.constant 0 : i32
        %dma_wait3A_1598 = tpu.memref_slice %arg14[%arg1, %dma_wait3A] : memref<16x5760xf32, #tpu.memory_space<hbm>> -> memref<1x5760xf32, #tpu.memory_space<hbm>>
        %dma_wait3A_1599 = tpu.memref_squeeze %dma_wait3A_1598 : memref<1x5760xf32, #tpu.memory_space<hbm>> -> memref<5760xf32, #tpu.memory_space<hbm>>
        %dma_wait3A_1600 = arith.constant 0 : i32
        %dma_wait3A_1601 = tpu.memref_slice %arg14[%arg1, %dma_wait3A_1600] : memref<16x5760xf32, #tpu.memory_space<hbm>> -> memref<1x5760xf32, #tpu.memory_space<hbm>>
        %dma_wait3A_1602 = tpu.memref_squeeze %dma_wait3A_1601 : memref<1x5760xf32, #tpu.memory_space<hbm>> -> memref<5760xf32, #tpu.memory_space<hbm>>
        tpu.wait_dma2 semaphore(%run_scoped3A : memref<!tpu.dma_semaphore, #tpu.memory_space<semaphore_mem>>) src(%arg32 : memref<5760xf32, #tpu.memory_space<vmem>>) dst(%dma_wait3A_1602 : memref<5760xf32, #tpu.memory_space<hbm>>)
        tpu.yield
      }) : () -> ()
      "tpu.region"() ({
        %run_scoped3A = tpu.sem_alloc : memref<!tpu.dma_semaphore, #tpu.memory_space<semaphore_mem>>
        %dma_start3A = arith.constant 0 : i32
        %dma_start3A_1593 = arith.constant 0 : i32
        %dma_start3A_1594 = tpu.memref_slice %arg18[%arg1, %dma_start3A, %dma_start3A_1593] : memref<16x112x51xf32, #tpu.memory_space<hbm>> -> memref<1x112x51xf32, #tpu.memory_space<hbm>>
        %dma_start3A_1595 = tpu.memref_squeeze %dma_start3A_1594 : memref<1x112x51xf32, #tpu.memory_space<hbm>> -> memref<112x51xf32, #tpu.memory_space<hbm>>
        %dma_start3A_1596 = arith.constant 0 : i32
        %dma_start3A_1597 = arith.constant 0 : i32
        %dma_start3A_1598 = tpu.memref_slice %arg18[%arg1, %dma_start3A_1596, %dma_start3A_1597] : memref<16x112x51xf32, #tpu.memory_space<hbm>> -> memref<1x112x51xf32, #tpu.memory_space<hbm>>
        %dma_start3A_1599 = tpu.memref_squeeze %dma_start3A_1598 : memref<1x112x51xf32, #tpu.memory_space<hbm>> -> memref<112x51xf32, #tpu.memory_space<hbm>>
        tpu.enqueue_dma source(%arg29 : memref<112x51xf32, #tpu.memory_space<vmem>>) target(%dma_start3A_1599 : memref<112x51xf32, #tpu.memory_space<hbm>>) target_semaphore(%run_scoped3A : memref<!tpu.dma_semaphore, #tpu.memory_space<semaphore_mem>>)
        %dma_wait3A = arith.constant 0 : i32
        %dma_wait3A_1600 = arith.constant 0 : i32
        %dma_wait3A_1601 = tpu.memref_slice %arg18[%arg1, %dma_wait3A, %dma_wait3A_1600] : memref<16x112x51xf32, #tpu.memory_space<hbm>> -> memref<1x112x51xf32, #tpu.memory_space<hbm>>
        %dma_wait3A_1602 = tpu.memref_squeeze %dma_wait3A_1601 : memref<1x112x51xf32, #tpu.memory_space<hbm>> -> memref<112x51xf32, #tpu.memory_space<hbm>>
        %dma_wait3A_1603 = arith.constant 0 : i32
        %dma_wait3A_1604 = arith.constant 0 : i32
        %dma_wait3A_1605 = tpu.memref_slice %arg18[%arg1, %dma_wait3A_1603, %dma_wait3A_1604] : memref<16x112x51xf32, #tpu.memory_space<hbm>> -> memref<1x112x51xf32, #tpu.memory_space<hbm>>
        %dma_wait3A_1606 = tpu.memref_squeeze %dma_wait3A_1605 : memref<1x112x51xf32, #tpu.memory_space<hbm>> -> memref<112x51xf32, #tpu.memory_space<hbm>>
        tpu.wait_dma2 semaphore(%run_scoped3A : memref<!tpu.dma_semaphore, #tpu.memory_space<semaphore_mem>>) src(%arg29 : memref<112x51xf32, #tpu.memory_space<vmem>>) dst(%dma_wait3A_1606 : memref<112x51xf32, #tpu.memory_space<hbm>>)
        tpu.yield
      }) : () -> ()
      "tpu.region"() ({
        %run_scoped3A = tpu.sem_alloc : memref<!tpu.dma_semaphore, #tpu.memory_space<semaphore_mem>>
        %dma_start3A = arith.constant 0 : i32
        %dma_start3A_1593 = tpu.memref_slice %arg16[%arg1, %dma_start3A] : memref<16x1152xf32, #tpu.memory_space<hbm>> -> memref<1x1152xf32, #tpu.memory_space<hbm>>
        %dma_start3A_1594 = tpu.memref_squeeze %dma_start3A_1593 : memref<1x1152xf32, #tpu.memory_space<hbm>> -> memref<1152xf32, #tpu.memory_space<hbm>>
        %dma_start3A_1595 = arith.constant 0 : i32
        %dma_start3A_1596 = tpu.memref_slice %arg16[%arg1, %dma_start3A_1595] : memref<16x1152xf32, #tpu.memory_space<hbm>> -> memref<1x1152xf32, #tpu.memory_space<hbm>>
        %dma_start3A_1597 = tpu.memref_squeeze %dma_start3A_1596 : memref<1x1152xf32, #tpu.memory_space<hbm>> -> memref<1152xf32, #tpu.memory_space<hbm>>
        tpu.enqueue_dma source(%arg33 : memref<1152xf32, #tpu.memory_space<vmem>>) target(%dma_start3A_1597 : memref<1152xf32, #tpu.memory_space<hbm>>) target_semaphore(%run_scoped3A : memref<!tpu.dma_semaphore, #tpu.memory_space<semaphore_mem>>)
        %dma_wait3A = arith.constant 0 : i32
        %dma_wait3A_1598 = tpu.memref_slice %arg16[%arg1, %dma_wait3A] : memref<16x1152xf32, #tpu.memory_space<hbm>> -> memref<1x1152xf32, #tpu.memory_space<hbm>>
        %dma_wait3A_1599 = tpu.memref_squeeze %dma_wait3A_1598 : memref<1x1152xf32, #tpu.memory_space<hbm>> -> memref<1152xf32, #tpu.memory_space<hbm>>
        %dma_wait3A_1600 = arith.constant 0 : i32
        %dma_wait3A_1601 = tpu.memref_slice %arg16[%arg1, %dma_wait3A_1600] : memref<16x1152xf32, #tpu.memory_space<hbm>> -> memref<1x1152xf32, #tpu.memory_space<hbm>>
        %dma_wait3A_1602 = tpu.memref_squeeze %dma_wait3A_1601 : memref<1x1152xf32, #tpu.memory_space<hbm>> -> memref<1152xf32, #tpu.memory_space<hbm>>
        tpu.wait_dma2 semaphore(%run_scoped3A : memref<!tpu.dma_semaphore, #tpu.memory_space<semaphore_mem>>) src(%arg33 : memref<1152xf32, #tpu.memory_space<vmem>>) dst(%dma_wait3A_1602 : memref<1152xf32, #tpu.memory_space<hbm>>)
        tpu.yield
      }) : () -> ()
      "tpu.region"() ({
        %run_scoped3A = tpu.sem_alloc : memref<!tpu.dma_semaphore, #tpu.memory_space<semaphore_mem>>
        %dma_start3A = arith.constant 0 : i32
        %dma_start3A_1593 = tpu.memref_slice %arg17[%arg1, %dma_start3A] : memref<16x384xf32, #tpu.memory_space<hbm>> -> memref<1x384xf32, #tpu.memory_space<hbm>>
        %dma_start3A_1594 = tpu.memref_squeeze %dma_start3A_1593 : memref<1x384xf32, #tpu.memory_space<hbm>> -> memref<384xf32, #tpu.memory_space<hbm>>
        %dma_start3A_1595 = arith.constant 0 : i32
        %dma_start3A_1596 = tpu.memref_slice %arg17[%arg1, %dma_start3A_1595] : memref<16x384xf32, #tpu.memory_space<hbm>> -> memref<1x384xf32, #tpu.memory_space<hbm>>
        %dma_start3A_1597 = tpu.memref_squeeze %dma_start3A_1596 : memref<1x384xf32, #tpu.memory_space<hbm>> -> memref<384xf32, #tpu.memory_space<hbm>>
        tpu.enqueue_dma source(%arg34 : memref<384xf32, #tpu.memory_space<vmem>>) target(%dma_start3A_1597 : memref<384xf32, #tpu.memory_space<hbm>>) target_semaphore(%run_scoped3A : memref<!tpu.dma_semaphore, #tpu.memory_space<semaphore_mem>>)
        %dma_wait3A = arith.constant 0 : i32
        %dma_wait3A_1598 = tpu.memref_slice %arg17[%arg1, %dma_wait3A] : memref<16x384xf32, #tpu.memory_space<hbm>> -> memref<1x384xf32, #tpu.memory_space<hbm>>
        %dma_wait3A_1599 = tpu.memref_squeeze %dma_wait3A_1598 : memref<1x384xf32, #tpu.memory_space<hbm>> -> memref<384xf32, #tpu.memory_space<hbm>>
        %dma_wait3A_1600 = arith.constant 0 : i32
        %dma_wait3A_1601 = tpu.memref_slice %arg17[%arg1, %dma_wait3A_1600] : memref<16x384xf32, #tpu.memory_space<hbm>> -> memref<1x384xf32, #tpu.memory_space<hbm>>
        %dma_wait3A_1602 = tpu.memref_squeeze %dma_wait3A_1601 : memref<1x384xf32, #tpu.memory_space<hbm>> -> memref<384xf32, #tpu.memory_space<hbm>>
        tpu.wait_dma2 semaphore(%run_scoped3A : memref<!tpu.dma_semaphore, #tpu.memory_space<semaphore_mem>>) src(%arg34 : memref<384xf32, #tpu.memory_space<vmem>>) dst(%dma_wait3A_1602 : memref<384xf32, #tpu.memory_space<hbm>>)
        tpu.yield
      }) : () -> ()
    } else {
    }
    return
  }
}

module attributes {stable_mosaic.version = 14 : i64} {
  func.func @_tc_thresh_body(%arg0: memref<16x16384xf32, #tpu.memory_space<vmem>>, %arg1: memref<16x16384xf32, #tpu.memory_space<vmem>>, %arg2: memref<16x128xf32, #tpu.memory_space<vmem>>) attributes {dimension_semantics = [], scalar_prefetch = 0 : i64, scratch_operands = 0 : i64, tpu.core_type = #tpu.core_type<tc>} {
    %get3A = arith.constant 0 : index
    %get3A_0 = arith.constant 0 : index
    %get3A_1 = vector.load %arg0[%get3A, %get3A_0] : memref<16x16384xf32, #tpu.memory_space<vmem>>, vector<16x16384xf32>
    %logistic3A = arith.negf %get3A_1 : vector<16x16384xf32>
    %logistic3A_2 = math.exp %logistic3A : vector<16x16384xf32>
    %logistic3A_3 = arith.constant 1.000000e+00 : f32
    %logistic3A_4 = vector.broadcast %logistic3A_3 : f32 to vector<16x16384xf32>
    %logistic3A_5 = arith.addf %logistic3A_4, %logistic3A_2 : vector<16x16384xf32>
    %logistic3A_6 = arith.divf %logistic3A_4, %logistic3A_5 : vector<16x16384xf32>
    %swap3A = arith.constant 0 : index
    %swap3A_7 = arith.constant 0 : index
    %swap3A_8 = vector.load %arg1[%swap3A, %swap3A_7] : memref<16x16384xf32, #tpu.memory_space<vmem>>, vector<16x16384xf32>
    tpu.vector_store %arg1[%swap3A, %swap3A_7], %logistic3A_6 {strides = array<i32>} : memref<16x16384xf32, #tpu.memory_space<vmem>>, vector<16x16384xf32>,
    %bitcast_convert_type3A = tpu.bitcast %logistic3A_6 : vector<16x16384xf32> -> vector<16x16384xi32>
    %broadcast_in_dim3A = arith.constant -1 : i32
    %broadcast_in_dim3A_9 = vector.broadcast %broadcast_in_dim3A : i32 to vector<16x1xi32>
    %broadcast_in_dim3A_10 = arith.constant 1065353217 : i32
    %broadcast_in_dim3A_11 = vector.broadcast %broadcast_in_dim3A_10 : i32 to vector<16x1xi32>
    %scan3A = arith.constant 0 : i32
    %scan3A_12 = arith.constant 31 : i32
    %scan3A_13 = arith.addi %scan3A, %scan3A_12 : i32
    %scan3A_14 = arith.constant 1 : i32
    %scan3A_15:2 = scf.for %scan3A_22 = %scan3A to %scan3A_13 step %scan3A_14 iter_args(%scan3A_23 = %broadcast_in_dim3A_9, %scan3A_24 = %broadcast_in_dim3A_11) -> (vector<16x1xi32>, vector<16x1xi32>)  : i32 {
      %add3A = arith.addi %scan3A_23, %scan3A_24 : vector<16x1xi32>
      %shift_right_arithmetic3A = arith.constant 1 : i32
      %shift_right_arithmetic3A_25 = vector.broadcast %shift_right_arithmetic3A : i32 to vector<16x1xi32>
      %shift_right_arithmetic3A_26 = arith.shrsi %add3A, %shift_right_arithmetic3A_25 : vector<16x1xi32>
      %gt3A = vector.broadcast %shift_right_arithmetic3A_26 : vector<16x1xi32> to vector<16x16384xi32>
      %gt3A_27 = arith.cmpi sgt, %bitcast_convert_type3A, %gt3A : vector<16x16384xi32>
      %convert_element_type3A = arith.extui %gt3A_27 : vector<16x16384xi1> to vector<16x16384xi32>
      %reduce_sum3A = arith.constant dense<0> : vector<16xi32>
      %reduce_sum3A_28 = vector.multi_reduction <add>, %convert_element_type3A, %reduce_sum3A [1] : vector<16x16384xi32> to vector<16xi32>
      %broadcast_in_dim3A_29 = vector.shape_cast %reduce_sum3A_28 : vector<16xi32> to vector<16x1xi32>
      %lt3A = arith.constant 100 : i32
      %lt3A_30 = vector.broadcast %lt3A : i32 to vector<16x1xi32>
      %lt3A_31 = arith.cmpi slt, %broadcast_in_dim3A_29, %lt3A_30 : vector<16x1xi32>
      %select_n3A = arith.select %lt3A_31, %scan3A_23, %shift_right_arithmetic3A_26 : vector<16x1xi1>, vector<16x1xi32>
      %select_n3A_32 = arith.select %lt3A_31, %shift_right_arithmetic3A_26, %scan3A_24 : vector<16x1xi1>, vector<16x1xi32>
      scf.yield %select_n3A, %select_n3A_32 : vector<16x1xi32>, vector<16x1xi32>
    }
    %bitcast_convert_type3A_16 = tpu.bitcast %scan3A_15#1 : vector<16x1xi32> -> vector<16x1xf32>
    %broadcast_in_dim3A_17 = vector.shape_cast %bitcast_convert_type3A_16 : vector<16x1xf32> to vector<16x1xf32>
    %broadcast_in_dim3A_18 = vector.broadcast %broadcast_in_dim3A_17 : vector<16x1xf32> to vector<16x128xf32>
    %swap3A_19 = arith.constant 0 : index
    %swap3A_20 = arith.constant 0 : index
    %swap3A_21 = vector.load %arg2[%swap3A_19, %swap3A_20] : memref<16x128xf32, #tpu.memory_space<vmem>>, vector<16x128xf32>
    tpu.vector_store %arg2[%swap3A_19, %swap3A_20], %broadcast_in_dim3A_18 {strides = array<i32>} : memref<16x128xf32, #tpu.memory_space<vmem>>, vector<16x128xf32>,
    return
  }
}

</mosaic_0001>

<sc_bundles>
// kernel: kernel.4.cloned.1.call-start
scs
__scs_entry_jumppad:
0x0: {  	(pc) =	sbr.rel $0x88, $3  }
0x1: {  	(tag) =	ssettag $0x0;
	lr =	simm.s32 $0x1  }
0x2: {  	[smem:$0x3F99] =	sst lr;
	_ =	strace $0xD0000000  }
0x3: {  	_ = 	snop  }
0x4: {  	_ = 	snop  }
0x5: {  	_ = 	snop  }
0x6: {  	_ = 	snop  }
0x7: {  	_ = 	snop  }
__scs_overlays_trampoline_lowered:
0x8: {  	[smem:$0x3FA8] =	sst s0  }
0x9: {  	[smem:$0x3FA9] =	sst s1  }
0xa: {  	[smem:$0x3FAA] =	sst s2  }
0xb: {  	[smem:$0x3FAB] =	sst s3  }
0xc: {  	[smem:$0x3FAC] =	sst s4  }
0xd: {  	[smem:$0x3FAD] =	sst s5  }
0xe: {  	[smem:$0x3FAE] =	sst s6  }
0xf: {  	[smem:$0x3FAF] =	sst s7  }
0x10: {  	[smem:$0x3FB0] =	sst s8  }
0x11: {  	[smem:$0x3FB1] =	sst s9;
	s0 =	simm.s32 @!p0 $0x0  }
0x12: {  	s1 =	sld [smem:$0x3F97];
	s0 =	simm.s32 @p0 $0x1  }
0x13: {  	[smem:$0x3FB2] =	sst s0;
	s0 =	simm.s32 @!p1 $0x0  }
0x14: {  	s2 =	sld [smem:$0x3F96];
	s0 =	simm.s32 @p1 $0x1  }
0x15: {  	[smem:$0x3FB3] =	sst s0;
	s0 =	simm.s32 @!p2 $0x0  }
0x16: {  	s3 =	sld [smem:$0x3FDB];
	s0 =	simm.s32 @p2 $0x1  }
0x17: {  	s4 =	simm.s32 $0x1BF5;
	[smem:$0x3FB5] =	sst s0  }
0x18: {  	s0 =	sld [smem:$0x3F98];
	_ =	swait.ge [sflag:s4], $0x0  }
0x19: {  	s7 =	sld [smem:$0x3F99]  }
0x1a: {  	s8 =	sadd.s32 $0xFFFFE003, lr  }
0x1b: {  	s9 =	sadd.s32 $0xFFFFFEF7, lr;
	s5 =	simm.s32 $0xFFFFFFFF;
	p2 =	slt.u32 s8, $0xFFFFF086  }
0x1c: {  	p1 =	slt.u32 s9, $0xF7A;
	s5 =	simm.s32 @!p2 $0x0  }
0x1d: {  	s5 =	simm.s32 @p1 $0x1;
	p0 =	seq.s32 s7, s2  }
0x1e: {  	s7 =	smul.u32 @!p0 $0xF7A, s2;
	p2 =	seq.s32 @!p0 s5, $0x0  }
0x1f: {  	s9 =	smul.u32 $0xF7A, s1;
	s8 =	simm.s32 @!p0 $0x1BF5;
	p2 =	por !p2, p0  }
0x20: {  	[sflag:s8] =	ssyncset.s32 @!p0 $0xFFFFF086;
	s6 =	sadd.s32 @!p0 s3, s7;
	s7 =	simm.s32 @!p0 $0x108  }
0x21: {  	s3 =	sadd.s32 s3, s9;
	s6 =	sadd.s32 @!p0 $0x88, s6;
	s7 =	simm.s32 @p2 $0x1082  }
0x22: {  	[simem:s7], [sflag:s8] =	dma.local @!p0 [hbm:s6], $0xF7A  }
0x23: {  	s9 =	sor.u32 $0xD0000000, s2;
	s6 =	simm.s32 $0x108;
	_ =	swait.ge @!p0 [sflag:s8], $0x0  }
0x24: {  	s3 =	sadd.s32 $0x88, s3;
	s6 =	simm.s32 @!p1 $0x1082;
	[sflag:s4] =	ssyncset.s32 $0xFFFFF086  }
0x25: {  	[simem:s6], [sflag:s4] =	dma.local [hbm:s3], $0xF7A  }
0x26: {  	[smem:$0x3F99] =	sst s1;
	(tag) =	ssettag s2;
	_ =	strace s9  }
0x27: {  	s1 =	sld [smem:$0x3FA9]  }
0x28: {  	s2 =	sld [smem:$0x3FAA]  }
0x29: {  	s4 =	sld [smem:$0x3FAC]  }
0x2a: {  	p0 =	seq.s32 s5, $0x0;
	s5 =	sld [smem:$0x3FAD]  }
0x2b: {  	s6 =	sld [smem:$0x3FAE]  }
0x2c: {  	s7 =	sld [smem:$0x3FAF]  }
0x2d: {  	s3 =	simm.s32 $0x108;
	s8 =	sld [smem:$0x3FB0]  }
0x2e: {  	s3 =	simm.s32 @!p0 $0x1082;
	s9 =	sld [smem:$0x3FB1]  }
0x2f: {  	lr =	sadd.s32 s0, s3;
	s0 =	sld [smem:$0x3FA8]  }
0x30: {  	s3 =	sld [smem:$0x3FAB]  }
0x31: {  	[smem:$0x3FB4] =	sst s10  }
0x32: {  	s10 =	sld [smem:$0x3FB2];
	_ =	sdelay $0x3  }
0x33: {  	p0 =	seq.s32 s10, $0x1;
	s10 =	sld [smem:$0x3FB4];
	_ =	sdelay $0x3  }
0x34: {  	[smem:$0x3FB4] =	sst s10  }
0x35: {  	s10 =	sld [smem:$0x3FB3];
	_ =	sdelay $0x3  }
0x36: {  	p1 =	seq.s32 s10, $0x1;
	s10 =	sld [smem:$0x3FB4];
	_ =	sdelay $0x3  }
0x37: {  	[smem:$0x3FB4] =	sst s10  }
0x38: {  	s10 =	sld [smem:$0x3FB5]  }
0x39: {  	_ = 	snop;
	(pc) =	sbr.ind lr, $3  }
0x3a: {  	_ = 	snop  }
0x3b: {  	_ = 	snop  }
0x3c: {  	p2 =	seq.s32 s10, $0x1;
	s10 =	sld [smem:$0x3FB4]  }
0x3d: {  	_ =	shalt  }
0x3e: {  	_ =	shalt  }
0x3f: {  	_ =	shalt  }
0x40: {  	_ =	shalt  }
0x41: {  	_ =	shalt  }
0x42: {  	_ =	shalt  }
0x43: {  	_ =	shalt  }
0x44: {  	_ =	shalt  }
0x45: {  	_ =	shalt  }
0x46: {  	_ =	shalt  }
0x47: {  	_ =	shalt  }
0x48: {  	_ =	shalt  }
0x49: {  	_ =	shalt  }
0x4a: {  	_ =	shalt  }
0x4b: {  	_ =	shalt  }
0x4c: {  	_ =	shalt  }
0x4d: {  	_ =	shalt  }
0x4e: {  	_ =	shalt  }
0x4f: {  	_ =	shalt  }
0x50: {  	_ =	shalt  }
0x51: {  	_ =	shalt  }
0x52: {  	_ =	shalt  }
0x53: {  	_ =	shalt  }
0x54: {  	_ =	shalt  }
0x55: {  	_ =	shalt  }
0x56: {  	_ =	shalt  }
0x57: {  	_ =	shalt  }
0x58: {  	_ =	shalt  }
0x59: {  	_ =	shalt  }
0x5a: {  	_ =	shalt  }
0x5b: {  	_ =	shalt  }
0x5c: {  	_ =	shalt  }
0x5d: {  	_ =	shalt  }
0x5e: {  	_ =	shalt  }
0x5f: {  	_ =	shalt  }
0x60: {  	_ =	shalt  }
0x61: {  	_ =	shalt  }
0x62: {  	_ =	shalt  }
0x63: {  	_ =	shalt  }
0x64: {  	_ =	shalt  }
0x65: {  	_ =	shalt  }
0x66: {  	_ =	shalt  }
0x67: {  	_ =	shalt  }
0x68: {  	_ =	shalt  }
0x69: {  	_ =	shalt  }
0x6a: {  	_ =	shalt  }
0x6b: {  	_ =	shalt  }
0x6c: {  	_ =	shalt  }
0x6d: {  	_ =	shalt  }
0x6e: {  	_ =	shalt  }
0x6f: {  	_ =	shalt  }
0x70: {  	_ =	shalt  }
0x71: {  	_ =	shalt  }
0x72: {  	_ =	shalt  }
0x73: {  	_ =	shalt  }
0x74: {  	_ =	shalt  }
0x75: {  	_ =	shalt  }
0x76: {  	_ =	shalt  }
0x77: {  	_ =	shalt  }
0x78: {  	_ =	shalt  }
0x79: {  	_ =	shalt  }
0x7a: {  	_ =	shalt  }
0x7b: {  	_ =	shalt  }
0x7c: {  	_ =	shalt  }
0x7d: {  	_ =	shalt  }
0x7e: {  	_ =	shalt  }
0x7f: {  	_ =	shalt  }
0x80: {  	_ =	shalt  }
0x81: {  	_ =	shalt  }
0x82: {  	_ =	shalt  }
0x83: {  	_ =	shalt  }
0x84: {  	_ =	shalt  }
0x85: {  	_ =	shalt  }
0x86: {  	_ =	shalt  }
0x87: {  	_ =	shalt  }
.Lfunc_end0:
.L_simem_size_0:
called_computation.1_lowered:
.L_overlay_start_0:
0x88: {  	s2 =	sld [smem:$0x3FD9]  }
0x89: {  	s3 =	sld [smem:$0x3FFE];
	_ =	sdelay $0x1  }
0x8a: {  	s1 =	srdreg.scid  }
0x8b: {  	s0 =	sand.u32 $0x1, s1  }
0x8c: {  	s14 =	sshll.u32 s0, $0xA;
	s2 =	sadd.s32 s3, s2  }
0x8d: {  	s2 =	sadd.s32 s2, s14  }
0x8e: {  	[smem:$0x3FC0] =	sst s2  }
0x8f: {  	_ = 	snop  }
0x90: {  	s2 =	sld [smem:$0x3FD0];
	_ =	sdelay $0x2  }
0x91: {  	s15 =	simm.s32 $0xA;
	s4 =	simm.s32 $0x10  }
0x92: {  	[smem:s4], [sflag:s15] =	dma.local [hbm:s2], $0x1  }
0x93: {  	_ =	swait.eq [sflag:s15], $0x1  }
0x94: {  	s16 =	sld [smem:$0x10]  }
0x95: {  	s17 =	sld [smem:$0x11]  }
0x96: {  	s5 =	sld [smem:$0x12]  }
0x97: {  	s6 =	sld [smem:$0x13]  }
0x98: {  	s7 =	sld [smem:$0x14]  }
0x99: {  	s8 =	sld [smem:$0x15];
	[sflag:s15] =	ssyncset.done $0x0  }
0x9a: {  	s9 =	sld [smem:$0x16];
	[sflag:s15] =	ssyncadd.s32 $0xFFFFFFFF  }
0x9b: {  	s18 =	sld [smem:$0x17];
	(tm) =	ssettm $0x1  }
0x9c: {  	s10 =	sld [smem:$0x3FFB];
	_ =	sdelay $0x3  }
0x9d: {  	_ =	strace s10  }
0x9e: {  	s10 =	sld [smem:$0x3FFC];
	_ =	sdelay $0x3  }
0x9f: {  	_ =	strace s10  }
0xa0: {  	s10 =	sld [smem:$0x3FFD];
	_ =	sdelay $0x3  }
0xa1: {  	_ =	strace s10  }
0xa2: {  	_ =	strace $0x8FFFFFFF  }
0xa3: {  	s19 =	sld [smem:$0x3FDB];
	_ =	sdelay $0x1  }
0xa4: {  	s11 =	simm.s32 $_scs_section_size  }
0xa5: {  	s12 =	simm.s32 $_size__tile_overlayer_lowered;
	s13 =	simm.s32 $_tile_overlayer_lowered  }
0xa6: {  	s22 =	simm.s32 $0x1BFF;
	s21 =	sshll.u32 s13, $0x1;
	s10 =	sadd.s32 s11, s19  }
0xa7: {  	s20 =	sshll.u32 s12, $0x1;
	s14 =	simm.s32 $0x0;
	s12 =	sadd.s32 s21, s10  }
0xa8: {  	[timem:s14], [sflag:s22] =	dma.local [hbm:s12], s20  }
0xa9: {  	_ =	swait.ge [sflag:s22], s20  }
0xaa: {  	s11 =	ssub.s32 $0x0, s20;
	[sflag:s22] =	ssyncset.done $0x0  }
0xab: {  	[sflag:s22] =	ssyncadd.s32 s11;
	_ =	sdelay $0x1  }
0xac: {  	s23 =	simm.s32 $0x1B8B  }
0xad: {  	_ =	swait.ge [sflag:s23], $0x1  }
0xae: {  	[sflag:s23] =	ssyncset.done $0x0  }
0xaf: {  	s25 =	simm.s32 $0x1B8E;
	s24 =	sld [smem:$0x3FFE];
	[sflag:s23] =	ssyncadd.s32 $0xFFFFFFFF  }
0xb0: {  	s26 =	simm.s32 $execute0_lowered;
	[smem:$0x3FD2] =	sst s25  }
0xb1: {  	s12 =	sshll.u32 s26, $0x1;
	_ =	strace $0x80000049;
	[dreg:$0x1] =	wrdreg $0xFFFFFFFF  }
0xb2: {  	s28 =	simm.s32 $_size_execute0_lowered;
	s10 =	sadd.s32 s10, s12;
	[dreg:$0x0] =	wrdreg $0x0  }
0xb3: {  	s12 =	sshll.u32 s28, $0x1;
	[dreg:$0x2] =	wrdreg s10  }
0xb4: {  	[dreg:$0x3] =	wrdreg s12  }
0xb5: {  	[dreg:$0x4] =	wrdreg $0xC0  }
0xb6: {  	_ =	task [dreg:s14], $0x5FFFF  }
0xb7: {  	[dreg:$0x1] =	wrdreg $0xFFFFFFFF  }
0xb8: {  	[dreg:$0x0] =	wrdreg $0x60  }
0xb9: {  	[dreg:$0x2] =	wrdreg s7  }
0xba: {  	[dreg:$0x3] =	wrdreg s6  }
0xbb: {  	[dreg:$0x4] =	wrdreg s24  }
0xbc: {  	[dreg:$0x5] =	wrdreg s16  }
0xbd: {  	[dreg:$0x6] =	wrdreg s17  }
0xbe: {  	[dreg:$0x7] =	wrdreg s5  }
0xbf: {  	[dreg:$0x8] =	wrdreg s18  }
0xc0: {  	[dreg:$0x9] =	wrdreg s8  }
0xc1: {  	[dreg:$0xa] =	wrdreg s9  }
0xc2: {  	[dreg:$0xb] =	wrdreg $0x9  }
0xc3: {  	_ =	task.clear_ibuf [dreg:s14], $0xCFFFF;
	_ =	strace $0x90000049  }
0xc4: {  	s29 =	simm.s32 $0x9;
	_ =	strace $0x8000004B  }
0xc5: {  	_ =	swait.ge [sflag:s29], $0x1  }
0xc6: {  	[sflag:s29] =	ssyncadd.s32 $0xFFFFFFFF  }
0xc7: {  	_ =	strace $0x9000004B  }
0xc8: {  	_ =	sfence  }
0xc9: {  	s30 =	sld [smem:$0x0];
	_ =	sdelay $0x2  }
0xca: {  	s31 =	sshll.u32 s1, $0xD;
	s1 =	sshrl.u32 s1, $0x2  }
0xcb: {  	s3 =	sand.u32 $0x4000, s31;
	s1 =	sadd.s32 s1, s30  }
0xcc: {  	s0 =	sor.u32 s3, s0;
	s1 =	sshll.u32 s1, $0x11  }
0xcd: {  	s0 =	sor.u32 s1, s0  }
0xce: {  	s0 =	sadd.s32 $0x8F2B, s0  }
0xcf: {  	[sflag:s0] =	ssyncadd.remote.s32 $0x1  }
0xd0: {  	_ =	sfence.sel $0xFFFF  }
0xd1: {  	[dreg:$0x0] =	wrdreg $0xFFFFFFFF;
	(pc) =	sbr.abs _section_cstart, $3  }
0xd2: {  	[dreg:$0x1] =	wrdreg $0xFFFFFFFF  }
0xd3: {  	_ =	task.clear_ibuf [dreg:s14], $0x2FFFF;
	_ =	strace $0x9FFFFFFF  }
0xd4: {  	(tm) =	ssettm $0x7FFFFFFF  }
0xd5: {  	_ =	shalt  }
tec
execute0_lowered:
.L_overlay_start_1:
0x0: {  	(tag) =	ssettag $0x1  }
0x1: {  	s9 =	rddreg [dreg:$0x0]  }
0x2: {  	s8 =	rddreg [dreg:$0x1]  }
0x3: {  	s7 =	rddreg [dreg:$0x2]  }
0x4: {  	s6 =	rddreg [dreg:$0x3];
	s1 =	srdreg.scid  }
0x5: {  	s5 =	rddreg [dreg:$0x4];
	s1 =	sand.u32 $0x1, s1  }
0x6: {  	s4 =	rddreg [dreg:$0x5];
	p0 =	seq.s32 s1, $0x1  }
.Ltmp0:
0x7: {  	s3 =	rddreg [dreg:$0x6];
	(pc) =	sbr.rel @p0 .LBB2_12-.Ltmp0, $4  }
0x8: {  	s2 =	rddreg [dreg:$0x7]  }
0x9: {  	s20 =	rddreg [dreg:$0x8];
	s18 =	simm.s32 $0x0  }
0xa: {  	[smem:$0x7FF] =	sst s18  }
0xb: {  	s0 =	rddreg [dreg:$0x9];
	_ =	strace $0x8000004A;
	s1 =	stileid.u32  }
0xc: {  	s22 =	sshrl.u32 s1, $0x3;
	s10 =	sshll.u32 s1, $0x7  }
0xd: {  	s21 =	sand.u32 $0x380, s10;
	s19 =	sshll.u32 s22, $0x11  }
0xe: {  	s10 =	sor.u32 s21, s19  }
0xf: {  	s23 =	simm.s32 $0x80;
	s10 =	sshrl.u32 s10, $0x3  }
0x10: {  	s11 =	simm.s32 $0x400;
	s24 =	simm.s32 $0x2;
	s9 =	sadd.s32 s9, s10  }
0x11: {  	[tilespmem:s18], [sflag:$0x2] =	stream.strided.gather [hbm4b:s9+s23], $0x4000, s11, s23, $0x38;
	[tilespmem:$0x14380] =	vst v63  }
0x12: {  	_ =	swait.ge [sflag:s24], $0x4000  }
0x13: {  	[sflag:s24] =	ssyncset.done $0x0  }
0x14: {  	s25 =	simm.s32 $0x4000;
	[sflag:s24] =	ssyncadd.s32 $0xFFFFC000  }
0x15: {  	[tilespmem:s25], [sflag:$0x2] =	stream.linear.gather [hbm4b:s8+s18], $0x10, $0x38;
	[tilespmem:$0x14380] =	vst v63  }
0x16: {  	_ =	swait.ge [sflag:s24], $0x10  }
0x17: {  	[sflag:s24] =	ssyncset.done $0x0  }
0x18: {  	s26 =	sadd.s32 $0x6C3800, s7;
	v0 =	vmov s1;
	s28 =	simm.s32 $0x4080;
	[sflag:s24] =	ssyncadd.s32 $0xFFFFFFF0  }
0x19: {  	v1 =	vshll.u32 v0, $0x1;
	[tilespmem:s28], [sflag:$0x2] =	stream.linear.gather [hbm4b:s26+s18], $0x20, $0x38;
	[tilespmem:$0x14380] =	vst v63  }
0x1a: {  	v3 =	vor.u32 $0x1, v1;
	_ =	swait.ge [sflag:s24], $0x20  }
0x1b: {  	[sflag:s24] =	ssyncset.done $0x0  }
0x1c: {  	[sflag:s24] =	ssyncadd.s32 $0xFFFFFFE0  }
0x1d: {  	v2 =	vld.idx.msk [tilespmem:v0+s25+$0x0], $0xffff  }
0x1e: {  	v4 =	vimm.f32 $-1.000000000e+00;
	v1 =	vld.idx.msk [tilespmem:v1+s28+$0x0], $0xffff  }
0x1f: {  	v0 =	vld.idx.msk [tilespmem:v3+s28+$0x0], $0xffff;
	[tilespmem:$0x4100] =	vst v4  }
0x20: {  	[tilespmem:$0x4110] =	vst v4  }
0x21: {  	[tilespmem:$0x4120] =	vst v4  }
0x22: {  	[tilespmem:$0x4130] =	vst v4  }
0x23: {  	[tilespmem:$0x4140] =	vst v4  }
0x24: {  	[tilespmem:$0x4150] =	vst v4  }
0x25: {  	[tilespmem:$0x4160] =	vst v4  }
0x26: {  	v3 =	vimm.s32 $0x0;
	[tilespmem:$0x4170] =	vst v4  }
0x27: {  	[tilespmem:$0x4180] =	vst v3  }
0x28: {  	[tilespmem:$0x4200] =	vst v3  }
0x29: {  	[tilespmem:$0x4190] =	vst v3  }
0x2a: {  	[tilespmem:$0x4210] =	vst v3  }
0x2b: {  	[tilespmem:$0x41A0] =	vst v3  }
0x2c: {  	[tilespmem:$0x4220] =	vst v3  }
0x2d: {  	[tilespmem:$0x41B0] =	vst v3  }
0x2e: {  	[tilespmem:$0x4230] =	vst v3  }
0x2f: {  	[tilespmem:$0x41C0] =	vst v3  }
0x30: {  	[tilespmem:$0x4240] =	vst v3  }
0x31: {  	[tilespmem:$0x41D0] =	vst v3  }
0x32: {  	[tilespmem:$0x4250] =	vst v3  }
0x33: {  	[tilespmem:$0x41E0] =	vst v3  }
0x34: {  	[tilespmem:$0x4260] =	vst v3  }
0x35: {  	[tilespmem:$0x41F0] =	vst v3  }
0x36: {  	[tilespmem:$0x4270] =	vst v3  }
0x37: {  	v4 =	vld [tilespmem:s18+$0x0];
	_ =	sdelay $0x4  }
0x38: {  	vm0 =	vge.f32 v4, v2  }
0x39: {  	v5 =	vsel vm0, $0x1, v3  }
0x3a: {  	(xrf0) =	vadd.scan.msk.s32 $0xffff, v5;
	_ =	sdelay $0x5  }
0x3b: {  	v5, _, _ =	vpop (xrf0)  }
0x3c: {  	(v2sf) =	vpush v5, $0xF;
	_ =	sdelay $0xe  }
0x3d: {  	s29 =	spop (v2sf)  }
0x3e: {  	p0 =	slt.s32 s29, $0x1  }
0x3f: {  	vm0 =	veq.f32 @!p0 v4, v2;
	v5 =	vimm.s32 @!p0 $0x0  }
0x40: {  	v6 =	vsel @!p0 vm0, $0x1, v5  }
0x41: {  	(xrf0) =	vadd.scan.msk.s32 @!p0 $0xffff, v6;
	_ =	sdelay $0x5  }
0x42: {  	v6, _, _ =	vpop @!p0 (xrf0)  }
0x43: {  	vm1 =	vgt.f32 @!p0 v4, v2;
	v7 =	vlaneseq.u32 @!p0;
	v6 =	vadd.s32 @!p0 s18, v6  }
0x44: {  	v7 =	vor.u32 @!p0 s18, v7;
	[tilespmem:s18+$0x4100] =	vst.msk @!p0 vm1, v4;
	vm2 =	vlt.s32 @!p0 v6, $0x65  }
0x45: {  	[tilespmem:s18+$0x4180] =	vst.msk @!p0 vm1, v7;
	vm0 =	vmand @!p0 vm0, vm2  }
0x46: {  	s19 =	simm.s32 $0x10;
	[tilespmem:s18+$0x4200] =	vst.msk @!p0 vm0, v7  }
0x47: {  	v4 =	vld [tilespmem:s19+$0x0];
	_ =	sdelay $0x1  }
0x48: {  	v6 =	vsel @!p0 vm1, $0x1, v5  }
0x49: {  	(xrf0) =	vadd.scan.msk.s32 @!p0 $0xffff, v6  }
0x4a: {  	v5 =	vsel @!p0 vm0, $0x1, v5  }
0x4b: {  	(xrf0) =	vadd.scan.msk.s32 @!p0 $0xffff, v5;
	vm15 =	vge.f32 v4, v2  }
0x4c: {  	s12 =	sadd.s32 $0x11A3800, s7;
	v5 =	vsel vm15, $0x1, v3  }
0x4d: {  	s13 =	sadd.s32 $0xDA3800, s7;
	s30 =	smul.u32 $0xE00, s1  }
0x4e: {  	s14 =	sadd.s32 $0xFA3800, s7;
	s31 =	smul.u32 $0x700, s1;
	s16 =	sshll.u32 s22, $0xA  }
0x4f: {  	s15 =	sadd.s32 $0x7A3800, s7;
	s0 =	sor.u32 s21, s16;
	s16 =	sshll.u32 s1, $0xD;
	(xrf0) =	vadd.scan.msk.s32 $0xffff, v5;
	v5, _, _ =	vpop @!p0 (xrf0)  }
0x50: {  	s17 =	sshrl.u32 s0, $0x3;
	s10 =	sadd.s32 $0x9A3800, s7;
	s11 =	sadd.s32 $0xBA3800, s7;
	(v2sf) =	vpush @!p0 v5, $0xF  }
0x51: {  	s23 =	sadd.s32 s30, s7;
	s9 =	sadd.s32 s5, s17;
	s8 =	sadd.s32 s6, s17;
	v5, _, _ =	vpop @!p0 (xrf0)  }
0x52: {  	s17 =	sshll.u32 s1, $0x14;
	s26 =	sshll.u32 s22, $0xC;
	s25 =	smul.u32 $0xB400, s22;
	(v2sf) =	vpush @!p0 v5, $0xF  }
0x53: {  	s24 =	sadd.s32 s31, s7;
	s28 =	sor.u32 s21, s26;
	s26 =	smul.u32 $0x2400, s22  }
0x54: {  	s7 =	sadd.s32 $0x6C3A00, s23;
	s22 =	smul.u32 $0xC00, s22;
	s5 =	sshrl.u32 s28, $0x3  }
0x55: {  	s6 =	sadd.s32 s4, s5;
	s30 =	sor.u32 s21, s26;
	s29 =	sor.u32 s21, s25  }
0x56: {  	s31 =	sshrl.u32 s30, $0x3;
	s21 =	sor.u32 s21, s22;
	s4 =	sshrl.u32 s29, $0x3  }
0x57: {  	s22 =	simm.s32 $0x10;
	s21 =	sshrl.u32 s21, $0x3;
	s5 =	sadd.s32 s3, s4  }
0x58: {  	s4 =	sadd.s32 $0x6D1A00, s24;
	s3 =	sadd.s32 s2, s31;
	s0 =	sadd.s32 s20, s21;
	v5, _, _ =	vpop (xrf0)  }
0x59: {  	s21 =	simm.s32 $0x20;
	s20 =	simm.s32 $0x0;
	[dreg:$0xa] =	wrdreg s0;
	(v2sf) =	vpush v5, $0xF  }
.LBB2_2:
0x5a: {  	_ =	sdelay $0x2  }
0x5b: {  	s23 =	smov.u32 s20;
	s20 =	smov.u32 s18  }
0x5c: {  	s24 =	smov.u32 s21;
	s21 =	sadd.s32 $0x10, s21  }
0x5d: {  	p1 =	sne.s32 s21, $0x4000;
	s18 =	spop @!p0 (v2sf)  }
0x5e: {  	s18 =	sadd.s32 @!p0 s20, s18  }
0x5f: {  	s18 =	smov.u32 @p0 s20;
	s20 =	spop @!p0 (v2sf)  }
0x60: {  	s20 =	sadd.s32 @!p0 s23, s20  }
0x61: {  	s20 =	smov.u32 @p0 s23;
	_ =	sdelay $0x4  }
0x62: {  	s23 =	spop (v2sf)  }
0x63: {  	p0 =	slt.s32 s23, $0x1  }
0x64: {  	vm0 =	veq.f32 @!p0 v4, v2;
	v5 =	vimm.s32 @!p0 $0x0  }
0x65: {  	v6 =	vsel @!p0 vm0, $0x1, v5  }
0x66: {  	(xrf0) =	vadd.scan.msk.s32 @!p0 $0xffff, v6;
	_ =	sdelay $0x5  }
0x67: {  	v6, _, _ =	vpop @!p0 (xrf0)  }
0x68: {  	vm1 =	vgt.f32 @!p0 v4, v2;
	v7 =	vlaneseq.u32 @!p0;
	v6 =	vadd.s32 @!p0 s20, v6  }
0x69: {  	v7 =	vor.u32 @!p0 s19, v7;
	s19 =	smov.u32 s24;
	vm2 =	vlt.s32 @!p0 v6, $0x65;
	[tilespmem:s18+$0x4100] =	vst.msk @!p0 vm1, v4;
	v4 =	vsel @!p0 vm1, $0x1, v5  }
0x6a: {  	vm0 =	vmand @!p0 vm0, vm2;
	[tilespmem:s18+$0x4180] =	vst.msk @!p0 vm1, v7;
	(xrf0) =	vadd.scan.msk.s32 @!p0 $0xffff, v4  }
0x6b: {  	s22 =	sadd.s32 $0x10, s22;
	[tilespmem:s20+$0x4200] =	vst.msk @!p0 vm0, v7;
	v5 =	vsel @!p0 vm0, $0x1, v5  }
0x6c: {  	v4 =	vld [tilespmem:s22+$0x0];
	(xrf0) =	vadd.scan.msk.s32 @!p0 $0xffff, v5;
	_ =	sdelay $0x3  }
0x6d: {  	v5, _, _ =	vpop @!p0 (xrf0)  }
0x6e: {  	vm0 =	vge.f32 v4, v2;
	(v2sf) =	vpush @!p0 v5, $0xF  }
0x6f: {  	v5 =	vsel vm0, $0x1, v3;
	v6, _, _ =	vpop @!p0 (xrf0)  }
0x70: {  	(xrf0) =	vadd.scan.msk.s32 $0xffff, v5;
	(v2sf) =	vpush @!p0 v6, $0xF;
	_ =	sdelay $0x2  }
.Ltmp1:
0x71: {  	(pc) =	sbr.rel @p1 .LBB2_2-.Ltmp1, $3  }
0x72: {  	_ =	sdelay $0x1  }
0x73: {  	v5, _, _ =	vpop (xrf0)  }
0x74: {  	(v2sf) =	vpush v5, $0xF  }
0x75: {  	_ =	sdelay $0xb  }
0x76: {  	s21 =	spop @!p0 (v2sf)  }
0x77: {  	s22 =	spop @!p0 (v2sf)  }
0x78: {  	s23 =	spop (v2sf)  }
0x79: {  	p1 =	slt.s32 s23, $0x1  }
0x7a: {  	vm0 =	veq.f32 @!p1 v4, v2;
	v3 =	vimm.s32 @!p1 $0x0  }
0x7b: {  	vm1 =	vgt.f32 @!p1 v4, v2;
	v5 =	vsel @!p1 vm0, $0x1, v3  }
0x7c: {  	(xrf0) =	vadd.scan.msk.s32 @!p1 $0xffff, v5;
	v5 =	vsel @!p1 vm1, $0x1, v3  }
0x7d: {  	(xrf0) =	vadd.scan.msk.s32 @!p1 $0xffff, v5;
	_ =	sdelay $0x4  }
0x7e: {  	v5, _, _ =	vpop @!p1 (xrf0)  }
0x7f: {  	v6, _, _ =	vpop @!p1 (xrf0)  }
0x80: {  	(v2sf) =	vpush @!p1 v6, $0xF;
	_ =	sdelay $0xd  }
0x81: {  	s21 =	sadd.s32 @!p0 s18, s21  }
0x82: {  	s21 =	smov.u32 @p0 s18;
	s18 =	spop @!p1 (v2sf)  }
0x83: {  	s18 =	sadd.s32 @!p1 s21, s18  }
0x84: {  	s18 =	smov.u32 @p1 s21  }
0x85: {  	v7 =	vlaneseq.u32;
	v50 =	vmov s18  }
0x86: {  	v8 =	vsub.s32 v7, v50  }
0x87: {  	s22 =	sadd.s32 @!p0 s20, s22;
	vm2 =	vgt.s32 v8, $0x0  }
0x88: {  	s22 =	smov.u32 @p0 s20;
	v8 =	vnsel vm2, $0x0, v8  }
0x89: {  	v9 =	vlaneseq.u32 @!p1;
	v5 =	vadd.s32 @!p1 s22, v5  }
0x8a: {  	[tilespmem:s21+$0x4100] =	vst.msk @!p1 vm1, v4;
	v4 =	vor.u32 @!p1 s19, v9;
	vm2 =	vlt.s32 @!p1 v5, $0x65  }
0x8b: {  	[tilespmem:s21+$0x4180] =	vst.msk @!p1 vm1, v4;
	vm0 =	vmand @!p1 vm0, vm2  }
0x8c: {  	s31 =	simm.s32 $0x4200;
	v51 =	vor.u32 $0x10, v7;
	[tilespmem:s22+$0x4200] =	vst.msk @!p1 vm0, v4  }
0x8d: {  	v5 =	vsub.s32 v51, v50;
	v4 =	vld.idx.msk [tilespmem:v8+s31+$0x0], $0xffff  }
0x8e: {  	vm15 =	vgt.s32 v5, $0x0  }
0x8f: {  	v5 =	vnsel vm15, $0x0, v5  }
0x90: {  	v52 =	vadd.s32 $0x1, v7  }
0x91: {  	vm4 =	vlt.s32 v50, v52  }
0x92: {  	[tilespmem:$0x4280] =	vst v2;
	v4 =	vnsel vm4, $0x0, v4  }
0x93: {  	v53 =	vor.u32 $0x20, v7;
	[tilespmem:$0x4300] =	vst v4  }
0x94: {  	v4 =	vld.idx.msk [tilespmem:v5+s31+$0x0], $0xffff;
	v5 =	vsub.s32 v53, v50  }
0x95: {  	vm5 =	vgt.s32 v5, $0x0  }
0x96: {  	v5 =	vnsel vm5, $0x0, v5  }
0x97: {  	v54 =	vadd.s32 $0x11, v7  }
0x98: {  	vm6 =	vlt.s32 v50, v54  }
0x99: {  	[tilespmem:$0x4290] =	vst v2;
	v4 =	vnsel vm6, $0x0, v4  }
0x9a: {  	v55 =	vor.u32 $0x30, v7;
	[tilespmem:$0x4310] =	vst v4  }
0x9b: {  	v4 =	vld.idx.msk [tilespmem:v5+s31+$0x0], $0xffff;
	v5 =	vsub.s32 v55, v50  }
0x9c: {  	vm7 =	vgt.s32 v5, $0x0  }
0x9d: {  	v5 =	vnsel vm7, $0x0, v5  }
0x9e: {  	v56 =	vadd.s32 $0x21, v7  }
0x9f: {  	vm8 =	vlt.s32 v50, v56  }
0xa0: {  	[tilespmem:$0x42A0] =	vst v2;
	v4 =	vnsel vm8, $0x0, v4  }
0xa1: {  	v57 =	vor.u32 $0x40, v7;
	[tilespmem:$0x4320] =	vst v4  }
0xa2: {  	v4 =	vld.idx.msk [tilespmem:v5+s31+$0x0], $0xffff;
	v5 =	vsub.s32 v57, v50  }
0xa3: {  	vm9 =	vgt.s32 v5, $0x0  }
0xa4: {  	v5 =	vnsel vm9, $0x0, v5  }
0xa5: {  	v58 =	vadd.s32 $0x31, v7  }
0xa6: {  	vm10 =	vlt.s32 v50, v58  }
0xa7: {  	[tilespmem:$0x42B0] =	vst v2;
	v4 =	vnsel vm10, $0x0, v4  }
0xa8: {  	[tilespmem:$0x4330] =	vst v4  }
0xa9: {  	v4 =	vld.idx.msk [tilespmem:v5+s31+$0x0], $0xffff  }
0xaa: {  	v3 =	vsel @!p1 vm0, $0x1, v3  }
0xab: {  	(xrf0) =	vadd.scan.msk.s32 @!p1 $0xffff, v3  }
0xac: {  	v59 =	vor.u32 $0x50, v7;
	v60 =	vadd.s32 $0x41, v7  }
0xad: {  	vm12 =	vlt.s32 v50, v60;
	v3 =	vsub.s32 v59, v50  }
0xae: {  	vm11 =	vgt.s32 v3, $0x0;
	v4 =	vnsel vm12, $0x0, v4  }
0xaf: {  	v3 =	vnsel vm11, $0x0, v3;
	_ =	sdelay $0x1  }
0xb0: {  	[tilespmem:$0x4340] =	vst v4;
	v4, _, _ =	vpop @!p1 (xrf0)  }
0xb1: {  	(v2sf) =	vpush @!p1 v4, $0xF  }
0xb2: {  	v61 =	vor.u32 $0x60, v7;
	[tilespmem:$0x42C0] =	vst v2  }
0xb3: {  	v3 =	vld.idx.msk [tilespmem:v3+s31+$0x0], $0xffff;
	v4 =	vsub.s32 v61, v50  }
0xb4: {  	vm13 =	vgt.s32 v4, $0x0  }
0xb5: {  	v4 =	vnsel vm13, $0x0, v4  }
0xb6: {  	v62 =	vadd.s32 $0x51, v7  }
0xb7: {  	vm14 =	vlt.s32 v50, v62  }
0xb8: {  	[tilespmem:$0x42D0] =	vst v2;
	v3 =	vnsel vm14, $0x0, v3  }
0xb9: {  	[tilespmem:$0x4350] =	vst v3  }
0xba: {  	v3 =	vld.idx.msk [tilespmem:v4+s31+$0x0], $0xffff  }
0xbb: {  	p0 =	slt.s32 s18, $0x1  }
.Ltmp2:
0xbc: {  	_ = 	snop;
	(pc) =	sbr.rel @p0 .LBB2_7-.Ltmp2, $4  }
0xbd: {  	v63 =	vadd.s32 $0x61, v7  }
0xbe: {  	vm15 =	vlt.s32 v50, v63  }
0xbf: {  	[tilespmem:$0x42E0] =	vst v2;
	v3 =	vnsel vm15, $0x0, v3  }
0xc0: {  	[tilespmem:$0x4360] =	vst v3;
	s19 =	spop @!p1 (v2sf)  }
0xc1: {  	s19 =	simm.s32 $0x0;
	v5 =	vld [tilespmem:$0x4140]  }
0xc2: {  	v6 =	vld [tilespmem:$0x4180];
	v2 =	vmov s19  }
0xc3: {  	v7 =	vld [tilespmem:$0x4130]  }
0xc4: {  	v8 =	vld [tilespmem:$0x4190]  }
0xc5: {  	v9 =	vld [tilespmem:$0x4100]  }
0xc6: {  	v10 =	vld [tilespmem:$0x4110];
	s19 =	simm.s32 $0x4100  }
0xc7: {  	s20 =	simm.s32 $0x4180;
	v3 =	vld.idx.msk [tilespmem:v2+s19+$0x0], $0xffff  }
0xc8: {  	v4 =	vld.idx.msk [tilespmem:v2+s20+$0x0], $0xffff  }
0xc9: {  	v12 =	vld [tilespmem:$0x4120]  }
0xca: {  	v11 =	vld [tilespmem:$0x4150]  }
0xcb: {  	v13 =	vld [tilespmem:$0x41A0];
	v2 =	vimm.s32 $0x0  }
0xcc: {  	v15 =	vld [tilespmem:$0x41B0];
	vm0 =	veq.f32 v9, v3;
	vm1 =	veq.f32 v10, v3;
	vm2 =	vgt.f32 v7, v3  }
0xcd: {  	vm3 =	vgt.f32 v9, v3;
	vm4 =	vgt.f32 v10, v3;
	vm5 =	vlt.s32 v8, v4;
	v8 =	vld [tilespmem:$0x41D0]  }
0xce: {  	v14 =	vld [tilespmem:$0x41C0];
	vm6 =	vgt.f32 v12, v3;
	vm7 =	veq.f32 v12, v3;
	vm8 =	veq.f32 v5, v3  }
0xcf: {  	vm12 =	veq.f32 v7, v3;
	vm9 =	veq.f32 v11, v3;
	vm10 =	vlt.s32 v6, v4  }
0xd0: {  	vm13 =	vlt.s32 v13, v4;
	vm1 =	vmand vm1, vm5;
	vm0 =	vmand vm0, vm10  }
0xd1: {  	v63 =	vld [tilespmem:$0x41E0];
	vm14 =	vlt.s32 v15, v4;
	vm1 =	vmor vm4, vm1;
	vm0 =	vmor vm3, vm0  }
0xd2: {  	p0 =	sne.s32 s18, $0x1;
	v6 =	vld [tilespmem:$0x41F0];
	v7 =	vsel vm0, $0x1, v2;
	vm3 =	vlt.s32 v8, v4;
	v8 =	vsel vm1, $0x1, v2  }
.Ltmp3:
0xd3: {  	vm11 =	vlt.s32 v14, v4;
	vm5 =	vmand vm12, vm14;
	v7 =	vadd.s32 v7, v8;
	v8 =	vld [tilespmem:$0x4170];
	(pc) =	sbr.rel @!p0 .LBB2_6-.Ltmp3, $4  }
0xd4: {  	vm15 =	vgt.f32 v5, v3;
	v9 =	vld [tilespmem:$0x4160];
	vm4 =	vmand vm7, vm13;
	vm2 =	vmor vm2, vm5  }
0xd5: {  	v5 =	vsel vm2, $0x1, v2;
	vm0 =	vgt.f32 v11, v3;
	vm2 =	vmor vm6, vm4  }
0xd6: {  	v10 =	vsel vm2, $0x1, v2;
	vm1 =	vmand vm9, vm3;
	vm3 =	vmand vm8, vm11  }
0xd7: {  	s21 =	simm.s32 $0x4280;
	s22 =	simm.s32 $0x4300;
	s23 =	simm.s32 $0x1;
	vm2 =	vlt.s32 v63, v4;
	vm0 =	vmor vm0, vm1;
	vm1 =	vmor vm15, vm3  }
.LBB2_5:
0xd8: {  	vm3 =	veq.f32 v8, v3;
	vm4 =	vlt.s32 v6, v4;
	s24 =	smov.u32 s23;
	s23 =	sadd.s32 $0x1, s23  }
0xd9: {  	vm6 =	vgt.f32 v8, v3;
	p0 =	sne.s32 s18, s23;
	vm5 =	vgt.f32 v9, v3;
	vm3 =	vmand vm3, vm4  }
0xda: {  	v6 =	vadd.s32 v10, v7;
	vm4 =	veq.f32 v9, v3;
	vm3 =	vmor vm6, vm3  }
0xdb: {  	v5 =	vadd.s32 v5, v6;
	v6 =	vsel vm1, $0x1, v2;
	vm1 =	vmand vm4, vm2  }
0xdc: {  	v5 =	vadd.s32 v6, v5;
	v6 =	vsel vm0, $0x1, v2;
	vm0 =	vmor vm5, vm1  }
0xdd: {  	v5 =	vadd.s32 v6, v5;
	v6 =	vsel vm0, $0x1, v2  }
0xde: {  	v5 =	vadd.s32 v6, v5;
	v6 =	vsel vm3, $0x1, v2  }
0xdf: {  	v5 =	vadd.s32 v6, v5  }
0xe0: {  	(xrf0) =	vadd.scan.msk.s32 $0xffff, v5;
	_ =	sdelay $0x2  }
0xe1: {  	v5 =	vmov s24;
	_ =	sdelay $0x2  }
0xe2: {  	v6, _, _ =	vpop (xrf0)  }
0xe3: {  	v6 =	vbroadcast v6, $0xF;
	_ =	sdelay $0x5  }
0xe4: {  	[tilespmem:v6+s21+$0x0] =	vst.idx.msk $0x1, v3  }
0xe5: {  	[tilespmem:v6+s22+$0x0] =	vst.idx.msk $0x1, v4  }
0xe6: {  	v7 =	vld [tilespmem:$0x4140]  }
0xe7: {  	v6 =	vld [tilespmem:$0x4180]  }
0xe8: {  	v8 =	vld [tilespmem:$0x4130]  }
0xe9: {  	v9 =	vld [tilespmem:$0x4190]  }
0xea: {  	v10 =	vld [tilespmem:$0x4100]  }
0xeb: {  	v11 =	vld [tilespmem:$0x4110]  }
0xec: {  	v3 =	vld.idx.msk [tilespmem:v5+s19+$0x0], $0xffff  }
0xed: {  	v4 =	vld.idx.msk [tilespmem:v5+s20+$0x0], $0xffff  }
0xee: {  	v12 =	vld [tilespmem:$0x4150]  }
0xef: {  	v5 =	vld [tilespmem:$0x4120]  }
0xf0: {  	v13 =	vld [tilespmem:$0x41A0]  }
0xf1: {  	v14 =	vld [tilespmem:$0x41C0]  }
0xf2: {  	vm2 =	veq.f32 v10, v3;
	vm3 =	veq.f32 v11, v3;
	vm4 =	vgt.f32 v8, v3;
	v15 =	vld [tilespmem:$0x41B0]  }
0xf3: {  	vm5 =	vgt.f32 v10, v3;
	vm6 =	vgt.f32 v11, v3;
	vm7 =	vlt.s32 v9, v4  }
0xf4: {  	vm1 =	veq.f32 v7, v3;
	vm0 =	vgt.f32 v5, v3;
	vm8 =	veq.f32 v5, v3;
	v5 =	vld [tilespmem:$0x41D0]  }
0xf5: {  	vm3 =	vmand vm3, vm7;
	vm7 =	veq.f32 v8, v3;
	vm9 =	veq.f32 v12, v3  }
0xf6: {  	vm10 =	vlt.s32 v6, v4;
	vm3 =	vmor vm6, vm3;
	vm6 =	vlt.s32 v13, v4  }
0xf7: {  	vm6 =	vmand vm8, vm6;
	vm11 =	vlt.s32 v14, v4;
	vm8 =	vlt.s32 v15, v4;
	v6 =	vld [tilespmem:$0x41F0]  }
0xf8: {  	vm2 =	vmand vm2, vm10;
	vm7 =	vmand vm7, vm8;
	vm8 =	vgt.f32 v7, v3;
	v11 =	vld [tilespmem:$0x41E0]  }
.Ltmp4:
0xf9: {  	vm2 =	vmor vm5, vm2;
	vm4 =	vmor vm4, vm7;
	vm5 =	vlt.s32 v5, v4;
	v8 =	vld [tilespmem:$0x4170];
	(pc) =	sbr.rel @p0 .LBB2_5-.Ltmp4, $4  }
0xfa: {  	v10 =	vsel vm3, $0x1, v2;
	v7 =	vsel vm2, $0x1, v2;
	v5 =	vsel vm4, $0x1, v2;
	v9 =	vld [tilespmem:$0x4160]  }
0xfb: {  	vm2 =	vgt.f32 v12, v3;
	v7 =	vadd.s32 v7, v10;
	vm3 =	vmand vm9, vm5  }
0xfc: {  	vm1 =	vmand vm1, vm11;
	vm4 =	vmor vm0, vm6;
	vm0 =	vmor vm2, vm3  }
0xfd: {  	vm1 =	vmor vm8, vm1;
	v10 =	vsel vm4, $0x1, v2;
	vm2 =	vlt.s32 v11, v4  }
.LBB2_6:
0xfe: {  	vm3 =	veq.f32 v8, v3  }
0xff: {  	vm4 =	vlt.s32 v6, v4;
	vm6 =	vgt.f32 v8, v3;
	v60 =	vadd.s32 v10, v7  }
0x100: {  	v61 =	vsel vm1, $0x1, v2;
	v62 =	vsel vm0, $0x1, v2;
	vm12 =	veq.f32 v9, v3  }
0x101: {  	vm5 =	vgt.f32 v9, v3;
	v5 =	vadd.s32 v5, v60;
	vm13 =	vmand vm12, vm2  }
0x102: {  	vm3 =	vmand vm3, vm4;
	v5 =	vadd.s32 v61, v5;
	vm14 =	vmor vm5, vm13  }
0x103: {  	vm15 =	vmor vm6, vm3;
	v5 =	vadd.s32 v62, v5;
	v63 =	vsel vm14, $0x1, v2  }
0x104: {  	v2 =	vsel vm15, $0x1, v2;
	v5 =	vadd.s32 v63, v5  }
0x105: {  	v2 =	vadd.s32 v2, v5  }
0x106: {  	(xrf0) =	vadd.scan.msk.s32 $0xffff, v2;
	_ =	sdelay $0x5  }
0x107: {  	v2, _, _ =	vpop (xrf0)  }
0x108: {  	v2 =	vbroadcast v2, $0xF;
	_ =	sdelay $0x5  }
0x109: {  	[tilespmem:v2+s21+$0x0] =	vst.idx.msk $0x1, v3  }
0x10a: {  	[tilespmem:v2+s22+$0x0] =	vst.idx.msk $0x1, v4  }
.LBB2_7:
0x10b: {  	v2 =	vld [tilespmem:$0x4300];
	_ =	sdelay $0x1  }
0x10c: {  	v3 =	vld [tilespmem:$0x4280]  }
0x10d: {  	v4 =	vld [tilespmem:$0x4310]  }
0x10e: {  	v6 =	vld [tilespmem:$0x4290]  }
0x10f: {  	v7 =	vld [tilespmem:$0x4320];
	v5 =	vshrl.u32 v2, $0x1F  }
0x110: {  	v48 =	vld [tilespmem:$0x42A0];
	v5 =	vadd.s32 v5, v2  }
0x111: {  	v51 =	vld [tilespmem:$0x42B0];
	v5 =	vshra.s32 v5, $0x1  }
0x112: {  	v55 =	vld [tilespmem:$0x42C0];
	[tilespmem:$0x14280] =	vst v3;
	v8 =	vshll.u32 v5, $0x1  }
0x113: {  	v59 =	vld [tilespmem:$0x42D0];
	v3 =	vshrl.u32 v4, $0x1F;
	[tilespmem:$0x14290] =	vst v6;
	v2 =	vsub.s32 v2, v8  }
0x114: {  	[tilespmem:$0x14300] =	vst v2;
	v2 =	vadd.s32 v3, v4;
	v3 =	vld [tilespmem:$0x4330]  }
0x115: {  	[tilespmem:$0x142A0] =	vst v48  }
0x116: {  	v62 =	vld [tilespmem:$0x42E0];
	v50 =	vshrl.u32 v7, $0x1F;
	[tilespmem:$0x142B0] =	vst v51  }
0x117: {  	v53 =	vld [tilespmem:$0x4340];
	[tilespmem:$0x142C0] =	vst v55;
	v52 =	vadd.s32 v50, v7;
	v49 =	vand.u32 $0xFFFFFFFE, v2;
	v2 =	vshra.s32 v2, $0x1  }
0x118: {  	[tilespmem:$0x4390] =	vst v2;
	v2 =	vand.u32 $0xFFFFFFFE, v52  }
0x119: {  	[tilespmem:$0x142D0] =	vst v59;
	v2 =	vsub.s32 v7, v2;
	v54 =	vshrl.u32 v3, $0x1F  }
0x11a: {  	v56 =	vld [tilespmem:$0x4350];
	[tilespmem:$0x14320] =	vst v2;
	v2 =	vadd.s32 v54, v3  }
0x11b: {  	[tilespmem:$0x142E0] =	vst v62;
	v57 =	vand.u32 $0xFFFFFFFE, v2  }
0x11c: {  	v58 =	vshrl.u32 v53, $0x1F;
	[tilespmem:$0x4380] =	vst v5;
	v3 =	vsub.s32 v3, v57  }
0x11d: {  	v60 =	vld [tilespmem:$0x4360];
	v2 =	vshra.s32 v2, $0x1;
	[tilespmem:$0x14330] =	vst v3;
	v3 =	vadd.s32 v58, v53  }
0x11e: {  	v4 =	vsub.s32 v4, v49;
	[tilespmem:$0x43B0] =	vst v2;
	v2 =	vand.u32 $0xFFFFFFFE, v3  }
0x11f: {  	v61 =	vshrl.u32 v56, $0x1F;
	[tilespmem:$0x14310] =	vst v4;
	v2 =	vsub.s32 v53, v2  }
0x120: {  	v3 =	vshra.s32 v3, $0x1;
	[tilespmem:$0x14340] =	vst v2;
	v2 =	vadd.s32 v61, v56  }
0x121: {  	v4 =	vshra.s32 v52, $0x1;
	[tilespmem:$0x43C0] =	vst v3;
	v3 =	vand.u32 $0xFFFFFFFE, v2  }
0x122: {  	v63 =	vshrl.u32 v60, $0x1F;
	[tilespmem:$0x43A0] =	vst v4;
	v3 =	vsub.s32 v56, v3  }
0x123: {  	v2 =	vshra.s32 v2, $0x1;
	[tilespmem:$0x14350] =	vst v3;
	v3 =	vadd.s32 v63, v60  }
0x124: {  	[tilespmem:$0x43D0] =	vst v2;
	v2 =	vand.u32 $0xFFFFFFFE, v3;
	v3 =	vshra.s32 v3, $0x1  }
0x125: {  	v2 =	vsub.s32 v60, v2;
	[tilespmem:$0x43E0] =	vst v3  }
0x126: {  	[tilespmem:$0x14360] =	vst v2;
	v2 =	vimm.f32 $0.0e+00  }
0x127: {  	[tilespmem:$0x142F0] =	vst v2;
	v2 =	vimm.s32 $0x0  }
0x128: {  	s18 =	simm.s32 $0x4380;
	s19 =	simm.s32 $0x0;
	s20 =	simm.s32 $0x1;
	[tilespmem:$0x14370] =	vst v2  }
0x129: {  	s21 =	simm.s32 $0x0;
	s22 =	simm.s32 $0x0;
	s23 =	simm.s32 $0x0;
	[tilespmem:$0x43F0] =	vst v2  }
.LBB2_8:
0x12a: {  	p0 =	sgt.u32 s23, $0x63  }
0x12b: {  	v2 =	vld @!p0 [tilespmem:s18+$0x0];
	_ =	sdelay $0x4  }
0x12c: {  	(v2sf) =	vpush @!p0 v2, $0x0;
	_ =	sdelay $0xe  }
0x12d: {  	s24 =	spop @!p0 (v2sf)  }
0x12e: {  	s25 =	sshll.u32 @!p0 s24, $0x7  }
0x12f: {  	s26 =	sand.u32 @!p0 $0xFFFFFC00, s25  }
0x130: {  	s25 =	sand.u32 @!p0 $0x380, s25;
	s26 =	sadd.s32 @!p0 s17, s26  }
0x131: {  	s26 =	sor.u32 @!p0 s25, s26  }
0x132: {  	s28 =	sshra.s32 @!p0 s21, $0x2;
	s31 =	simm.s32 @!p0 $0x80;
	s26 =	sshrl.u32 @!p0 s26, $0x3  }
0x133: {  	s0 =	simm.s32 @!p0 $0x400;
	s29 =	sadd.s32 @!p0 $0x4400, s28;
	s30 =	sadd.s32 @!p0 s10, s26  }
0x134: {  	[tilespmem:s29], [sflag:$0x1] =	stream.strided.gather @!p0 [hbm4b:s30+s31], $0x0, s0, s31, $0x38;
	[tilespmem:$0x14380] =	vst v63  }
0x135: {  	s2 =	simm.s32 @!p0 $0x0  }
0x136: {  	[tilespmem:s29], [sflag:$0x1] =	stream.linear.gather @!p0 [hbm4b:s30+s2], $0x4, $0x38;
	[tilespmem:$0x14380] =	vst v63  }
0x137: {  	s29 =	sadd.s32 @!p0 $0x4408, s28;
	s30 =	sadd.s32 @!p0 s13, s26  }
0x138: {  	[tilespmem:s29], [sflag:$0x1] =	stream.strided.gather @!p0 [hbm4b:s30+s31], $0x0, s0, s31, $0x38;
	[tilespmem:$0x14380] =	vst v63  }
0x139: {  	_ = 	snop  }
0x13a: {  	[tilespmem:s29], [sflag:$0x1] =	stream.linear.gather @!p0 [hbm4b:s30+s2], $0xA, $0x38;
	[tilespmem:$0x14380] =	vst v63  }
0x13b: {  	s29 =	sadd.s32 @!p0 $0x4418, s28;
	s30 =	sadd.s32 @!p0 s14, s26  }
0x13c: {  	[tilespmem:s29], [sflag:$0x1] =	stream.strided.gather @!p0 [hbm4b:s30+s31], $0x0, s0, s31, $0x38;
	[tilespmem:$0x14380] =	vst v63  }
0x13d: {  	_ = 	snop  }
0x13e: {  	[tilespmem:s29], [sflag:$0x1] =	stream.linear.gather @!p0 [hbm4b:s30+s2], $0x3, $0x38;
	[tilespmem:$0x14380] =	vst v63  }
0x13f: {  	s26 =	sadd.s32 @!p0 s11, s26;
	s29 =	sadd.s32 @!p0 $0x4420, s28  }
0x140: {  	[tilespmem:s29], [sflag:$0x1] =	stream.strided.gather @!p0 [hbm4b:s26+s31], $0x0, s0, s31, $0x38;
	[tilespmem:$0x14380] =	vst v63  }
0x141: {  	s0 =	sadd.s32 @!p0 s16, s24  }
0x142: {  	s0 =	sshrl.u32 @!p0 s0, $0x3  }
0x143: {  	[tilespmem:s29], [sflag:$0x1] =	stream.linear.gather @!p0 [hbm4b:s26+s2], $0x33, $0x38;
	[tilespmem:$0x14380] =	vst v63  }
0x144: {  	s24 =	sshll.u32 @!p0 s0, $0xA  }
0x145: {  	s24 =	sor.u32 @!p0 s25, s24  }
0x146: {  	s24 =	sshrl.u32 @!p0 s24, $0x3  }
0x147: {  	s26 =	sadd.s32 @!p0 $0x7C00, s28;
	s0 =	sshll.u32 @!p0 s0, $0xB;
	s24 =	sadd.s32 @!p0 s15, s24  }
0x148: {  	[tilespmem:s26], [sflag:$0x1] =	stream.linear.gather @!p0 [hbm4b:s24+s2], $0x80, $0x38;
	[tilespmem:$0x14380] =	vst v63  }
0x149: {  	s0 =	sor.u32 @!p0 s25, s0;
	s24 =	sand.u32 @!p0 $0x7800, s19;
	s26 =	sand.u32 @!p0 $0x380, s22  }
0x14a: {  	s0 =	sshrl.u32 @!p0 s0, $0x3;
	s24 =	sor.u32 @!p0 s26, s24  }
0x14b: {  	s0 =	sadd.s32 @!p0 s12, s0;
	s25 =	sadd.s32 @!p0 $0xB400, s24  }
0x14c: {  	[tilespmem:s25], [sflag:$0x1] =	stream.linear.gather @!p0 [hbm4b:s0+s2], $0x80, $0x38;
	[tilespmem:$0x14380] =	vst v63  }
0x14d: {  	p1 =	slt.u32 @!p0 s23, $0x8;
	s24 =	sadd.s32 @!p0 $0xB800, s24;
	s0 =	sadd.s32 @!p0 $0x80, s0  }
0x14e: {  	[tilespmem:s24], [sflag:$0x1] =	stream.linear.gather @!p0 [hbm4b:s0+s2], $0x80, $0x38;
	[tilespmem:$0x14380] =	vst v63  }
0x14f: {  	p0 =	por p0, !p1  }
0x150: {  	_ =	swait.ge @p0 [sflag:s20], $0x4  }
0x151: {  	[sflag:s20] =	ssyncset.done @p0 $0x0  }
0x152: {  	[sflag:s20] =	ssyncadd.s32 @p0 $0xFFFFFFFC  }
0x153: {  	_ =	swait.ge @p0 [sflag:s20], $0xA  }
0x154: {  	[sflag:s20] =	ssyncset.done @p0 $0x0  }
0x155: {  	[sflag:s20] =	ssyncadd.s32 @p0 $0xFFFFFFF6  }
0x156: {  	_ =	swait.ge @p0 [sflag:s20], $0x3  }
0x157: {  	[sflag:s20] =	ssyncset.done @p0 $0x0  }
0x158: {  	[sflag:s20] =	ssyncadd.s32 @p0 $0xFFFFFFFD  }
0x159: {  	_ =	swait.ge @p0 [sflag:s20], $0x33  }
0x15a: {  	[sflag:s20] =	ssyncset.done @p0 $0x0  }
0x15b: {  	[sflag:s20] =	ssyncadd.s32 @p0 $0xFFFFFFCD  }
0x15c: {  	_ =	swait.ge @p0 [sflag:s20], $0x80  }
0x15d: {  	[sflag:s20] =	ssyncset.done @p0 $0x0  }
0x15e: {  	[sflag:s20] =	ssyncadd.s32 @p0 $0xFFFFFF80  }
0x15f: {  	_ =	swait.ge @p0 [sflag:s20], $0x100  }
0x160: {  	s21 =	sadd.s32 $0x200, s21;
	[sflag:s20] =	ssyncset.done @p0 $0x0  }
0x161: {  	[sflag:s20] =	ssyncadd.s32 @p0 $0xFFFFFF00;
	p0 =	sne.s32 s21, $0xD800  }
.Ltmp5:
0x162: {  	_ = 	snop;
	(pc) =	sbr.rel @p0 .LBB2_8-.Ltmp5, $3  }
0x163: {  	_ =	sdelay $0x1  }
0x164: {  	s23 =	sadd.s32 $0x1, s23  }
0x165: {  	s18 =	sadd.s32 $0x1, s18;
	s22 =	sadd.s32 $0x80, s22;
	s19 =	sadd.s32 $0x100, s19  }
0x166: {  	v2 =	vimm.s32 $0x1010  }
0x167: {  	v3 =	vimm.s32 $0x81808180;
	v2 =	vunpack.c.l.s4.s8 v2  }
0x168: {  	vm0 =	vcmask $0xF00;
	vm1 =	vcmask $0x1F10;
	vm10 =	vcmask $0x2320  }
0x169: {  	vm7 =	vcmask $0x2724;
	v3 =	vunpack.c.0.s8.s32 v3;
	v2 =	vunpack.c.0.s8.s32 v2  }
0x16a: {  	v4 =	vimm.s32 $0x83828382;
	vm11 =	vcmask $0x2B28;
	vm5 =	vcmask $0x2F2C  }
0x16b: {  	vm4 =	vcmask $0x3330;
	v3 =	vand.u32 $0xFF, v3;
	v2 =	vnsel vm0, $0x181, v2  }
0x16c: {  	vm9 =	vcmask $0xB08;
	v2 =	vsel vm1, v3, v2;
	v3 =	vimm.s32 $0x3232  }
0x16d: {  	vm15 =	vcmask $0x300;
	vm13 =	vcmask $0x1310;
	v3 =	vunpack.c.l.s4.s8 v3  }
0x16e: {  	vm6 =	vcmask $0x1B18;
	vm14 =	vcmask $0x700;
	v5 =	vimm.s32 $0x383  }
0x16f: {  	vm3 =	vcmask $0x704;
	v4 =	vunpack.c.0.s8.s32 v4;
	v3 =	vunpack.c.0.s8.s32 v3  }
0x170: {  	s0 =	simm.s32 $0x0;
	s2 =	simm.s32 $0x14280;
	s24 =	simm.s32 $0x2;
	v6 =	vimm.s32 $0x381;
	vm12 =	vcmask $0xF0C;
	vm2 =	vcmask $0x1F1C  }
0x171: {  	[hbm4b:s8+s0] =	stream.linear.scatter [tilespmem:s2], [sflag:$0x2], $0x80, $0x38;
	vm8 =	vmor vm15, vm9;
	v4 =	vand.u32 $0xFF, v4;
	v3 =	vnsel vm0, $0x183, v3;
	[tilespmem:$0x14380] =	vst v63  }
0x172: {  	v5 =	vsel vm15, $0x202, v5;
	v6 =	vsel vm15, $0x200, v6;
	_ =	swait.ge [sflag:s24], $0x80;
	v3 =	vsel vm1, v4, v3  }
0x173: {  	v5 =	vsel vm3, $0x203, v5;
	v6 =	vsel vm3, $0x201, v6;
	[sflag:s24] =	ssyncset.done $0x0;
	v3 =	vsel vm10, $0x102, v3  }
0x174: {  	s25 =	simm.s32 $0x14300;
	v5 =	vsel vm9, $0x202, v5;
	[sflag:s24] =	ssyncadd.s32 $0xFFFFFF80;
	v2 =	vsel vm10, $0x100, v2;
	v3 =	vsel vm7, $0x103, v3  }
0x175: {  	v6 =	vsel vm9, $0x200, v6;
	[hbm4b:s9+s0] =	stream.linear.scatter [tilespmem:s25], [sflag:$0x2], $0x80, $0x38;
	v2 =	vsel vm7, $0x101, v2;
	v3 =	vsel vm11, $0x102, v3;
	[tilespmem:$0x14380] =	vst v63  }
0x176: {  	v5 =	vsel vm12, $0x203, v5;
	_ =	swait.ge [sflag:s24], $0x80;
	v2 =	vsel vm11, $0x100, v2;
	v3 =	vsel vm5, $0x103, v3  }
0x177: {  	[sflag:s24] =	ssyncset.done $0x0;
	vm0 =	vmor vm8, vm13;
	vm8 =	vcmask $0x3B38;
	v3 =	vsel vm4, $0x182, v3  }
0x178: {  	s26 =	simm.s32 $0xB400;
	v5 =	vsel vm13, $0x282, v5;
	[sflag:s24] =	ssyncadd.s32 $0xFFFFFF80;
	v2 =	vsel vm5, $0x101, v2;
	v3 =	vsel vm8, $0x182, v3  }
0x179: {  	[hbm4b:s7+s0] =	stream.linear.scatter [tilespmem:s26], [sflag:$0x2], $0x7000, $0x38;
	v2 =	vsel vm4, $0x180, v2;
	vm0 =	vmor vm0, vm6;
	v4 =	vimm.f32 $5.000000000e-01;
	[tilespmem:$0x14380] =	vst v63  }
0x17a: {  	_ =	swait.ge [sflag:s24], $0x7000;
	v2 =	vsel vm8, $0x180, v2;
	v4 =	vsel vm14, $0xBF000000, v4;
	vm14 =	vcmask $0x1710  }
0x17b: {  	[sflag:s24] =	ssyncset.done $0x0;
	vm0 =	vmor vm0, vm10;
	v4 =	vsel vm14, $0xBF000000, v4;
	vm14 =	vcmask $0x1714  }
0x17c: {  	v6 =	vsel vm12, $0x201, v6;
	s7 =	simm.s32 $0x4400;
	[sflag:s24] =	ssyncadd.s32 $0xFFFF9000;
	vm0 =	vmor vm0, vm11;
	v5 =	vsel vm14, $0x283, v5  }
0x17d: {  	v6 =	vsel vm13, $0x280, v6;
	vm1 =	vmor vm0, vm4;
	v5 =	vsel vm6, $0x282, v5;
	v3 =	vld.idx.msk [tilespmem:v3+s7+$0x0], $0xffff  }
0x17e: {  	v6 =	vsel vm14, $0x281, v6;
	vm0 =	vcmask $0x2720;
	v5 =	vsel vm2, $0x283, v5  }
0x17f: {  	v7 =	vld.idx.msk [tilespmem:v2+s7+$0x0], $0xffff;
	v2 =	vsel vm0, $0xBF000000, v4;
	v4 =	vsel vm6, $0x280, v6;
	v5 =	vsel vm10, $0x302, v5  }
0x180: {  	vm0 =	vcmask $0x3730;
	v4 =	vsel vm2, $0x281, v4;
	v5 =	vsel vm7, $0x303, v5  }
0x181: {  	v2 =	vsel vm0, $0xBF000000, v2;
	v4 =	vsel vm10, $0x300, v4;
	v5 =	vsel vm11, $0x302, v5  }
0x182: {  	v4 =	vsel vm7, $0x301, v4;
	v5 =	vsel vm5, $0x303, v5;
	v3 =	vmul.f32 v2, v3  }
0x183: {  	vm0 =	vmor vm1, vm8;
	v4 =	vsel vm11, $0x300, v4;
	v5 =	vsel vm4, $0x382, v5  }
0x184: {  	v4 =	vsel vm5, $0x301, v4;
	v5 =	vsel vm8, $0x382, v5;
	v6 =	vadd.f32 v3, v7  }
0x185: {  	v4 =	vsel vm4, $0x380, v4;
	v3 =	vsel vm0, v0, v1  }
0x186: {  	v4 =	vsel vm8, $0x380, v4;
	v6 =	vmul.f32 v6, v3  }
0x187: {  	v7 =	vimm.s32 $0x583  }
0x188: {  	v7 =	vsel vm15, $0x402, v7;
	[tilespmem:$0x12400] =	vst v6;
	v6 =	vimm.s32 $0x581  }
0x189: {  	v7 =	vsel vm3, $0x403, v7;
	v5 =	vld.idx.msk [tilespmem:v5+s7+$0x0], $0xffff;
	v6 =	vsel vm15, $0x400, v6  }
0x18a: {  	v7 =	vsel vm9, $0x402, v7;
	v6 =	vsel vm3, $0x401, v6  }
0x18b: {  	v7 =	vsel vm12, $0x403, v7;
	v4 =	vld.idx.msk [tilespmem:v4+s7+$0x0], $0xffff;
	v6 =	vsel vm9, $0x400, v6  }
0x18c: {  	v7 =	vsel vm13, $0x482, v7;
	v6 =	vsel vm12, $0x401, v6  }
0x18d: {  	v7 =	vsel vm14, $0x483, v7;
	v6 =	vsel vm13, $0x480, v6  }
0x18e: {  	v7 =	vsel vm6, $0x482, v7;
	v5 =	vmul.f32 v2, v5;
	v6 =	vsel vm14, $0x481, v6  }
0x18f: {  	v7 =	vsel vm2, $0x483, v7;
	v6 =	vsel vm6, $0x480, v6  }
0x190: {  	v4 =	vadd.f32 v5, v4;
	v5 =	vsel vm2, $0x481, v6;
	v6 =	vsel vm10, $0x502, v7  }
0x191: {  	v8 =	vimm.s32 $0x781;
	v6 =	vsel vm7, $0x503, v6  }
0x192: {  	v8 =	vsel vm15, $0x600, v8;
	v5 =	vsel vm10, $0x500, v5;
	v6 =	vsel vm11, $0x502, v6  }
0x193: {  	v7 =	vimm.s32 $0x783;
	v5 =	vsel vm7, $0x501, v5;
	v6 =	vsel vm5, $0x503, v6  }
0x194: {  	v7 =	vsel vm15, $0x602, v7;
	v5 =	vsel vm11, $0x500, v5;
	v6 =	vsel vm4, $0x582, v6  }
0x195: {  	v7 =	vsel vm3, $0x603, v7;
	v5 =	vsel vm5, $0x501, v5;
	v6 =	vsel vm8, $0x582, v6  }
0x196: {  	v8 =	vsel vm3, $0x601, v8;
	v7 =	vsel vm9, $0x602, v7;
	v5 =	vsel vm4, $0x580, v5  }
0x197: {  	v4 =	vmul.f32 v4, v3;
	v7 =	vsel vm12, $0x603, v7;
	v5 =	vsel vm8, $0x580, v5  }
0x198: {  	v8 =	vsel vm9, $0x600, v8;
	v7 =	vsel vm13, $0x682, v7  }
0x199: {  	[tilespmem:$0x12410] =	vst v4;
	v4 =	vsel vm12, $0x601, v8;
	v7 =	vsel vm14, $0x683, v7  }
0x19a: {  	v4 =	vsel vm13, $0x680, v4;
	v7 =	vsel vm6, $0x682, v7;
	v6 =	vld.idx.msk [tilespmem:v6+s7+$0x0], $0xffff  }
0x19b: {  	v4 =	vsel vm14, $0x681, v4;
	v7 =	vsel vm2, $0x683, v7  }
0x19c: {  	v4 =	vsel vm6, $0x680, v4;
	v7 =	vsel vm10, $0x702, v7;
	v5 =	vld.idx.msk [tilespmem:v5+s7+$0x0], $0xffff  }
0x19d: {  	v4 =	vsel vm2, $0x681, v4;
	v7 =	vsel vm7, $0x703, v7  }
0x19e: {  	v4 =	vsel vm10, $0x700, v4;
	v7 =	vsel vm11, $0x702, v7  }
0x19f: {  	v4 =	vsel vm7, $0x701, v4;
	v7 =	vsel vm5, $0x703, v7;
	v6 =	vmul.f32 v2, v6  }
0x1a0: {  	v4 =	vsel vm11, $0x700, v4;
	v7 =	vsel vm4, $0x782, v7  }
0x1a1: {  	v4 =	vsel vm5, $0x701, v4;
	v5 =	vadd.f32 v6, v5;
	v6 =	vsel vm8, $0x782, v7  }
0x1a2: {  	v4 =	vsel vm4, $0x780, v4  }
0x1a3: {  	v4 =	vsel vm8, $0x780, v4;
	v5 =	vmul.f32 v5, v3  }
0x1a4: {  	v7 =	vimm.s32 $0x983  }
0x1a5: {  	v7 =	vsel vm15, $0x802, v7;
	[tilespmem:$0x12420] =	vst v5  }
0x1a6: {  	v7 =	vsel vm3, $0x803, v7;
	v5 =	vimm.s32 $0x981;
	v6 =	vld.idx.msk [tilespmem:v6+s7+$0x0], $0xffff  }
0x1a7: {  	v7 =	vsel vm9, $0x802, v7;
	v5 =	vsel vm15, $0x800, v5  }
0x1a8: {  	v7 =	vsel vm12, $0x803, v7;
	v4 =	vld.idx.msk [tilespmem:v4+s7+$0x0], $0xffff;
	v5 =	vsel vm3, $0x801, v5  }
0x1a9: {  	v7 =	vsel vm13, $0x882, v7;
	v5 =	vsel vm9, $0x800, v5  }
0x1aa: {  	v7 =	vsel vm14, $0x883, v7;
	v5 =	vsel vm12, $0x801, v5  }
0x1ab: {  	v7 =	vsel vm6, $0x882, v7;
	v5 =	vsel vm13, $0x880, v5;
	v6 =	vmul.f32 v2, v6  }
0x1ac: {  	v7 =	vsel vm2, $0x883, v7;
	v5 =	vsel vm14, $0x881, v5  }
0x1ad: {  	v5 =	vsel vm6, $0x880, v5;
	v4 =	vadd.f32 v6, v4;
	v6 =	vsel vm10, $0x902, v7  }
0x1ae: {  	v8 =	vimm.s32 $0xB81;
	v5 =	vsel vm2, $0x881, v5;
	v6 =	vsel vm7, $0x903, v6  }
0x1af: {  	v8 =	vsel vm15, $0xA00, v8;
	v5 =	vsel vm10, $0x900, v5;
	v6 =	vsel vm11, $0x902, v6  }
0x1b0: {  	v7 =	vimm.s32 $0xB83;
	v5 =	vsel vm7, $0x901, v5;
	v6 =	vsel vm5, $0x903, v6  }
0x1b1: {  	v7 =	vsel vm15, $0xA02, v7;
	v5 =	vsel vm11, $0x900, v5;
	v6 =	vsel vm4, $0x982, v6  }
0x1b2: {  	v7 =	vsel vm3, $0xA03, v7;
	v5 =	vsel vm5, $0x901, v5;
	v6 =	vsel vm8, $0x982, v6  }
0x1b3: {  	v8 =	vsel vm3, $0xA01, v8;
	v7 =	vsel vm9, $0xA02, v7;
	v5 =	vsel vm4, $0x980, v5  }
0x1b4: {  	v4 =	vmul.f32 v4, v3;
	v7 =	vsel vm12, $0xA03, v7;
	v5 =	vsel vm8, $0x980, v5  }
0x1b5: {  	v8 =	vsel vm9, $0xA00, v8;
	v7 =	vsel vm13, $0xA82, v7  }
0x1b6: {  	[tilespmem:$0x12430] =	vst v4;
	v4 =	vsel vm12, $0xA01, v8;
	v7 =	vsel vm14, $0xA83, v7  }
0x1b7: {  	v4 =	vsel vm13, $0xA80, v4;
	v7 =	vsel vm6, $0xA82, v7;
	v6 =	vld.idx.msk [tilespmem:v6+s7+$0x0], $0xffff  }
0x1b8: {  	v4 =	vsel vm14, $0xA81, v4;
	v7 =	vsel vm2, $0xA83, v7  }
0x1b9: {  	v4 =	vsel vm6, $0xA80, v4;
	v7 =	vsel vm10, $0xB02, v7;
	v5 =	vld.idx.msk [tilespmem:v5+s7+$0x0], $0xffff  }
0x1ba: {  	v4 =	vsel vm2, $0xA81, v4;
	v7 =	vsel vm7, $0xB03, v7  }
0x1bb: {  	v4 =	vsel vm10, $0xB00, v4;
	v7 =	vsel vm11, $0xB02, v7  }
0x1bc: {  	v4 =	vsel vm7, $0xB01, v4;
	v7 =	vsel vm5, $0xB03, v7;
	v6 =	vmul.f32 v2, v6  }
0x1bd: {  	v4 =	vsel vm11, $0xB00, v4;
	v7 =	vsel vm4, $0xB82, v7  }
0x1be: {  	v4 =	vsel vm5, $0xB01, v4;
	v5 =	vadd.f32 v6, v5;
	v6 =	vsel vm8, $0xB82, v7  }
0x1bf: {  	v4 =	vsel vm4, $0xB80, v4  }
0x1c0: {  	v4 =	vsel vm8, $0xB80, v4;
	v5 =	vmul.f32 v5, v3  }
0x1c1: {  	v7 =	vimm.s32 $0xD83  }
0x1c2: {  	v7 =	vsel vm15, $0xC02, v7;
	[tilespmem:$0x12440] =	vst v5  }
0x1c3: {  	v7 =	vsel vm3, $0xC03, v7;
	v5 =	vimm.s32 $0xD81;
	v6 =	vld.idx.msk [tilespmem:v6+s7+$0x0], $0xffff  }
0x1c4: {  	v7 =	vsel vm9, $0xC02, v7;
	v5 =	vsel vm15, $0xC00, v5  }
0x1c5: {  	v7 =	vsel vm12, $0xC03, v7;
	v4 =	vld.idx.msk [tilespmem:v4+s7+$0x0], $0xffff;
	v5 =	vsel vm3, $0xC01, v5  }
0x1c6: {  	v7 =	vsel vm13, $0xC82, v7;
	v5 =	vsel vm9, $0xC00, v5  }
0x1c7: {  	v7 =	vsel vm14, $0xC83, v7;
	v5 =	vsel vm12, $0xC01, v5  }
0x1c8: {  	v7 =	vsel vm6, $0xC82, v7;
	v5 =	vsel vm13, $0xC80, v5;
	v6 =	vmul.f32 v2, v6  }
0x1c9: {  	v7 =	vsel vm2, $0xC83, v7;
	v5 =	vsel vm14, $0xC81, v5  }
0x1ca: {  	v5 =	vsel vm6, $0xC80, v5;
	v4 =	vadd.f32 v6, v4;
	v6 =	vsel vm10, $0xD02, v7  }
0x1cb: {  	v8 =	vimm.s32 $0xF81;
	v5 =	vsel vm2, $0xC81, v5;
	v6 =	vsel vm7, $0xD03, v6  }
0x1cc: {  	v8 =	vsel vm15, $0xE00, v8;
	v5 =	vsel vm10, $0xD00, v5;
	v6 =	vsel vm11, $0xD02, v6  }
0x1cd: {  	v7 =	vimm.s32 $0xF83;
	v5 =	vsel vm7, $0xD01, v5;
	v6 =	vsel vm5, $0xD03, v6  }
0x1ce: {  	v7 =	vsel vm15, $0xE02, v7;
	v5 =	vsel vm11, $0xD00, v5;
	v6 =	vsel vm4, $0xD82, v6  }
0x1cf: {  	v7 =	vsel vm3, $0xE03, v7;
	v5 =	vsel vm5, $0xD01, v5;
	v6 =	vsel vm8, $0xD82, v6  }
0x1d0: {  	v8 =	vsel vm3, $0xE01, v8;
	v7 =	vsel vm9, $0xE02, v7;
	v5 =	vsel vm4, $0xD80, v5  }
0x1d1: {  	v4 =	vmul.f32 v4, v3;
	v7 =	vsel vm12, $0xE03, v7;
	v5 =	vsel vm8, $0xD80, v5  }
0x1d2: {  	v8 =	vsel vm9, $0xE00, v8;
	v7 =	vsel vm13, $0xE82, v7  }
0x1d3: {  	[tilespmem:$0x12450] =	vst v4;
	v4 =	vsel vm12, $0xE01, v8;
	v7 =	vsel vm14, $0xE83, v7  }
0x1d4: {  	v4 =	vsel vm13, $0xE80, v4;
	v7 =	vsel vm6, $0xE82, v7;
	v6 =	vld.idx.msk [tilespmem:v6+s7+$0x0], $0xffff  }
0x1d5: {  	v4 =	vsel vm14, $0xE81, v4;
	v7 =	vsel vm2, $0xE83, v7  }
0x1d6: {  	v4 =	vsel vm6, $0xE80, v4;
	v7 =	vsel vm10, $0xF02, v7;
	v5 =	vld.idx.msk [tilespmem:v5+s7+$0x0], $0xffff  }
0x1d7: {  	v4 =	vsel vm2, $0xE81, v4;
	v7 =	vsel vm7, $0xF03, v7  }
0x1d8: {  	v4 =	vsel vm10, $0xF00, v4;
	v7 =	vsel vm11, $0xF02, v7  }
0x1d9: {  	v4 =	vsel vm7, $0xF01, v4;
	v7 =	vsel vm5, $0xF03, v7;
	v6 =	vmul.f32 v2, v6  }
0x1da: {  	v4 =	vsel vm11, $0xF00, v4;
	v7 =	vsel vm4, $0xF82, v7  }
0x1db: {  	v4 =	vsel vm5, $0xF01, v4;
	v5 =	vadd.f32 v6, v5;
	v6 =	vsel vm8, $0xF82, v7  }
0x1dc: {  	v4 =	vsel vm4, $0xF80, v4  }
0x1dd: {  	v4 =	vsel vm8, $0xF80, v4;
	v5 =	vmul.f32 v5, v3  }
0x1de: {  	v7 =	vimm.s32 $0x1183  }
0x1df: {  	v7 =	vsel vm15, $0x1002, v7;
	[tilespmem:$0x12460] =	vst v5  }
0x1e0: {  	v7 =	vsel vm3, $0x1003, v7;
	v5 =	vimm.s32 $0x1181;
	v6 =	vld.idx.msk [tilespmem:v6+s7+$0x0], $0xffff  }
0x1e1: {  	v7 =	vsel vm9, $0x1002, v7;
	v5 =	vsel vm15, $0x1000, v5  }
0x1e2: {  	v7 =	vsel vm12, $0x1003, v7;
	v4 =	vld.idx.msk [tilespmem:v4+s7+$0x0], $0xffff;
	v5 =	vsel vm3, $0x1001, v5  }
0x1e3: {  	v7 =	vsel vm13, $0x1082, v7;
	v5 =	vsel vm9, $0x1000, v5  }
0x1e4: {  	v7 =	vsel vm14, $0x1083, v7;
	v5 =	vsel vm12, $0x1001, v5  }
0x1e5: {  	v7 =	vsel vm6, $0x1082, v7;
	v5 =	vsel vm13, $0x1080, v5;
	v6 =	vmul.f32 v2, v6  }
0x1e6: {  	v7 =	vsel vm2, $0x1083, v7;
	v5 =	vsel vm14, $0x1081, v5  }
0x1e7: {  	v5 =	vsel vm6, $0x1080, v5;
	v4 =	vadd.f32 v6, v4;
	v6 =	vsel vm10, $0x1102, v7  }
0x1e8: {  	v8 =	vimm.s32 $0x1381;
	v5 =	vsel vm2, $0x1081, v5;
	v6 =	vsel vm7, $0x1103, v6  }
0x1e9: {  	v8 =	vsel vm15, $0x1200, v8;
	v5 =	vsel vm10, $0x1100, v5;
	v6 =	vsel vm11, $0x1102, v6  }
0x1ea: {  	v7 =	vimm.s32 $0x1383;
	v5 =	vsel vm7, $0x1101, v5;
	v6 =	vsel vm5, $0x1103, v6  }
0x1eb: {  	v7 =	vsel vm15, $0x1202, v7;
	v5 =	vsel vm11, $0x1100, v5;
	v6 =	vsel vm4, $0x1182, v6  }
0x1ec: {  	v7 =	vsel vm3, $0x1203, v7;
	v5 =	vsel vm5, $0x1101, v5;
	v6 =	vsel vm8, $0x1182, v6  }
0x1ed: {  	v8 =	vsel vm3, $0x1201, v8;
	v7 =	vsel vm9, $0x1202, v7;
	v5 =	vsel vm4, $0x1180, v5  }
0x1ee: {  	v4 =	vmul.f32 v4, v3;
	v7 =	vsel vm12, $0x1203, v7;
	v5 =	vsel vm8, $0x1180, v5  }
0x1ef: {  	v8 =	vsel vm9, $0x1200, v8;
	v7 =	vsel vm13, $0x1282, v7  }
0x1f0: {  	[tilespmem:$0x12470] =	vst v4;
	v4 =	vsel vm12, $0x1201, v8;
	v7 =	vsel vm14, $0x1283, v7  }
0x1f1: {  	v4 =	vsel vm13, $0x1280, v4;
	v7 =	vsel vm6, $0x1282, v7;
	v6 =	vld.idx.msk [tilespmem:v6+s7+$0x0], $0xffff  }
0x1f2: {  	v4 =	vsel vm14, $0x1281, v4;
	v7 =	vsel vm2, $0x1283, v7  }
0x1f3: {  	v4 =	vsel vm6, $0x1280, v4;
	v7 =	vsel vm10, $0x1302, v7;
	v5 =	vld.idx.msk [tilespmem:v5+s7+$0x0], $0xffff  }
0x1f4: {  	v4 =	vsel vm2, $0x1281, v4;
	v7 =	vsel vm7, $0x1303, v7  }
0x1f5: {  	v4 =	vsel vm10, $0x1300, v4;
	v7 =	vsel vm11, $0x1302, v7  }
0x1f6: {  	v4 =	vsel vm7, $0x1301, v4;
	v7 =	vsel vm5, $0x1303, v7;
	v6 =	vmul.f32 v2, v6  }
0x1f7: {  	v4 =	vsel vm11, $0x1300, v4;
	v7 =	vsel vm4, $0x1382, v7  }
0x1f8: {  	v4 =	vsel vm5, $0x1301, v4;
	v5 =	vadd.f32 v6, v5;
	v6 =	vsel vm8, $0x1382, v7  }
0x1f9: {  	v4 =	vsel vm4, $0x1380, v4  }
0x1fa: {  	v4 =	vsel vm8, $0x1380, v4;
	v5 =	vmul.f32 v5, v3  }
0x1fb: {  	v7 =	vimm.s32 $0x1583  }
0x1fc: {  	v7 =	vsel vm15, $0x1402, v7;
	[tilespmem:$0x12480] =	vst v5  }
0x1fd: {  	v7 =	vsel vm3, $0x1403, v7;
	v5 =	vimm.s32 $0x1581;
	v6 =	vld.idx.msk [tilespmem:v6+s7+$0x0], $0xffff  }
0x1fe: {  	v7 =	vsel vm9, $0x1402, v7;
	v5 =	vsel vm15, $0x1400, v5  }
0x1ff: {  	v7 =	vsel vm12, $0x1403, v7;
	v4 =	vld.idx.msk [tilespmem:v4+s7+$0x0], $0xffff;
	v5 =	vsel vm3, $0x1401, v5  }
0x200: {  	v7 =	vsel vm13, $0x1482, v7;
	v5 =	vsel vm9, $0x1400, v5  }
0x201: {  	v7 =	vsel vm14, $0x1483, v7;
	v5 =	vsel vm12, $0x1401, v5  }
0x202: {  	v7 =	vsel vm6, $0x1482, v7;
	v5 =	vsel vm13, $0x1480, v5;
	v6 =	vmul.f32 v2, v6  }
0x203: {  	v7 =	vsel vm2, $0x1483, v7;
	v5 =	vsel vm14, $0x1481, v5  }
0x204: {  	v5 =	vsel vm6, $0x1480, v5;
	v4 =	vadd.f32 v6, v4;
	v6 =	vsel vm10, $0x1502, v7  }
0x205: {  	v8 =	vimm.s32 $0x1781;
	v5 =	vsel vm2, $0x1481, v5;
	v6 =	vsel vm7, $0x1503, v6  }
0x206: {  	v8 =	vsel vm15, $0x1600, v8;
	v5 =	vsel vm10, $0x1500, v5;
	v6 =	vsel vm11, $0x1502, v6  }
0x207: {  	v7 =	vimm.s32 $0x1783;
	v5 =	vsel vm7, $0x1501, v5;
	v6 =	vsel vm5, $0x1503, v6  }
0x208: {  	v7 =	vsel vm15, $0x1602, v7;
	v5 =	vsel vm11, $0x1500, v5;
	v6 =	vsel vm4, $0x1582, v6  }
0x209: {  	v7 =	vsel vm3, $0x1603, v7;
	v5 =	vsel vm5, $0x1501, v5;
	v6 =	vsel vm8, $0x1582, v6  }
0x20a: {  	v8 =	vsel vm3, $0x1601, v8;
	v7 =	vsel vm9, $0x1602, v7;
	v5 =	vsel vm4, $0x1580, v5  }
0x20b: {  	v4 =	vmul.f32 v4, v3;
	v7 =	vsel vm12, $0x1603, v7;
	v5 =	vsel vm8, $0x1580, v5  }
0x20c: {  	v8 =	vsel vm9, $0x1600, v8;
	v7 =	vsel vm13, $0x1682, v7  }
0x20d: {  	[tilespmem:$0x12490] =	vst v4;
	v4 =	vsel vm12, $0x1601, v8;
	v7 =	vsel vm14, $0x1683, v7  }
0x20e: {  	v4 =	vsel vm13, $0x1680, v4;
	v7 =	vsel vm6, $0x1682, v7;
	v6 =	vld.idx.msk [tilespmem:v6+s7+$0x0], $0xffff  }
0x20f: {  	v4 =	vsel vm14, $0x1681, v4;
	v7 =	vsel vm2, $0x1683, v7  }
0x210: {  	v4 =	vsel vm6, $0x1680, v4;
	v7 =	vsel vm10, $0x1702, v7;
	v5 =	vld.idx.msk [tilespmem:v5+s7+$0x0], $0xffff  }
0x211: {  	v4 =	vsel vm2, $0x1681, v4;
	v7 =	vsel vm7, $0x1703, v7  }
0x212: {  	v4 =	vsel vm10, $0x1700, v4;
	v7 =	vsel vm11, $0x1702, v7  }
0x213: {  	v4 =	vsel vm7, $0x1701, v4;
	v7 =	vsel vm5, $0x1703, v7;
	v6 =	vmul.f32 v2, v6  }
0x214: {  	v4 =	vsel vm11, $0x1700, v4;
	v7 =	vsel vm4, $0x1782, v7  }
0x215: {  	v4 =	vsel vm5, $0x1701, v4;
	v5 =	vadd.f32 v6, v5;
	v6 =	vsel vm8, $0x1782, v7  }
0x216: {  	v4 =	vsel vm4, $0x1780, v4  }
0x217: {  	v4 =	vsel vm8, $0x1780, v4;
	v5 =	vmul.f32 v5, v3  }
0x218: {  	v7 =	vimm.s32 $0x1983  }
0x219: {  	v7 =	vsel vm15, $0x1802, v7;
	[tilespmem:$0x124A0] =	vst v5  }
0x21a: {  	v7 =	vsel vm3, $0x1803, v7;
	v5 =	vimm.s32 $0x1981;
	v6 =	vld.idx.msk [tilespmem:v6+s7+$0x0], $0xffff  }
0x21b: {  	v7 =	vsel vm9, $0x1802, v7;
	v5 =	vsel vm15, $0x1800, v5  }
0x21c: {  	v7 =	vsel vm12, $0x1803, v7;
	v4 =	vld.idx.msk [tilespmem:v4+s7+$0x0], $0xffff;
	v5 =	vsel vm3, $0x1801, v5  }
0x21d: {  	v7 =	vsel vm13, $0x1882, v7;
	v5 =	vsel vm9, $0x1800, v5  }
0x21e: {  	v7 =	vsel vm14, $0x1883, v7;
	v5 =	vsel vm12, $0x1801, v5  }
0x21f: {  	v7 =	vsel vm6, $0x1882, v7;
	v5 =	vsel vm13, $0x1880, v5;
	v6 =	vmul.f32 v2, v6  }
0x220: {  	v7 =	vsel vm2, $0x1883, v7;
	v5 =	vsel vm14, $0x1881, v5  }
0x221: {  	v5 =	vsel vm6, $0x1880, v5;
	v4 =	vadd.f32 v6, v4;
	v6 =	vsel vm10, $0x1902, v7  }
0x222: {  	v8 =	vimm.s32 $0x1B81;
	v5 =	vsel vm2, $0x1881, v5;
	v6 =	vsel vm7, $0x1903, v6  }
0x223: {  	v8 =	vsel vm15, $0x1A00, v8;
	v5 =	vsel vm10, $0x1900, v5;
	v6 =	vsel vm11, $0x1902, v6  }
0x224: {  	v7 =	vimm.s32 $0x1B83;
	v5 =	vsel vm7, $0x1901, v5;
	v6 =	vsel vm5, $0x1903, v6  }
0x225: {  	v7 =	vsel vm15, $0x1A02, v7;
	v5 =	vsel vm11, $0x1900, v5;
	v6 =	vsel vm4, $0x1982, v6  }
0x226: {  	v7 =	vsel vm3, $0x1A03, v7;
	v5 =	vsel vm5, $0x1901, v5;
	v6 =	vsel vm8, $0x1982, v6  }
0x227: {  	v8 =	vsel vm3, $0x1A01, v8;
	v7 =	vsel vm9, $0x1A02, v7;
	v5 =	vsel vm4, $0x1980, v5  }
0x228: {  	v4 =	vmul.f32 v4, v3;
	v7 =	vsel vm12, $0x1A03, v7;
	v5 =	vsel vm8, $0x1980, v5  }
0x229: {  	v8 =	vsel vm9, $0x1A00, v8;
	v7 =	vsel vm13, $0x1A82, v7  }
0x22a: {  	[tilespmem:$0x124B0] =	vst v4;
	v4 =	vsel vm12, $0x1A01, v8;
	v7 =	vsel vm14, $0x1A83, v7  }
0x22b: {  	v4 =	vsel vm13, $0x1A80, v4;
	v7 =	vsel vm6, $0x1A82, v7;
	v6 =	vld.idx.msk [tilespmem:v6+s7+$0x0], $0xffff  }
0x22c: {  	v4 =	vsel vm14, $0x1A81, v4;
	v7 =	vsel vm2, $0x1A83, v7  }
0x22d: {  	v4 =	vsel vm6, $0x1A80, v4;
	v7 =	vsel vm10, $0x1B02, v7;
	v5 =	vld.idx.msk [tilespmem:v5+s7+$0x0], $0xffff  }
0x22e: {  	v4 =	vsel vm2, $0x1A81, v4;
	v7 =	vsel vm7, $0x1B03, v7  }
0x22f: {  	v4 =	vsel vm10, $0x1B00, v4;
	v7 =	vsel vm11, $0x1B02, v7  }
0x230: {  	v4 =	vsel vm7, $0x1B01, v4;
	v7 =	vsel vm5, $0x1B03, v7;
	v6 =	vmul.f32 v2, v6  }
0x231: {  	v4 =	vsel vm11, $0x1B00, v4;
	v7 =	vsel vm4, $0x1B82, v7  }
0x232: {  	v4 =	vsel vm5, $0x1B01, v4;
	v5 =	vadd.f32 v6, v5;
	v6 =	vsel vm8, $0x1B82, v7  }
0x233: {  	v4 =	vsel vm4, $0x1B80, v4  }
0x234: {  	v4 =	vsel vm8, $0x1B80, v4;
	v5 =	vmul.f32 v5, v3  }
0x235: {  	v7 =	vimm.s32 $0x1D83  }
0x236: {  	v7 =	vsel vm15, $0x1C02, v7;
	[tilespmem:$0x124C0] =	vst v5  }
0x237: {  	v7 =	vsel vm3, $0x1C03, v7;
	v5 =	vimm.s32 $0x1D81;
	v6 =	vld.idx.msk [tilespmem:v6+s7+$0x0], $0xffff  }
0x238: {  	v7 =	vsel vm9, $0x1C02, v7;
	v5 =	vsel vm15, $0x1C00, v5  }
0x239: {  	v7 =	vsel vm12, $0x1C03, v7;
	v4 =	vld.idx.msk [tilespmem:v4+s7+$0x0], $0xffff;
	v5 =	vsel vm3, $0x1C01, v5  }
0x23a: {  	v7 =	vsel vm13, $0x1C82, v7;
	v5 =	vsel vm9, $0x1C00, v5  }
0x23b: {  	v7 =	vsel vm14, $0x1C83, v7;
	v5 =	vsel vm12, $0x1C01, v5  }
0x23c: {  	v7 =	vsel vm6, $0x1C82, v7;
	v5 =	vsel vm13, $0x1C80, v5;
	v6 =	vmul.f32 v2, v6  }
0x23d: {  	v7 =	vsel vm2, $0x1C83, v7;
	v5 =	vsel vm14, $0x1C81, v5  }
0x23e: {  	v5 =	vsel vm6, $0x1C80, v5;
	v4 =	vadd.f32 v6, v4;
	v6 =	vsel vm10, $0x1D02, v7  }
0x23f: {  	v8 =	vimm.s32 $0x1F81;
	v5 =	vsel vm2, $0x1C81, v5;
	v6 =	vsel vm7, $0x1D03, v6  }
0x240: {  	v8 =	vsel vm15, $0x1E00, v8;
	v5 =	vsel vm10, $0x1D00, v5;
	v6 =	vsel vm11, $0x1D02, v6  }
0x241: {  	v7 =	vimm.s32 $0x1F83;
	v5 =	vsel vm7, $0x1D01, v5;
	v6 =	vsel vm5, $0x1D03, v6  }
0x242: {  	v7 =	vsel vm15, $0x1E02, v7;
	v5 =	vsel vm11, $0x1D00, v5;
	v6 =	vsel vm4, $0x1D82, v6  }
0x243: {  	v7 =	vsel vm3, $0x1E03, v7;
	v5 =	vsel vm5, $0x1D01, v5;
	v6 =	vsel vm8, $0x1D82, v6  }
0x244: {  	v8 =	vsel vm3, $0x1E01, v8;
	v7 =	vsel vm9, $0x1E02, v7;
	v5 =	vsel vm4, $0x1D80, v5  }
0x245: {  	v4 =	vmul.f32 v4, v3;
	v7 =	vsel vm12, $0x1E03, v7;
	v5 =	vsel vm8, $0x1D80, v5  }
0x246: {  	v8 =	vsel vm9, $0x1E00, v8;
	v7 =	vsel vm13, $0x1E82, v7  }
0x247: {  	[tilespmem:$0x124D0] =	vst v4;
	v4 =	vsel vm12, $0x1E01, v8;
	v7 =	vsel vm14, $0x1E83, v7  }
0x248: {  	v4 =	vsel vm13, $0x1E80, v4;
	v7 =	vsel vm6, $0x1E82, v7;
	v6 =	vld.idx.msk [tilespmem:v6+s7+$0x0], $0xffff  }
0x249: {  	v4 =	vsel vm14, $0x1E81, v4;
	v7 =	vsel vm2, $0x1E83, v7  }
0x24a: {  	v4 =	vsel vm6, $0x1E80, v4;
	v7 =	vsel vm10, $0x1F02, v7;
	v5 =	vld.idx.msk [tilespmem:v5+s7+$0x0], $0xffff  }
0x24b: {  	v4 =	vsel vm2, $0x1E81, v4;
	v7 =	vsel vm7, $0x1F03, v7  }
0x24c: {  	v4 =	vsel vm10, $0x1F00, v4;
	v7 =	vsel vm11, $0x1F02, v7  }
0x24d: {  	v4 =	vsel vm7, $0x1F01, v4;
	v7 =	vsel vm5, $0x1F03, v7;
	v6 =	vmul.f32 v2, v6  }
0x24e: {  	v4 =	vsel vm11, $0x1F00, v4;
	v7 =	vsel vm4, $0x1F82, v7  }
0x24f: {  	v4 =	vsel vm5, $0x1F01, v4;
	v5 =	vadd.f32 v6, v5;
	v6 =	vsel vm8, $0x1F82, v7  }
0x250: {  	v4 =	vsel vm4, $0x1F80, v4  }
0x251: {  	v4 =	vsel vm8, $0x1F80, v4;
	v5 =	vmul.f32 v5, v3  }
0x252: {  	v7 =	vimm.s32 $0x2183  }
0x253: {  	v7 =	vsel vm15, $0x2002, v7;
	[tilespmem:$0x124E0] =	vst v5  }
0x254: {  	v7 =	vsel vm3, $0x2003, v7;
	v5 =	vimm.s32 $0x2181;
	v6 =	vld.idx.msk [tilespmem:v6+s7+$0x0], $0xffff  }
0x255: {  	v7 =	vsel vm9, $0x2002, v7;
	v5 =	vsel vm15, $0x2000, v5  }
0x256: {  	v7 =	vsel vm12, $0x2003, v7;
	v4 =	vld.idx.msk [tilespmem:v4+s7+$0x0], $0xffff;
	v5 =	vsel vm3, $0x2001, v5  }
0x257: {  	v7 =	vsel vm13, $0x2082, v7;
	v5 =	vsel vm9, $0x2000, v5  }
0x258: {  	v7 =	vsel vm14, $0x2083, v7;
	v5 =	vsel vm12, $0x2001, v5  }
0x259: {  	v7 =	vsel vm6, $0x2082, v7;
	v5 =	vsel vm13, $0x2080, v5;
	v6 =	vmul.f32 v2, v6  }
0x25a: {  	v7 =	vsel vm2, $0x2083, v7;
	v5 =	vsel vm14, $0x2081, v5  }
0x25b: {  	v5 =	vsel vm6, $0x2080, v5;
	v4 =	vadd.f32 v6, v4;
	v6 =	vsel vm10, $0x2102, v7  }
0x25c: {  	v8 =	vimm.s32 $0x2381;
	v5 =	vsel vm2, $0x2081, v5;
	v6 =	vsel vm7, $0x2103, v6  }
0x25d: {  	v8 =	vsel vm15, $0x2200, v8;
	v5 =	vsel vm10, $0x2100, v5;
	v6 =	vsel vm11, $0x2102, v6  }
0x25e: {  	v7 =	vimm.s32 $0x2383;
	v5 =	vsel vm7, $0x2101, v5;
	v6 =	vsel vm5, $0x2103, v6  }
0x25f: {  	v7 =	vsel vm15, $0x2202, v7;
	v5 =	vsel vm11, $0x2100, v5;
	v6 =	vsel vm4, $0x2182, v6  }
0x260: {  	v7 =	vsel vm3, $0x2203, v7;
	v5 =	vsel vm5, $0x2101, v5;
	v6 =	vsel vm8, $0x2182, v6  }
0x261: {  	v8 =	vsel vm3, $0x2201, v8;
	v7 =	vsel vm9, $0x2202, v7;
	v5 =	vsel vm4, $0x2180, v5  }
0x262: {  	v4 =	vmul.f32 v4, v3;
	v7 =	vsel vm12, $0x2203, v7;
	v5 =	vsel vm8, $0x2180, v5  }
0x263: {  	v8 =	vsel vm9, $0x2200, v8;
	v7 =	vsel vm13, $0x2282, v7  }
0x264: {  	[tilespmem:$0x124F0] =	vst v4;
	v4 =	vsel vm12, $0x2201, v8;
	v7 =	vsel vm14, $0x2283, v7  }
0x265: {  	v4 =	vsel vm13, $0x2280, v4;
	v7 =	vsel vm6, $0x2282, v7;
	v6 =	vld.idx.msk [tilespmem:v6+s7+$0x0], $0xffff  }
0x266: {  	v4 =	vsel vm14, $0x2281, v4;
	v7 =	vsel vm2, $0x2283, v7  }
0x267: {  	v4 =	vsel vm6, $0x2280, v4;
	v7 =	vsel vm10, $0x2302, v7;
	v5 =	vld.idx.msk [tilespmem:v5+s7+$0x0], $0xffff  }
0x268: {  	v4 =	vsel vm2, $0x2281, v4;
	v7 =	vsel vm7, $0x2303, v7  }
0x269: {  	v4 =	vsel vm10, $0x2300, v4;
	v7 =	vsel vm11, $0x2302, v7  }
0x26a: {  	v4 =	vsel vm7, $0x2301, v4;
	v7 =	vsel vm5, $0x2303, v7;
	v6 =	vmul.f32 v2, v6  }
0x26b: {  	v4 =	vsel vm11, $0x2300, v4;
	v7 =	vsel vm4, $0x2382, v7  }
0x26c: {  	v4 =	vsel vm5, $0x2301, v4;
	v5 =	vadd.f32 v6, v5;
	v6 =	vsel vm8, $0x2382, v7  }
0x26d: {  	v4 =	vsel vm4, $0x2380, v4  }
0x26e: {  	v4 =	vsel vm8, $0x2380, v4;
	v5 =	vmul.f32 v5, v3  }
0x26f: {  	v7 =	vimm.s32 $0x2583  }
0x270: {  	v7 =	vsel vm15, $0x2402, v7;
	[tilespmem:$0x12500] =	vst v5  }
0x271: {  	v7 =	vsel vm3, $0x2403, v7;
	v5 =	vimm.s32 $0x2581;
	v6 =	vld.idx.msk [tilespmem:v6+s7+$0x0], $0xffff  }
0x272: {  	v7 =	vsel vm9, $0x2402, v7;
	v5 =	vsel vm15, $0x2400, v5  }
0x273: {  	v7 =	vsel vm12, $0x2403, v7;
	v4 =	vld.idx.msk [tilespmem:v4+s7+$0x0], $0xffff;
	v5 =	vsel vm3, $0x2401, v5  }
0x274: {  	v7 =	vsel vm13, $0x2482, v7;
	v5 =	vsel vm9, $0x2400, v5  }
0x275: {  	v7 =	vsel vm14, $0x2483, v7;
	v5 =	vsel vm12, $0x2401, v5  }
0x276: {  	v7 =	vsel vm6, $0x2482, v7;
	v5 =	vsel vm13, $0x2480, v5;
	v6 =	vmul.f32 v2, v6  }
0x277: {  	v7 =	vsel vm2, $0x2483, v7;
	v5 =	vsel vm14, $0x2481, v5  }
0x278: {  	v5 =	vsel vm6, $0x2480, v5;
	v4 =	vadd.f32 v6, v4;
	v6 =	vsel vm10, $0x2502, v7  }
0x279: {  	v8 =	vimm.s32 $0x2781;
	v5 =	vsel vm2, $0x2481, v5;
	v6 =	vsel vm7, $0x2503, v6  }
0x27a: {  	v8 =	vsel vm15, $0x2600, v8;
	v5 =	vsel vm10, $0x2500, v5;
	v6 =	vsel vm11, $0x2502, v6  }
0x27b: {  	v7 =	vimm.s32 $0x2783;
	v5 =	vsel vm7, $0x2501, v5;
	v6 =	vsel vm5, $0x2503, v6  }
0x27c: {  	v7 =	vsel vm15, $0x2602, v7;
	v5 =	vsel vm11, $0x2500, v5;
	v6 =	vsel vm4, $0x2582, v6  }
0x27d: {  	v7 =	vsel vm3, $0x2603, v7;
	v5 =	vsel vm5, $0x2501, v5;
	v6 =	vsel vm8, $0x2582, v6  }
0x27e: {  	v8 =	vsel vm3, $0x2601, v8;
	v7 =	vsel vm9, $0x2602, v7;
	v5 =	vsel vm4, $0x2580, v5  }
0x27f: {  	v4 =	vmul.f32 v4, v3;
	v7 =	vsel vm12, $0x2603, v7;
	v5 =	vsel vm8, $0x2580, v5  }
0x280: {  	v8 =	vsel vm9, $0x2600, v8;
	v7 =	vsel vm13, $0x2682, v7  }
0x281: {  	[tilespmem:$0x12510] =	vst v4;
	v4 =	vsel vm12, $0x2601, v8;
	v7 =	vsel vm14, $0x2683, v7  }
0x282: {  	v4 =	vsel vm13, $0x2680, v4;
	v7 =	vsel vm6, $0x2682, v7;
	v6 =	vld.idx.msk [tilespmem:v6+s7+$0x0], $0xffff  }
0x283: {  	v4 =	vsel vm14, $0x2681, v4;
	v7 =	vsel vm2, $0x2683, v7  }
0x284: {  	v4 =	vsel vm6, $0x2680, v4;
	v7 =	vsel vm10, $0x2702, v7;
	v5 =	vld.idx.msk [tilespmem:v5+s7+$0x0], $0xffff  }
0x285: {  	v4 =	vsel vm2, $0x2681, v4;
	v7 =	vsel vm7, $0x2703, v7  }
0x286: {  	v4 =	vsel vm10, $0x2700, v4;
	v7 =	vsel vm11, $0x2702, v7  }
0x287: {  	v4 =	vsel vm7, $0x2701, v4;
	v7 =	vsel vm5, $0x2703, v7;
	v6 =	vmul.f32 v2, v6  }
0x288: {  	v4 =	vsel vm11, $0x2700, v4;
	v7 =	vsel vm4, $0x2782, v7  }
0x289: {  	v4 =	vsel vm5, $0x2701, v4;
	v5 =	vadd.f32 v6, v5;
	v6 =	vsel vm8, $0x2782, v7  }
0x28a: {  	v4 =	vsel vm4, $0x2780, v4  }
0x28b: {  	v4 =	vsel vm8, $0x2780, v4;
	v5 =	vmul.f32 v5, v3  }
0x28c: {  	v7 =	vimm.s32 $0x2983  }
0x28d: {  	v7 =	vsel vm15, $0x2802, v7;
	[tilespmem:$0x12520] =	vst v5  }
0x28e: {  	v7 =	vsel vm3, $0x2803, v7;
	v5 =	vimm.s32 $0x2981;
	v6 =	vld.idx.msk [tilespmem:v6+s7+$0x0], $0xffff  }
0x28f: {  	v7 =	vsel vm9, $0x2802, v7;
	v5 =	vsel vm15, $0x2800, v5  }
0x290: {  	v7 =	vsel vm12, $0x2803, v7;
	v4 =	vld.idx.msk [tilespmem:v4+s7+$0x0], $0xffff;
	v5 =	vsel vm3, $0x2801, v5  }
0x291: {  	v7 =	vsel vm13, $0x2882, v7;
	v5 =	vsel vm9, $0x2800, v5  }
0x292: {  	v7 =	vsel vm14, $0x2883, v7;
	v5 =	vsel vm12, $0x2801, v5  }
0x293: {  	v7 =	vsel vm6, $0x2882, v7;
	v5 =	vsel vm13, $0x2880, v5;
	v6 =	vmul.f32 v2, v6  }
0x294: {  	v7 =	vsel vm2, $0x2883, v7;
	v5 =	vsel vm14, $0x2881, v5  }
0x295: {  	v5 =	vsel vm6, $0x2880, v5;
	v4 =	vadd.f32 v6, v4;
	v6 =	vsel vm10, $0x2902, v7  }
0x296: {  	v8 =	vimm.s32 $0x2B81;
	v5 =	vsel vm2, $0x2881, v5;
	v6 =	vsel vm7, $0x2903, v6  }
0x297: {  	v8 =	vsel vm15, $0x2A00, v8;
	v5 =	vsel vm10, $0x2900, v5;
	v6 =	vsel vm11, $0x2902, v6  }
0x298: {  	v7 =	vimm.s32 $0x2B83;
	v5 =	vsel vm7, $0x2901, v5;
	v6 =	vsel vm5, $0x2903, v6  }
0x299: {  	v7 =	vsel vm15, $0x2A02, v7;
	v5 =	vsel vm11, $0x2900, v5;
	v6 =	vsel vm4, $0x2982, v6  }
0x29a: {  	v7 =	vsel vm3, $0x2A03, v7;
	v5 =	vsel vm5, $0x2901, v5;
	v6 =	vsel vm8, $0x2982, v6  }
0x29b: {  	v8 =	vsel vm3, $0x2A01, v8;
	v7 =	vsel vm9, $0x2A02, v7;
	v5 =	vsel vm4, $0x2980, v5  }
0x29c: {  	v4 =	vmul.f32 v4, v3;
	v7 =	vsel vm12, $0x2A03, v7;
	v5 =	vsel vm8, $0x2980, v5  }
0x29d: {  	v8 =	vsel vm9, $0x2A00, v8;
	v7 =	vsel vm13, $0x2A82, v7  }
0x29e: {  	[tilespmem:$0x12530] =	vst v4;
	v4 =	vsel vm12, $0x2A01, v8;
	v7 =	vsel vm14, $0x2A83, v7  }
0x29f: {  	v4 =	vsel vm13, $0x2A80, v4;
	v7 =	vsel vm6, $0x2A82, v7;
	v6 =	vld.idx.msk [tilespmem:v6+s7+$0x0], $0xffff  }
0x2a0: {  	v4 =	vsel vm14, $0x2A81, v4;
	v7 =	vsel vm2, $0x2A83, v7  }
0x2a1: {  	v4 =	vsel vm6, $0x2A80, v4;
	v7 =	vsel vm10, $0x2B02, v7;
	v5 =	vld.idx.msk [tilespmem:v5+s7+$0x0], $0xffff  }
0x2a2: {  	v4 =	vsel vm2, $0x2A81, v4;
	v7 =	vsel vm7, $0x2B03, v7  }
0x2a3: {  	v4 =	vsel vm10, $0x2B00, v4;
	v7 =	vsel vm11, $0x2B02, v7  }
0x2a4: {  	v4 =	vsel vm7, $0x2B01, v4;
	v7 =	vsel vm5, $0x2B03, v7;
	v6 =	vmul.f32 v2, v6  }
0x2a5: {  	v4 =	vsel vm11, $0x2B00, v4;
	v7 =	vsel vm4, $0x2B82, v7  }
0x2a6: {  	v4 =	vsel vm5, $0x2B01, v4;
	v5 =	vadd.f32 v6, v5;
	v6 =	vsel vm8, $0x2B82, v7  }
0x2a7: {  	v4 =	vsel vm4, $0x2B80, v4  }
0x2a8: {  	v4 =	vsel vm8, $0x2B80, v4;
	v7 =	vimm.s32 $0x2D83;
	v5 =	vmul.f32 v5, v3  }
0x2a9: {  	v7 =	vsel vm15, $0x2C02, v7  }
0x2aa: {  	v7 =	vsel vm3, $0x2C03, v7;
	[tilespmem:$0x12540] =	vst v5;
	v5 =	vimm.s32 $0x2D81  }
0x2ab: {  	v7 =	vsel vm9, $0x2C02, v7;
	v6 =	vld.idx.msk [tilespmem:v6+s7+$0x0], $0xffff;
	v5 =	vsel vm15, $0x2C00, v5  }
0x2ac: {  	v7 =	vsel vm12, $0x2C03, v7;
	v5 =	vsel vm3, $0x2C01, v5  }
0x2ad: {  	v4 =	vld.idx.msk [tilespmem:v4+s7+$0x0], $0xffff;
	v7 =	vsel vm13, $0x2C82, v7;
	v5 =	vsel vm9, $0x2C00, v5  }
0x2ae: {  	v7 =	vsel vm14, $0x2C83, v7;
	v5 =	vsel vm12, $0x2C01, v5  }
0x2af: {  	v7 =	vsel vm6, $0x2C82, v7;
	v5 =	vsel vm13, $0x2C80, v5  }
0x2b0: {  	v7 =	vsel vm2, $0x2C83, v7;
	v6 =	vmul.f32 v2, v6;
	v5 =	vsel vm14, $0x2C81, v5  }
0x2b1: {  	v7 =	vsel vm10, $0x2D02, v7;
	v5 =	vsel vm6, $0x2C80, v5  }
0x2b2: {  	v4 =	vadd.f32 v6, v4;
	v5 =	vsel vm2, $0x2C81, v5;
	v6 =	vsel vm7, $0x2D03, v7  }
0x2b3: {  	v5 =	vsel vm10, $0x2D00, v5;
	v6 =	vsel vm11, $0x2D02, v6  }
0x2b4: {  	v8 =	vimm.s32 $0x2F81;
	v5 =	vsel vm7, $0x2D01, v5;
	v6 =	vsel vm5, $0x2D03, v6  }
0x2b5: {  	v7 =	vimm.s32 $0x2F83;
	v5 =	vsel vm11, $0x2D00, v5;
	v6 =	vsel vm4, $0x2D82, v6  }
0x2b6: {  	v7 =	vsel vm15, $0x2E02, v7;
	v5 =	vsel vm5, $0x2D01, v5;
	v6 =	vsel vm8, $0x2D82, v6  }
0x2b7: {  	v8 =	vsel vm15, $0x2E00, v8;
	v7 =	vsel vm3, $0x2E03, v7;
	v5 =	vsel vm4, $0x2D80, v5  }
0x2b8: {  	v4 =	vmul.f32 v4, v3;
	v7 =	vsel vm9, $0x2E02, v7;
	v5 =	vsel vm8, $0x2D80, v5  }
0x2b9: {  	v8 =	vsel vm3, $0x2E01, v8;
	v7 =	vsel vm12, $0x2E03, v7  }
0x2ba: {  	[tilespmem:$0x12550] =	vst v4;
	v4 =	vsel vm9, $0x2E00, v8;
	v7 =	vsel vm13, $0x2E82, v7  }
0x2bb: {  	v4 =	vsel vm12, $0x2E01, v4;
	v7 =	vsel vm14, $0x2E83, v7;
	v6 =	vld.idx.msk [tilespmem:v6+s7+$0x0], $0xffff  }
0x2bc: {  	v4 =	vsel vm13, $0x2E80, v4;
	v7 =	vsel vm6, $0x2E82, v7  }
0x2bd: {  	v4 =	vsel vm14, $0x2E81, v4;
	v7 =	vsel vm2, $0x2E83, v7;
	v5 =	vld.idx.msk [tilespmem:v5+s7+$0x0], $0xffff  }
0x2be: {  	v4 =	vsel vm6, $0x2E80, v4;
	v7 =	vsel vm10, $0x2F02, v7  }
0x2bf: {  	v4 =	vsel vm2, $0x2E81, v4;
	v7 =	vsel vm7, $0x2F03, v7  }
0x2c0: {  	v4 =	vsel vm10, $0x2F00, v4;
	v7 =	vsel vm11, $0x2F02, v7;
	v6 =	vmul.f32 v2, v6  }
0x2c1: {  	v4 =	vsel vm7, $0x2F01, v4;
	v7 =	vsel vm5, $0x2F03, v7  }
0x2c2: {  	v4 =	vsel vm11, $0x2F00, v4;
	v5 =	vadd.f32 v6, v5;
	v6 =	vsel vm4, $0x2F82, v7  }
0x2c3: {  	v4 =	vsel vm5, $0x2F01, v4;
	v7 =	vimm.s32 $0x3183;
	v6 =	vsel vm8, $0x2F82, v6  }
0x2c4: {  	v8 =	vimm.s32 $0x3181;
	v4 =	vsel vm4, $0x2F80, v4;
	v7 =	vsel vm15, $0x3002, v7  }
0x2c5: {  	v4 =	vsel vm8, $0x2F80, v4;
	v5 =	vmul.f32 v5, v3;
	v7 =	vsel vm3, $0x3003, v7  }
0x2c6: {  	v8 =	vsel vm15, $0x3000, v8;
	v7 =	vsel vm9, $0x3002, v7  }
0x2c7: {  	[tilespmem:$0x12560] =	vst v5;
	v5 =	vsel vm3, $0x3001, v8;
	v7 =	vsel vm12, $0x3003, v7  }
0x2c8: {  	v5 =	vsel vm9, $0x3000, v5;
	v7 =	vsel vm13, $0x3082, v7;
	v6 =	vld.idx.msk [tilespmem:v6+s7+$0x0], $0xffff  }
0x2c9: {  	v5 =	vsel vm12, $0x3001, v5;
	v7 =	vsel vm14, $0x3083, v7  }
0x2ca: {  	v4 =	vld.idx.msk [tilespmem:v4+s7+$0x0], $0xffff;
	v5 =	vsel vm13, $0x3080, v5;
	v7 =	vsel vm6, $0x3082, v7  }
0x2cb: {  	v5 =	vsel vm14, $0x3081, v5;
	v7 =	vsel vm2, $0x3083, v7  }
0x2cc: {  	v5 =	vsel vm6, $0x3080, v5;
	v7 =	vsel vm10, $0x3102, v7  }
0x2cd: {  	v5 =	vsel vm2, $0x3081, v5;
	v7 =	vsel vm7, $0x3103, v7;
	v6 =	vmul.f32 v2, v6  }
0x2ce: {  	v5 =	vsel vm10, $0x3100, v5;
	v7 =	vsel vm11, $0x3102, v7  }
0x2cf: {  	v5 =	vsel vm7, $0x3101, v5;
	v4 =	vadd.f32 v6, v4;
	v6 =	vsel vm5, $0x3103, v7  }
0x2d0: {  	v5 =	vsel vm11, $0x3100, v5;
	v6 =	vsel vm4, $0x3182, v6  }
0x2d1: {  	v7 =	vimm.s32 $0x3383;
	v5 =	vsel vm5, $0x3101, v5;
	v6 =	vsel vm8, $0x3182, v6  }
0x2d2: {  	v7 =	vsel vm15, $0x3202, v7;
	v5 =	vsel vm4, $0x3180, v5;
	v4 =	vmul.f32 v4, v3  }
0x2d3: {  	v8 =	vimm.s32 $0x3381;
	v7 =	vsel vm3, $0x3203, v7;
	v5 =	vsel vm8, $0x3180, v5  }
0x2d4: {  	v7 =	vsel vm9, $0x3202, v7;
	[tilespmem:$0x12570] =	vst v4;
	v4 =	vsel vm15, $0x3200, v8  }
0x2d5: {  	v7 =	vsel vm12, $0x3203, v7;
	v4 =	vsel vm3, $0x3201, v4  }
0x2d6: {  	v7 =	vsel vm13, $0x3282, v7;
	v4 =	vsel vm9, $0x3200, v4;
	v6 =	vld.idx.msk [tilespmem:v6+s7+$0x0], $0xffff  }
0x2d7: {  	v7 =	vsel vm14, $0x3283, v7;
	v4 =	vsel vm12, $0x3201, v4  }
0x2d8: {  	v7 =	vsel vm6, $0x3282, v7;
	v5 =	vld.idx.msk [tilespmem:v5+s7+$0x0], $0xffff;
	v4 =	vsel vm13, $0x3280, v4  }
0x2d9: {  	v7 =	vsel vm2, $0x3283, v7;
	v4 =	vsel vm14, $0x3281, v4  }
0x2da: {  	v7 =	vsel vm10, $0x3302, v7;
	v4 =	vsel vm6, $0x3280, v4  }
0x2db: {  	v7 =	vsel vm7, $0x3303, v7;
	v4 =	vsel vm2, $0x3281, v4;
	v6 =	vmul.f32 v2, v6  }
0x2dc: {  	v8 =	vimm.s32 $0x3581;
	v7 =	vsel vm11, $0x3302, v7;
	v4 =	vsel vm10, $0x3300, v4  }
0x2dd: {  	v7 =	vsel vm5, $0x3303, v7;
	v4 =	vsel vm7, $0x3301, v4;
	v5 =	vadd.f32 v6, v5  }
0x2de: {  	v6 =	vsel vm4, $0x3382, v7;
	v4 =	vsel vm11, $0x3300, v4;
	v7 =	vimm.s32 $0x3583  }
0x2df: {  	v6 =	vsel vm8, $0x3382, v6;
	v4 =	vsel vm5, $0x3301, v4;
	v7 =	vsel vm15, $0x3402, v7  }
0x2e0: {  	v5 =	vmul.f32 v5, v3;
	v4 =	vsel vm4, $0x3380, v4;
	v7 =	vsel vm3, $0x3403, v7  }
0x2e1: {  	v8 =	vsel vm15, $0x3400, v8;
	v4 =	vsel vm8, $0x3380, v4;
	v7 =	vsel vm9, $0x3402, v7  }
0x2e2: {  	[tilespmem:$0x12580] =	vst v5;
	v5 =	vsel vm3, $0x3401, v8;
	v7 =	vsel vm12, $0x3403, v7  }
0x2e3: {  	v5 =	vsel vm9, $0x3400, v5;
	v7 =	vsel vm13, $0x3482, v7  }
0x2e4: {  	v6 =	vld.idx.msk [tilespmem:v6+s7+$0x0], $0xffff;
	v5 =	vsel vm12, $0x3401, v5;
	v7 =	vsel vm14, $0x3483, v7  }
0x2e5: {  	v5 =	vsel vm13, $0x3480, v5;
	v7 =	vsel vm6, $0x3482, v7  }
0x2e6: {  	v9 =	vimm.s32 $0x3783;
	v5 =	vsel vm14, $0x3481, v5;
	v4 =	vld.idx.msk [tilespmem:v4+s7+$0x0], $0xffff;
	v7 =	vsel vm2, $0x3483, v7  }
0x2e7: {  	v9 =	vsel vm15, $0x3602, v9;
	v5 =	vsel vm6, $0x3480, v5;
	v7 =	vsel vm10, $0x3502, v7  }
0x2e8: {  	v8 =	vimm.s32 $0x3781;
	v5 =	vsel vm2, $0x3481, v5;
	v7 =	vsel vm7, $0x3503, v7  }
0x2e9: {  	v6 =	vmul.f32 v2, v6;
	v5 =	vsel vm10, $0x3500, v5;
	v7 =	vsel vm11, $0x3502, v7  }
0x2ea: {  	v8 =	vsel vm15, $0x3600, v8;
	v5 =	vsel vm7, $0x3501, v5;
	v7 =	vsel vm5, $0x3503, v7  }
0x2eb: {  	v4 =	vadd.f32 v6, v4;
	v5 =	vsel vm11, $0x3500, v5;
	v6 =	vsel vm4, $0x3582, v7  }
0x2ec: {  	v7 =	vsel vm3, $0x3603, v9;
	v5 =	vsel vm5, $0x3501, v5;
	v6 =	vsel vm8, $0x3582, v6  }
0x2ed: {  	v8 =	vsel vm3, $0x3601, v8;
	v7 =	vsel vm9, $0x3602, v7;
	v5 =	vsel vm4, $0x3580, v5  }
0x2ee: {  	v4 =	vmul.f32 v4, v3;
	v7 =	vsel vm12, $0x3603, v7;
	v5 =	vsel vm8, $0x3580, v5  }
0x2ef: {  	v8 =	vsel vm9, $0x3600, v8;
	v7 =	vsel vm13, $0x3682, v7  }
0x2f0: {  	[tilespmem:$0x12590] =	vst v4;
	v4 =	vsel vm12, $0x3601, v8;
	v7 =	vsel vm14, $0x3683, v7  }
0x2f1: {  	v4 =	vsel vm13, $0x3680, v4;
	v7 =	vsel vm6, $0x3682, v7;
	v6 =	vld.idx.msk [tilespmem:v6+s7+$0x0], $0xffff  }
0x2f2: {  	v4 =	vsel vm14, $0x3681, v4;
	v7 =	vsel vm2, $0x3683, v7  }
0x2f3: {  	v4 =	vsel vm6, $0x3680, v4;
	v7 =	vsel vm10, $0x3702, v7;
	v5 =	vld.idx.msk [tilespmem:v5+s7+$0x0], $0xffff  }
0x2f4: {  	v4 =	vsel vm2, $0x3681, v4;
	v7 =	vsel vm7, $0x3703, v7  }
0x2f5: {  	v4 =	vsel vm10, $0x3700, v4;
	v7 =	vsel vm11, $0x3702, v7  }
0x2f6: {  	v4 =	vsel vm7, $0x3701, v4;
	v7 =	vsel vm5, $0x3703, v7;
	v6 =	vmul.f32 v2, v6  }
0x2f7: {  	v4 =	vsel vm11, $0x3700, v4;
	v7 =	vsel vm4, $0x3782, v7  }
0x2f8: {  	v4 =	vsel vm5, $0x3701, v4;
	v5 =	vadd.f32 v6, v5;
	v6 =	vsel vm8, $0x3782, v7  }
0x2f9: {  	v4 =	vsel vm4, $0x3780, v4  }
0x2fa: {  	v4 =	vsel vm8, $0x3780, v4;
	v5 =	vmul.f32 v5, v3;
	_ =	sdelay $0x1  }
0x2fb: {  	[tilespmem:$0x125A0] =	vst v5  }
0x2fc: {  	v5 =	vld.idx.msk [tilespmem:v6+s7+$0x0], $0xffff;
	_ =	sdelay $0x1  }
0x2fd: {  	v4 =	vld.idx.msk [tilespmem:v4+s7+$0x0], $0xffff;
	_ =	sdelay $0x2  }
0x2fe: {  	v2 =	vmul.f32 v2, v5  }
0x2ff: {  	v7 =	vimm.s32 $0x25244323;
	v6 =	vimm.s32 $0x22422120;
	v5 =	vimm.s32 $0x45272644  }
0x300: {  	v2 =	vadd.f32 v2, v4;
	v4 =	vunpack.c.0.s8.s32 v5;
	v5 =	vimm.s32 $0x2A462928  }
0x301: {  	v7 =	vunpack.c.0.s8.s32 v7;
	v6 =	vunpack.c.0.s8.s32 v6;
	v5 =	vunpack.c.0.s8.s32 v5  }
0x302: {  	vm3 =	vcmask $0x1F10  }
0x303: {  	v3 =	vmul.f32 v2, v3;
	v2 =	vsel vm3, v5, v4;
	v4 =	vsel vm3, v7, v6  }
0x304: {  	v2 =	vcombine.low v4, v2  }
0x305: {  	s30 =	simm.s32 $0x0  }
0x306: {  	s28 =	simm.s32 $0x80;
	s29 =	simm.s32 $0x400;
	s10 =	simm.s32 $0x12400;
	vm9 =	vmor vm9, vm14;
	v5 =	vimm.s32 $0x35344B33;
	[tilespmem:$0x125B0] =	vst v3;
	v4 =	vor.u32 s30, v2  }
0x307: {  	vm0 =	vmor vm9, vm10;
	vm11 =	vcmask $0x33C;
	v6 =	vimm.s32 $0x2D2C472B;
	[hbm4b:s6+s28] =	stream.strided.scatter [tilespmem:s10], [sflag:$0x2], $0x200, s29, s28, $0x38;
	[tilespmem:$0x14380] =	vst v63  }
0x308: {  	v7 =	vimm.s32 $0x492F2E48;
	v3 =	vimm.s32 $0x324A3130;
	v5 =	vunpack.c.0.s8.s32 v5;
	_ =	swait.ge [sflag:s24], $0x200  }
0x309: {  	v6 =	vunpack.c.0.s8.s32 v6;
	v7 =	vunpack.c.0.s8.s32 v7;
	v3 =	vunpack.c.0.s8.s32 v3;
	[sflag:s24] =	ssyncset.done $0x0  }
0x30a: {  	vm0 =	vmor vm0, vm5;
	vm1 =	vmor vm11, vm12;
	[sflag:s24] =	ssyncadd.s32 $0xFFFFFE00  }
0x30b: {  	vm1 =	vmor vm1, vm6;
	v3 =	vsel vm3, v5, v3;
	v5 =	vsel vm3, v7, v6;
	v6 =	vld.idx.msk [tilespmem:v4+s7+$0x0], $0xffff  }
0x30c: {  	vm0 =	vmor vm0, vm8;
	vm1 =	vmor vm1, vm7;
	v4 =	vcombine.low v5, v3  }
0x30d: {  	v10 =	vimm.s32 $0x3A4E3938;
	vm13 =	vmor vm1, vm4;
	v7 =	vsel vm0, $0x3F800000, v1  }
0x30e: {  	v9 =	vimm.s32 $0x4D37364C;
	v3 =	vsel vm13, v0, v7;
	v7 =	vor.u32 s30, v4  }
0x30f: {  	v10 =	vunpack.c.0.s8.s32 v10;
	vm15 =	vcmask $0x73C;
	v9 =	vunpack.c.0.s8.s32 v9  }
0x310: {  	v8 =	vimm.s32 $0x513F3E50;
	v5 =	vimm.s32 $0x3D3C4F3B;
	v6 =	vmul.f32 v6, v3  }
0x311: {  	s31 =	simm.s32 $0x12620;
	v8 =	vunpack.c.0.s8.s32 v8;
	vm14 =	vcmask $0x130C;
	v5 =	vunpack.c.0.s8.s32 v5  }
0x312: {  	vm1 =	vmor vm15, vm14;
	[tilespmem:s31+$0xFFFFFFE0] =	vst v6  }
0x313: {  	vm4 =	vcmask $0x1F18;
	v5 =	vsel vm3, v8, v5;
	v6 =	vsel vm3, v10, v9;
	v7 =	vld.idx.msk [tilespmem:v7+s7+$0x0], $0xffff  }
0x314: {  	vm5 =	vcmask $0x2B24;
	vm1 =	vmor vm1, vm4;
	v5 =	vcombine.low v6, v5  }
0x315: {  	vm6 =	vcmask $0x3730;
	vm1 =	vmor vm1, vm5  }
0x316: {  	vm1 =	vmor vm1, vm6;
	v6 =	vnsel vm13, $0x3F800000, v1;
	v8 =	vor.u32 s30, v5  }
0x317: {  	v6 =	vsel vm1, v6, v0  }
0x318: {  	v7 =	vmul.f32 v7, v6  }
0x319: {  	vm7 =	vcmask $0xF08;
	vm8 =	vcmask $0x338  }
0x31a: {  	vm9 =	vcmask $0x1B14;
	v9 =	vimm.s32 $0x20524140;
	vm1 =	vmor vm8, vm7;
	[tilespmem:s31+$0xFFFFFFF0] =	vst v7  }
0x31b: {  	vm12 =	vcmask $0x2720;
	vm11 =	vmor vm1, vm9;
	v7 =	vunpack.c.0.s8.s32 v9;
	v8 =	vld.idx.msk [tilespmem:v8+s7+$0x0], $0xffff  }
0x31c: {  	vm14 =	vcmask $0xF00;
	vm0 =	vmor vm11, vm12  }
0x31d: {  	v9 =	vsel vm13, $0x3F800000, v1;
	vm13 =	vcmask $0x332C;
	v1 =	vnsel vm14, $0x20, v7  }
0x31e: {  	vm0 =	vmor vm0, vm13;
	v7 =	vimm.s32 $0xFEDCBA98;
	v10 =	vor.u32 s30, v1  }
0x31f: {  	v0 =	vsel vm0, v9, v0;
	v7 =	vunpack.c.l.s4.s8 v7  }
0x320: {  	v8 =	vmul.f32 v8, v0  }
0x321: {  	v7 =	vunpack.c.0.s8.s32 v7  }
0x322: {  	[tilespmem:s31+$0x0] =	vst v8  }
0x323: {  	vm15 =	vcmask $0x1F00;
	v7 =	vand.u32 $0xF, v7;
	v8 =	vld.idx.msk [tilespmem:v10+s7+$0x0], $0xffff  }
0x324: {  	v7 =	vnsel vm15, $0x11, v7  }
0x325: {  	v7 =	vsel vm10, $0x10, v7  }
0x326: {  	v9 =	vor.u32 s30, v7;
	_ =	sdelay $0x1  }
0x327: {  	v10 =	vimm.s32 $0x1A1A1918;
	v8 =	vmul.f32 v8, v3  }
0x328: {  	v10 =	vunpack.c.0.s8.s32 v10  }
0x329: {  	[tilespmem:s31+$0x10] =	vst.msk $0x7, v8  }
0x32a: {  	v8 =	vnsel vm14, $0x1A, v10;
	v9 =	vld.idx.msk [tilespmem:v9+s7+$0x0], $0xffff  }
0x32b: {  	v10 =	vor.u32 s30, v8;
	_ =	sdelay $0x2  }
0x32c: {  	s8 =	simm.s32 $0x13C80  }
0x32d: {  	[tilespmem:s8+$0x0] =	vst.msk $0x3ff, v9  }
0x32e: {  	v10 =	vld.idx.msk [tilespmem:v10+s7+$0x0], $0xffff  }
0x32f: {  	s10 =	simm.s32 $0x80  }
0x330: {  	v9 =	vor.u32 s10, v2;
	_ =	sdelay $0x1  }
0x331: {  	s13 =	simm.s32 $0x2;
	s9 =	simm.s32 $0x12653;
	s6 =	simm.s32 $0x14100  }
.LBB2_10:
0x332: {  	[tilespmem:s6+$0x0] =	vst.msk $0x7, v10;
	s6 =	sadd.s32 $0x3, s6  }
0x333: {  	s8 =	sadd.s32 $0xA, s8;
	s12 =	smov.u32 s13;
	s11 =	sadd.s32 $0x1, s13  }
0x334: {  	p0 =	sne.s32 s13, $0x6F;
	v9 =	vld.idx.msk [tilespmem:v9+s7+$0x0], $0xffff;
	_ =	sdelay $0x3  }
0x335: {  	v10 =	vor.u32 s10, v4;
	_ =	sdelay $0x1  }
0x336: {  	v9 =	vmul.f32 v9, v3;
	_ =	sdelay $0x1  }
0x337: {  	[tilespmem:s9+$0xFFFFFFE0] =	vst v9  }
0x338: {  	v9 =	vld.idx.msk [tilespmem:v10+s7+$0x0], $0xffff;
	_ =	sdelay $0x3  }
0x339: {  	v10 =	vor.u32 s10, v5;
	_ =	sdelay $0x1  }
0x33a: {  	v9 =	vmul.f32 v9, v6;
	_ =	sdelay $0x1  }
0x33b: {  	[tilespmem:s9+$0xFFFFFFF0] =	vst v9  }
0x33c: {  	v9 =	vld.idx.msk [tilespmem:v10+s7+$0x0], $0xffff;
	_ =	sdelay $0x3  }
0x33d: {  	v10 =	vor.u32 s10, v1;
	_ =	sdelay $0x1  }
0x33e: {  	v9 =	vmul.f32 v9, v0;
	_ =	sdelay $0x1  }
0x33f: {  	[tilespmem:s9+$0x0] =	vst v9  }
0x340: {  	v9 =	vld.idx.msk [tilespmem:v10+s7+$0x0], $0xffff;
	_ =	sdelay $0x3  }
0x341: {  	v10 =	vor.u32 s10, v7;
	_ =	sdelay $0x1  }
0x342: {  	v9 =	vmul.f32 v9, v3;
	_ =	sdelay $0x1  }
0x343: {  	[tilespmem:s9+$0x10] =	vst.msk $0x7, v9  }
0x344: {  	v9 =	vld.idx.msk [tilespmem:v10+s7+$0x0], $0xffff;
	_ =	sdelay $0x1  }
0x345: {  	v10 =	vor.u32 s10, v8;
	_ =	sdelay $0x3  }
0x346: {  	[tilespmem:s8+$0x0] =	vst.msk $0x3ff, v9  }
0x347: {  	v10 =	vld.idx.msk [tilespmem:v10+s7+$0x0], $0xffff  }
.Ltmp6:
0x348: {  	s10 =	sshll.u32 s12, $0x7;
	(pc) =	sbr.rel @p0 .LBB2_10-.Ltmp6, $2  }
0x349: {  	v9 =	vor.u32 s10, v2;
	_ =	sdelay $0x2  }
0x34a: {  	s13 =	smov.u32 s11;
	s9 =	sadd.s32 $0x33, s9  }
0x34b: {  	_ =	sdelay $0x2  }
0x34c: {  	[tilespmem:s6+$0x0] =	vst.msk $0x7, v10  }
0x34d: {  	v2 =	vld.idx.msk [tilespmem:v9+s7+$0x0], $0xffff;
	_ =	sdelay $0x2  }
0x34e: {  	v4 =	vor.u32 s10, v4;
	_ =	sdelay $0x1  }
0x34f: {  	v2 =	vmul.f32 v2, v3;
	_ =	sdelay $0x1  }
0x350: {  	[tilespmem:s9+$0xFFFFFFE0] =	vst v2  }
0x351: {  	v2 =	vld.idx.msk [tilespmem:v4+s7+$0x0], $0xffff;
	_ =	sdelay $0x2  }
0x352: {  	v61 =	vor.u32 s10, v5;
	_ =	sdelay $0x1  }
0x353: {  	v2 =	vmul.f32 v2, v6;
	_ =	sdelay $0x1  }
0x354: {  	[tilespmem:s9+$0xFFFFFFF0] =	vst v2  }
0x355: {  	v2 =	vld.idx.msk [tilespmem:v61+s7+$0x0], $0xffff;
	_ =	sdelay $0x2  }
0x356: {  	v1 =	vor.u32 s10, v1;
	_ =	sdelay $0x1  }
0x357: {  	v0 =	vmul.f32 v2, v0;
	_ =	sdelay $0x1  }
0x358: {  	[tilespmem:s9+$0x0] =	vst v0  }
0x359: {  	v0 =	vld.idx.msk [tilespmem:v1+s7+$0x0], $0xffff;
	_ =	sdelay $0x2  }
0x35a: {  	v62 =	vor.u32 s10, v7;
	_ =	sdelay $0x1  }
0x35b: {  	v0 =	vmul.f32 v0, v3;
	_ =	sdelay $0x1  }
0x35c: {  	[tilespmem:s9+$0x10] =	vst.msk $0x7, v0  }
0x35d: {  	v0 =	vld.idx.msk [tilespmem:v62+s7+$0x0], $0xffff  }
0x35e: {  	v63 =	vor.u32 s10, v8;
	_ =	sdelay $0x2  }
0x35f: {  	s0 =	sadd.s32 $0xA, s8  }
0x360: {  	[tilespmem:s0+$0x0] =	vst.msk $0x3ff, v0  }
0x361: {  	v0 =	vld.idx.msk [tilespmem:v63+s7+$0x0], $0xffff;
	_ =	sdelay $0x3  }
0x362: {  	s22 =	sadd.s32 $0x3, s6;
	s23 =	simm.s32 $0x80  }
0x363: {  	s2 =	simm.s32 $0x400;
	s24 =	simm.s32 $0x12600;
	s25 =	simm.s32 $0x2;
	[tilespmem:s22+$0x0] =	vst.msk $0x7, v0  }
0x364: {  	[hbm4b:s5+s23] =	stream.strided.scatter [tilespmem:s24], [sflag:$0x2], $0x1680, s2, s23, $0x38;
	[tilespmem:$0x14380] =	vst v63  }
0x365: {  	_ =	swait.ge [sflag:s25], $0x1680  }
0x366: {  	[sflag:s25] =	ssyncset.done $0x0  }
0x367: {  	s26 =	simm.s32 $0x0;
	s28 =	simm.s32 $0x7C00;
	[sflag:s25] =	ssyncadd.s32 $0xFFFFE980  }
0x368: {  	[hbm4b:s4+s26] =	stream.linear.scatter [tilespmem:s28], [sflag:$0x2], $0x3800, $0x38;
	[tilespmem:$0x14380] =	vst v63  }
0x369: {  	_ =	swait.ge [sflag:s25], $0x3800  }
0x36a: {  	[sflag:s25] =	ssyncset.done $0x0  }
0x36b: {  	s29 =	simm.s32 $0x13C80;
	[sflag:s25] =	ssyncadd.s32 $0xFFFFC800  }
0x36c: {  	[hbm4b:s3+s23] =	stream.strided.scatter [tilespmem:s29], [sflag:$0x2], $0x480, s2, s23, $0x38;
	[tilespmem:$0x14380] =	vst v63  }
0x36d: {  	_ =	swait.ge [sflag:s25], $0x480  }
0x36e: {  	[sflag:s25] =	ssyncset.done $0x0  }
0x36f: {  	s30 =	simm.s32 $0x14100;
	s31 =	rddreg [dreg:$0xa];
	[sflag:s25] =	ssyncadd.s32 $0xFFFFFB80  }
0x370: {  	[hbm4b:s31+s23] =	stream.strided.scatter [tilespmem:s30], [sflag:$0x2], $0x180, s2, s23, $0x38;
	[tilespmem:$0x14380] =	vst v63  }
0x371: {  	_ =	swait.ge [sflag:s25], $0x180  }
0x372: {  	[sflag:s25] =	ssyncset.done $0x0  }
0x373: {  	[sflag:s25] =	ssyncadd.s32 $0xFFFFFE80  }
0x374: {  	s0 =	rddreg [dreg:$0x9]  }
.LBB2_12:
0x375: {  	_ =	sfence.sel $0x180000  }
0x376: {  	[bflag:$0x0] =	sbarrier.arrive $0xFFFF  }
0x377: {  	p0 =	sne.s32 s1, $0x0;
	_ =	strace $0x9000004A  }
0x378: {  	s0 =	sadd.s32 @!p0 $0x100000, s0;
	[bflag:$0x2] =	sbarrier.arrive $0xFFFF  }
0x379: {  	[sflag:s0] =	ssyncadd.tile.s32 @!p0 $0x1;
	_ =	shalt  }
.Lfunc_end2:
_tile_overlayer_lowered:
.L_overlay_start_2:
0x37a: {  	(tag) =	ssettag $0x2  }
0x37b: {  	s0 =	rddreg [dreg:$0x0];
	s2 =	stileid.u32  }
0x37c: {  	s1 =	rddreg [dreg:$0x1];
	p0 =	sne.s32 s2, $0x0  }
0x37d: {  	s3 =	rddreg [dreg:$0x2];
	[bflag:$0x3] =	sbarrier.arrive $0xFFFF;
	s2 =	simm.s32 @!p0 $0x1C02  }
0x37e: {  	[timem:s3], [sflag:s2] =	dma.local @!p0 [hbm:s0], s1  }
0x37f: {  	s0 =	simm.s32 @!p0 $0x2  }
0x380: {  	_ =	swait.ge @!p0 [sflag:s0], s1  }
0x381: {  	s1 =	ssub.s32 @!p0 $0x0, s1;
	[sflag:s0] =	ssyncset.done @!p0 $0x0  }
0x382: {  	[sflag:s0] =	ssyncadd.s32 @!p0 s1  }
0x383: {  	[bflag:$0x3] =	sbarrier.arrive $0xFFFF  }
0x384: {  	_ =	shalt  }

// kernel: sparse-core-data-format-call.cloned.1.call-start
scs
called_computation_lowered:
.L_overlay_start_0:
0x0: {  	s1 =	sld [smem:$0x3FD9]  }
0x1: {  	s2 =	sld [smem:$0x3FFE];
	_ =	sdelay $0x1  }
0x2: {  	s3 =	srdreg.scid  }
0x3: {  	s0 =	sand.u32 $0x1, s3  }
0x4: {  	s17 =	sshll.u32 s0, $0xA;
	s1 =	sadd.s32 s2, s1  }
0x5: {  	s1 =	sadd.s32 s1, s17  }
0x6: {  	[smem:$0x3FC0] =	sst s1  }
0x7: {  	_ = 	snop  }
0x8: {  	(tm) =	ssettm $0x1  }
0x9: {  	s18 =	sld [smem:$0x3FFB];
	_ =	sdelay $0x3  }
0xa: {  	_ =	strace s18  }
0xb: {  	s1 =	sld [smem:$0x3FFC];
	_ =	sdelay $0x3  }
0xc: {  	_ =	strace s1  }
0xd: {  	s1 =	sld [smem:$0x3FFD];
	_ =	sdelay $0x3  }
0xe: {  	_ =	strace s1  }
0xf: {  	_ =	strace $0x8FFFFFFF  }
0x10: {  	s19 =	sld [smem:$0x3FDB];
	_ =	sdelay $0x1  }
0x11: {  	s20 =	simm.s32 $_scs_section_size  }
0x12: {  	s4 =	simm.s32 $_size__tile_overlayer_lowered;
	s5 =	simm.s32 $_tile_overlayer_lowered  }
0x13: {  	s23 =	simm.s32 $0x1BFF;
	s22 =	sshll.u32 s5, $0x1;
	s1 =	sadd.s32 s20, s19  }
0x14: {  	s6 =	simm.s32 $0x0;
	s21 =	sshll.u32 s4, $0x1;
	s4 =	sadd.s32 s22, s1  }
0x15: {  	[timem:s6], [sflag:s23] =	dma.local [hbm:s4], s21  }
0x16: {  	_ =	swait.ge [sflag:s23], s21  }
0x17: {  	s2 =	ssub.s32 $0x0, s21;
	[sflag:s23] =	ssyncset.done $0x0  }
0x18: {  	[sflag:s23] =	ssyncadd.s32 s2;
	_ =	sdelay $0x1  }
0x19: {  	s24 =	simm.s32 $0x1B8B  }
0x1a: {  	_ =	swait.ge [sflag:s24], $0x1  }
0x1b: {  	[sflag:s24] =	ssyncset.done $0x0  }
0x1c: {  	s26 =	simm.s32 $0x1B8E;
	s25 =	sld [smem:$0x3FFE];
	[sflag:s24] =	ssyncadd.s32 $0xFFFFFFFF  }
0x1d: {  	s27 =	simm.s32 $execute0_lowered;
	[smem:$0x3FD2] =	sst s26  }
0x1e: {  	s4 =	sshll.u32 s27, $0x1;
	_ =	strace $0x80000046;
	[dreg:$0x1] =	wrdreg $0xFFFFFFFF  }
0x1f: {  	s28 =	simm.s32 $_size_execute0_lowered;
	s1 =	sadd.s32 s1, s4;
	[dreg:$0x0] =	wrdreg $0x0  }
0x20: {  	s4 =	sshll.u32 s28, $0x1;
	[dreg:$0x2] =	wrdreg s1  }
0x21: {  	[dreg:$0x3] =	wrdreg s4  }
0x22: {  	[dreg:$0x4] =	wrdreg $0xC0  }
0x23: {  	_ =	task [dreg:s6], $0x5FFFF  }
0x24: {  	[dreg:$0x1] =	wrdreg $0xFFFFFFFF  }
0x25: {  	[dreg:$0x0] =	wrdreg $0x60  }
0x26: {  	[dreg:$0x2] =	wrdreg s25  }
0x27: {  	[dreg:$0x3] =	wrdreg $0x9  }
0x28: {  	_ =	task.clear_ibuf [dreg:s6], $0x4FFFF;
	_ =	strace $0x90000046  }
0x29: {  	s29 =	simm.s32 $0x9;
	_ =	strace $0x80000048  }
0x2a: {  	_ =	swait.ge [sflag:s29], $0x1  }
0x2b: {  	[sflag:s29] =	ssyncadd.s32 $0xFFFFFFFF  }
0x2c: {  	_ =	strace $0x90000048  }
0x2d: {  	_ =	sfence  }
0x2e: {  	s30 =	sld [smem:$0x0];
	_ =	sdelay $0x2  }
0x2f: {  	s31 =	sshll.u32 s3, $0xD;
	s3 =	sshrl.u32 s3, $0x2  }
0x30: {  	s2 =	sand.u32 $0x4000, s31;
	s1 =	sadd.s32 s3, s30  }
0x31: {  	s0 =	sor.u32 s2, s0;
	s1 =	sshll.u32 s1, $0x11  }
0x32: {  	s0 =	sor.u32 s1, s0  }
0x33: {  	s0 =	sadd.s32 $0x8F2B, s0  }
0x34: {  	[sflag:s0] =	ssyncadd.remote.s32 $0x1  }
0x35: {  	_ =	sfence.sel $0xFFFF  }
0x36: {  	[dreg:$0x0] =	wrdreg $0xFFFFFFFF;
	(pc) =	sbr.abs _section_cstart, $3  }
0x37: {  	[dreg:$0x1] =	wrdreg $0xFFFFFFFF  }
0x38: {  	_ =	task.clear_ibuf [dreg:s6], $0x2FFFF;
	_ =	strace $0x9FFFFFFF  }
0x39: {  	(tm) =	ssettm $0x7FFFFFFF  }
tec
execute0_lowered:
.L_overlay_start_1:
0x0: {  	(tag) =	ssettag $0x1  }
0x1: {  	s2 =	stileid.u32;
	s0 =	srdreg.scid  }
0x2: {  	s7 =	rddreg [dreg:$0x0];
	s1 =	sshll.u32 s2, $0x7;
	s0 =	sshll.u32 s0, $0xB  }
0x3: {  	_ =	strace $0x80000047;
	s2 =	sshll.u32 s2, $0x3;
	s0 =	sor.u32 s1, s0  }
0x4: {  	s31 =	simm.s32 $0x2;
	s1 =	sand.u32 $0x8, s2;
	s2 =	sand.u32 $0xF00, s0  }
0x5: {  	s16 =	simm.s32 $0x0;
	s30 =	ssub.s32 $0x10, s1;
	s3 =	ssub.s32 $0x2000, s2  }
0x6: {  	s9 =	simm.s32 $0x10000;
	s4 =	sshrl.u32 s30, $0x4;
	s5 =	sand.u32 $0xF00, s3  }
0x7: {  	s0 =	sshrl.u32 s30, $0x3;
	p0 =	sne.s32 s5, $0x0;
	s5 =	simm.s32 $0x1  }
0x8: {  	s0 =	sand.u32 $0x1, s0;
	s3 =	sshrl.u32 s3, $0xC;
	s5 =	simm.s32 @!p0 $0x0  }
0x9: {  	s10 =	simm.s32 $0x0;
	s0 =	sadd.s32 s4, s0;
	s3 =	sadd.s32 s5, s3  }
0xa: {  	s17 =	simm.s32 $0x0;
	s19 =	simm.s32 $0x0;
	s0 =	smul.u32 s3, s0  }
.Ltmp0:
0xb: {  	s18 =	simm.s32 $0x0;
	s13 =	simm.s32 $0x0;
	(pc) =	sbr.rel .LBB1_1-.Ltmp0, $4  }
0xc: {  	s14 =	simm.s32 $0x0;
	s15 =	simm.s32 $0x0;
	s25 =	simm.s32 $0x0  }
0xd: {  	s6 =	sadd.s32 $0x3800, s7;
	s4 =	simm.s32 $0x1;
	s5 =	smul.u32 $0x1B, s0  }
0xe: {  	s7 =	sadd.s32 $0x363800, s7;
	s12 =	smov.u32 s1;
	[sflag:s4] =	ssyncpa.u1 $0x0  }
0xf: {  	s11 =	smov.u32 s2;
	[sflag:s31] =	ssyncpa.u1 $0x0;
	s8 =	sadd.s32 $0x1, s5  }
.LBB1_7:
0x10: {  	s0 =	sadd.s32 $0x1000, s11  }
0x11: {  	s3 =	sadd.s32 $0x10, s12;
	s20 =	smov.u32 s12;
	p1 =	sgt.s32 s0, $0x1FFF  }
0x12: {  	s20 =	smov.u32 @p1 s3  }
0x13: {  	s21 =	smov.u32 s13;
	s3 =	sadd.s32 $0x8, s13;
	p2 =	sgt.s32 s20, $0xF  }
0x14: {  	s21 =	smov.u32 @p2 s3  }
0x15: {  	s3 =	simm.s32 $0x1;
	p3 =	sgt.s32 s21, $0x7  }
0x16: {  	s3 =	simm.s32 @!p3 $0x0  }
0x17: {  	p0 =	slt.u32 s15, $0x2;
	s3 =	sadd.s32 s3, s14  }
0x18: {  	s16 =	smov.u32 s11;
	s0 =	smov.u32 @p1 s2;
	p1 =	sgt.s32 s3, $0x1A  }
0x19: {  	s17 =	smov.u32 s12;
	s3 =	simm.s32 @p1 $0x0;
	p1 =	sne.s32 s15, s8  }
.Ltmp1:
0x1a: {  	s19 =	smov.u32 s13;
	s22 =	simm.s32 @!p0 $0x2;
	(pc) =	sbr.rel @!p1 .LBB1_8-.Ltmp1, $4  }
0x1b: {  	s18 =	smov.u32 s14;
	s10 =	sadd.s32 $0x4000, s10;
	_ =	swait.ge @!p0 [sflag:s22], $0x4000  }
0x1c: {  	[sflag:s22] =	ssyncset.done @!p0 $0x0;
	s11 =	smov.u32 s0;
	s20 =	smov.u32 @p2 s1  }
0x1d: {  	[sflag:s22] =	ssyncadd.s32 @!p0 $0xFFFFC000;
	s12 =	smov.u32 s20;
	s21 =	simm.s32 @p3 $0x0  }
0x1e: {  	s13 =	smov.u32 s21;
	s15 =	sadd.s32 $0x1, s15;
	s14 =	smov.u32 s3  }
.LBB1_1:
0x1f: {  	p0 =	sge.u32 s15, s5  }
0x20: {  	s31 =	sadd.s32 $0xFFFFFFFF, s15;
	s0 =	sxor.u32 @!p0 $0xFFFFFFFF, s15;
	s3 =	sand.u32 @!p0 $0x78, s11  }
0x21: {  	s20 =	sshll.u32 @!p0 s12, $0x7;
	s21 =	sshll.u32 @!p0 s12, $0xD;
	s22 =	sshll.u32 @!p0 s11, $0x3  }
0x22: {  	s0 =	sshll.u32 @!p0 s0, $0xE;
	s20 =	sand.u32 @!p0 $0x380, s20;
	s21 =	sand.u32 @!p0 $0x10000, s21  }
0x23: {  	s0 =	sand.u32 @!p0 $0x4000, s0;
	s3 =	sor.u32 @!p0 s20, s3;
	s20 =	sand.u32 @!p0 $0x1C00, s22  }
0x24: {  	s21 =	sadd.s32 @!p0 s21, s22;
	s3 =	sor.u32 @!p0 s20, s3;
	s20 =	sshll.u32 @!p0 s14, $0x11  }
0x25: {  	s22 =	sshll.u32 @!p0 s13, $0xE;
	s21 =	sshrl.u32 @!p0 s21, $0x3;
	s20 =	sadd.s32 @!p0 s6, s20  }
0x26: {  	s21 =	sand.u32 @!p0 $0x3C00, s21;
	s20 =	sadd.s32 @!p0 s22, s20;
	s22 =	sand.u32 @!p0 $0x7, s11  }
0x27: {  	s3 =	sshrl.u32 @!p0 s3, $0x3;
	s20 =	sadd.s32 @!p0 s21, s20;
	s21 =	sshll.u32 @!p0 s22, $0x12  }
0x28: {  	s3 =	sadd.s32 @!p0 s3, s20;
	s20 =	sor.u32 @!p0 $0x800, s21;
	s21 =	simm.s32 @!p0 $0x20000  }
0x29: {  	[tilespmem:s0], [sflag:$0x1] =	stream.strided.gather @!p0 [hbm4b:s3+s20], $0x4000, s21, s20, $0x38;
	[tilespmem:$0x10000] =	vst v63  }
0x2a: {  	p0 =	sge.u32 s31, s5  }
.Ltmp2:
0x2b: {  	_ = 	snop;
	(pc) =	sbr.rel @p0 .LBB1_7-.Ltmp2, $1  }
0x2c: {  	_ =	sdelay $0x3  }
0x2d: {  	s0 =	sshll.u32 s10, $0x2;
	_ =	swait.ge [sflag:s4], $0x4000;
	s3 =	sshll.u32 s15, $0xE  }
0x2e: {  	p0 =	por $0x0, $0x0;
	s26 =	simm.s32 $0x0;
	s27 =	simm.s32 $0x0  }
0x2f: {  	s0 =	sand.u32 $0x10000, s0;
	[sflag:s4] =	ssyncset.done $0x0;
	s23 =	sand.u32 $0x4000, s3  }
0x30: {  	s0 =	sshrl.u32 s0, $0x2;
	[sflag:s4] =	ssyncadd.s32 $0xFFFFC000;
	s20 =	sor.u32 $0x8000, s23  }
0x31: {  	s21 =	sor.u32 $0x40, s0;
	s22 =	sor.u32 $0x8410, s0;
	s24 =	sadd.s32 $0x8400, s0  }
.LBB1_3:
0x32: {  	v1 =	vld [tilespmem:s21+$0xFFFFFFD0]  }
0x33: {  	v2 =	vld [tilespmem:s21+$0x430]  }
0x34: {  	s0 =	sshll.u32 s27, $0xB;
	v4 =	vld [tilespmem:s21+$0xFFFFFFE0]  }
0x35: {  	v7 =	vld [tilespmem:s21+$0xFFFFFFF0];
	v0 =	vmov s0  }
0x36: {  	v8 =	vld [tilespmem:s21+$0x0]  }
0x37: {  	v9 =	vld [tilespmem:s21+$0x10];
	s0 =	sand.u32 $0x300, s25  }
0x38: {  	s3 =	sand.u32 $0x80, s25;
	v10 =	vld [tilespmem:s21+$0x20];
	s0 =	sadd.s32 s0, s23  }
0x39: {  	v11 =	vld [tilespmem:s21+$0x30];
	s0 =	sadd.s32 s3, s0;
	s3 =	simm.s32 $0x1;
	[tilespmem:s22+$0x60] =	vst v2  }
0x3a: {  	s3 =	simm.s32 @!p0 $0x0;
	[tilespmem:s22+$0xFFFFFC00] =	vst v1;
	v3 =	vld.idx.msk [tilespmem:v0+s0+$0x400 ss:$0x1], $0xffff;
	s0 =	sshll.u32 s26, $0x2  }
0x3b: {  	v6 =	vld [tilespmem:s21+$0x3D0];
	s3 =	sshll.u32 s3, $0x9;
	[tilespmem:s22+$0xFFFFFC10] =	vst v4;
	s0 =	sand.u32 $0xFFFFFC00, s0  }
0x3c: {  	v5 =	vld [tilespmem:s21+$0x3E0];
	[tilespmem:s22+$0xFFFFFC20] =	vst v7;
	s0 =	sor.u32 s3, s0  }
0x3d: {  	[tilespmem:s22+$0xFFFFFC30] =	vst v8;
	v4 =	vld [tilespmem:s21+$0x400];
	s0 =	sshrl.u32 s0, $0x2  }
0x3e: {  	[tilespmem:s22+$0xFFFFFC40] =	vst v9;
	v1 =	vld [tilespmem:s21+$0x410];
	s28 =	sadd.s32 s0, s24  }
0x3f: {  	[tilespmem:s28+$0x0] =	vst v3;
	v3 =	vld [tilespmem:s21+$0x3F0]  }
0x40: {  	s31 =	simm.s32 $0x100;
	[tilespmem:s22+$0xFFFFFC50] =	vst v10;
	v2 =	vld [tilespmem:s21+$0x420];
	s3 =	simm.s32 $0x80  }
0x41: {  	s29 =	sadd.s32 $0x80, s21;
	s30 =	smov.u32 s22;
	v7 =	vld [tilespmem:s21+$0xFFFFFFC0];
	[tilespmem:s22+$0xFFFFFC60] =	vst v11;
	s0 =	sand.u32 $0x300, s3  }
.LBB1_4:
0x42: {  	p1 =	sne.s32 s31, $0x380;
	v8 =	vld [tilespmem:s29+$0xFFFFFFD0];
	s3 =	sand.u32 $0x80, s3;
	s0 =	sadd.s32 s0, s23;
	[tilespmem:s30+$0x0] =	vst v6  }
0x43: {  	s0 =	sadd.s32 s3, s0;
	v6 =	vld [tilespmem:s29+$0x430];
	[tilespmem:s30+$0x10] =	vst v5;
	s3 =	smov.u32 s31  }
0x44: {  	v5 =	vld.idx.msk [tilespmem:v0+s0+$0x400 ss:$0x1], $0xffff;
	[tilespmem:s30+$0x20] =	vst v3  }
0x45: {  	v3 =	vld [tilespmem:s29+$0xFFFFFFE0];
	[tilespmem:s30+$0x30] =	vst v4  }
0x46: {  	v4 =	vld [tilespmem:s29+$0xFFFFFFF0];
	[tilespmem:s30+$0xFFFFFBF0] =	vst v7  }
0x47: {  	v7 =	vld [tilespmem:s29+$0x0];
	[tilespmem:s30+$0x40] =	vst v1  }
0x48: {  	v1 =	vld [tilespmem:s29+$0x10];
	[tilespmem:s30+$0x50] =	vst v2;
	s30 =	sadd.s32 $0x800, s30  }
0x49: {  	s28 =	sadd.s32 $0x800, s28;
	v2 =	vld [tilespmem:s29+$0x20];
	[tilespmem:s30+$0x60] =	vst v6  }
0x4a: {  	v9 =	vld [tilespmem:s29+$0x30];
	[tilespmem:s28+$0x0] =	vst v5  }
0x4b: {  	[tilespmem:s30+$0xFFFFFC00] =	vst v8;
	v6 =	vld [tilespmem:s29+$0x3D0]  }
0x4c: {  	[tilespmem:s30+$0xFFFFFC10] =	vst v3;
	v5 =	vld [tilespmem:s29+$0x3E0]  }
.Ltmp3:
0x4d: {  	[tilespmem:s30+$0xFFFFFC20] =	vst v4;
	v3 =	vld [tilespmem:s29+$0x3F0];
	(pc) =	sbr.rel @p1 .LBB1_4-.Ltmp3, $4  }
0x4e: {  	[tilespmem:s30+$0xFFFFFC30] =	vst v7;
	v4 =	vld [tilespmem:s29+$0x400]  }
0x4f: {  	[tilespmem:s30+$0xFFFFFC40] =	vst v1;
	v1 =	vld [tilespmem:s29+$0x410]  }
0x50: {  	[tilespmem:s30+$0xFFFFFC50] =	vst v2;
	v2 =	vld [tilespmem:s29+$0x420]  }
0x51: {  	s31 =	sadd.s32 $0x80, s31;
	s0 =	sand.u32 $0x300, s3;
	v7 =	vld [tilespmem:s29+$0xFFFFFFC0];
	[tilespmem:s30+$0xFFFFFC60] =	vst v9;
	s29 =	sadd.s32 $0x80, s29  }
0x52: {  	[tilespmem:s30+$0x0] =	vst v6  }
0x53: {  	[tilespmem:s30+$0x10] =	vst v5  }
0x54: {  	v49 =	vld [tilespmem:s29+$0x430];
	[tilespmem:s30+$0x20] =	vst v3  }
0x55: {  	v50 =	vld [tilespmem:s29+$0xFFFFFFD0];
	[tilespmem:s30+$0x30] =	vst v4  }
0x56: {  	v51 =	vld [tilespmem:s29+$0xFFFFFFE0];
	[tilespmem:s30+$0x40] =	vst v1  }
0x57: {  	v52 =	vld [tilespmem:s29+$0xFFFFFFF0];
	[tilespmem:s30+$0x50] =	vst v2  }
0x58: {  	v53 =	vld [tilespmem:s29+$0x0];
	[tilespmem:s30+$0xFFFFFBF0] =	vst v7;
	s30 =	sadd.s32 $0x800, s30  }
0x59: {  	v54 =	vld [tilespmem:s29+$0x10];
	[tilespmem:s30+$0x60] =	vst v49  }
0x5a: {  	v55 =	vld [tilespmem:s29+$0x20];
	[tilespmem:s30+$0xFFFFFC00] =	vst v50  }
0x5b: {  	v56 =	vld [tilespmem:s29+$0x30];
	[tilespmem:s30+$0xFFFFFC10] =	vst v51  }
0x5c: {  	v57 =	vld [tilespmem:s29+$0x3D0];
	[tilespmem:s30+$0xFFFFFC20] =	vst v52  }
0x5d: {  	v58 =	vld [tilespmem:s29+$0x3E0];
	[tilespmem:s30+$0xFFFFFC30] =	vst v53  }
0x5e: {  	v59 =	vld [tilespmem:s29+$0x3F0];
	[tilespmem:s30+$0xFFFFFC40] =	vst v54  }
0x5f: {  	v60 =	vld [tilespmem:s29+$0x400];
	[tilespmem:s30+$0xFFFFFC50] =	vst v55  }
0x60: {  	v61 =	vld [tilespmem:s29+$0xFFFFFFC0];
	[tilespmem:s30+$0xFFFFFC60] =	vst v56  }
0x61: {  	s3 =	sand.u32 $0x80, s3;
	s0 =	sadd.s32 s0, s23;
	v62 =	vld [tilespmem:s29+$0x410];
	[tilespmem:s30+$0x0] =	vst v57  }
0x62: {  	v63 =	vld [tilespmem:s29+$0x420];
	s27 =	sadd.s32 $0x1, s27;
	s0 =	sadd.s32 s3, s0;
	[tilespmem:s30+$0x10] =	vst v58  }
0x63: {  	p1 =	sne.s32 s27, $0x8;
	v0 =	vld.idx.msk [tilespmem:v0+s0+$0x400 ss:$0x1], $0xffff;
	[tilespmem:s30+$0x20] =	vst v59  }
.Ltmp4:
0x64: {  	[tilespmem:s30+$0x30] =	vst v60;
	(pc) =	sbr.rel @p1 .LBB1_3-.Ltmp4, $4  }
0x65: {  	[tilespmem:s30+$0xFFFFFBF0] =	vst v61  }
0x66: {  	[tilespmem:s30+$0x40] =	vst v62  }
0x67: {  	s31 =	sadd.s32 $0x800, s28;
	s21 =	sadd.s32 $0x800, s21;
	[tilespmem:s30+$0x50] =	vst v63  }
0x68: {  	s26 =	sadd.s32 $0x80, s26;
	p0 =	por !p0, !p0;
	s22 =	sadd.s32 $0x80, s22;
	[tilespmem:s31+$0x0] =	vst v0  }
0x69: {  	s0 =	sshll.u32 s19, $0x7;
	s3 =	sand.u32 $0x78, s16  }
0x6a: {  	s27 =	sshll.u32 s16, $0x3;
	s28 =	sshll.u32 s18, $0x11;
	s17 =	sshll.u32 s17, $0xD  }
0x6b: {  	s29 =	sand.u32 $0x1C00, s16;
	s0 =	sand.u32 $0x380, s0;
	s19 =	sand.u32 $0x1C00, s27  }
.Ltmp5:
0x6c: {  	s0 =	sor.u32 s0, s3;
	s3 =	sadd.s32 s7, s28;
	(pc) =	sbr.rel .LBB1_7-.Ltmp5, $4  }
0x6d: {  	s30 =	sand.u32 $0x7, s16;
	s0 =	sor.u32 s19, s0;
	s3 =	sadd.s32 s17, s3  }
0x6e: {  	s16 =	sshll.u32 s30, $0x12;
	s0 =	sshrl.u32 s0, $0x3;
	s3 =	sadd.s32 s29, s3  }
0x6f: {  	s31 =	sor.u32 $0x800, s16;
	s0 =	sadd.s32 s0, s3  }
0x70: {  	[hbm4b:s0+s31] =	stream.strided.scatter [tilespmem:s20], [sflag:$0x2], $0x4000, s9, s31, $0x38;
	[tilespmem:$0x10000] =	vst v63  }
.LBB1_8:
0x71: {  	_ =	sfence.sel $0x180000  }
0x72: {  	s0 =	simm.s32 $0x1;
	[bflag:$0x0] =	sbarrier.arrive $0xFFFF  }
0x73: {  	s30 =	simm.s32 $0x2;
	[sflag:s0] =	ssyncpa.u1 $0x1  }
0x74: {  	[sflag:s30] =	ssyncpa.u1 $0x1  }
0x75: {  	_ =	strace $0x90000047  }
0x76: {  	s31 =	stileid.u32;
	[bflag:$0x2] =	sbarrier.arrive $0xFFFF  }
0x77: {  	p0 =	sne.s32 s31, $0x0;
	s0 =	rddreg [dreg:$0x1]  }
0x78: {  	s0 =	sadd.s32 @!p0 $0x100000, s0  }
0x79: {  	[sflag:s0] =	ssyncadd.tile.s32 @!p0 $0x1;
	_ =	shalt  }
.Lfunc_end1:
_tile_overlayer_lowered:
.L_overlay_start_2:
0x7a: {  	(tag) =	ssettag $0x2  }
0x7b: {  	s0 =	rddreg [dreg:$0x0];
	s2 =	stileid.u32  }
0x7c: {  	s1 =	rddreg [dreg:$0x1];
	p0 =	sne.s32 s2, $0x0  }
0x7d: {  	s3 =	rddreg [dreg:$0x2];
	[bflag:$0x3] =	sbarrier.arrive $0xFFFF;
	s2 =	simm.s32 @!p0 $0x1C01  }
0x7e: {  	[timem:s3], [sflag:s2] =	dma.local @!p0 [hbm:s0], s1  }
0x7f: {  	s0 =	simm.s32 @!p0 $0x1  }
0x80: {  	_ =	swait.ge @!p0 [sflag:s0], s1  }
0x81: {  	s1 =	ssub.s32 @!p0 $0x0, s1;
	[sflag:s0] =	ssyncset.done @!p0 $0x0  }
0x82: {  	[sflag:s0] =	ssyncadd.s32 @!p0 s1  }
0x83: {  	[bflag:$0x3] =	sbarrier.arrive $0xFFFF  }
0x84: {  	_ =	shalt  }

</sc_bundles>
